<compile_context>
chip_gen: v7x
topology: tpu7x:2x2x1
jax: 0.10.2.dev20260603
libtpu: 0.0.44.dev20260713+nightly
codegen_flags: <defaults>
</compile_context>

<pallas_src>
import functools

import jax
import jax.numpy as jnp
from jax import lax
from jax.experimental import pallas as pl
from jax.experimental.pallas import tpu as pltpu
from jax.experimental.pallas import tpu_sc as plsc

S = 2048
EMB = 1024
NQ = 16
NKV = 4
HD = 64
NE = 8
DFF = 2048
VOCAB_N = 32000

BM = 256
SMAX = 2 * S + NE * BM
MT = SMAX // BM
NW = 32
GCH = 64
F32 = jnp.float32
BF16 = jnp.bfloat16

_VMEM_BIG = pltpu.CompilerParams(vmem_limit_bytes=120 * 1024 * 1024)



def _gather_rows(table, idx):
    B = idx.shape[0]
    D = table.shape[1]
    bpw = B // NW
    nch = bpw // GCH
    mesh = plsc.VectorSubcoreMesh(core_axis_name="c", subcore_axis_name="s")

    @functools.partial(
        pl.kernel,
        out_type=jax.ShapeDtypeStruct((B, D), F32),
        mesh=mesh,
        scratch_types=[
            pltpu.VMEM((GCH,), jnp.int32),
            pltpu.VMEM((GCH, D), F32),
            pltpu.SemaphoreType.DMA,
        ],
    )
    def k(table_hbm, idx_hbm, out_hbm, idx_v, rows_v, sem):
        wid = lax.axis_index("s") * 2 + lax.axis_index("c")
        for c in range(nch):
            base = wid * bpw + c * GCH
            pltpu.sync_copy(idx_hbm.at[pl.ds(base, GCH)], idx_v)
            pltpu.async_copy(table_hbm.at[idx_v], rows_v, sem).wait()
            pltpu.sync_copy(rows_v, out_hbm.at[pl.ds(base, GCH)])

    return k(table, idx)


def _gather_pair(table, idx0, idx1):
    B = idx0.shape[0]
    D = table.shape[1]
    bpw = B // NW
    nch = bpw // GCH
    mesh = plsc.VectorSubcoreMesh(core_axis_name="c", subcore_axis_name="s")

    @functools.partial(
        pl.kernel,
        out_type=[
            jax.ShapeDtypeStruct((B, D), F32),
            jax.ShapeDtypeStruct((B, D), F32),
        ],
        mesh=mesh,
        scratch_types=[
            pltpu.VMEM((GCH,), jnp.int32),
            pltpu.VMEM((GCH, D), F32),
            pltpu.SemaphoreType.DMA,
        ],
    )
    def k(table_hbm, i0_hbm, i1_hbm, o0_hbm, o1_hbm, idx_v, rows_v, sem):
        wid = lax.axis_index("s") * 2 + lax.axis_index("c")
        for c in range(nch):
            base = wid * bpw + c * GCH
            pltpu.sync_copy(i0_hbm.at[pl.ds(base, GCH)], idx_v)
            pltpu.async_copy(table_hbm.at[idx_v], rows_v, sem).wait()
            pltpu.sync_copy(rows_v, o0_hbm.at[pl.ds(base, GCH)])
            pltpu.sync_copy(i1_hbm.at[pl.ds(base, GCH)], idx_v)
            pltpu.async_copy(table_hbm.at[idx_v], rows_v, sem).wait()
            pltpu.sync_copy(rows_v, o1_hbm.at[pl.ds(base, GCH)])

    return k(table, idx0, idx1)



def _halves_sum(x):
    L = x.shape[1]
    while L > 1:
        x = x[:, :L // 2] + x[:, L // 2:]
        L //= 2
    return x


def _rowmean_sq(h):
    K = h.shape[1]
    return _halves_sum(h * h) / float(K)


def _rms(h, nw_row):
    ms = _rowmean_sq(h)
    return (h * nw_row) * lax.rsqrt(ms + 1e-6)


def _res_sum(refs, nmoe):
    h = refs[0][...]
    if nmoe:
        gl = jnp.max(refs[3][...], axis=1, keepdims=True)
        gr = jnp.max(refs[4][...], axis=1, keepdims=True)
        h = h + (gl * refs[1][...] + gr * refs[2][...])
    return h



def _norm_qkv(parts, nw, wq_bf, wk_bf, wv_bf):
    nmoe = len(parts) == 5

    def body(*refs):
        n = len(parts)
        nw_ref = refs[n]
        wq_ref, wk_ref, wv_ref = refs[n + 1:n + 4]
        q_ref, k_ref, v_ref = refs[n + 4:n + 7]
        h = _res_sum(refs[:n], nmoe)
        hn = _rms(h, nw_ref[...]).astype(BF16)
        q_ref[...] = jnp.dot(hn, wq_ref[...], preferred_element_type=F32)
        k_ref[...] = jnp.dot(hn, wk_ref[...], preferred_element_type=F32)
        v_ref[...] = jnp.dot(hn, wv_ref[...], preferred_element_type=F32)

    return pl.pallas_call(
        body,
        out_shape=[
            jax.ShapeDtypeStruct((S, NQ * HD), F32),
            jax.ShapeDtypeStruct((S, NKV * HD), F32),
            jax.ShapeDtypeStruct((S, NKV * HD), F32),
        ],
        compiler_params=_VMEM_BIG,
    )(*parts, nw.reshape(1, EMB), wq_bf, wk_bf, wv_bf)


def _attention(q3, k3, v3, cs, sn):
    rep = NQ // NKV

    def body(q_ref, k_ref, v_ref, cs_ref, sn_ref, o_ref):
        cq = cs_ref[...]
        sq = sn_ref[...]
        q_ = q_ref[0]
        q1 = q_[:, :HD // 2]
        q2 = q_[:, HD // 2:]
        qr = jnp.concatenate([q1 * cq - q2 * sq, q1 * sq + q2 * cq], axis=1)
        k_ = k_ref[0]
        k1 = k_[:, :HD // 2]
        k2 = k_[:, HD // 2:]
        kr = jnp.concatenate([k1 * cq - k2 * sq, k1 * sq + k2 * cq], axis=1)
        s = lax.dot_general(qr.astype(BF16), kr.astype(BF16),
                            (((1,), (1,)), ((), ())),
                            preferred_element_type=F32) / 8.0
        rows = lax.broadcasted_iota(jnp.int32, (S, S), 0)
        cols = lax.broadcasted_iota(jnp.int32, (S, S), 1)
        s = jnp.where(cols <= rows, s, -1e9)
        mx = jnp.max(s, axis=1, keepdims=True)
        p = jnp.exp(s - mx)
        p = p / _halves_sum(p)
        o_ref[0] = jnp.dot(p.astype(BF16), v_ref[0].astype(BF16),
                           preferred_element_type=F32)

    return pl.pallas_call(
        body,
        grid=(NQ,),
        in_specs=[
            pl.BlockSpec((1, S, HD), lambda h: (h, 0, 0)),
            pl.BlockSpec((1, S, HD), lambda h: (h // rep, 0, 0)),
            pl.BlockSpec((1, S, HD), lambda h: (h // rep, 0, 0)),
            pl.BlockSpec((S, HD // 2), lambda h: (0, 0)),
            pl.BlockSpec((S, HD // 2), lambda h: (0, 0)),
        ],
        out_specs=pl.BlockSpec((1, S, HD), lambda h: (h, 0, 0)),
        out_shape=jax.ShapeDtypeStruct((NQ, S, HD), F32),
        compiler_params=_VMEM_BIG,
    )(q3, k3, v3, cs, sn)


def _wo_res_norm(parts, ao_bf, wo_bf, nw):
    nmoe = len(parts) == 5

    def body(*refs):
        ao_ref = refs[0]
        wo_ref = refs[1]
        n = len(parts)
        nw_ref = refs[2 + n]
        h2_ref = refs[3 + n]
        mi_ref = refs[4 + n]
        h = _res_sum(refs[2:2 + n], nmoe)
        h2 = h + jnp.dot(ao_ref[...], wo_ref[...], preferred_element_type=F32)
        h2_ref[...] = h2
        mi_ref[...] = _rms(h2, nw_ref[...])

    return pl.pallas_call(
        body,
        out_shape=[
            jax.ShapeDtypeStruct((S, EMB), F32),
            jax.ShapeDtypeStruct((S, EMB), F32),
        ],
        compiler_params=_VMEM_BIG,
    )(ao_bf, wo_bf, *parts, nw.reshape(1, EMB))


def _router(mi_bf, rw_bf):
    def body(mi_ref, rw_ref, dlo_ref, dhi_ref, glo_ref, ghi_ref,
             ilo_ref, ihi_ref, et_ref):
        logits = jnp.dot(mi_ref[...], rw_ref[...], preferred_element_type=F32)
        lane = lax.broadcasted_iota(jnp.int32, (S, 128), 1).astype(F32)
        logits = jnp.where(lane < NE, logits, -1e30)
        mx = jnp.max(logits, axis=1, keepdims=True)
        p = jnp.exp(logits - mx)
        p = p / jnp.sum(p, axis=1, keepdims=True)
        m1 = jnp.max(p, axis=1, keepdims=True)
        e1 = jnp.min(jnp.where(p == m1, lane, 1e9), axis=1, keepdims=True)
        oh1 = (lane == e1).astype(F32)
        p2 = jnp.where((lane == e1) | (lane >= NE), -2.0, p)
        m2 = jnp.max(p2, axis=1, keepdims=True)
        e2 = jnp.min(jnp.where(p2 == m2, lane, 1e9), axis=1, keepdims=True)
        oh2 = (lane == e2).astype(F32)
        sv = m1 + m2
        g1 = m1 / sv
        g2 = m2 / sv
        CB = 256
        li = lax.broadcasted_iota(jnp.int32, (CB, CB), 0)
        lj = lax.broadcasted_iota(jnp.int32, (CB, CB), 1)
        lower = (lj < li).astype(F32)

        def excl_cumsum(oh):
            outs = []
            carry = jnp.zeros((1, 128), F32)
            for j in range(S // CB):
                ch = lax.slice(oh, (j * CB, 0), ((j + 1) * CB, 128))
                outs.append(jnp.dot(lower, ch, preferred_element_type=F32)
                            + carry)
                carry = carry + jnp.sum(ch, axis=0, keepdims=True)
            return jnp.concatenate(outs, axis=0), carry

        cum0, tot0 = excl_cumsum(oh1)
        cum1, tot1 = excl_cumsum(oh2)
        cum1 = cum1 + tot0
        tot = tot0 + tot1
        pc = jnp.floor((tot + (BM - 1)) / BM) * BM
        ui = lax.broadcasted_iota(jnp.int32, (128, 128), 0)
        uj = lax.broadcasted_iota(jnp.int32, (128, 128), 1)
        upper = (ui < uj).astype(F32)
        pc8 = pc * jnp.ones((8, 1), F32)
        off = lax.slice(jnp.dot(pc8, upper, preferred_element_type=F32),
                        (0, 0), (1, 128))
        rank0 = jnp.sum(oh1 * cum0, axis=1, keepdims=True)
        rank1 = jnp.sum(oh2 * cum1, axis=1, keepdims=True)
        off0 = jnp.sum(oh1 * off, axis=1, keepdims=True)
        off1 = jnp.sum(oh2 * off, axis=1, keepdims=True)
        d1 = off0 + rank0
        d2 = off1 + rank1
        tok = lax.broadcasted_iota(jnp.int32, (S, 1), 0).astype(F32)
        i1 = e1 * float(S) + tok
        i2 = e2 * float(S) + tok
        ones = jnp.ones((1, 128), F32)
        lo_first = e1 < e2
        dlo_ref[...] = jnp.where(lo_first, d1, d2) * ones
        dhi_ref[...] = jnp.where(lo_first, d2, d1) * ones
        glo_ref[...] = jnp.where(lo_first, g1, g2) * ones
        ghi_ref[...] = jnp.where(lo_first, g2, g1) * ones
        ilo_ref[...] = jnp.where(lo_first, i1, i2) * ones
        ihi_ref[...] = jnp.where(lo_first, i2, i1) * ones
        tm = lax.broadcasted_iota(jnp.int32, (32, 128), 0).astype(F32) * BM
        lane2 = lax.broadcasted_iota(jnp.int32, (32, 128), 1).astype(F32)
        seg = ((tm >= off) & (tm < off + pc)).astype(F32)
        ev = jnp.sum(seg * lane2, axis=1, keepdims=True)
        valid = jnp.sum(seg, axis=1, keepdims=True) > 0.0
        et_ref[...] = jnp.where(valid, ev, -1.0) * ones

    outs = [jax.ShapeDtypeStruct((S, 128), F32) for _ in range(6)]
    outs.append(jax.ShapeDtypeStruct((32, 128), F32))
    return pl.pallas_call(body, out_shape=outs,
                          compiler_params=_VMEM_BIG)(mi_bf, rw_bf)


def _slotmap(dpair, gpair):
    BQ = 256
    gm = SMAX // BQ

    def body(dp_ref, gp_ref, src_ref, gate_ref):
        m = pl.program_id(0)
        slots = (lax.broadcasted_iota(jnp.int32, (BQ, 1), 0).astype(F32)
                 + (m * BQ).astype(F32))
        lanev = lax.broadcasted_iota(jnp.int32, (1, 128), 1).astype(F32)
        dp = dp_ref[...]
        gp = gp_ref[...]
        acc_t = jnp.zeros((BQ, 1), F32)
        acc_g = jnp.zeros((BQ, 1), F32)
        for r in range(32):
            drow = lax.slice(dp, (r, 0), (r + 1, 128))
            grow = lax.slice(gp, (r, 0), (r + 1, 128))
            eq = (drow == slots).astype(F32)
            tokrow = lanev + float((r % 16) * 128)
            acc_t = acc_t + jnp.sum(eq * tokrow, axis=1, keepdims=True)
            acc_g = acc_g + jnp.sum(eq * grow, axis=1, keepdims=True)
        ones = jnp.ones((1, 128), F32)
        src_ref[...] = acc_t * ones
        gate_ref[...] = acc_g * ones

    return pl.pallas_call(
        body,
        grid=(gm,),
        in_specs=[
            pl.BlockSpec((32, 128), lambda m: (0, 0)),
            pl.BlockSpec((32, 128), lambda m: (0, 0)),
        ],
        out_specs=[
            pl.BlockSpec((BQ, 128), lambda m: (m, 0)),
            pl.BlockSpec((BQ, 128), lambda m: (m, 0)),
        ],
        out_shape=[
            jax.ShapeDtypeStruct((SMAX, 128), F32),
            jax.ShapeDtypeStruct((SMAX, 128), F32),
        ],
    )(dpair, gpair)


def _dense_act(mi_bf, w1_bf, w3_bf):
    bn = 512
    gn = DFF // bn

    def body(m_ref, w1_ref, w3_ref, o_ref):
        mv = m_ref[...]
        u = jnp.dot(mv, w1_ref[0], preferred_element_type=F32)
        g = jnp.dot(mv, w3_ref[0], preferred_element_type=F32)
        o_ref[0] = (jax.nn.silu(u) * g).astype(BF16)

    return pl.pallas_call(
        body,
        grid=(NE, gn),
        in_specs=[
            pl.BlockSpec((S, EMB), lambda e, n: (0, 0)),
            pl.BlockSpec((1, EMB, bn), lambda e, n: (e, 0, n)),
            pl.BlockSpec((1, EMB, bn), lambda e, n: (e, 0, n)),
        ],
        out_specs=pl.BlockSpec((1, S, bn), lambda e, n: (e, 0, n)),
        out_shape=jax.ShapeDtypeStruct((NE, S, DFF), BF16),
        compiler_params=_VMEM_BIG,
    )(mi_bf, w1_bf, w3_bf)


def _dense_eo(act_bf, w2_bf):
    bn = 512
    gn = EMB // bn

    def body(a_ref, w2_ref, o_ref):
        o_ref[0] = jnp.dot(a_ref[0], w2_ref[0], preferred_element_type=F32)

    return pl.pallas_call(
        body,
        grid=(NE, gn),
        in_specs=[
            pl.BlockSpec((1, S, DFF), lambda e, n: (e, 0, 0)),
            pl.BlockSpec((1, DFF, bn), lambda e, n: (e, 0, n)),
        ],
        out_specs=pl.BlockSpec((1, S, bn), lambda e, n: (e, 0, n)),
        out_shape=jax.ShapeDtypeStruct((NE, S, EMB), F32),
        compiler_params=_VMEM_BIG,
    )(act_bf, w2_bf)


def _moe_stage1(e_tile, xs, w1_bf, w3_bf):
    bn = 512
    gn = DFF // bn

    def body(et_ref, x_ref, w1_ref, w3_ref, o_ref):
        m = pl.program_id(1)

        @pl.when(et_ref[m] >= 0)
        def _():
            x_v = x_ref[...].astype(BF16)
            u = jnp.dot(x_v, w1_ref[0], preferred_element_type=F32)
            g = jnp.dot(x_v, w3_ref[0], preferred_element_type=F32)
            o_ref[...] = (jax.nn.silu(u) * g).astype(BF16)

    def wmap(n, m, et):
        return (jnp.maximum(et[m], 0), 0, n)

    return pl.pallas_call(
        body,
        grid_spec=pltpu.PrefetchScalarGridSpec(
            num_scalar_prefetch=1,
            grid=(gn, MT),
            in_specs=[
                pl.BlockSpec((BM, EMB), lambda n, m, et: (m, 0)),
                pl.BlockSpec((1, EMB, bn), wmap),
                pl.BlockSpec((1, EMB, bn), wmap),
            ],
            out_specs=pl.BlockSpec((BM, bn), lambda n, m, et: (m, n)),
        ),
        out_shape=jax.ShapeDtypeStruct((SMAX, DFF), BF16),
    )(e_tile, xs, w1_bf, w3_bf)


def _moe_stage2(e_tile, act_bf, w2_bf):
    bn = 512
    gn = EMB // bn

    def body(et_ref, a_ref, w2_ref, o_ref):
        m = pl.program_id(1)

        @pl.when(et_ref[m] >= 0)
        def _():
            o_ref[...] = jnp.dot(a_ref[...], w2_ref[0],
                                 preferred_element_type=F32)

    def wmap(n, m, et):
        return (jnp.maximum(et[m], 0), 0, n)

    return pl.pallas_call(
        body,
        grid_spec=pltpu.PrefetchScalarGridSpec(
            num_scalar_prefetch=1,
            grid=(gn, MT),
            in_specs=[
                pl.BlockSpec((BM, DFF), lambda n, m, et: (m, 0)),
                pl.BlockSpec((1, DFF, bn), wmap),
            ],
            out_specs=pl.BlockSpec((BM, bn), lambda n, m, et: (m, n)),
        ),
        out_shape=jax.ShapeDtypeStruct((SMAX, EMB), F32),
    )(e_tile, act_bf, w2_bf)


def _final_proj(parts, nw, pw_bf, pb):
    bn = 1280
    gn = VOCAB_N // bn
    nmoe = len(parts) == 5

    def body(*refs):
        n = len(parts)
        nw_ref = refs[n]
        w_ref = refs[n + 1]
        b_ref = refs[n + 2]
        o_ref = refs[n + 3]
        h = _res_sum(refs[:n], nmoe)
        hn = _rms(h, nw_ref[...]).astype(BF16)
        o_ref[...] = (jnp.dot(hn, w_ref[...], preferred_element_type=F32)
                      + b_ref[...])

    in_specs = [pl.BlockSpec((S, pt.shape[1]), lambda nb: (0, 0))
                for pt in parts]
    in_specs += [
        pl.BlockSpec((1, EMB), lambda nb: (0, 0)),
        pl.BlockSpec((EMB, bn), lambda nb: (0, nb)),
        pl.BlockSpec((1, bn), lambda nb: (0, nb)),
    ]
    return pl.pallas_call(
        body,
        grid=(gn,),
        in_specs=in_specs,
        out_specs=pl.BlockSpec((S, bn), lambda nb: (0, nb)),
        out_shape=jax.ShapeDtypeStruct((S, VOCAB_N), F32),
        compiler_params=_VMEM_BIG,
    )(*parts, nw.reshape(1, EMB), pw_bf, pb.reshape(1, VOCAB_N))



def kernel(params, x):
    p = params
    tokens = x[0].astype(jnp.int32)
    emb = _gather_rows(p["token_emb"], tokens)

    pos = jnp.arange(S)
    inv = 1.0 / (10000.0 ** (jnp.arange(0, HD, 2, dtype=F32) / HD))
    ang = pos[:, None].astype(F32) * inv[None, :]
    cs = jnp.cos(ang)
    sn = jnp.sin(ang)

    parts = (emb,)
    for li, lp in enumerate(p["layers"]):
        wq_bf = lp["wq"].astype(BF16)
        wk_bf = lp["wk"].astype(BF16)
        wv_bf = lp["wv"].astype(BF16)
        q, k, v = _norm_qkv(parts, lp["attn_norm"], wq_bf, wk_bf, wv_bf)
        q3 = q.reshape(S, NQ, HD).transpose(1, 0, 2)
        k3 = k.reshape(S, NKV, HD).transpose(1, 0, 2)
        v3 = v.reshape(S, NKV, HD).transpose(1, 0, 2)
        ao3 = _attention(q3, k3, v3, cs, sn)
        ao_bf = ao3.transpose(1, 0, 2).reshape(S, NQ * HD).astype(BF16)
        h2, mi = _wo_res_norm(parts, ao_bf, lp["wo"].astype(BF16),
                              lp["moe_norm"])

        mi_bf = mi.astype(BF16)
        rw_bf = jnp.pad(lp["router"], ((0, 0), (0, 128 - NE))).astype(BF16)
        dlo, dhi, glo, ghi, ilo, ihi, etf = _router(mi_bf, rw_bf)

        w1_bf = lp["w1"].astype(BF16)
        w3_bf = lp["w3"].astype(BF16)
        w2_bf = lp["w2"].astype(BF16)
        if li == 0:
            act_bf = _dense_act(mi_bf, w1_bf, w3_bf)
            eo = _dense_eo(act_bf, w2_bf).reshape(NE * S, EMB)
            iL = ilo[:, 0].astype(jnp.int32)
            iH = ihi[:, 0].astype(jnp.int32)
            eoL, eoR = _gather_pair(eo, iL, iH)
        else:
            dpair = jnp.concatenate(
                [dlo[:, 0], dhi[:, 0]]).reshape(32, 128)
            gpair = jnp.concatenate(
                [glo[:, 0], ghi[:, 0]]).reshape(32, 128)
            e_tile = etf[:MT, 0].astype(jnp.int32)
            srcf, _ = _slotmap(dpair, gpair)
            src_tok = srcf[:, 0].astype(jnp.int32)
            xs = _gather_rows(mi, src_tok)
            act_bf = _moe_stage1(e_tile, xs, w1_bf, w3_bf)
            eo = _moe_stage2(e_tile, act_bf, w2_bf)
            dL = dlo[:, 0].astype(jnp.int32)
            dH = dhi[:, 0].astype(jnp.int32)
            eoL, eoR = _gather_pair(eo, dL, dH)
        parts = (h2, eoL, eoR, glo, ghi)

    logits = _final_proj(parts, p["final_norm"],
                         p["proj_w"].astype(BF16), p["proj_b"])
    return logits.reshape(1, S, VOCAB_N)

# --- scband reference (transcript-rebuilt; emitter-appended) ---
"""Pipeline reference for scband-mixtral-8005819039795 (READ-ONLY COPY).

The authoritative reference and input builder live on the scoring server;
editing this copy changes nothing except your own understanding.
"""

import jax, jax.numpy as jnp
import numpy as np

VOCAB = 32000
SEQ = 2048
EMB = 1024
NQ = 16
NKV = 4
HD = 64
NL = 2
NE = 8
TOPK = 2
WIN = 4096
DFF = 2048


def setup_inputs(seed: int = 0) -> dict:
    key = jax.random.key(seed)

    def nrm(i, shape, s=0.02):
        return jax.random.normal(jax.random.fold_in(key, i), shape, dtype=jnp.float32) * s

    layers = []
    for l in range(NL):
        b = 100 * (l + 1)
        layers.append({
            "attn_norm": jnp.ones((EMB,), jnp.float32),
            "wq": nrm(b + 1, (EMB, NQ * HD)),
            "wk": nrm(b + 2, (EMB, NKV * HD)),
            "wv": nrm(b + 3, (EMB, NKV * HD)),
            "wo": nrm(b + 4, (NQ * HD, EMB)),
            "moe_norm": jnp.ones((EMB,), jnp.float32),
            "router": nrm(b + 5, (EMB, NE)),
            "w1": nrm(b + 6, (NE, EMB, DFF)),
            "w3": nrm(b + 7, (NE, EMB, DFF)),
            "w2": nrm(b + 8, (NE, DFF, EMB)),
        })
    params = {
        "token_emb": nrm(1, (VOCAB, EMB)),
        "layers": layers,
        "final_norm": jnp.ones((EMB,), jnp.float32),
        "proj_w": nrm(2, (EMB, VOCAB)),
        "proj_b": jnp.zeros((VOCAB,), jnp.float32),
    }
    x = jax.random.randint(jax.random.fold_in(key, 999), (1, SEQ), 0, VOCAB, dtype=jnp.int32)
    return {"params": params, "x": x}


def _rms_norm(x, w, eps=1e-6):
    return x * w * jax.lax.rsqrt(jnp.mean(x * x, axis=-1, keepdims=True) + eps)


def _rope(x, pos):
    hd = x.shape[-1]
    inv = 1.0 / (10000.0 ** (jnp.arange(0, hd, 2, dtype=jnp.float32) / hd))
    ang = pos[:, None].astype(jnp.float32) * inv[None, :]
    cos = jnp.cos(ang)[None, :, None, :]
    sin = jnp.sin(ang)[None, :, None, :]
    x1, x2 = jnp.split(x, 2, axis=-1)
    return jnp.concatenate([x1 * cos - x2 * sin, x1 * sin + x2 * cos], axis=-1)


def _forward(params, x):
    B, S = x.shape
    # token embedding lookup (dropout is identity at eval / p=0)
    h = jnp.take(params["token_emb"], x, axis=0)
    pos = jnp.arange(S)
    i = pos[:, None]
    j = pos[None, :]
    # causal + sliding-window mask
    mask = (j <= i) & ((i - j) < WIN)
    for lp in params["layers"]:
        # --- grouped-query attention with RoPE ---
        a_in = _rms_norm(h, lp["attn_norm"])
        q = (a_in @ lp["wq"]).reshape(B, S, NQ, HD)
        k = (a_in @ lp["wk"]).reshape(B, S, NKV, HD)
        v = (a_in @ lp["wv"]).reshape(B, S, NKV, HD)
        q = _rope(q, pos)
        k = _rope(k, pos)
        rep = NQ // NKV
        k = jnp.repeat(k, rep, axis=2)
        v = jnp.repeat(v, rep, axis=2)
        scores = jnp.einsum('bthd,bshd->bhts', q, k) / jnp.sqrt(float(HD))
        scores = jnp.where(mask[None, None, :, :], scores, -1e9)
        attn = jax.nn.softmax(scores, axis=-1)
        ao = jnp.einsum('bhts,bshd->bthd', attn, v).reshape(B, S, NQ * HD)
        h = h + ao @ lp["wo"]
        # --- sparse MoE (top-k routing over SwiGLU experts) ---
        m_in = _rms_norm(h, lp["moe_norm"]).reshape(B * S, EMB)
        rl = m_in @ lp["router"]
        probs = jax.nn.softmax(rl, axis=-1)
        topv, topi = jax.lax.top_k(probs, TOPK)
        topv = topv / jnp.sum(topv, axis=-1, keepdims=True)
        T = B * S
        gate = jnp.zeros((T, NE), jnp.float32).at[jnp.arange(T)[:, None], topi].set(topv)
        up = jnp.einsum('td,edh->teh', m_in, lp["w1"])
        gt = jnp.einsum('td,edh->teh', m_in, lp["w3"])
        act = jax.nn.silu(up) * gt
        eo = jnp.einsum('teh,ehd->ted', act, lp["w2"])
        moe_out = jnp.einsum('te,ted->td', gate, eo).reshape(B, S, EMB)
        h = h + moe_out
    h = _rms_norm(h, params["final_norm"])
    logits = h @ params["proj_w"] + params["proj_b"]
    return logits


def reference(params, x):
    return _forward(params, x)

if __name__ == "__main__":
    import jax
    _d = setup_inputs()
    print(jax.jit(kernel)(*tuple(_d.values())))

</pallas_src>

<mosaic_0001>
#map = affine_map<(d0, d1) -> (0, 0)>
#map1 = affine_map<(d0, d1) -> (0)>
module attributes {stable_mosaic.version = 14 : i64} {
  func.func @k(%arg0: i32, %arg1: i32, %arg2: memref<16384x1024xf32, #tpu.memory_space<hbm>>, %arg3: memref<2048xi32, #tpu.memory_space<hbm>>, %arg4: memref<2048xi32, #tpu.memory_space<hbm>>, %arg5: memref<2048x1024xf32, #tpu.memory_space<hbm>>, %arg6: memref<2048x1024xf32, #tpu.memory_space<hbm>>, %arg7: memref<64xi32, #tpu.memory_space<vmem>>, %arg8: memref<64x1024xf32, #tpu.memory_space<vmem>>, %arg9: memref<!tpu.dma_semaphore, #tpu.memory_space<semaphore_mem>>) attributes {dimension_semantics = [#tpu.dimension_semantics<core_parallel>, #tpu.dimension_semantics<subcore_parallel>], iteration_bounds = array<i64: 2, 16>, scalar_prefetch = 0 : i64, scratch_operands = 3 : i64, tpu.core_type = #tpu.core_type<sc_vector_subcore>, window_params = [{transform_indices = #map}, {transform_indices = #map1}, {transform_indices = #map1}, {transform_indices = #map}, {transform_indices = #map}]} {
    %mul3A = arith.constant 2 : i32
    %mul3A_0 = arith.muli %arg1, %mul3A : i32
    %add3A = arith.addi %mul3A_0, %arg0 : i32
    %mul3A_1 = arith.constant 64 : i32
    %mul3A_2 = arith.muli %add3A, %mul3A_1 : i32
    %add3A_3 = arith.constant 0 : i32
    %add3A_4 = arith.addi %mul3A_2, %add3A_3 : i32
    "tpu.region"() ({
      %run_scoped3A = tpu.sem_alloc : memref<!tpu.dma_semaphore, #tpu.memory_space<semaphore_mem>>
      %dma_start3A_15 = tpu.memref_slice %arg3[%add3A_4] : memref<2048xi32, #tpu.memory_space<hbm>> -> memref<64xi32, #tpu.memory_space<hbm>>
      %dma_start3A_16 = tpu.memref_slice %arg3[%add3A_4] : memref<2048xi32, #tpu.memory_space<hbm>> -> memref<64xi32, #tpu.memory_space<hbm>>
      tpu.enqueue_dma source(%dma_start3A_16 : memref<64xi32, #tpu.memory_space<hbm>>) target(%arg7 : memref<64xi32, #tpu.memory_space<vmem>>) target_semaphore(%run_scoped3A : memref<!tpu.dma_semaphore, #tpu.memory_space<semaphore_mem>>)
      %dma_wait3A_17 = tpu.memref_slice %arg3[%add3A_4] : memref<2048xi32, #tpu.memory_space<hbm>> -> memref<64xi32, #tpu.memory_space<hbm>>
      %dma_wait3A_18 = tpu.memref_slice %arg3[%add3A_4] : memref<2048xi32, #tpu.memory_space<hbm>> -> memref<64xi32, #tpu.memory_space<hbm>>
      tpu.wait_dma2 semaphore(%run_scoped3A : memref<!tpu.dma_semaphore, #tpu.memory_space<semaphore_mem>>) src(%dma_wait3A_18 : memref<64xi32, #tpu.memory_space<hbm>>) dst(%arg7 : memref<64xi32, #tpu.memory_space<vmem>>)
      tpu.yield
    }) : () -> ()
    %dma_start3A = arith.constant 0 : i32
    %dma_start3A_5 = arith.constant 0 : i32
    %dma_start3A_6 = tpu.memref_slice %arg2[%dma_start3A, %dma_start3A_5] : memref<16384x1024xf32, #tpu.memory_space<hbm>> -> memref<16384x1024xf32, #tpu.memory_space<hbm>>
    tpu.enqueue_indirect_dma source(%dma_start3A_6 : memref<16384x1024xf32, #tpu.memory_space<hbm>>) target(%arg8 : memref<64x1024xf32, #tpu.memory_space<vmem>>) offsets(%arg7 : memref<64xi32, #tpu.memory_space<vmem>>) semaphore(%arg9 : memref<!tpu.dma_semaphore, #tpu.memory_space<semaphore_mem>>)
    %dma_wait3A = arith.constant 0 : i32
    %dma_wait3A_7 = arith.constant 0 : i32
    %dma_wait3A_8 = tpu.memref_slice %arg2[%dma_wait3A, %dma_wait3A_7] : memref<16384x1024xf32, #tpu.memory_space<hbm>> -> memref<16384x1024xf32, #tpu.memory_space<hbm>>
    tpu.wait_indirect_dma semaphore(%arg9 : memref<!tpu.dma_semaphore, #tpu.memory_space<semaphore_mem>>) src(%dma_wait3A_8 : memref<16384x1024xf32, #tpu.memory_space<hbm>>) dst(%arg8 : memref<64x1024xf32, #tpu.memory_space<vmem>>)
    "tpu.region"() ({
      %run_scoped3A = tpu.sem_alloc : memref<!tpu.dma_semaphore, #tpu.memory_space<semaphore_mem>>
      %dma_start3A_15 = arith.constant 0 : i32
      %dma_start3A_16 = tpu.memref_slice %arg5[%add3A_4, %dma_start3A_15] : memref<2048x1024xf32, #tpu.memory_space<hbm>> -> memref<64x1024xf32, #tpu.memory_space<hbm>>
      %dma_start3A_17 = arith.constant 0 : i32
      %dma_start3A_18 = tpu.memref_slice %arg5[%add3A_4, %dma_start3A_17] : memref<2048x1024xf32, #tpu.memory_space<hbm>> -> memref<64x1024xf32, #tpu.memory_space<hbm>>
      tpu.enqueue_dma source(%arg8 : memref<64x1024xf32, #tpu.memory_space<vmem>>) target(%dma_start3A_18 : memref<64x1024xf32, #tpu.memory_space<hbm>>) target_semaphore(%run_scoped3A : memref<!tpu.dma_semaphore, #tpu.memory_space<semaphore_mem>>)
      %dma_wait3A_19 = arith.constant 0 : i32
      %dma_wait3A_20 = tpu.memref_slice %arg5[%add3A_4, %dma_wait3A_19] : memref<2048x1024xf32, #tpu.memory_space<hbm>> -> memref<64x1024xf32, #tpu.memory_space<hbm>>
      %dma_wait3A_21 = arith.constant 0 : i32
      %dma_wait3A_22 = tpu.memref_slice %arg5[%add3A_4, %dma_wait3A_21] : memref<2048x1024xf32, #tpu.memory_space<hbm>> -> memref<64x1024xf32, #tpu.memory_space<hbm>>
      tpu.wait_dma2 semaphore(%run_scoped3A : memref<!tpu.dma_semaphore, #tpu.memory_space<semaphore_mem>>) src(%arg8 : memref<64x1024xf32, #tpu.memory_space<vmem>>) dst(%dma_wait3A_22 : memref<64x1024xf32, #tpu.memory_space<hbm>>)
      tpu.yield
    }) : () -> ()
    "tpu.region"() ({
      %run_scoped3A = tpu.sem_alloc : memref<!tpu.dma_semaphore, #tpu.memory_space<semaphore_mem>>
      %dma_start3A_15 = tpu.memref_slice %arg4[%add3A_4] : memref<2048xi32, #tpu.memory_space<hbm>> -> memref<64xi32, #tpu.memory_space<hbm>>
      %dma_start3A_16 = tpu.memref_slice %arg4[%add3A_4] : memref<2048xi32, #tpu.memory_space<hbm>> -> memref<64xi32, #tpu.memory_space<hbm>>
      tpu.enqueue_dma source(%dma_start3A_16 : memref<64xi32, #tpu.memory_space<hbm>>) target(%arg7 : memref<64xi32, #tpu.memory_space<vmem>>) target_semaphore(%run_scoped3A : memref<!tpu.dma_semaphore, #tpu.memory_space<semaphore_mem>>)
      %dma_wait3A_17 = tpu.memref_slice %arg4[%add3A_4] : memref<2048xi32, #tpu.memory_space<hbm>> -> memref<64xi32, #tpu.memory_space<hbm>>
      %dma_wait3A_18 = tpu.memref_slice %arg4[%add3A_4] : memref<2048xi32, #tpu.memory_space<hbm>> -> memref<64xi32, #tpu.memory_space<hbm>>
      tpu.wait_dma2 semaphore(%run_scoped3A : memref<!tpu.dma_semaphore, #tpu.memory_space<semaphore_mem>>) src(%dma_wait3A_18 : memref<64xi32, #tpu.memory_space<hbm>>) dst(%arg7 : memref<64xi32, #tpu.memory_space<vmem>>)
      tpu.yield
    }) : () -> ()
    %dma_start3A_9 = arith.constant 0 : i32
    %dma_start3A_10 = arith.constant 0 : i32
    %dma_start3A_11 = tpu.memref_slice %arg2[%dma_start3A_9, %dma_start3A_10] : memref<16384x1024xf32, #tpu.memory_space<hbm>> -> memref<16384x1024xf32, #tpu.memory_space<hbm>>
    tpu.enqueue_indirect_dma source(%dma_start3A_11 : memref<16384x1024xf32, #tpu.memory_space<hbm>>) target(%arg8 : memref<64x1024xf32, #tpu.memory_space<vmem>>) offsets(%arg7 : memref<64xi32, #tpu.memory_space<vmem>>) semaphore(%arg9 : memref<!tpu.dma_semaphore, #tpu.memory_space<semaphore_mem>>)
    %dma_wait3A_12 = arith.constant 0 : i32
    %dma_wait3A_13 = arith.constant 0 : i32
    %dma_wait3A_14 = tpu.memref_slice %arg2[%dma_wait3A_12, %dma_wait3A_13] : memref<16384x1024xf32, #tpu.memory_space<hbm>> -> memref<16384x1024xf32, #tpu.memory_space<hbm>>
    tpu.wait_indirect_dma semaphore(%arg9 : memref<!tpu.dma_semaphore, #tpu.memory_space<semaphore_mem>>) src(%dma_wait3A_14 : memref<16384x1024xf32, #tpu.memory_space<hbm>>) dst(%arg8 : memref<64x1024xf32, #tpu.memory_space<vmem>>)
    "tpu.region"() ({
      %run_scoped3A = tpu.sem_alloc : memref<!tpu.dma_semaphore, #tpu.memory_space<semaphore_mem>>
      %dma_start3A_15 = arith.constant 0 : i32
      %dma_start3A_16 = tpu.memref_slice %arg6[%add3A_4, %dma_start3A_15] : memref<2048x1024xf32, #tpu.memory_space<hbm>> -> memref<64x1024xf32, #tpu.memory_space<hbm>>
      %dma_start3A_17 = arith.constant 0 : i32
      %dma_start3A_18 = tpu.memref_slice %arg6[%add3A_4, %dma_start3A_17] : memref<2048x1024xf32, #tpu.memory_space<hbm>> -> memref<64x1024xf32, #tpu.memory_space<hbm>>
      tpu.enqueue_dma source(%arg8 : memref<64x1024xf32, #tpu.memory_space<vmem>>) target(%dma_start3A_18 : memref<64x1024xf32, #tpu.memory_space<hbm>>) target_semaphore(%run_scoped3A : memref<!tpu.dma_semaphore, #tpu.memory_space<semaphore_mem>>)
      %dma_wait3A_19 = arith.constant 0 : i32
      %dma_wait3A_20 = tpu.memref_slice %arg6[%add3A_4, %dma_wait3A_19] : memref<2048x1024xf32, #tpu.memory_space<hbm>> -> memref<64x1024xf32, #tpu.memory_space<hbm>>
      %dma_wait3A_21 = arith.constant 0 : i32
      %dma_wait3A_22 = tpu.memref_slice %arg6[%add3A_4, %dma_wait3A_21] : memref<2048x1024xf32, #tpu.memory_space<hbm>> -> memref<64x1024xf32, #tpu.memory_space<hbm>>
      tpu.wait_dma2 semaphore(%run_scoped3A : memref<!tpu.dma_semaphore, #tpu.memory_space<semaphore_mem>>) src(%arg8 : memref<64x1024xf32, #tpu.memory_space<vmem>>) dst(%dma_wait3A_22 : memref<64x1024xf32, #tpu.memory_space<hbm>>)
      tpu.yield
    }) : () -> ()
    return
  }
}

#map = affine_map<(d0, d1) -> (0, 0)>
#map1 = affine_map<(d0, d1) -> (0)>
module attributes {stable_mosaic.version = 14 : i64} {
  func.func @k(%arg0: i32, %arg1: i32, %arg2: memref<6144x1024xf32, #tpu.memory_space<hbm>>, %arg3: memref<2048xi32, #tpu.memory_space<hbm>>, %arg4: memref<2048xi32, #tpu.memory_space<hbm>>, %arg5: memref<2048x1024xf32, #tpu.memory_space<hbm>>, %arg6: memref<2048x1024xf32, #tpu.memory_space<hbm>>, %arg7: memref<64xi32, #tpu.memory_space<vmem>>, %arg8: memref<64x1024xf32, #tpu.memory_space<vmem>>, %arg9: memref<!tpu.dma_semaphore, #tpu.memory_space<semaphore_mem>>) attributes {dimension_semantics = [#tpu.dimension_semantics<core_parallel>, #tpu.dimension_semantics<subcore_parallel>], iteration_bounds = array<i64: 2, 16>, scalar_prefetch = 0 : i64, scratch_operands = 3 : i64, tpu.core_type = #tpu.core_type<sc_vector_subcore>, window_params = [{transform_indices = #map}, {transform_indices = #map1}, {transform_indices = #map1}, {transform_indices = #map}, {transform_indices = #map}]} {
    %mul3A = arith.constant 2 : i32
    %mul3A_0 = arith.muli %arg1, %mul3A : i32
    %add3A = arith.addi %mul3A_0, %arg0 : i32
    %mul3A_1 = arith.constant 64 : i32
    %mul3A_2 = arith.muli %add3A, %mul3A_1 : i32
    %add3A_3 = arith.constant 0 : i32
    %add3A_4 = arith.addi %mul3A_2, %add3A_3 : i32
    "tpu.region"() ({
      %run_scoped3A = tpu.sem_alloc : memref<!tpu.dma_semaphore, #tpu.memory_space<semaphore_mem>>
      %dma_start3A_15 = tpu.memref_slice %arg3[%add3A_4] : memref<2048xi32, #tpu.memory_space<hbm>> -> memref<64xi32, #tpu.memory_space<hbm>>
      %dma_start3A_16 = tpu.memref_slice %arg3[%add3A_4] : memref<2048xi32, #tpu.memory_space<hbm>> -> memref<64xi32, #tpu.memory_space<hbm>>
      tpu.enqueue_dma source(%dma_start3A_16 : memref<64xi32, #tpu.memory_space<hbm>>) target(%arg7 : memref<64xi32, #tpu.memory_space<vmem>>) target_semaphore(%run_scoped3A : memref<!tpu.dma_semaphore, #tpu.memory_space<semaphore_mem>>)
      %dma_wait3A_17 = tpu.memref_slice %arg3[%add3A_4] : memref<2048xi32, #tpu.memory_space<hbm>> -> memref<64xi32, #tpu.memory_space<hbm>>
      %dma_wait3A_18 = tpu.memref_slice %arg3[%add3A_4] : memref<2048xi32, #tpu.memory_space<hbm>> -> memref<64xi32, #tpu.memory_space<hbm>>
      tpu.wait_dma2 semaphore(%run_scoped3A : memref<!tpu.dma_semaphore, #tpu.memory_space<semaphore_mem>>) src(%dma_wait3A_18 : memref<64xi32, #tpu.memory_space<hbm>>) dst(%arg7 : memref<64xi32, #tpu.memory_space<vmem>>)
      tpu.yield
    }) : () -> ()
    %dma_start3A = arith.constant 0 : i32
    %dma_start3A_5 = arith.constant 0 : i32
    %dma_start3A_6 = tpu.memref_slice %arg2[%dma_start3A, %dma_start3A_5] : memref<6144x1024xf32, #tpu.memory_space<hbm>> -> memref<6144x1024xf32, #tpu.memory_space<hbm>>
    tpu.enqueue_indirect_dma source(%dma_start3A_6 : memref<6144x1024xf32, #tpu.memory_space<hbm>>) target(%arg8 : memref<64x1024xf32, #tpu.memory_space<vmem>>) offsets(%arg7 : memref<64xi32, #tpu.memory_space<vmem>>) semaphore(%arg9 : memref<!tpu.dma_semaphore, #tpu.memory_space<semaphore_mem>>)
    %dma_wait3A = arith.constant 0 : i32
    %dma_wait3A_7 = arith.constant 0 : i32
    %dma_wait3A_8 = tpu.memref_slice %arg2[%dma_wait3A, %dma_wait3A_7] : memref<6144x1024xf32, #tpu.memory_space<hbm>> -> memref<6144x1024xf32, #tpu.memory_space<hbm>>
    tpu.wait_indirect_dma semaphore(%arg9 : memref<!tpu.dma_semaphore, #tpu.memory_space<semaphore_mem>>) src(%dma_wait3A_8 : memref<6144x1024xf32, #tpu.memory_space<hbm>>) dst(%arg8 : memref<64x1024xf32, #tpu.memory_space<vmem>>)
    "tpu.region"() ({
      %run_scoped3A = tpu.sem_alloc : memref<!tpu.dma_semaphore, #tpu.memory_space<semaphore_mem>>
      %dma_start3A_15 = arith.constant 0 : i32
      %dma_start3A_16 = tpu.memref_slice %arg5[%add3A_4, %dma_start3A_15] : memref<2048x1024xf32, #tpu.memory_space<hbm>> -> memref<64x1024xf32, #tpu.memory_space<hbm>>
      %dma_start3A_17 = arith.constant 0 : i32
      %dma_start3A_18 = tpu.memref_slice %arg5[%add3A_4, %dma_start3A_17] : memref<2048x1024xf32, #tpu.memory_space<hbm>> -> memref<64x1024xf32, #tpu.memory_space<hbm>>
      tpu.enqueue_dma source(%arg8 : memref<64x1024xf32, #tpu.memory_space<vmem>>) target(%dma_start3A_18 : memref<64x1024xf32, #tpu.memory_space<hbm>>) target_semaphore(%run_scoped3A : memref<!tpu.dma_semaphore, #tpu.memory_space<semaphore_mem>>)
      %dma_wait3A_19 = arith.constant 0 : i32
      %dma_wait3A_20 = tpu.memref_slice %arg5[%add3A_4, %dma_wait3A_19] : memref<2048x1024xf32, #tpu.memory_space<hbm>> -> memref<64x1024xf32, #tpu.memory_space<hbm>>
      %dma_wait3A_21 = arith.constant 0 : i32
      %dma_wait3A_22 = tpu.memref_slice %arg5[%add3A_4, %dma_wait3A_21] : memref<2048x1024xf32, #tpu.memory_space<hbm>> -> memref<64x1024xf32, #tpu.memory_space<hbm>>
      tpu.wait_dma2 semaphore(%run_scoped3A : memref<!tpu.dma_semaphore, #tpu.memory_space<semaphore_mem>>) src(%arg8 : memref<64x1024xf32, #tpu.memory_space<vmem>>) dst(%dma_wait3A_22 : memref<64x1024xf32, #tpu.memory_space<hbm>>)
      tpu.yield
    }) : () -> ()
    "tpu.region"() ({
      %run_scoped3A = tpu.sem_alloc : memref<!tpu.dma_semaphore, #tpu.memory_space<semaphore_mem>>
      %dma_start3A_15 = tpu.memref_slice %arg4[%add3A_4] : memref<2048xi32, #tpu.memory_space<hbm>> -> memref<64xi32, #tpu.memory_space<hbm>>
      %dma_start3A_16 = tpu.memref_slice %arg4[%add3A_4] : memref<2048xi32, #tpu.memory_space<hbm>> -> memref<64xi32, #tpu.memory_space<hbm>>
      tpu.enqueue_dma source(%dma_start3A_16 : memref<64xi32, #tpu.memory_space<hbm>>) target(%arg7 : memref<64xi32, #tpu.memory_space<vmem>>) target_semaphore(%run_scoped3A : memref<!tpu.dma_semaphore, #tpu.memory_space<semaphore_mem>>)
      %dma_wait3A_17 = tpu.memref_slice %arg4[%add3A_4] : memref<2048xi32, #tpu.memory_space<hbm>> -> memref<64xi32, #tpu.memory_space<hbm>>
      %dma_wait3A_18 = tpu.memref_slice %arg4[%add3A_4] : memref<2048xi32, #tpu.memory_space<hbm>> -> memref<64xi32, #tpu.memory_space<hbm>>
      tpu.wait_dma2 semaphore(%run_scoped3A : memref<!tpu.dma_semaphore, #tpu.memory_space<semaphore_mem>>) src(%dma_wait3A_18 : memref<64xi32, #tpu.memory_space<hbm>>) dst(%arg7 : memref<64xi32, #tpu.memory_space<vmem>>)
      tpu.yield
    }) : () -> ()
    %dma_start3A_9 = arith.constant 0 : i32
    %dma_start3A_10 = arith.constant 0 : i32
    %dma_start3A_11 = tpu.memref_slice %arg2[%dma_start3A_9, %dma_start3A_10] : memref<6144x1024xf32, #tpu.memory_space<hbm>> -> memref<6144x1024xf32, #tpu.memory_space<hbm>>
    tpu.enqueue_indirect_dma source(%dma_start3A_11 : memref<6144x1024xf32, #tpu.memory_space<hbm>>) target(%arg8 : memref<64x1024xf32, #tpu.memory_space<vmem>>) offsets(%arg7 : memref<64xi32, #tpu.memory_space<vmem>>) semaphore(%arg9 : memref<!tpu.dma_semaphore, #tpu.memory_space<semaphore_mem>>)
    %dma_wait3A_12 = arith.constant 0 : i32
    %dma_wait3A_13 = arith.constant 0 : i32
    %dma_wait3A_14 = tpu.memref_slice %arg2[%dma_wait3A_12, %dma_wait3A_13] : memref<6144x1024xf32, #tpu.memory_space<hbm>> -> memref<6144x1024xf32, #tpu.memory_space<hbm>>
    tpu.wait_indirect_dma semaphore(%arg9 : memref<!tpu.dma_semaphore, #tpu.memory_space<semaphore_mem>>) src(%dma_wait3A_14 : memref<6144x1024xf32, #tpu.memory_space<hbm>>) dst(%arg8 : memref<64x1024xf32, #tpu.memory_space<vmem>>)
    "tpu.region"() ({
      %run_scoped3A = tpu.sem_alloc : memref<!tpu.dma_semaphore, #tpu.memory_space<semaphore_mem>>
      %dma_start3A_15 = arith.constant 0 : i32
      %dma_start3A_16 = tpu.memref_slice %arg6[%add3A_4, %dma_start3A_15] : memref<2048x1024xf32, #tpu.memory_space<hbm>> -> memref<64x1024xf32, #tpu.memory_space<hbm>>
      %dma_start3A_17 = arith.constant 0 : i32
      %dma_start3A_18 = tpu.memref_slice %arg6[%add3A_4, %dma_start3A_17] : memref<2048x1024xf32, #tpu.memory_space<hbm>> -> memref<64x1024xf32, #tpu.memory_space<hbm>>
      tpu.enqueue_dma source(%arg8 : memref<64x1024xf32, #tpu.memory_space<vmem>>) target(%dma_start3A_18 : memref<64x1024xf32, #tpu.memory_space<hbm>>) target_semaphore(%run_scoped3A : memref<!tpu.dma_semaphore, #tpu.memory_space<semaphore_mem>>)
      %dma_wait3A_19 = arith.constant 0 : i32
      %dma_wait3A_20 = tpu.memref_slice %arg6[%add3A_4, %dma_wait3A_19] : memref<2048x1024xf32, #tpu.memory_space<hbm>> -> memref<64x1024xf32, #tpu.memory_space<hbm>>
      %dma_wait3A_21 = arith.constant 0 : i32
      %dma_wait3A_22 = tpu.memref_slice %arg6[%add3A_4, %dma_wait3A_21] : memref<2048x1024xf32, #tpu.memory_space<hbm>> -> memref<64x1024xf32, #tpu.memory_space<hbm>>
      tpu.wait_dma2 semaphore(%run_scoped3A : memref<!tpu.dma_semaphore, #tpu.memory_space<semaphore_mem>>) src(%arg8 : memref<64x1024xf32, #tpu.memory_space<vmem>>) dst(%dma_wait3A_22 : memref<64x1024xf32, #tpu.memory_space<hbm>>)
      tpu.yield
    }) : () -> ()
    return
  }
}

#map = affine_map<(d0, d1) -> (0, 0)>
#map1 = affine_map<(d0, d1) -> (0)>
module attributes {stable_mosaic.version = 14 : i64} {
  func.func @k(%arg0: i32, %arg1: i32, %arg2: memref<32000x1024xf32, #tpu.memory_space<hbm>>, %arg3: memref<2048xi32, #tpu.memory_space<hbm>>, %arg4: memref<2048x1024xf32, #tpu.memory_space<hbm>>, %arg5: memref<64xi32, #tpu.memory_space<vmem>>, %arg6: memref<64x1024xf32, #tpu.memory_space<vmem>>, %arg7: memref<!tpu.dma_semaphore, #tpu.memory_space<semaphore_mem>>) attributes {dimension_semantics = [#tpu.dimension_semantics<core_parallel>, #tpu.dimension_semantics<subcore_parallel>], iteration_bounds = array<i64: 2, 16>, scalar_prefetch = 0 : i64, scratch_operands = 3 : i64, tpu.core_type = #tpu.core_type<sc_vector_subcore>, window_params = [{transform_indices = #map}, {transform_indices = #map1}, {transform_indices = #map}]} {
    %mul3A = arith.constant 2 : i32
    %mul3A_0 = arith.muli %arg1, %mul3A : i32
    %add3A = arith.addi %mul3A_0, %arg0 : i32
    %mul3A_1 = arith.constant 64 : i32
    %mul3A_2 = arith.muli %add3A, %mul3A_1 : i32
    %add3A_3 = arith.constant 0 : i32
    %add3A_4 = arith.addi %mul3A_2, %add3A_3 : i32
    "tpu.region"() ({
      %run_scoped3A = tpu.sem_alloc : memref<!tpu.dma_semaphore, #tpu.memory_space<semaphore_mem>>
      %dma_start3A_9 = tpu.memref_slice %arg3[%add3A_4] : memref<2048xi32, #tpu.memory_space<hbm>> -> memref<64xi32, #tpu.memory_space<hbm>>
      %dma_start3A_10 = tpu.memref_slice %arg3[%add3A_4] : memref<2048xi32, #tpu.memory_space<hbm>> -> memref<64xi32, #tpu.memory_space<hbm>>
      tpu.enqueue_dma source(%dma_start3A_10 : memref<64xi32, #tpu.memory_space<hbm>>) target(%arg5 : memref<64xi32, #tpu.memory_space<vmem>>) target_semaphore(%run_scoped3A : memref<!tpu.dma_semaphore, #tpu.memory_space<semaphore_mem>>)
      %dma_wait3A_11 = tpu.memref_slice %arg3[%add3A_4] : memref<2048xi32, #tpu.memory_space<hbm>> -> memref<64xi32, #tpu.memory_space<hbm>>
      %dma_wait3A_12 = tpu.memref_slice %arg3[%add3A_4] : memref<2048xi32, #tpu.memory_space<hbm>> -> memref<64xi32, #tpu.memory_space<hbm>>
      tpu.wait_dma2 semaphore(%run_scoped3A : memref<!tpu.dma_semaphore, #tpu.memory_space<semaphore_mem>>) src(%dma_wait3A_12 : memref<64xi32, #tpu.memory_space<hbm>>) dst(%arg5 : memref<64xi32, #tpu.memory_space<vmem>>)
      tpu.yield
    }) : () -> ()
    %dma_start3A = arith.constant 0 : i32
    %dma_start3A_5 = arith.constant 0 : i32
    %dma_start3A_6 = tpu.memref_slice %arg2[%dma_start3A, %dma_start3A_5] : memref<32000x1024xf32, #tpu.memory_space<hbm>> -> memref<32000x1024xf32, #tpu.memory_space<hbm>>
    tpu.enqueue_indirect_dma source(%dma_start3A_6 : memref<32000x1024xf32, #tpu.memory_space<hbm>>) target(%arg6 : memref<64x1024xf32, #tpu.memory_space<vmem>>) offsets(%arg5 : memref<64xi32, #tpu.memory_space<vmem>>) semaphore(%arg7 : memref<!tpu.dma_semaphore, #tpu.memory_space<semaphore_mem>>)
    %dma_wait3A = arith.constant 0 : i32
    %dma_wait3A_7 = arith.constant 0 : i32
    %dma_wait3A_8 = tpu.memref_slice %arg2[%dma_wait3A, %dma_wait3A_7] : memref<32000x1024xf32, #tpu.memory_space<hbm>> -> memref<32000x1024xf32, #tpu.memory_space<hbm>>
    tpu.wait_indirect_dma semaphore(%arg7 : memref<!tpu.dma_semaphore, #tpu.memory_space<semaphore_mem>>) src(%dma_wait3A_8 : memref<32000x1024xf32, #tpu.memory_space<hbm>>) dst(%arg6 : memref<64x1024xf32, #tpu.memory_space<vmem>>)
    "tpu.region"() ({
      %run_scoped3A = tpu.sem_alloc : memref<!tpu.dma_semaphore, #tpu.memory_space<semaphore_mem>>
      %dma_start3A_9 = arith.constant 0 : i32
      %dma_start3A_10 = tpu.memref_slice %arg4[%add3A_4, %dma_start3A_9] : memref<2048x1024xf32, #tpu.memory_space<hbm>> -> memref<64x1024xf32, #tpu.memory_space<hbm>>
      %dma_start3A_11 = arith.constant 0 : i32
      %dma_start3A_12 = tpu.memref_slice %arg4[%add3A_4, %dma_start3A_11] : memref<2048x1024xf32, #tpu.memory_space<hbm>> -> memref<64x1024xf32, #tpu.memory_space<hbm>>
      tpu.enqueue_dma source(%arg6 : memref<64x1024xf32, #tpu.memory_space<vmem>>) target(%dma_start3A_12 : memref<64x1024xf32, #tpu.memory_space<hbm>>) target_semaphore(%run_scoped3A : memref<!tpu.dma_semaphore, #tpu.memory_space<semaphore_mem>>)
      %dma_wait3A_13 = arith.constant 0 : i32
      %dma_wait3A_14 = tpu.memref_slice %arg4[%add3A_4, %dma_wait3A_13] : memref<2048x1024xf32, #tpu.memory_space<hbm>> -> memref<64x1024xf32, #tpu.memory_space<hbm>>
      %dma_wait3A_15 = arith.constant 0 : i32
      %dma_wait3A_16 = tpu.memref_slice %arg4[%add3A_4, %dma_wait3A_15] : memref<2048x1024xf32, #tpu.memory_space<hbm>> -> memref<64x1024xf32, #tpu.memory_space<hbm>>
      tpu.wait_dma2 semaphore(%run_scoped3A : memref<!tpu.dma_semaphore, #tpu.memory_space<semaphore_mem>>) src(%arg6 : memref<64x1024xf32, #tpu.memory_space<vmem>>) dst(%dma_wait3A_16 : memref<64x1024xf32, #tpu.memory_space<hbm>>)
      tpu.yield
    }) : () -> ()
    return
  }
}

#map = affine_map<(d0, d1) -> (0, 0)>
#map1 = affine_map<(d0, d1) -> (0)>
module attributes {stable_mosaic.version = 14 : i64} {
  func.func @k(%arg0: i32, %arg1: i32, %arg2: memref<2048x1024xf32, #tpu.memory_space<hbm>>, %arg3: memref<6144xi32, #tpu.memory_space<hbm>>, %arg4: memref<6144x1024xf32, #tpu.memory_space<hbm>>, %arg5: memref<64xi32, #tpu.memory_space<vmem>>, %arg6: memref<64x1024xf32, #tpu.memory_space<vmem>>, %arg7: memref<!tpu.dma_semaphore, #tpu.memory_space<semaphore_mem>>) attributes {dimension_semantics = [#tpu.dimension_semantics<core_parallel>, #tpu.dimension_semantics<subcore_parallel>], iteration_bounds = array<i64: 2, 16>, scalar_prefetch = 0 : i64, scratch_operands = 3 : i64, tpu.core_type = #tpu.core_type<sc_vector_subcore>, window_params = [{transform_indices = #map}, {transform_indices = #map1}, {transform_indices = #map}]} {
    %mul3A = arith.constant 2 : i32
    %mul3A_0 = arith.muli %arg1, %mul3A : i32
    %add3A = arith.addi %mul3A_0, %arg0 : i32
    %mul3A_1 = arith.constant 192 : i32
    %mul3A_2 = arith.muli %add3A, %mul3A_1 : i32
    %add3A_3 = arith.constant 0 : i32
    %add3A_4 = arith.addi %mul3A_2, %add3A_3 : i32
    "tpu.region"() ({
      %run_scoped3A = tpu.sem_alloc : memref<!tpu.dma_semaphore, #tpu.memory_space<semaphore_mem>>
      %dma_start3A_29 = tpu.memref_slice %arg3[%add3A_4] : memref<6144xi32, #tpu.memory_space<hbm>> -> memref<64xi32, #tpu.memory_space<hbm>>
      %dma_start3A_30 = tpu.memref_slice %arg3[%add3A_4] : memref<6144xi32, #tpu.memory_space<hbm>> -> memref<64xi32, #tpu.memory_space<hbm>>
      tpu.enqueue_dma source(%dma_start3A_30 : memref<64xi32, #tpu.memory_space<hbm>>) target(%arg5 : memref<64xi32, #tpu.memory_space<vmem>>) target_semaphore(%run_scoped3A : memref<!tpu.dma_semaphore, #tpu.memory_space<semaphore_mem>>)
      %dma_wait3A_31 = tpu.memref_slice %arg3[%add3A_4] : memref<6144xi32, #tpu.memory_space<hbm>> -> memref<64xi32, #tpu.memory_space<hbm>>
      %dma_wait3A_32 = tpu.memref_slice %arg3[%add3A_4] : memref<6144xi32, #tpu.memory_space<hbm>> -> memref<64xi32, #tpu.memory_space<hbm>>
      tpu.wait_dma2 semaphore(%run_scoped3A : memref<!tpu.dma_semaphore, #tpu.memory_space<semaphore_mem>>) src(%dma_wait3A_32 : memref<64xi32, #tpu.memory_space<hbm>>) dst(%arg5 : memref<64xi32, #tpu.memory_space<vmem>>)
      tpu.yield
    }) : () -> ()
    %dma_start3A = arith.constant 0 : i32
    %dma_start3A_5 = arith.constant 0 : i32
    %dma_start3A_6 = tpu.memref_slice %arg2[%dma_start3A, %dma_start3A_5] : memref<2048x1024xf32, #tpu.memory_space<hbm>> -> memref<2048x1024xf32, #tpu.memory_space<hbm>>
    tpu.enqueue_indirect_dma source(%dma_start3A_6 : memref<2048x1024xf32, #tpu.memory_space<hbm>>) target(%arg6 : memref<64x1024xf32, #tpu.memory_space<vmem>>) offsets(%arg5 : memref<64xi32, #tpu.memory_space<vmem>>) semaphore(%arg7 : memref<!tpu.dma_semaphore, #tpu.memory_space<semaphore_mem>>)
    %dma_wait3A = arith.constant 0 : i32
    %dma_wait3A_7 = arith.constant 0 : i32
    %dma_wait3A_8 = tpu.memref_slice %arg2[%dma_wait3A, %dma_wait3A_7] : memref<2048x1024xf32, #tpu.memory_space<hbm>> -> memref<2048x1024xf32, #tpu.memory_space<hbm>>
    tpu.wait_indirect_dma semaphore(%arg7 : memref<!tpu.dma_semaphore, #tpu.memory_space<semaphore_mem>>) src(%dma_wait3A_8 : memref<2048x1024xf32, #tpu.memory_space<hbm>>) dst(%arg6 : memref<64x1024xf32, #tpu.memory_space<vmem>>)
    "tpu.region"() ({
      %run_scoped3A = tpu.sem_alloc : memref<!tpu.dma_semaphore, #tpu.memory_space<semaphore_mem>>
      %dma_start3A_29 = arith.constant 0 : i32
      %dma_start3A_30 = tpu.memref_slice %arg4[%add3A_4, %dma_start3A_29] : memref<6144x1024xf32, #tpu.memory_space<hbm>> -> memref<64x1024xf32, #tpu.memory_space<hbm>>
      %dma_start3A_31 = arith.constant 0 : i32
      %dma_start3A_32 = tpu.memref_slice %arg4[%add3A_4, %dma_start3A_31] : memref<6144x1024xf32, #tpu.memory_space<hbm>> -> memref<64x1024xf32, #tpu.memory_space<hbm>>
      tpu.enqueue_dma source(%arg6 : memref<64x1024xf32, #tpu.memory_space<vmem>>) target(%dma_start3A_32 : memref<64x1024xf32, #tpu.memory_space<hbm>>) target_semaphore(%run_scoped3A : memref<!tpu.dma_semaphore, #tpu.memory_space<semaphore_mem>>)
      %dma_wait3A_33 = arith.constant 0 : i32
      %dma_wait3A_34 = tpu.memref_slice %arg4[%add3A_4, %dma_wait3A_33] : memref<6144x1024xf32, #tpu.memory_space<hbm>> -> memref<64x1024xf32, #tpu.memory_space<hbm>>
      %dma_wait3A_35 = arith.constant 0 : i32
      %dma_wait3A_36 = tpu.memref_slice %arg4[%add3A_4, %dma_wait3A_35] : memref<6144x1024xf32, #tpu.memory_space<hbm>> -> memref<64x1024xf32, #tpu.memory_space<hbm>>
      tpu.wait_dma2 semaphore(%run_scoped3A : memref<!tpu.dma_semaphore, #tpu.memory_space<semaphore_mem>>) src(%arg6 : memref<64x1024xf32, #tpu.memory_space<vmem>>) dst(%dma_wait3A_36 : memref<64x1024xf32, #tpu.memory_space<hbm>>)
      tpu.yield
    }) : () -> ()
    %mul3A_9 = arith.constant 192 : i32
    %mul3A_10 = arith.muli %add3A, %mul3A_9 : i32
    %add3A_11 = arith.constant 64 : i32
    %add3A_12 = arith.addi %mul3A_10, %add3A_11 : i32
    "tpu.region"() ({
      %run_scoped3A = tpu.sem_alloc : memref<!tpu.dma_semaphore, #tpu.memory_space<semaphore_mem>>
      %dma_start3A_29 = tpu.memref_slice %arg3[%add3A_12] : memref<6144xi32, #tpu.memory_space<hbm>> -> memref<64xi32, #tpu.memory_space<hbm>>
      %dma_start3A_30 = tpu.memref_slice %arg3[%add3A_12] : memref<6144xi32, #tpu.memory_space<hbm>> -> memref<64xi32, #tpu.memory_space<hbm>>
      tpu.enqueue_dma source(%dma_start3A_30 : memref<64xi32, #tpu.memory_space<hbm>>) target(%arg5 : memref<64xi32, #tpu.memory_space<vmem>>) target_semaphore(%run_scoped3A : memref<!tpu.dma_semaphore, #tpu.memory_space<semaphore_mem>>)
      %dma_wait3A_31 = tpu.memref_slice %arg3[%add3A_12] : memref<6144xi32, #tpu.memory_space<hbm>> -> memref<64xi32, #tpu.memory_space<hbm>>
      %dma_wait3A_32 = tpu.memref_slice %arg3[%add3A_12] : memref<6144xi32, #tpu.memory_space<hbm>> -> memref<64xi32, #tpu.memory_space<hbm>>
      tpu.wait_dma2 semaphore(%run_scoped3A : memref<!tpu.dma_semaphore, #tpu.memory_space<semaphore_mem>>) src(%dma_wait3A_32 : memref<64xi32, #tpu.memory_space<hbm>>) dst(%arg5 : memref<64xi32, #tpu.memory_space<vmem>>)
      tpu.yield
    }) : () -> ()
    %dma_start3A_13 = arith.constant 0 : i32
    %dma_start3A_14 = arith.constant 0 : i32
    %dma_start3A_15 = tpu.memref_slice %arg2[%dma_start3A_13, %dma_start3A_14] : memref<2048x1024xf32, #tpu.memory_space<hbm>> -> memref<2048x1024xf32, #tpu.memory_space<hbm>>
    tpu.enqueue_indirect_dma source(%dma_start3A_15 : memref<2048x1024xf32, #tpu.memory_space<hbm>>) target(%arg6 : memref<64x1024xf32, #tpu.memory_space<vmem>>) offsets(%arg5 : memref<64xi32, #tpu.memory_space<vmem>>) semaphore(%arg7 : memref<!tpu.dma_semaphore, #tpu.memory_space<semaphore_mem>>)
    %dma_wait3A_16 = arith.constant 0 : i32
    %dma_wait3A_17 = arith.constant 0 : i32
    %dma_wait3A_18 = tpu.memref_slice %arg2[%dma_wait3A_16, %dma_wait3A_17] : memref<2048x1024xf32, #tpu.memory_space<hbm>> -> memref<2048x1024xf32, #tpu.memory_space<hbm>>
    tpu.wait_indirect_dma semaphore(%arg7 : memref<!tpu.dma_semaphore, #tpu.memory_space<semaphore_mem>>) src(%dma_wait3A_18 : memref<2048x1024xf32, #tpu.memory_space<hbm>>) dst(%arg6 : memref<64x1024xf32, #tpu.memory_space<vmem>>)
    "tpu.region"() ({
      %run_scoped3A = tpu.sem_alloc : memref<!tpu.dma_semaphore, #tpu.memory_space<semaphore_mem>>
      %dma_start3A_29 = arith.constant 0 : i32
      %dma_start3A_30 = tpu.memref_slice %arg4[%add3A_12, %dma_start3A_29] : memref<6144x1024xf32, #tpu.memory_space<hbm>> -> memref<64x1024xf32, #tpu.memory_space<hbm>>
      %dma_start3A_31 = arith.constant 0 : i32
      %dma_start3A_32 = tpu.memref_slice %arg4[%add3A_12, %dma_start3A_31] : memref<6144x1024xf32, #tpu.memory_space<hbm>> -> memref<64x1024xf32, #tpu.memory_space<hbm>>
      tpu.enqueue_dma source(%arg6 : memref<64x1024xf32, #tpu.memory_space<vmem>>) target(%dma_start3A_32 : memref<64x1024xf32, #tpu.memory_space<hbm>>) target_semaphore(%run_scoped3A : memref<!tpu.dma_semaphore, #tpu.memory_space<semaphore_mem>>)
      %dma_wait3A_33 = arith.constant 0 : i32
      %dma_wait3A_34 = tpu.memref_slice %arg4[%add3A_12, %dma_wait3A_33] : memref<6144x1024xf32, #tpu.memory_space<hbm>> -> memref<64x1024xf32, #tpu.memory_space<hbm>>
      %dma_wait3A_35 = arith.constant 0 : i32
      %dma_wait3A_36 = tpu.memref_slice %arg4[%add3A_12, %dma_wait3A_35] : memref<6144x1024xf32, #tpu.memory_space<hbm>> -> memref<64x1024xf32, #tpu.memory_space<hbm>>
      tpu.wait_dma2 semaphore(%run_scoped3A : memref<!tpu.dma_semaphore, #tpu.memory_space<semaphore_mem>>) src(%arg6 : memref<64x1024xf32, #tpu.memory_space<vmem>>) dst(%dma_wait3A_36 : memref<64x1024xf32, #tpu.memory_space<hbm>>)
      tpu.yield
    }) : () -> ()
    %mul3A_19 = arith.constant 192 : i32
    %mul3A_20 = arith.muli %add3A, %mul3A_19 : i32
    %add3A_21 = arith.constant 128 : i32
    %add3A_22 = arith.addi %mul3A_20, %add3A_21 : i32
    "tpu.region"() ({
      %run_scoped3A = tpu.sem_alloc : memref<!tpu.dma_semaphore, #tpu.memory_space<semaphore_mem>>
      %dma_start3A_29 = tpu.memref_slice %arg3[%add3A_22] : memref<6144xi32, #tpu.memory_space<hbm>> -> memref<64xi32, #tpu.memory_space<hbm>>
      %dma_start3A_30 = tpu.memref_slice %arg3[%add3A_22] : memref<6144xi32, #tpu.memory_space<hbm>> -> memref<64xi32, #tpu.memory_space<hbm>>
      tpu.enqueue_dma source(%dma_start3A_30 : memref<64xi32, #tpu.memory_space<hbm>>) target(%arg5 : memref<64xi32, #tpu.memory_space<vmem>>) target_semaphore(%run_scoped3A : memref<!tpu.dma_semaphore, #tpu.memory_space<semaphore_mem>>)
      %dma_wait3A_31 = tpu.memref_slice %arg3[%add3A_22] : memref<6144xi32, #tpu.memory_space<hbm>> -> memref<64xi32, #tpu.memory_space<hbm>>
      %dma_wait3A_32 = tpu.memref_slice %arg3[%add3A_22] : memref<6144xi32, #tpu.memory_space<hbm>> -> memref<64xi32, #tpu.memory_space<hbm>>
      tpu.wait_dma2 semaphore(%run_scoped3A : memref<!tpu.dma_semaphore, #tpu.memory_space<semaphore_mem>>) src(%dma_wait3A_32 : memref<64xi32, #tpu.memory_space<hbm>>) dst(%arg5 : memref<64xi32, #tpu.memory_space<vmem>>)
      tpu.yield
    }) : () -> ()
    %dma_start3A_23 = arith.constant 0 : i32
    %dma_start3A_24 = arith.constant 0 : i32
    %dma_start3A_25 = tpu.memref_slice %arg2[%dma_start3A_23, %dma_start3A_24] : memref<2048x1024xf32, #tpu.memory_space<hbm>> -> memref<2048x1024xf32, #tpu.memory_space<hbm>>
    tpu.enqueue_indirect_dma source(%dma_start3A_25 : memref<2048x1024xf32, #tpu.memory_space<hbm>>) target(%arg6 : memref<64x1024xf32, #tpu.memory_space<vmem>>) offsets(%arg5 : memref<64xi32, #tpu.memory_space<vmem>>) semaphore(%arg7 : memref<!tpu.dma_semaphore, #tpu.memory_space<semaphore_mem>>)
    %dma_wait3A_26 = arith.constant 0 : i32
    %dma_wait3A_27 = arith.constant 0 : i32
    %dma_wait3A_28 = tpu.memref_slice %arg2[%dma_wait3A_26, %dma_wait3A_27] : memref<2048x1024xf32, #tpu.memory_space<hbm>> -> memref<2048x1024xf32, #tpu.memory_space<hbm>>
    tpu.wait_indirect_dma semaphore(%arg7 : memref<!tpu.dma_semaphore, #tpu.memory_space<semaphore_mem>>) src(%dma_wait3A_28 : memref<2048x1024xf32, #tpu.memory_space<hbm>>) dst(%arg6 : memref<64x1024xf32, #tpu.memory_space<vmem>>)
    "tpu.region"() ({
      %run_scoped3A = tpu.sem_alloc : memref<!tpu.dma_semaphore, #tpu.memory_space<semaphore_mem>>
      %dma_start3A_29 = arith.constant 0 : i32
      %dma_start3A_30 = tpu.memref_slice %arg4[%add3A_22, %dma_start3A_29] : memref<6144x1024xf32, #tpu.memory_space<hbm>> -> memref<64x1024xf32, #tpu.memory_space<hbm>>
      %dma_start3A_31 = arith.constant 0 : i32
      %dma_start3A_32 = tpu.memref_slice %arg4[%add3A_22, %dma_start3A_31] : memref<6144x1024xf32, #tpu.memory_space<hbm>> -> memref<64x1024xf32, #tpu.memory_space<hbm>>
      tpu.enqueue_dma source(%arg6 : memref<64x1024xf32, #tpu.memory_space<vmem>>) target(%dma_start3A_32 : memref<64x1024xf32, #tpu.memory_space<hbm>>) target_semaphore(%run_scoped3A : memref<!tpu.dma_semaphore, #tpu.memory_space<semaphore_mem>>)
      %dma_wait3A_33 = arith.constant 0 : i32
      %dma_wait3A_34 = tpu.memref_slice %arg4[%add3A_22, %dma_wait3A_33] : memref<6144x1024xf32, #tpu.memory_space<hbm>> -> memref<64x1024xf32, #tpu.memory_space<hbm>>
      %dma_wait3A_35 = arith.constant 0 : i32
      %dma_wait3A_36 = tpu.memref_slice %arg4[%add3A_22, %dma_wait3A_35] : memref<6144x1024xf32, #tpu.memory_space<hbm>> -> memref<64x1024xf32, #tpu.memory_space<hbm>>
      tpu.wait_dma2 semaphore(%run_scoped3A : memref<!tpu.dma_semaphore, #tpu.memory_space<semaphore_mem>>) src(%arg6 : memref<64x1024xf32, #tpu.memory_space<vmem>>) dst(%dma_wait3A_36 : memref<64x1024xf32, #tpu.memory_space<hbm>>)
      tpu.yield
    }) : () -> ()
    return
  }
}

module attributes {stable_mosaic.version = 14 : i64} {
  func.func @body(%arg0: memref<2048x1024xf32, #tpu.memory_space<vmem>>, %arg1: memref<1x1024xf32, #tpu.memory_space<vmem>>, %arg2: memref<1024x1024xbf16, #tpu.memory_space<vmem>>, %arg3: memref<1024x256xbf16, #tpu.memory_space<vmem>>, %arg4: memref<1024x256xbf16, #tpu.memory_space<vmem>>, %arg5: memref<2048x1024xf32, #tpu.memory_space<vmem>>, %arg6: memref<2048x256xf32, #tpu.memory_space<vmem>>, %arg7: memref<2048x256xf32, #tpu.memory_space<vmem>>) attributes {dimension_semantics = [], scalar_prefetch = 0 : i64, scratch_operands = 0 : i64, tpu.core_type = #tpu.core_type<tc>} {
    %get3A = arith.constant 0 : index
    %get3A_0 = arith.constant 0 : index
    %get3A_1 = vector.load %arg0[%get3A, %get3A_0] : memref<2048x1024xf32, #tpu.memory_space<vmem>>, vector<2048x1024xf32>
    %get3A_2 = arith.constant 0 : index
    %get3A_3 = arith.constant 0 : index
    %get3A_4 = vector.load %arg1[%get3A_2, %get3A_3] : memref<1x1024xf32, #tpu.memory_space<vmem>>, vector<1x1024xf32>
    %mul3A = arith.mulf %get3A_1, %get3A_1 : vector<2048x1024xf32>
    %slice3A = vector.extract_strided_slice %mul3A {offsets = [0, 0], sizes = [2048, 512], strides = [1, 1]} : vector<2048x1024xf32> to vector<2048x512xf32>
    %slice3A_5 = vector.extract_strided_slice %mul3A {offsets = [0, 512], sizes = [2048, 512], strides = [1, 1]} : vector<2048x1024xf32> to vector<2048x512xf32>
    %add3A = arith.addf %slice3A, %slice3A_5 : vector<2048x512xf32>
    %slice3A_6 = vector.extract_strided_slice %add3A {offsets = [0, 0], sizes = [2048, 256], strides = [1, 1]} : vector<2048x512xf32> to vector<2048x256xf32>
    %slice3A_7 = vector.extract_strided_slice %add3A {offsets = [0, 256], sizes = [2048, 256], strides = [1, 1]} : vector<2048x512xf32> to vector<2048x256xf32>
    %add3A_8 = arith.addf %slice3A_6, %slice3A_7 : vector<2048x256xf32>
    %slice3A_9 = vector.extract_strided_slice %add3A_8 {offsets = [0, 0], sizes = [2048, 128], strides = [1, 1]} : vector<2048x256xf32> to vector<2048x128xf32>
    %slice3A_10 = vector.extract_strided_slice %add3A_8 {offsets = [0, 128], sizes = [2048, 128], strides = [1, 1]} : vector<2048x256xf32> to vector<2048x128xf32>
    %add3A_11 = arith.addf %slice3A_9, %slice3A_10 : vector<2048x128xf32>
    %slice3A_12 = vector.extract_strided_slice %add3A_11 {offsets = [0, 0], sizes = [2048, 64], strides = [1, 1]} : vector<2048x128xf32> to vector<2048x64xf32>
    %slice3A_13 = vector.extract_strided_slice %add3A_11 {offsets = [0, 64], sizes = [2048, 64], strides = [1, 1]} : vector<2048x128xf32> to vector<2048x64xf32>
    %add3A_14 = arith.addf %slice3A_12, %slice3A_13 : vector<2048x64xf32>
    %slice3A_15 = vector.extract_strided_slice %add3A_14 {offsets = [0, 0], sizes = [2048, 32], strides = [1, 1]} : vector<2048x64xf32> to vector<2048x32xf32>
    %slice3A_16 = vector.extract_strided_slice %add3A_14 {offsets = [0, 32], sizes = [2048, 32], strides = [1, 1]} : vector<2048x64xf32> to vector<2048x32xf32>
    %add3A_17 = arith.addf %slice3A_15, %slice3A_16 : vector<2048x32xf32>
    %slice3A_18 = vector.extract_strided_slice %add3A_17 {offsets = [0, 0], sizes = [2048, 16], strides = [1, 1]} : vector<2048x32xf32> to vector<2048x16xf32>
    %slice3A_19 = vector.extract_strided_slice %add3A_17 {offsets = [0, 16], sizes = [2048, 16], strides = [1, 1]} : vector<2048x32xf32> to vector<2048x16xf32>
    %add3A_20 = arith.addf %slice3A_18, %slice3A_19 : vector<2048x16xf32>
    %slice3A_21 = vector.extract_strided_slice %add3A_20 {offsets = [0, 0], sizes = [2048, 8], strides = [1, 1]} : vector<2048x16xf32> to vector<2048x8xf32>
    %slice3A_22 = vector.extract_strided_slice %add3A_20 {offsets = [0, 8], sizes = [2048, 8], strides = [1, 1]} : vector<2048x16xf32> to vector<2048x8xf32>
    %add3A_23 = arith.addf %slice3A_21, %slice3A_22 : vector<2048x8xf32>
    %slice3A_24 = vector.extract_strided_slice %add3A_23 {offsets = [0, 0], sizes = [2048, 4], strides = [1, 1]} : vector<2048x8xf32> to vector<2048x4xf32>
    %slice3A_25 = vector.extract_strided_slice %add3A_23 {offsets = [0, 4], sizes = [2048, 4], strides = [1, 1]} : vector<2048x8xf32> to vector<2048x4xf32>
    %add3A_26 = arith.addf %slice3A_24, %slice3A_25 : vector<2048x4xf32>
    %slice3A_27 = vector.extract_strided_slice %add3A_26 {offsets = [0, 0], sizes = [2048, 2], strides = [1, 1]} : vector<2048x4xf32> to vector<2048x2xf32>
    %slice3A_28 = vector.extract_strided_slice %add3A_26 {offsets = [0, 2], sizes = [2048, 2], strides = [1, 1]} : vector<2048x4xf32> to vector<2048x2xf32>
    %add3A_29 = arith.addf %slice3A_27, %slice3A_28 : vector<2048x2xf32>
    %slice3A_30 = vector.extract_strided_slice %add3A_29 {offsets = [0, 0], sizes = [2048, 1], strides = [1, 1]} : vector<2048x2xf32> to vector<2048x1xf32>
    %slice3A_31 = vector.extract_strided_slice %add3A_29 {offsets = [0, 1], sizes = [2048, 1], strides = [1, 1]} : vector<2048x2xf32> to vector<2048x1xf32>
    %add3A_32 = arith.addf %slice3A_30, %slice3A_31 : vector<2048x1xf32>
    %div3A = arith.constant 1.024000e+03 : f32
    %div3A_33 = vector.broadcast %div3A : f32 to vector<2048x1xf32>
    %div3A_34 = arith.divf %add3A_32, %div3A_33 : vector<2048x1xf32>
    %mul3A_35 = vector.broadcast %get3A_4 : vector<1x1024xf32> to vector<2048x1024xf32>
    %mul3A_36 = arith.mulf %get3A_1, %mul3A_35 : vector<2048x1024xf32>
    %add3A_37 = arith.constant 9.99999997E-7 : f32
    %add3A_38 = vector.broadcast %add3A_37 : f32 to vector<2048x1xf32>
    %add3A_39 = arith.addf %div3A_34, %add3A_38 : vector<2048x1xf32>
    %rsqrt3A = math.rsqrt %add3A_39 : vector<2048x1xf32>
    %mul3A_40 = vector.broadcast %rsqrt3A : vector<2048x1xf32> to vector<2048x1024xf32>
    %mul3A_41 = arith.mulf %mul3A_36, %mul3A_40 : vector<2048x1024xf32>
    %convert_element_type3A = arith.truncf %mul3A_41 : vector<2048x1024xf32> to vector<2048x1024xbf16>
    %get3A_42 = arith.constant 0 : index
    %get3A_43 = arith.constant 0 : index
    %get3A_44 = vector.load %arg2[%get3A_42, %get3A_43] : memref<1024x1024xbf16, #tpu.memory_space<vmem>>, vector<1024x1024xbf16>
    %dot_general3A = arith.constant dense<0.000000e+00> : vector<2048x1024xf32>
    %dot_general3A_45 = tpu.matmul %convert_element_type3A, %get3A_44, %dot_general3A {dimension_numbers = #tpu.dot_dimension_numbers<[1], [0], [0], [1], [0, 0, 1, 1], [], []>, transpose_lhs_hint = false} : vector<2048x1024xbf16>, vector<1024x1024xbf16>, vector<2048x1024xf32> -> vector<2048x1024xf32>
    %swap3A = arith.constant 0 : index
    %swap3A_46 = arith.constant 0 : index
    %swap3A_47 = vector.load %arg5[%swap3A, %swap3A_46] : memref<2048x1024xf32, #tpu.memory_space<vmem>>, vector<2048x1024xf32>
    tpu.vector_store %arg5[%swap3A, %swap3A_46], %dot_general3A_45 {strides = array<i32>} : memref<2048x1024xf32, #tpu.memory_space<vmem>>, vector<2048x1024xf32>,
    %get3A_48 = arith.constant 0 : index
    %get3A_49 = arith.constant 0 : index
    %get3A_50 = vector.load %arg3[%get3A_48, %get3A_49] : memref<1024x256xbf16, #tpu.memory_space<vmem>>, vector<1024x256xbf16>
    %dot_general3A_51 = arith.constant dense<0.000000e+00> : vector<2048x256xf32>
    %dot_general3A_52 = tpu.matmul %convert_element_type3A, %get3A_50, %dot_general3A_51 {dimension_numbers = #tpu.dot_dimension_numbers<[1], [0], [0], [1], [0, 0, 1, 1], [], []>, transpose_lhs_hint = false} : vector<2048x1024xbf16>, vector<1024x256xbf16>, vector<2048x256xf32> -> vector<2048x256xf32>
    %swap3A_53 = arith.constant 0 : index
    %swap3A_54 = arith.constant 0 : index
    %swap3A_55 = vector.load %arg6[%swap3A_53, %swap3A_54] : memref<2048x256xf32, #tpu.memory_space<vmem>>, vector<2048x256xf32>
    tpu.vector_store %arg6[%swap3A_53, %swap3A_54], %dot_general3A_52 {strides = array<i32>} : memref<2048x256xf32, #tpu.memory_space<vmem>>, vector<2048x256xf32>,
    %get3A_56 = arith.constant 0 : index
    %get3A_57 = arith.constant 0 : index
    %get3A_58 = vector.load %arg4[%get3A_56, %get3A_57] : memref<1024x256xbf16, #tpu.memory_space<vmem>>, vector<1024x256xbf16>
    %dot_general3A_59 = arith.constant dense<0.000000e+00> : vector<2048x256xf32>
    %dot_general3A_60 = tpu.matmul %convert_element_type3A, %get3A_58, %dot_general3A_59 {dimension_numbers = #tpu.dot_dimension_numbers<[1], [0], [0], [1], [0, 0, 1, 1], [], []>, transpose_lhs_hint = false} : vector<2048x1024xbf16>, vector<1024x256xbf16>, vector<2048x256xf32> -> vector<2048x256xf32>
    %swap3A_61 = arith.constant 0 : index
    %swap3A_62 = arith.constant 0 : index
    %swap3A_63 = vector.load %arg7[%swap3A_61, %swap3A_62] : memref<2048x256xf32, #tpu.memory_space<vmem>>, vector<2048x256xf32>
    tpu.vector_store %arg7[%swap3A_61, %swap3A_62], %dot_general3A_60 {strides = array<i32>} : memref<2048x256xf32, #tpu.memory_space<vmem>>, vector<2048x256xf32>,
    return
  }
}

module attributes {stable_mosaic.version = 14 : i64} {
  func.func @body(%arg0: i32, %arg1: memref<1x2048x64xf32, #tpu.memory_space<vmem>>, %arg2: memref<1x2048x64xf32, #tpu.memory_space<vmem>>, %arg3: memref<1x2048x64xf32, #tpu.memory_space<vmem>>, %arg4: memref<2048x32xf32, #tpu.memory_space<vmem>>, %arg5: memref<2048x32xf32, #tpu.memory_space<vmem>>, %arg6: memref<1x2048x64xf32, #tpu.memory_space<vmem>>) attributes {dimension_semantics = [#tpu.dimension_semantics<arbitrary>], iteration_bounds = array<i64: 16>, scalar_prefetch = 0 : i64, scratch_operands = 0 : i64, tpu.core_type = #tpu.core_type<tc>, window_params = [{transform_indices = @transform_0, window_bounds = array<i64: 1, 2048, 64>}, {transform_indices = @transform_1, window_bounds = array<i64: 1, 2048, 64>}, {transform_indices = @transform_2, window_bounds = array<i64: 1, 2048, 64>}, {pipeline_mode = #tpu.pipeline_mode<synchronous>, transform_indices = @transform_3, window_bounds = array<i64: 2048, 32>}, {pipeline_mode = #tpu.pipeline_mode<synchronous>, transform_indices = @transform_4, window_bounds = array<i64: 2048, 32>}, {transform_indices = @transform_5, window_bounds = array<i64: 1, 2048, 64>}]} {
    %get3A = arith.constant 0 : index
    %get3A_0 = arith.constant 0 : index
    %get3A_1 = vector.load %arg4[%get3A, %get3A_0] : memref<2048x32xf32, #tpu.memory_space<vmem>>, vector<2048x32xf32>
    %get3A_2 = arith.constant 0 : index
    %get3A_3 = arith.constant 0 : index
    %get3A_4 = vector.load %arg5[%get3A_2, %get3A_3] : memref<2048x32xf32, #tpu.memory_space<vmem>>, vector<2048x32xf32>
    %get3A_5 = arith.constant 0 : index
    %get3A_6 = arith.constant 0 : index
    %get3A_7 = arith.constant 0 : index
    %get3A_8 = vector.load %arg1[%get3A_5, %get3A_6, %get3A_7] : memref<1x2048x64xf32, #tpu.memory_space<vmem>>, vector<1x2048x64xf32>
    %get3A_9 = vector.shape_cast %get3A_8 : vector<1x2048x64xf32> to vector<2048x64xf32>
    %slice3A = vector.extract_strided_slice %get3A_9 {offsets = [0, 0], sizes = [2048, 32], strides = [1, 1]} : vector<2048x64xf32> to vector<2048x32xf32>
    %slice3A_10 = vector.extract_strided_slice %get3A_9 {offsets = [0, 32], sizes = [2048, 32], strides = [1, 1]} : vector<2048x64xf32> to vector<2048x32xf32>
    %mul3A = arith.mulf %slice3A, %get3A_1 : vector<2048x32xf32>
    %mul3A_11 = arith.mulf %slice3A_10, %get3A_4 : vector<2048x32xf32>
    %sub3A = arith.subf %mul3A, %mul3A_11 : vector<2048x32xf32>
    %mul3A_12 = arith.mulf %slice3A, %get3A_4 : vector<2048x32xf32>
    %mul3A_13 = arith.mulf %slice3A_10, %get3A_1 : vector<2048x32xf32>
    %add3A = arith.addf %mul3A_12, %mul3A_13 : vector<2048x32xf32>
    %concatenate3A = tpu.concatenate %sub3A, %add3A in 1 : vector<2048x32xf32>, vector<2048x32xf32> -> vector<2048x64xf32>
    %get3A_14 = arith.constant 0 : index
    %get3A_15 = arith.constant 0 : index
    %get3A_16 = arith.constant 0 : index
    %get3A_17 = vector.load %arg2[%get3A_14, %get3A_15, %get3A_16] : memref<1x2048x64xf32, #tpu.memory_space<vmem>>, vector<1x2048x64xf32>
    %get3A_18 = vector.shape_cast %get3A_17 : vector<1x2048x64xf32> to vector<2048x64xf32>
    %slice3A_19 = vector.extract_strided_slice %get3A_18 {offsets = [0, 0], sizes = [2048, 32], strides = [1, 1]} : vector<2048x64xf32> to vector<2048x32xf32>
    %slice3A_20 = vector.extract_strided_slice %get3A_18 {offsets = [0, 32], sizes = [2048, 32], strides = [1, 1]} : vector<2048x64xf32> to vector<2048x32xf32>
    %mul3A_21 = arith.mulf %slice3A_19, %get3A_1 : vector<2048x32xf32>
    %mul3A_22 = arith.mulf %slice3A_20, %get3A_4 : vector<2048x32xf32>
    %sub3A_23 = arith.subf %mul3A_21, %mul3A_22 : vector<2048x32xf32>
    %mul3A_24 = arith.mulf %slice3A_19, %get3A_4 : vector<2048x32xf32>
    %mul3A_25 = arith.mulf %slice3A_20, %get3A_1 : vector<2048x32xf32>
    %add3A_26 = arith.addf %mul3A_24, %mul3A_25 : vector<2048x32xf32>
    %concatenate3A_27 = tpu.concatenate %sub3A_23, %add3A_26 in 1 : vector<2048x32xf32>, vector<2048x32xf32> -> vector<2048x64xf32>
    %convert_element_type3A = arith.truncf %concatenate3A : vector<2048x64xf32> to vector<2048x64xbf16>
    %convert_element_type3A_28 = arith.truncf %concatenate3A_27 : vector<2048x64xf32> to vector<2048x64xbf16>
    %dot_general3A = arith.constant dense<0.000000e+00> : vector<2048x2048xf32>
    %dot_general3A_29 = tpu.matmul %convert_element_type3A, %convert_element_type3A_28, %dot_general3A {dimension_numbers = #tpu.dot_dimension_numbers<[1], [1], [0], [0], [0, 0, 1, 0], [], []>, transpose_lhs_hint = false} : vector<2048x64xbf16>, vector<2048x64xbf16>, vector<2048x2048xf32> -> vector<2048x2048xf32>
    %div3A = arith.constant 8.000000e+00 : f32
    %div3A_30 = vector.broadcast %div3A : f32 to vector<2048x2048xf32>
    %div3A_31 = arith.divf %dot_general3A_29, %div3A_30 : vector<2048x2048xf32>
    %iota3A = tpu.iota {dimensions = array<i32: 0>} : vector<2048x2048xi32>
    %iota3A_32 = tpu.iota {dimensions = array<i32: 1>} : vector<2048x2048xi32>
    %le3A = arith.cmpi sle, %iota3A_32, %iota3A : vector<2048x2048xi32>
    %jit3A = arith.constant -1.000000e+09 : f32
    %broadcast_in_dim3A = vector.broadcast %jit3A : f32 to vector<2048x2048xf32>
    %select_n3A = arith.select %le3A, %div3A_31, %broadcast_in_dim3A : vector<2048x2048xi1>, vector<2048x2048xf32>
    %reduce_max3A = arith.constant dense<0xFF800000> : vector<2048xf32>
    %reduce_max3A_33 = vector.multi_reduction <maximumf>, %select_n3A, %reduce_max3A [1] : vector<2048x2048xf32> to vector<2048xf32>
    %broadcast_in_dim3A_34 = vector.shape_cast %reduce_max3A_33 : vector<2048xf32> to vector<2048x1xf32>
    %sub3A_35 = vector.broadcast %broadcast_in_dim3A_34 : vector<2048x1xf32> to vector<2048x2048xf32>
    %sub3A_36 = arith.subf %select_n3A, %sub3A_35 : vector<2048x2048xf32>
    %exp3A = math.exp %sub3A_36 : vector<2048x2048xf32>
    %slice3A_37 = vector.extract_strided_slice %exp3A {offsets = [0, 0], sizes = [2048, 1024], strides = [1, 1]} : vector<2048x2048xf32> to vector<2048x1024xf32>
    %slice3A_38 = vector.extract_strided_slice %exp3A {offsets = [0, 1024], sizes = [2048, 1024], strides = [1, 1]} : vector<2048x2048xf32> to vector<2048x1024xf32>
    %add3A_39 = arith.addf %slice3A_37, %slice3A_38 : vector<2048x1024xf32>
    %slice3A_40 = vector.extract_strided_slice %add3A_39 {offsets = [0, 0], sizes = [2048, 512], strides = [1, 1]} : vector<2048x1024xf32> to vector<2048x512xf32>
    %slice3A_41 = vector.extract_strided_slice %add3A_39 {offsets = [0, 512], sizes = [2048, 512], strides = [1, 1]} : vector<2048x1024xf32> to vector<2048x512xf32>
    %add3A_42 = arith.addf %slice3A_40, %slice3A_41 : vector<2048x512xf32>
    %slice3A_43 = vector.extract_strided_slice %add3A_42 {offsets = [0, 0], sizes = [2048, 256], strides = [1, 1]} : vector<2048x512xf32> to vector<2048x256xf32>
    %slice3A_44 = vector.extract_strided_slice %add3A_42 {offsets = [0, 256], sizes = [2048, 256], strides = [1, 1]} : vector<2048x512xf32> to vector<2048x256xf32>
    %add3A_45 = arith.addf %slice3A_43, %slice3A_44 : vector<2048x256xf32>
    %slice3A_46 = vector.extract_strided_slice %add3A_45 {offsets = [0, 0], sizes = [2048, 128], strides = [1, 1]} : vector<2048x256xf32> to vector<2048x128xf32>
    %slice3A_47 = vector.extract_strided_slice %add3A_45 {offsets = [0, 128], sizes = [2048, 128], strides = [1, 1]} : vector<2048x256xf32> to vector<2048x128xf32>
    %add3A_48 = arith.addf %slice3A_46, %slice3A_47 : vector<2048x128xf32>
    %slice3A_49 = vector.extract_strided_slice %add3A_48 {offsets = [0, 0], sizes = [2048, 64], strides = [1, 1]} : vector<2048x128xf32> to vector<2048x64xf32>
    %slice3A_50 = vector.extract_strided_slice %add3A_48 {offsets = [0, 64], sizes = [2048, 64], strides = [1, 1]} : vector<2048x128xf32> to vector<2048x64xf32>
    %add3A_51 = arith.addf %slice3A_49, %slice3A_50 : vector<2048x64xf32>
    %slice3A_52 = vector.extract_strided_slice %add3A_51 {offsets = [0, 0], sizes = [2048, 32], strides = [1, 1]} : vector<2048x64xf32> to vector<2048x32xf32>
    %slice3A_53 = vector.extract_strided_slice %add3A_51 {offsets = [0, 32], sizes = [2048, 32], strides = [1, 1]} : vector<2048x64xf32> to vector<2048x32xf32>
    %add3A_54 = arith.addf %slice3A_52, %slice3A_53 : vector<2048x32xf32>
    %slice3A_55 = vector.extract_strided_slice %add3A_54 {offsets = [0, 0], sizes = [2048, 16], strides = [1, 1]} : vector<2048x32xf32> to vector<2048x16xf32>
    %slice3A_56 = vector.extract_strided_slice %add3A_54 {offsets = [0, 16], sizes = [2048, 16], strides = [1, 1]} : vector<2048x32xf32> to vector<2048x16xf32>
    %add3A_57 = arith.addf %slice3A_55, %slice3A_56 : vector<2048x16xf32>
    %slice3A_58 = vector.extract_strided_slice %add3A_57 {offsets = [0, 0], sizes = [2048, 8], strides = [1, 1]} : vector<2048x16xf32> to vector<2048x8xf32>
    %slice3A_59 = vector.extract_strided_slice %add3A_57 {offsets = [0, 8], sizes = [2048, 8], strides = [1, 1]} : vector<2048x16xf32> to vector<2048x8xf32>
    %add3A_60 = arith.addf %slice3A_58, %slice3A_59 : vector<2048x8xf32>
    %slice3A_61 = vector.extract_strided_slice %add3A_60 {offsets = [0, 0], sizes = [2048, 4], strides = [1, 1]} : vector<2048x8xf32> to vector<2048x4xf32>
    %slice3A_62 = vector.extract_strided_slice %add3A_60 {offsets = [0, 4], sizes = [2048, 4], strides = [1, 1]} : vector<2048x8xf32> to vector<2048x4xf32>
    %add3A_63 = arith.addf %slice3A_61, %slice3A_62 : vector<2048x4xf32>
    %slice3A_64 = vector.extract_strided_slice %add3A_63 {offsets = [0, 0], sizes = [2048, 2], strides = [1, 1]} : vector<2048x4xf32> to vector<2048x2xf32>
    %slice3A_65 = vector.extract_strided_slice %add3A_63 {offsets = [0, 2], sizes = [2048, 2], strides = [1, 1]} : vector<2048x4xf32> to vector<2048x2xf32>
    %add3A_66 = arith.addf %slice3A_64, %slice3A_65 : vector<2048x2xf32>
    %slice3A_67 = vector.extract_strided_slice %add3A_66 {offsets = [0, 0], sizes = [2048, 1], strides = [1, 1]} : vector<2048x2xf32> to vector<2048x1xf32>
    %slice3A_68 = vector.extract_strided_slice %add3A_66 {offsets = [0, 1], sizes = [2048, 1], strides = [1, 1]} : vector<2048x2xf32> to vector<2048x1xf32>
    %add3A_69 = arith.addf %slice3A_67, %slice3A_68 : vector<2048x1xf32>
    %div3A_70 = vector.broadcast %add3A_69 : vector<2048x1xf32> to vector<2048x2048xf32>
    %div3A_71 = arith.divf %exp3A, %div3A_70 : vector<2048x2048xf32>
    %convert_element_type3A_72 = arith.truncf %div3A_71 : vector<2048x2048xf32> to vector<2048x2048xbf16>
    %get3A_73 = arith.constant 0 : index
    %get3A_74 = arith.constant 0 : index
    %get3A_75 = arith.constant 0 : index
    %get3A_76 = vector.load %arg3[%get3A_73, %get3A_74, %get3A_75] : memref<1x2048x64xf32, #tpu.memory_space<vmem>>, vector<1x2048x64xf32>
    %get3A_77 = vector.shape_cast %get3A_76 : vector<1x2048x64xf32> to vector<2048x64xf32>
    %convert_element_type3A_78 = arith.truncf %get3A_77 : vector<2048x64xf32> to vector<2048x64xbf16>
    %dot_general3A_79 = arith.constant dense<0.000000e+00> : vector<2048x64xf32>
    %dot_general3A_80 = tpu.matmul %convert_element_type3A_72, %convert_element_type3A_78, %dot_general3A_79 {dimension_numbers = #tpu.dot_dimension_numbers<[1], [0], [0], [1], [0, 0, 1, 1], [], []>, transpose_lhs_hint = false} : vector<2048x2048xbf16>, vector<2048x64xbf16>, vector<2048x64xf32> -> vector<2048x64xf32>
    %swap3A = arith.constant 0 : index
    %swap3A_81 = arith.constant 0 : index
    %swap3A_82 = arith.constant 0 : index
    %swap3A_83 = vector.load %arg6[%swap3A, %swap3A_81, %swap3A_82] : memref<1x2048x64xf32, #tpu.memory_space<vmem>>, vector<1x2048x64xf32>
    %swap3A_84 = vector.shape_cast %swap3A_83 : vector<1x2048x64xf32> to vector<2048x64xf32>
    %swap3A_85 = vector.shape_cast %dot_general3A_80 : vector<2048x64xf32> to vector<1x2048x64xf32>
    tpu.vector_store %arg6[%swap3A, %swap3A_81, %swap3A_82], %swap3A_85 {strides = array<i32>} : memref<1x2048x64xf32, #tpu.memory_space<vmem>>, vector<1x2048x64xf32>,
    return
  }
  func.func @transform_0(%arg0: i32) -> (i32, i32, i32) {
    %c0_i32 = arith.constant 0 : i32
    %c0_i32_0 = arith.constant 0 : i32
    %c0_i32_1 = arith.constant 0 : i32
    return %arg0, %c0_i32, %c0_i32_0 : i32, i32, i32
  }
  func.func @transform_1(%arg0: i32) -> (i32, i32, i32) {
    %jit3A = arith.constant 4 : i32
    %div3A = arith.divsi %arg0, %jit3A : i32
    %sign3A = arith.constant 0 : i32
    %sign3A_0 = arith.cmpi sgt, %arg0, %sign3A : i32
    %sign3A_1 = arith.extui %sign3A_0 : i1 to i32
    %sign3A_2 = arith.constant 0 : i32
    %sign3A_3 = arith.cmpi slt, %arg0, %sign3A_2 : i32
    %sign3A_4 = arith.extui %sign3A_3 : i1 to i32
    %sign3A_5 = arith.subi %sign3A_1, %sign3A_4 : i32
    %sign3A_6 = arith.constant 0 : i32
    %sign3A_7 = arith.cmpi sgt, %jit3A, %sign3A_6 : i32
    %sign3A_8 = arith.extui %sign3A_7 : i1 to i32
    %sign3A_9 = arith.constant 0 : i32
    %sign3A_10 = arith.cmpi slt, %jit3A, %sign3A_9 : i32
    %sign3A_11 = arith.extui %sign3A_10 : i1 to i32
    %sign3A_12 = arith.subi %sign3A_8, %sign3A_11 : i32
    %ne3A = arith.cmpi ne, %sign3A_5, %sign3A_12 : i32
    %rem3A = arith.remsi %arg0, %jit3A : i32
    %ne3A_13 = arith.constant 0 : i32
    %ne3A_14 = arith.cmpi ne, %rem3A, %ne3A_13 : i32
    %and3A = arith.andi %ne3A, %ne3A_14 : i1
    %sub3A = arith.constant 1 : i32
    %sub3A_15 = arith.subi %div3A, %sub3A : i32
    %select_n3A = arith.select %and3A, %sub3A_15, %div3A : i32
    %c0_i32 = arith.constant 0 : i32
    %c0_i32_16 = arith.constant 0 : i32
    %c0_i32_17 = arith.constant 0 : i32
    return %select_n3A, %c0_i32, %c0_i32_16 : i32, i32, i32
  }
  func.func @transform_2(%arg0: i32) -> (i32, i32, i32) {
    %jit3A = arith.constant 4 : i32
    %div3A = arith.divsi %arg0, %jit3A : i32
    %sign3A = arith.constant 0 : i32
    %sign3A_0 = arith.cmpi sgt, %arg0, %sign3A : i32
    %sign3A_1 = arith.extui %sign3A_0 : i1 to i32
    %sign3A_2 = arith.constant 0 : i32
    %sign3A_3 = arith.cmpi slt, %arg0, %sign3A_2 : i32
    %sign3A_4 = arith.extui %sign3A_3 : i1 to i32
    %sign3A_5 = arith.subi %sign3A_1, %sign3A_4 : i32
    %sign3A_6 = arith.constant 0 : i32
    %sign3A_7 = arith.cmpi sgt, %jit3A, %sign3A_6 : i32
    %sign3A_8 = arith.extui %sign3A_7 : i1 to i32
    %sign3A_9 = arith.constant 0 : i32
    %sign3A_10 = arith.cmpi slt, %jit3A, %sign3A_9 : i32
    %sign3A_11 = arith.extui %sign3A_10 : i1 to i32
    %sign3A_12 = arith.subi %sign3A_8, %sign3A_11 : i32
    %ne3A = arith.cmpi ne, %sign3A_5, %sign3A_12 : i32
    %rem3A = arith.remsi %arg0, %jit3A : i32
    %ne3A_13 = arith.constant 0 : i32
    %ne3A_14 = arith.cmpi ne, %rem3A, %ne3A_13 : i32
    %and3A = arith.andi %ne3A, %ne3A_14 : i1
    %sub3A = arith.constant 1 : i32
    %sub3A_15 = arith.subi %div3A, %sub3A : i32
    %select_n3A = arith.select %and3A, %sub3A_15, %div3A : i32
    %c0_i32 = arith.constant 0 : i32
    %c0_i32_16 = arith.constant 0 : i32
    %c0_i32_17 = arith.constant 0 : i32
    return %select_n3A, %c0_i32, %c0_i32_16 : i32, i32, i32
  }
  func.func @transform_3(%arg0: i32) -> (i32, i32) {
    %c0_i32 = arith.constant 0 : i32
    %c0_i32_0 = arith.constant 0 : i32
    %c0_i32_1 = arith.constant 0 : i32
    return %c0_i32, %c0_i32_0 : i32, i32
  }
  func.func @transform_4(%arg0: i32) -> (i32, i32) {
    %c0_i32 = arith.constant 0 : i32
    %c0_i32_0 = arith.constant 0 : i32
    %c0_i32_1 = arith.constant 0 : i32
    return %c0_i32, %c0_i32_0 : i32, i32
  }
  func.func @transform_5(%arg0: i32) -> (i32, i32, i32) {
    %c0_i32 = arith.constant 0 : i32
    %c0_i32_0 = arith.constant 0 : i32
    %c0_i32_1 = arith.constant 0 : i32
    return %arg0, %c0_i32, %c0_i32_0 : i32, i32, i32
  }
}

module attributes {stable_mosaic.version = 14 : i64} {
  func.func @body(%arg0: memref<2048x1024xbf16, #tpu.memory_space<vmem>>, %arg1: memref<1024x1024xbf16, #tpu.memory_space<vmem>>, %arg2: memref<2048x1024xf32, #tpu.memory_space<vmem>>, %arg3: memref<1x1024xf32, #tpu.memory_space<vmem>>, %arg4: memref<2048x1024xf32, #tpu.memory_space<vmem>>, %arg5: memref<2048x1024xf32, #tpu.memory_space<vmem>>) attributes {dimension_semantics = [], scalar_prefetch = 0 : i64, scratch_operands = 0 : i64, tpu.core_type = #tpu.core_type<tc>} {
    %get3A = arith.constant 0 : index
    %get3A_0 = arith.constant 0 : index
    %get3A_1 = vector.load %arg2[%get3A, %get3A_0] : memref<2048x1024xf32, #tpu.memory_space<vmem>>, vector<2048x1024xf32>
    %get3A_2 = arith.constant 0 : index
    %get3A_3 = arith.constant 0 : index
    %get3A_4 = vector.load %arg0[%get3A_2, %get3A_3] : memref<2048x1024xbf16, #tpu.memory_space<vmem>>, vector<2048x1024xbf16>
    %get3A_5 = arith.constant 0 : index
    %get3A_6 = arith.constant 0 : index
    %get3A_7 = vector.load %arg1[%get3A_5, %get3A_6] : memref<1024x1024xbf16, #tpu.memory_space<vmem>>, vector<1024x1024xbf16>
    %dot_general3A = arith.constant dense<0.000000e+00> : vector<2048x1024xf32>
    %dot_general3A_8 = tpu.matmul %get3A_4, %get3A_7, %dot_general3A {dimension_numbers = #tpu.dot_dimension_numbers<[1], [0], [0], [1], [0, 0, 1, 1], [], []>, transpose_lhs_hint = false} : vector<2048x1024xbf16>, vector<1024x1024xbf16>, vector<2048x1024xf32> -> vector<2048x1024xf32>
    %add3A = arith.addf %get3A_1, %dot_general3A_8 : vector<2048x1024xf32>
    %swap3A = arith.constant 0 : index
    %swap3A_9 = arith.constant 0 : index
    %swap3A_10 = vector.load %arg4[%swap3A, %swap3A_9] : memref<2048x1024xf32, #tpu.memory_space<vmem>>, vector<2048x1024xf32>
    tpu.vector_store %arg4[%swap3A, %swap3A_9], %add3A {strides = array<i32>} : memref<2048x1024xf32, #tpu.memory_space<vmem>>, vector<2048x1024xf32>,
    %get3A_11 = arith.constant 0 : index
    %get3A_12 = arith.constant 0 : index
    %get3A_13 = vector.load %arg3[%get3A_11, %get3A_12] : memref<1x1024xf32, #tpu.memory_space<vmem>>, vector<1x1024xf32>
    %mul3A = arith.mulf %add3A, %add3A : vector<2048x1024xf32>
    %slice3A = vector.extract_strided_slice %mul3A {offsets = [0, 0], sizes = [2048, 512], strides = [1, 1]} : vector<2048x1024xf32> to vector<2048x512xf32>
    %slice3A_14 = vector.extract_strided_slice %mul3A {offsets = [0, 512], sizes = [2048, 512], strides = [1, 1]} : vector<2048x1024xf32> to vector<2048x512xf32>
    %add3A_15 = arith.addf %slice3A, %slice3A_14 : vector<2048x512xf32>
    %slice3A_16 = vector.extract_strided_slice %add3A_15 {offsets = [0, 0], sizes = [2048, 256], strides = [1, 1]} : vector<2048x512xf32> to vector<2048x256xf32>
    %slice3A_17 = vector.extract_strided_slice %add3A_15 {offsets = [0, 256], sizes = [2048, 256], strides = [1, 1]} : vector<2048x512xf32> to vector<2048x256xf32>
    %add3A_18 = arith.addf %slice3A_16, %slice3A_17 : vector<2048x256xf32>
    %slice3A_19 = vector.extract_strided_slice %add3A_18 {offsets = [0, 0], sizes = [2048, 128], strides = [1, 1]} : vector<2048x256xf32> to vector<2048x128xf32>
    %slice3A_20 = vector.extract_strided_slice %add3A_18 {offsets = [0, 128], sizes = [2048, 128], strides = [1, 1]} : vector<2048x256xf32> to vector<2048x128xf32>
    %add3A_21 = arith.addf %slice3A_19, %slice3A_20 : vector<2048x128xf32>
    %slice3A_22 = vector.extract_strided_slice %add3A_21 {offsets = [0, 0], sizes = [2048, 64], strides = [1, 1]} : vector<2048x128xf32> to vector<2048x64xf32>
    %slice3A_23 = vector.extract_strided_slice %add3A_21 {offsets = [0, 64], sizes = [2048, 64], strides = [1, 1]} : vector<2048x128xf32> to vector<2048x64xf32>
    %add3A_24 = arith.addf %slice3A_22, %slice3A_23 : vector<2048x64xf32>
    %slice3A_25 = vector.extract_strided_slice %add3A_24 {offsets = [0, 0], sizes = [2048, 32], strides = [1, 1]} : vector<2048x64xf32> to vector<2048x32xf32>
    %slice3A_26 = vector.extract_strided_slice %add3A_24 {offsets = [0, 32], sizes = [2048, 32], strides = [1, 1]} : vector<2048x64xf32> to vector<2048x32xf32>
    %add3A_27 = arith.addf %slice3A_25, %slice3A_26 : vector<2048x32xf32>
    %slice3A_28 = vector.extract_strided_slice %add3A_27 {offsets = [0, 0], sizes = [2048, 16], strides = [1, 1]} : vector<2048x32xf32> to vector<2048x16xf32>
    %slice3A_29 = vector.extract_strided_slice %add3A_27 {offsets = [0, 16], sizes = [2048, 16], strides = [1, 1]} : vector<2048x32xf32> to vector<2048x16xf32>
    %add3A_30 = arith.addf %slice3A_28, %slice3A_29 : vector<2048x16xf32>
    %slice3A_31 = vector.extract_strided_slice %add3A_30 {offsets = [0, 0], sizes = [2048, 8], strides = [1, 1]} : vector<2048x16xf32> to vector<2048x8xf32>
    %slice3A_32 = vector.extract_strided_slice %add3A_30 {offsets = [0, 8], sizes = [2048, 8], strides = [1, 1]} : vector<2048x16xf32> to vector<2048x8xf32>
    %add3A_33 = arith.addf %slice3A_31, %slice3A_32 : vector<2048x8xf32>
    %slice3A_34 = vector.extract_strided_slice %add3A_33 {offsets = [0, 0], sizes = [2048, 4], strides = [1, 1]} : vector<2048x8xf32> to vector<2048x4xf32>
    %slice3A_35 = vector.extract_strided_slice %add3A_33 {offsets = [0, 4], sizes = [2048, 4], strides = [1, 1]} : vector<2048x8xf32> to vector<2048x4xf32>
    %add3A_36 = arith.addf %slice3A_34, %slice3A_35 : vector<2048x4xf32>
    %slice3A_37 = vector.extract_strided_slice %add3A_36 {offsets = [0, 0], sizes = [2048, 2], strides = [1, 1]} : vector<2048x4xf32> to vector<2048x2xf32>
    %slice3A_38 = vector.extract_strided_slice %add3A_36 {offsets = [0, 2], sizes = [2048, 2], strides = [1, 1]} : vector<2048x4xf32> to vector<2048x2xf32>
    %add3A_39 = arith.addf %slice3A_37, %slice3A_38 : vector<2048x2xf32>
    %slice3A_40 = vector.extract_strided_slice %add3A_39 {offsets = [0, 0], sizes = [2048, 1], strides = [1, 1]} : vector<2048x2xf32> to vector<2048x1xf32>
    %slice3A_41 = vector.extract_strided_slice %add3A_39 {offsets = [0, 1], sizes = [2048, 1], strides = [1, 1]} : vector<2048x2xf32> to vector<2048x1xf32>
    %add3A_42 = arith.addf %slice3A_40, %slice3A_41 : vector<2048x1xf32>
    %div3A = arith.constant 1.024000e+03 : f32
    %div3A_43 = vector.broadcast %div3A : f32 to vector<2048x1xf32>
    %div3A_44 = arith.divf %add3A_42, %div3A_43 : vector<2048x1xf32>
    %mul3A_45 = vector.broadcast %get3A_13 : vector<1x1024xf32> to vector<2048x1024xf32>
    %mul3A_46 = arith.mulf %add3A, %mul3A_45 : vector<2048x1024xf32>
    %add3A_47 = arith.constant 9.99999997E-7 : f32
    %add3A_48 = vector.broadcast %add3A_47 : f32 to vector<2048x1xf32>
    %add3A_49 = arith.addf %div3A_44, %add3A_48 : vector<2048x1xf32>
    %rsqrt3A = math.rsqrt %add3A_49 : vector<2048x1xf32>
    %mul3A_50 = vector.broadcast %rsqrt3A : vector<2048x1xf32> to vector<2048x1024xf32>
    %mul3A_51 = arith.mulf %mul3A_46, %mul3A_50 : vector<2048x1024xf32>
    %swap3A_52 = arith.constant 0 : index
    %swap3A_53 = arith.constant 0 : index
    %swap3A_54 = vector.load %arg5[%swap3A_52, %swap3A_53] : memref<2048x1024xf32, #tpu.memory_space<vmem>>, vector<2048x1024xf32>
    tpu.vector_store %arg5[%swap3A_52, %swap3A_53], %mul3A_51 {strides = array<i32>} : memref<2048x1024xf32, #tpu.memory_space<vmem>>, vector<2048x1024xf32>,
    return
  }
}

module attributes {stable_mosaic.version = 14 : i64} {
  func.func @body(%arg0: memref<2048x1024xbf16, #tpu.memory_space<vmem>>, %arg1: memref<1024x128xbf16, #tpu.memory_space<vmem>>, %arg2: memref<2048x128xf32, #tpu.memory_space<vmem>>, %arg3: memref<2048x128xf32, #tpu.memory_space<vmem>>, %arg4: memref<2048x128xf32, #tpu.memory_space<vmem>>, %arg5: memref<2048x128xf32, #tpu.memory_space<vmem>>, %arg6: memref<2048x128xf32, #tpu.memory_space<vmem>>, %arg7: memref<2048x128xf32, #tpu.memory_space<vmem>>, %arg8: memref<32x128xf32, #tpu.memory_space<vmem>>) attributes {dimension_semantics = [], scalar_prefetch = 0 : i64, scratch_operands = 0 : i64, tpu.core_type = #tpu.core_type<tc>} {
    %get3A = arith.constant 0 : index
    %get3A_0 = arith.constant 0 : index
    %get3A_1 = vector.load %arg0[%get3A, %get3A_0] : memref<2048x1024xbf16, #tpu.memory_space<vmem>>, vector<2048x1024xbf16>
    %get3A_2 = arith.constant 0 : index
    %get3A_3 = arith.constant 0 : index
    %get3A_4 = vector.load %arg1[%get3A_2, %get3A_3] : memref<1024x128xbf16, #tpu.memory_space<vmem>>, vector<1024x128xbf16>
    %dot_general3A = arith.constant dense<0.000000e+00> : vector<2048x128xf32>
    %dot_general3A_5 = tpu.matmul %get3A_1, %get3A_4, %dot_general3A {dimension_numbers = #tpu.dot_dimension_numbers<[1], [0], [0], [1], [0, 0, 1, 1], [], []>, transpose_lhs_hint = false} : vector<2048x1024xbf16>, vector<1024x128xbf16>, vector<2048x128xf32> -> vector<2048x128xf32>
    %iota3A = tpu.iota {dimensions = array<i32: 1>} : vector<2048x128xi32>
    %convert_element_type3A = arith.sitofp %iota3A : vector<2048x128xi32> to vector<2048x128xf32>
    %lt3A = arith.constant 8.000000e+00 : f32
    %lt3A_6 = vector.broadcast %lt3A : f32 to vector<2048x128xf32>
    %lt3A_7 = arith.cmpf olt, %convert_element_type3A, %lt3A_6 : vector<2048x128xf32>
    %jit3A = arith.constant -1.000000e+30 : f32
    %broadcast_in_dim3A = vector.broadcast %jit3A : f32 to vector<2048x128xf32>
    %select_n3A = arith.select %lt3A_7, %dot_general3A_5, %broadcast_in_dim3A : vector<2048x128xi1>, vector<2048x128xf32>
    %reduce_max3A = arith.constant dense<0xFF800000> : vector<2048xf32>
    %reduce_max3A_8 = vector.multi_reduction <maximumf>, %select_n3A, %reduce_max3A [1] : vector<2048x128xf32> to vector<2048xf32>
    %broadcast_in_dim3A_9 = vector.shape_cast %reduce_max3A_8 : vector<2048xf32> to vector<2048x1xf32>
    %sub3A = vector.broadcast %broadcast_in_dim3A_9 : vector<2048x1xf32> to vector<2048x128xf32>
    %sub3A_10 = arith.subf %select_n3A, %sub3A : vector<2048x128xf32>
    %exp3A = math.exp %sub3A_10 : vector<2048x128xf32>
    %reduce_sum3A = arith.constant dense<0.000000e+00> : vector<2048xf32>
    %reduce_sum3A_11 = vector.multi_reduction <add>, %exp3A, %reduce_sum3A [1] : vector<2048x128xf32> to vector<2048xf32>
    %broadcast_in_dim3A_12 = vector.shape_cast %reduce_sum3A_11 : vector<2048xf32> to vector<2048x1xf32>
    %div3A = vector.broadcast %broadcast_in_dim3A_12 : vector<2048x1xf32> to vector<2048x128xf32>
    %div3A_13 = arith.divf %exp3A, %div3A : vector<2048x128xf32>
    %reduce_max3A_14 = arith.constant dense<0xFF800000> : vector<2048xf32>
    %reduce_max3A_15 = vector.multi_reduction <maximumf>, %div3A_13, %reduce_max3A_14 [1] : vector<2048x128xf32> to vector<2048xf32>
    %broadcast_in_dim3A_16 = vector.shape_cast %reduce_max3A_15 : vector<2048xf32> to vector<2048x1xf32>
    %eq3A = vector.broadcast %broadcast_in_dim3A_16 : vector<2048x1xf32> to vector<2048x128xf32>
    %eq3A_17 = arith.cmpf oeq, %div3A_13, %eq3A : vector<2048x128xf32>
    %jit3A_18 = arith.constant 1.000000e+09 : f32
    %broadcast_in_dim3A_19 = vector.broadcast %jit3A_18 : f32 to vector<2048x128xf32>
    %select_n3A_20 = arith.select %eq3A_17, %convert_element_type3A, %broadcast_in_dim3A_19 : vector<2048x128xi1>, vector<2048x128xf32>
    %reduce_min3A = arith.constant dense<0x7F800000> : vector<2048xf32>
    %reduce_min3A_21 = vector.multi_reduction <minimumf>, %select_n3A_20, %reduce_min3A [1] : vector<2048x128xf32> to vector<2048xf32>
    %broadcast_in_dim3A_22 = vector.shape_cast %reduce_min3A_21 : vector<2048xf32> to vector<2048x1xf32>
    %eq3A_23 = vector.broadcast %broadcast_in_dim3A_22 : vector<2048x1xf32> to vector<2048x128xf32>
    %eq3A_24 = arith.cmpf oeq, %convert_element_type3A, %eq3A_23 : vector<2048x128xf32>
    %convert_element_type3A_25 = arith.extui %eq3A_24 : vector<2048x128xi1> to vector<2048x128xi32>
    %convert_element_type3A_26 = arith.sitofp %convert_element_type3A_25 : vector<2048x128xi32> to vector<2048x128xf32>
    %eq3A_27 = vector.broadcast %broadcast_in_dim3A_22 : vector<2048x1xf32> to vector<2048x128xf32>
    %eq3A_28 = arith.cmpf oeq, %convert_element_type3A, %eq3A_27 : vector<2048x128xf32>
    %ge3A = arith.constant 8.000000e+00 : f32
    %ge3A_29 = vector.broadcast %ge3A : f32 to vector<2048x128xf32>
    %ge3A_30 = arith.cmpf oge, %convert_element_type3A, %ge3A_29 : vector<2048x128xf32>
    %or3A = arith.ori %eq3A_28, %ge3A_30 : vector<2048x128xi1>
    %jit3A_31 = arith.constant -2.000000e+00 : f32
    %broadcast_in_dim3A_32 = vector.broadcast %jit3A_31 : f32 to vector<2048x128xf32>
    %select_n3A_33 = arith.select %or3A, %broadcast_in_dim3A_32, %div3A_13 : vector<2048x128xi1>, vector<2048x128xf32>
    %reduce_max3A_34 = arith.constant dense<0xFF800000> : vector<2048xf32>
    %reduce_max3A_35 = vector.multi_reduction <maximumf>, %select_n3A_33, %reduce_max3A_34 [1] : vector<2048x128xf32> to vector<2048xf32>
    %broadcast_in_dim3A_36 = vector.shape_cast %reduce_max3A_35 : vector<2048xf32> to vector<2048x1xf32>
    %eq3A_37 = vector.broadcast %broadcast_in_dim3A_36 : vector<2048x1xf32> to vector<2048x128xf32>
    %eq3A_38 = arith.cmpf oeq, %select_n3A_33, %eq3A_37 : vector<2048x128xf32>
    %jit3A_39 = arith.constant 1.000000e+09 : f32
    %broadcast_in_dim3A_40 = vector.broadcast %jit3A_39 : f32 to vector<2048x128xf32>
    %select_n3A_41 = arith.select %eq3A_38, %convert_element_type3A, %broadcast_in_dim3A_40 : vector<2048x128xi1>, vector<2048x128xf32>
    %reduce_min3A_42 = arith.constant dense<0x7F800000> : vector<2048xf32>
    %reduce_min3A_43 = vector.multi_reduction <minimumf>, %select_n3A_41, %reduce_min3A_42 [1] : vector<2048x128xf32> to vector<2048xf32>
    %broadcast_in_dim3A_44 = vector.shape_cast %reduce_min3A_43 : vector<2048xf32> to vector<2048x1xf32>
    %eq3A_45 = vector.broadcast %broadcast_in_dim3A_44 : vector<2048x1xf32> to vector<2048x128xf32>
    %eq3A_46 = arith.cmpf oeq, %convert_element_type3A, %eq3A_45 : vector<2048x128xf32>
    %convert_element_type3A_47 = arith.extui %eq3A_46 : vector<2048x128xi1> to vector<2048x128xi32>
    %convert_element_type3A_48 = arith.sitofp %convert_element_type3A_47 : vector<2048x128xi32> to vector<2048x128xf32>
    %add3A = arith.addf %broadcast_in_dim3A_16, %broadcast_in_dim3A_36 : vector<2048x1xf32>
    %div3A_49 = arith.divf %broadcast_in_dim3A_16, %add3A : vector<2048x1xf32>
    %div3A_50 = arith.divf %broadcast_in_dim3A_36, %add3A : vector<2048x1xf32>
    %iota3A_51 = tpu.iota {dimensions = array<i32: 0>} : vector<256x256xi32>
    %iota3A_52 = tpu.iota {dimensions = array<i32: 1>} : vector<256x256xi32>
    %lt3A_53 = arith.cmpi slt, %iota3A_52, %iota3A_51 : vector<256x256xi32>
    %convert_element_type3A_54 = arith.extui %lt3A_53 : vector<256x256xi1> to vector<256x256xi32>
    %convert_element_type3A_55 = arith.sitofp %convert_element_type3A_54 : vector<256x256xi32> to vector<256x256xf32>
    %broadcast_in_dim3A_56 = arith.constant 0.000000e+00 : f32
    %broadcast_in_dim3A_57 = vector.broadcast %broadcast_in_dim3A_56 : f32 to vector<1x128xf32>
    %slice3A = vector.extract_strided_slice %convert_element_type3A_26 {offsets = [0, 0], sizes = [256, 128], strides = [1, 1]} : vector<2048x128xf32> to vector<256x128xf32>
    %dot_general3A_58 = arith.constant dense<0.000000e+00> : vector<256x128xf32>
    %dot_general3A_59 = tpu.matmul %convert_element_type3A_55, %slice3A, %dot_general3A_58 {dimension_numbers = #tpu.dot_dimension_numbers<[1], [0], [0], [1], [0, 0, 1, 1], [], []>, transpose_lhs_hint = false} : vector<256x256xf32>, vector<256x128xf32>, vector<256x128xf32> -> vector<256x128xf32>
    %add3A_60 = vector.broadcast %broadcast_in_dim3A_57 : vector<1x128xf32> to vector<256x128xf32>
    %add3A_61 = arith.addf %dot_general3A_59, %add3A_60 : vector<256x128xf32>
    %reduce_sum3A_62 = arith.constant dense<0.000000e+00> : vector<128xf32>
    %reduce_sum3A_63 = vector.multi_reduction <add>, %slice3A, %reduce_sum3A_62 [0] : vector<256x128xf32> to vector<128xf32>
    %broadcast_in_dim3A_64 = vector.shape_cast %reduce_sum3A_63 : vector<128xf32> to vector<1x128xf32>
    %add3A_65 = arith.addf %broadcast_in_dim3A_57, %broadcast_in_dim3A_64 : vector<1x128xf32>
    %slice3A_66 = vector.extract_strided_slice %convert_element_type3A_26 {offsets = [256, 0], sizes = [256, 128], strides = [1, 1]} : vector<2048x128xf32> to vector<256x128xf32>
    %dot_general3A_67 = arith.constant dense<0.000000e+00> : vector<256x128xf32>
    %dot_general3A_68 = tpu.matmul %convert_element_type3A_55, %slice3A_66, %dot_general3A_67 {dimension_numbers = #tpu.dot_dimension_numbers<[1], [0], [0], [1], [0, 0, 1, 1], [], []>, transpose_lhs_hint = false} : vector<256x256xf32>, vector<256x128xf32>, vector<256x128xf32> -> vector<256x128xf32>
    %add3A_69 = vector.broadcast %add3A_65 : vector<1x128xf32> to vector<256x128xf32>
    %add3A_70 = arith.addf %dot_general3A_68, %add3A_69 : vector<256x128xf32>
    %reduce_sum3A_71 = arith.constant dense<0.000000e+00> : vector<128xf32>
    %reduce_sum3A_72 = vector.multi_reduction <add>, %slice3A_66, %reduce_sum3A_71 [0] : vector<256x128xf32> to vector<128xf32>
    %broadcast_in_dim3A_73 = vector.shape_cast %reduce_sum3A_72 : vector<128xf32> to vector<1x128xf32>
    %add3A_74 = arith.addf %add3A_65, %broadcast_in_dim3A_73 : vector<1x128xf32>
    %slice3A_75 = vector.extract_strided_slice %convert_element_type3A_26 {offsets = [512, 0], sizes = [256, 128], strides = [1, 1]} : vector<2048x128xf32> to vector<256x128xf32>
    %dot_general3A_76 = arith.constant dense<0.000000e+00> : vector<256x128xf32>
    %dot_general3A_77 = tpu.matmul %convert_element_type3A_55, %slice3A_75, %dot_general3A_76 {dimension_numbers = #tpu.dot_dimension_numbers<[1], [0], [0], [1], [0, 0, 1, 1], [], []>, transpose_lhs_hint = false} : vector<256x256xf32>, vector<256x128xf32>, vector<256x128xf32> -> vector<256x128xf32>
    %add3A_78 = vector.broadcast %add3A_74 : vector<1x128xf32> to vector<256x128xf32>
    %add3A_79 = arith.addf %dot_general3A_77, %add3A_78 : vector<256x128xf32>
    %reduce_sum3A_80 = arith.constant dense<0.000000e+00> : vector<128xf32>
    %reduce_sum3A_81 = vector.multi_reduction <add>, %slice3A_75, %reduce_sum3A_80 [0] : vector<256x128xf32> to vector<128xf32>
    %broadcast_in_dim3A_82 = vector.shape_cast %reduce_sum3A_81 : vector<128xf32> to vector<1x128xf32>
    %add3A_83 = arith.addf %add3A_74, %broadcast_in_dim3A_82 : vector<1x128xf32>
    %slice3A_84 = vector.extract_strided_slice %convert_element_type3A_26 {offsets = [768, 0], sizes = [256, 128], strides = [1, 1]} : vector<2048x128xf32> to vector<256x128xf32>
    %dot_general3A_85 = arith.constant dense<0.000000e+00> : vector<256x128xf32>
    %dot_general3A_86 = tpu.matmul %convert_element_type3A_55, %slice3A_84, %dot_general3A_85 {dimension_numbers = #tpu.dot_dimension_numbers<[1], [0], [0], [1], [0, 0, 1, 1], [], []>, transpose_lhs_hint = false} : vector<256x256xf32>, vector<256x128xf32>, vector<256x128xf32> -> vector<256x128xf32>
    %add3A_87 = vector.broadcast %add3A_83 : vector<1x128xf32> to vector<256x128xf32>
    %add3A_88 = arith.addf %dot_general3A_86, %add3A_87 : vector<256x128xf32>
    %reduce_sum3A_89 = arith.constant dense<0.000000e+00> : vector<128xf32>
    %reduce_sum3A_90 = vector.multi_reduction <add>, %slice3A_84, %reduce_sum3A_89 [0] : vector<256x128xf32> to vector<128xf32>
    %broadcast_in_dim3A_91 = vector.shape_cast %reduce_sum3A_90 : vector<128xf32> to vector<1x128xf32>
    %add3A_92 = arith.addf %add3A_83, %broadcast_in_dim3A_91 : vector<1x128xf32>
    %slice3A_93 = vector.extract_strided_slice %convert_element_type3A_26 {offsets = [1024, 0], sizes = [256, 128], strides = [1, 1]} : vector<2048x128xf32> to vector<256x128xf32>
    %dot_general3A_94 = arith.constant dense<0.000000e+00> : vector<256x128xf32>
    %dot_general3A_95 = tpu.matmul %convert_element_type3A_55, %slice3A_93, %dot_general3A_94 {dimension_numbers = #tpu.dot_dimension_numbers<[1], [0], [0], [1], [0, 0, 1, 1], [], []>, transpose_lhs_hint = false} : vector<256x256xf32>, vector<256x128xf32>, vector<256x128xf32> -> vector<256x128xf32>
    %add3A_96 = vector.broadcast %add3A_92 : vector<1x128xf32> to vector<256x128xf32>
    %add3A_97 = arith.addf %dot_general3A_95, %add3A_96 : vector<256x128xf32>
    %reduce_sum3A_98 = arith.constant dense<0.000000e+00> : vector<128xf32>
    %reduce_sum3A_99 = vector.multi_reduction <add>, %slice3A_93, %reduce_sum3A_98 [0] : vector<256x128xf32> to vector<128xf32>
    %broadcast_in_dim3A_100 = vector.shape_cast %reduce_sum3A_99 : vector<128xf32> to vector<1x128xf32>
    %add3A_101 = arith.addf %add3A_92, %broadcast_in_dim3A_100 : vector<1x128xf32>
    %slice3A_102 = vector.extract_strided_slice %convert_element_type3A_26 {offsets = [1280, 0], sizes = [256, 128], strides = [1, 1]} : vector<2048x128xf32> to vector<256x128xf32>
    %dot_general3A_103 = arith.constant dense<0.000000e+00> : vector<256x128xf32>
    %dot_general3A_104 = tpu.matmul %convert_element_type3A_55, %slice3A_102, %dot_general3A_103 {dimension_numbers = #tpu.dot_dimension_numbers<[1], [0], [0], [1], [0, 0, 1, 1], [], []>, transpose_lhs_hint = false} : vector<256x256xf32>, vector<256x128xf32>, vector<256x128xf32> -> vector<256x128xf32>
    %add3A_105 = vector.broadcast %add3A_101 : vector<1x128xf32> to vector<256x128xf32>
    %add3A_106 = arith.addf %dot_general3A_104, %add3A_105 : vector<256x128xf32>
    %reduce_sum3A_107 = arith.constant dense<0.000000e+00> : vector<128xf32>
    %reduce_sum3A_108 = vector.multi_reduction <add>, %slice3A_102, %reduce_sum3A_107 [0] : vector<256x128xf32> to vector<128xf32>
    %broadcast_in_dim3A_109 = vector.shape_cast %reduce_sum3A_108 : vector<128xf32> to vector<1x128xf32>
    %add3A_110 = arith.addf %add3A_101, %broadcast_in_dim3A_109 : vector<1x128xf32>
    %slice3A_111 = vector.extract_strided_slice %convert_element_type3A_26 {offsets = [1536, 0], sizes = [256, 128], strides = [1, 1]} : vector<2048x128xf32> to vector<256x128xf32>
    %dot_general3A_112 = arith.constant dense<0.000000e+00> : vector<256x128xf32>
    %dot_general3A_113 = tpu.matmul %convert_element_type3A_55, %slice3A_111, %dot_general3A_112 {dimension_numbers = #tpu.dot_dimension_numbers<[1], [0], [0], [1], [0, 0, 1, 1], [], []>, transpose_lhs_hint = false} : vector<256x256xf32>, vector<256x128xf32>, vector<256x128xf32> -> vector<256x128xf32>
    %add3A_114 = vector.broadcast %add3A_110 : vector<1x128xf32> to vector<256x128xf32>
    %add3A_115 = arith.addf %dot_general3A_113, %add3A_114 : vector<256x128xf32>
    %reduce_sum3A_116 = arith.constant dense<0.000000e+00> : vector<128xf32>
    %reduce_sum3A_117 = vector.multi_reduction <add>, %slice3A_111, %reduce_sum3A_116 [0] : vector<256x128xf32> to vector<128xf32>
    %broadcast_in_dim3A_118 = vector.shape_cast %reduce_sum3A_117 : vector<128xf32> to vector<1x128xf32>
    %add3A_119 = arith.addf %add3A_110, %broadcast_in_dim3A_118 : vector<1x128xf32>
    %slice3A_120 = vector.extract_strided_slice %convert_element_type3A_26 {offsets = [1792, 0], sizes = [256, 128], strides = [1, 1]} : vector<2048x128xf32> to vector<256x128xf32>
    %dot_general3A_121 = arith.constant dense<0.000000e+00> : vector<256x128xf32>
    %dot_general3A_122 = tpu.matmul %convert_element_type3A_55, %slice3A_120, %dot_general3A_121 {dimension_numbers = #tpu.dot_dimension_numbers<[1], [0], [0], [1], [0, 0, 1, 1], [], []>, transpose_lhs_hint = false} : vector<256x256xf32>, vector<256x128xf32>, vector<256x128xf32> -> vector<256x128xf32>
    %add3A_123 = vector.broadcast %add3A_119 : vector<1x128xf32> to vector<256x128xf32>
    %add3A_124 = arith.addf %dot_general3A_122, %add3A_123 : vector<256x128xf32>
    %reduce_sum3A_125 = arith.constant dense<0.000000e+00> : vector<128xf32>
    %reduce_sum3A_126 = vector.multi_reduction <add>, %slice3A_120, %reduce_sum3A_125 [0] : vector<256x128xf32> to vector<128xf32>
    %broadcast_in_dim3A_127 = vector.shape_cast %reduce_sum3A_126 : vector<128xf32> to vector<1x128xf32>
    %add3A_128 = arith.addf %add3A_119, %broadcast_in_dim3A_127 : vector<1x128xf32>
    %concatenate3A = tpu.concatenate %add3A_61, %add3A_70, %add3A_79, %add3A_88, %add3A_97, %add3A_106, %add3A_115, %add3A_124 in 0 : vector<256x128xf32>, vector<256x128xf32>, vector<256x128xf32>, vector<256x128xf32>, vector<256x128xf32>, vector<256x128xf32>, vector<256x128xf32>, vector<256x128xf32> -> vector<2048x128xf32>
    %broadcast_in_dim3A_129 = arith.constant 0.000000e+00 : f32
    %broadcast_in_dim3A_130 = vector.broadcast %broadcast_in_dim3A_129 : f32 to vector<1x128xf32>
    %slice3A_131 = vector.extract_strided_slice %convert_element_type3A_48 {offsets = [0, 0], sizes = [256, 128], strides = [1, 1]} : vector<2048x128xf32> to vector<256x128xf32>
    %dot_general3A_132 = arith.constant dense<0.000000e+00> : vector<256x128xf32>
    %dot_general3A_133 = tpu.matmul %convert_element_type3A_55, %slice3A_131, %dot_general3A_132 {dimension_numbers = #tpu.dot_dimension_numbers<[1], [0], [0], [1], [0, 0, 1, 1], [], []>, transpose_lhs_hint = false} : vector<256x256xf32>, vector<256x128xf32>, vector<256x128xf32> -> vector<256x128xf32>
    %add3A_134 = vector.broadcast %broadcast_in_dim3A_130 : vector<1x128xf32> to vector<256x128xf32>
    %add3A_135 = arith.addf %dot_general3A_133, %add3A_134 : vector<256x128xf32>
    %reduce_sum3A_136 = arith.constant dense<0.000000e+00> : vector<128xf32>
    %reduce_sum3A_137 = vector.multi_reduction <add>, %slice3A_131, %reduce_sum3A_136 [0] : vector<256x128xf32> to vector<128xf32>
    %broadcast_in_dim3A_138 = vector.shape_cast %reduce_sum3A_137 : vector<128xf32> to vector<1x128xf32>
    %add3A_139 = arith.addf %broadcast_in_dim3A_130, %broadcast_in_dim3A_138 : vector<1x128xf32>
    %slice3A_140 = vector.extract_strided_slice %convert_element_type3A_48 {offsets = [256, 0], sizes = [256, 128], strides = [1, 1]} : vector<2048x128xf32> to vector<256x128xf32>
    %dot_general3A_141 = arith.constant dense<0.000000e+00> : vector<256x128xf32>
    %dot_general3A_142 = tpu.matmul %convert_element_type3A_55, %slice3A_140, %dot_general3A_141 {dimension_numbers = #tpu.dot_dimension_numbers<[1], [0], [0], [1], [0, 0, 1, 1], [], []>, transpose_lhs_hint = false} : vector<256x256xf32>, vector<256x128xf32>, vector<256x128xf32> -> vector<256x128xf32>
    %add3A_143 = vector.broadcast %add3A_139 : vector<1x128xf32> to vector<256x128xf32>
    %add3A_144 = arith.addf %dot_general3A_142, %add3A_143 : vector<256x128xf32>
    %reduce_sum3A_145 = arith.constant dense<0.000000e+00> : vector<128xf32>
    %reduce_sum3A_146 = vector.multi_reduction <add>, %slice3A_140, %reduce_sum3A_145 [0] : vector<256x128xf32> to vector<128xf32>
    %broadcast_in_dim3A_147 = vector.shape_cast %reduce_sum3A_146 : vector<128xf32> to vector<1x128xf32>
    %add3A_148 = arith.addf %add3A_139, %broadcast_in_dim3A_147 : vector<1x128xf32>
    %slice3A_149 = vector.extract_strided_slice %convert_element_type3A_48 {offsets = [512, 0], sizes = [256, 128], strides = [1, 1]} : vector<2048x128xf32> to vector<256x128xf32>
    %dot_general3A_150 = arith.constant dense<0.000000e+00> : vector<256x128xf32>
    %dot_general3A_151 = tpu.matmul %convert_element_type3A_55, %slice3A_149, %dot_general3A_150 {dimension_numbers = #tpu.dot_dimension_numbers<[1], [0], [0], [1], [0, 0, 1, 1], [], []>, transpose_lhs_hint = false} : vector<256x256xf32>, vector<256x128xf32>, vector<256x128xf32> -> vector<256x128xf32>
    %add3A_152 = vector.broadcast %add3A_148 : vector<1x128xf32> to vector<256x128xf32>
    %add3A_153 = arith.addf %dot_general3A_151, %add3A_152 : vector<256x128xf32>
    %reduce_sum3A_154 = arith.constant dense<0.000000e+00> : vector<128xf32>
    %reduce_sum3A_155 = vector.multi_reduction <add>, %slice3A_149, %reduce_sum3A_154 [0] : vector<256x128xf32> to vector<128xf32>
    %broadcast_in_dim3A_156 = vector.shape_cast %reduce_sum3A_155 : vector<128xf32> to vector<1x128xf32>
    %add3A_157 = arith.addf %add3A_148, %broadcast_in_dim3A_156 : vector<1x128xf32>
    %slice3A_158 = vector.extract_strided_slice %convert_element_type3A_48 {offsets = [768, 0], sizes = [256, 128], strides = [1, 1]} : vector<2048x128xf32> to vector<256x128xf32>
    %dot_general3A_159 = arith.constant dense<0.000000e+00> : vector<256x128xf32>
    %dot_general3A_160 = tpu.matmul %convert_element_type3A_55, %slice3A_158, %dot_general3A_159 {dimension_numbers = #tpu.dot_dimension_numbers<[1], [0], [0], [1], [0, 0, 1, 1], [], []>, transpose_lhs_hint = false} : vector<256x256xf32>, vector<256x128xf32>, vector<256x128xf32> -> vector<256x128xf32>
    %add3A_161 = vector.broadcast %add3A_157 : vector<1x128xf32> to vector<256x128xf32>
    %add3A_162 = arith.addf %dot_general3A_160, %add3A_161 : vector<256x128xf32>
    %reduce_sum3A_163 = arith.constant dense<0.000000e+00> : vector<128xf32>
    %reduce_sum3A_164 = vector.multi_reduction <add>, %slice3A_158, %reduce_sum3A_163 [0] : vector<256x128xf32> to vector<128xf32>
    %broadcast_in_dim3A_165 = vector.shape_cast %reduce_sum3A_164 : vector<128xf32> to vector<1x128xf32>
    %add3A_166 = arith.addf %add3A_157, %broadcast_in_dim3A_165 : vector<1x128xf32>
    %slice3A_167 = vector.extract_strided_slice %convert_element_type3A_48 {offsets = [1024, 0], sizes = [256, 128], strides = [1, 1]} : vector<2048x128xf32> to vector<256x128xf32>
    %dot_general3A_168 = arith.constant dense<0.000000e+00> : vector<256x128xf32>
    %dot_general3A_169 = tpu.matmul %convert_element_type3A_55, %slice3A_167, %dot_general3A_168 {dimension_numbers = #tpu.dot_dimension_numbers<[1], [0], [0], [1], [0, 0, 1, 1], [], []>, transpose_lhs_hint = false} : vector<256x256xf32>, vector<256x128xf32>, vector<256x128xf32> -> vector<256x128xf32>
    %add3A_170 = vector.broadcast %add3A_166 : vector<1x128xf32> to vector<256x128xf32>
    %add3A_171 = arith.addf %dot_general3A_169, %add3A_170 : vector<256x128xf32>
    %reduce_sum3A_172 = arith.constant dense<0.000000e+00> : vector<128xf32>
    %reduce_sum3A_173 = vector.multi_reduction <add>, %slice3A_167, %reduce_sum3A_172 [0] : vector<256x128xf32> to vector<128xf32>
    %broadcast_in_dim3A_174 = vector.shape_cast %reduce_sum3A_173 : vector<128xf32> to vector<1x128xf32>
    %add3A_175 = arith.addf %add3A_166, %broadcast_in_dim3A_174 : vector<1x128xf32>
    %slice3A_176 = vector.extract_strided_slice %convert_element_type3A_48 {offsets = [1280, 0], sizes = [256, 128], strides = [1, 1]} : vector<2048x128xf32> to vector<256x128xf32>
    %dot_general3A_177 = arith.constant dense<0.000000e+00> : vector<256x128xf32>
    %dot_general3A_178 = tpu.matmul %convert_element_type3A_55, %slice3A_176, %dot_general3A_177 {dimension_numbers = #tpu.dot_dimension_numbers<[1], [0], [0], [1], [0, 0, 1, 1], [], []>, transpose_lhs_hint = false} : vector<256x256xf32>, vector<256x128xf32>, vector<256x128xf32> -> vector<256x128xf32>
    %add3A_179 = vector.broadcast %add3A_175 : vector<1x128xf32> to vector<256x128xf32>
    %add3A_180 = arith.addf %dot_general3A_178, %add3A_179 : vector<256x128xf32>
    %reduce_sum3A_181 = arith.constant dense<0.000000e+00> : vector<128xf32>
    %reduce_sum3A_182 = vector.multi_reduction <add>, %slice3A_176, %reduce_sum3A_181 [0] : vector<256x128xf32> to vector<128xf32>
    %broadcast_in_dim3A_183 = vector.shape_cast %reduce_sum3A_182 : vector<128xf32> to vector<1x128xf32>
    %add3A_184 = arith.addf %add3A_175, %broadcast_in_dim3A_183 : vector<1x128xf32>
    %slice3A_185 = vector.extract_strided_slice %convert_element_type3A_48 {offsets = [1536, 0], sizes = [256, 128], strides = [1, 1]} : vector<2048x128xf32> to vector<256x128xf32>
    %dot_general3A_186 = arith.constant dense<0.000000e+00> : vector<256x128xf32>
    %dot_general3A_187 = tpu.matmul %convert_element_type3A_55, %slice3A_185, %dot_general3A_186 {dimension_numbers = #tpu.dot_dimension_numbers<[1], [0], [0], [1], [0, 0, 1, 1], [], []>, transpose_lhs_hint = false} : vector<256x256xf32>, vector<256x128xf32>, vector<256x128xf32> -> vector<256x128xf32>
    %add3A_188 = vector.broadcast %add3A_184 : vector<1x128xf32> to vector<256x128xf32>
    %add3A_189 = arith.addf %dot_general3A_187, %add3A_188 : vector<256x128xf32>
    %reduce_sum3A_190 = arith.constant dense<0.000000e+00> : vector<128xf32>
    %reduce_sum3A_191 = vector.multi_reduction <add>, %slice3A_185, %reduce_sum3A_190 [0] : vector<256x128xf32> to vector<128xf32>
    %broadcast_in_dim3A_192 = vector.shape_cast %reduce_sum3A_191 : vector<128xf32> to vector<1x128xf32>
    %add3A_193 = arith.addf %add3A_184, %broadcast_in_dim3A_192 : vector<1x128xf32>
    %slice3A_194 = vector.extract_strided_slice %convert_element_type3A_48 {offsets = [1792, 0], sizes = [256, 128], strides = [1, 1]} : vector<2048x128xf32> to vector<256x128xf32>
    %dot_general3A_195 = arith.constant dense<0.000000e+00> : vector<256x128xf32>
    %dot_general3A_196 = tpu.matmul %convert_element_type3A_55, %slice3A_194, %dot_general3A_195 {dimension_numbers = #tpu.dot_dimension_numbers<[1], [0], [0], [1], [0, 0, 1, 1], [], []>, transpose_lhs_hint = false} : vector<256x256xf32>, vector<256x128xf32>, vector<256x128xf32> -> vector<256x128xf32>
    %add3A_197 = vector.broadcast %add3A_193 : vector<1x128xf32> to vector<256x128xf32>
    %add3A_198 = arith.addf %dot_general3A_196, %add3A_197 : vector<256x128xf32>
    %reduce_sum3A_199 = arith.constant dense<0.000000e+00> : vector<128xf32>
    %reduce_sum3A_200 = vector.multi_reduction <add>, %slice3A_194, %reduce_sum3A_199 [0] : vector<256x128xf32> to vector<128xf32>
    %broadcast_in_dim3A_201 = vector.shape_cast %reduce_sum3A_200 : vector<128xf32> to vector<1x128xf32>
    %add3A_202 = arith.addf %add3A_193, %broadcast_in_dim3A_201 : vector<1x128xf32>
    %concatenate3A_203 = tpu.concatenate %add3A_135, %add3A_144, %add3A_153, %add3A_162, %add3A_171, %add3A_180, %add3A_189, %add3A_198 in 0 : vector<256x128xf32>, vector<256x128xf32>, vector<256x128xf32>, vector<256x128xf32>, vector<256x128xf32>, vector<256x128xf32>, vector<256x128xf32>, vector<256x128xf32> -> vector<2048x128xf32>
    %add3A_204 = vector.broadcast %add3A_128 : vector<1x128xf32> to vector<2048x128xf32>
    %add3A_205 = arith.addf %concatenate3A_203, %add3A_204 : vector<2048x128xf32>
    %add3A_206 = arith.addf %add3A_128, %add3A_202 : vector<1x128xf32>
    %add3A_207 = arith.constant 2.550000e+02 : f32
    %add3A_208 = vector.broadcast %add3A_207 : f32 to vector<1x128xf32>
    %add3A_209 = arith.addf %add3A_206, %add3A_208 : vector<1x128xf32>
    %div3A_210 = arith.constant 2.560000e+02 : f32
    %div3A_211 = vector.broadcast %div3A_210 : f32 to vector<1x128xf32>
    %div3A_212 = arith.divf %add3A_209, %div3A_211 : vector<1x128xf32>
    %floor3A = math.floor %div3A_212 : vector<1x128xf32>
    %mul3A = arith.constant 2.560000e+02 : f32
    %mul3A_213 = vector.broadcast %mul3A : f32 to vector<1x128xf32>
    %mul3A_214 = arith.mulf %floor3A, %mul3A_213 : vector<1x128xf32>
    %iota3A_215 = tpu.iota {dimensions = array<i32: 0>} : vector<128x128xi32>
    %iota3A_216 = tpu.iota {dimensions = array<i32: 1>} : vector<128x128xi32>
    %lt3A_217 = arith.cmpi slt, %iota3A_215, %iota3A_216 : vector<128x128xi32>
    %convert_element_type3A_218 = arith.extui %lt3A_217 : vector<128x128xi1> to vector<128x128xi32>
    %convert_element_type3A_219 = arith.sitofp %convert_element_type3A_218 : vector<128x128xi32> to vector<128x128xf32>
    %broadcast_in_dim3A_220 = arith.constant 1.000000e+00 : f32
    %broadcast_in_dim3A_221 = vector.broadcast %broadcast_in_dim3A_220 : f32 to vector<8x1xf32>
    %mul3A_222 = vector.broadcast %mul3A_214 : vector<1x128xf32> to vector<8x128xf32>
    %mul3A_223 = vector.broadcast %broadcast_in_dim3A_221 : vector<8x1xf32> to vector<8x128xf32>
    %mul3A_224 = arith.mulf %mul3A_222, %mul3A_223 : vector<8x128xf32>
    %dot_general3A_225 = arith.constant dense<0.000000e+00> : vector<8x128xf32>
    %dot_general3A_226 = tpu.matmul %mul3A_224, %convert_element_type3A_219, %dot_general3A_225 {dimension_numbers = #tpu.dot_dimension_numbers<[1], [0], [0], [1], [0, 0, 1, 1], [], []>, transpose_lhs_hint = false} : vector<8x128xf32>, vector<128x128xf32>, vector<8x128xf32> -> vector<8x128xf32>
    %slice3A_227 = vector.extract_strided_slice %dot_general3A_226 {offsets = [0, 0], sizes = [1, 128], strides = [1, 1]} : vector<8x128xf32> to vector<1x128xf32>
    %mul3A_228 = arith.mulf %convert_element_type3A_26, %concatenate3A : vector<2048x128xf32>
    %reduce_sum3A_229 = arith.constant dense<0.000000e+00> : vector<2048xf32>
    %reduce_sum3A_230 = vector.multi_reduction <add>, %mul3A_228, %reduce_sum3A_229 [1] : vector<2048x128xf32> to vector<2048xf32>
    %broadcast_in_dim3A_231 = vector.shape_cast %reduce_sum3A_230 : vector<2048xf32> to vector<2048x1xf32>
    %mul3A_232 = arith.mulf %convert_element_type3A_48, %add3A_205 : vector<2048x128xf32>
    %reduce_sum3A_233 = arith.constant dense<0.000000e+00> : vector<2048xf32>
    %reduce_sum3A_234 = vector.multi_reduction <add>, %mul3A_232, %reduce_sum3A_233 [1] : vector<2048x128xf32> to vector<2048xf32>
    %broadcast_in_dim3A_235 = vector.shape_cast %reduce_sum3A_234 : vector<2048xf32> to vector<2048x1xf32>
    %mul3A_236 = vector.broadcast %slice3A_227 : vector<1x128xf32> to vector<2048x128xf32>
    %mul3A_237 = arith.mulf %convert_element_type3A_26, %mul3A_236 : vector<2048x128xf32>
    %reduce_sum3A_238 = arith.constant dense<0.000000e+00> : vector<2048xf32>
    %reduce_sum3A_239 = vector.multi_reduction <add>, %mul3A_237, %reduce_sum3A_238 [1] : vector<2048x128xf32> to vector<2048xf32>
    %broadcast_in_dim3A_240 = vector.shape_cast %reduce_sum3A_239 : vector<2048xf32> to vector<2048x1xf32>
    %mul3A_241 = vector.broadcast %slice3A_227 : vector<1x128xf32> to vector<2048x128xf32>
    %mul3A_242 = arith.mulf %convert_element_type3A_48, %mul3A_241 : vector<2048x128xf32>
    %reduce_sum3A_243 = arith.constant dense<0.000000e+00> : vector<2048xf32>
    %reduce_sum3A_244 = vector.multi_reduction <add>, %mul3A_242, %reduce_sum3A_243 [1] : vector<2048x128xf32> to vector<2048xf32>
    %broadcast_in_dim3A_245 = vector.shape_cast %reduce_sum3A_244 : vector<2048xf32> to vector<2048x1xf32>
    %add3A_246 = arith.addf %broadcast_in_dim3A_240, %broadcast_in_dim3A_231 : vector<2048x1xf32>
    %add3A_247 = arith.addf %broadcast_in_dim3A_245, %broadcast_in_dim3A_235 : vector<2048x1xf32>
    %iota3A_248 = tpu.iota {dimensions = array<i32: 0>} : vector<2048x1xi32>
    %convert_element_type3A_249 = arith.sitofp %iota3A_248 : vector<2048x1xi32> to vector<2048x1xf32>
    %mul3A_250 = arith.constant 2.048000e+03 : f32
    %mul3A_251 = vector.broadcast %mul3A_250 : f32 to vector<2048x1xf32>
    %mul3A_252 = arith.mulf %broadcast_in_dim3A_22, %mul3A_251 : vector<2048x1xf32>
    %add3A_253 = arith.addf %mul3A_252, %convert_element_type3A_249 : vector<2048x1xf32>
    %mul3A_254 = arith.constant 2.048000e+03 : f32
    %mul3A_255 = vector.broadcast %mul3A_254 : f32 to vector<2048x1xf32>
    %mul3A_256 = arith.mulf %broadcast_in_dim3A_44, %mul3A_255 : vector<2048x1xf32>
    %add3A_257 = arith.addf %mul3A_256, %convert_element_type3A_249 : vector<2048x1xf32>
    %broadcast_in_dim3A_258 = arith.constant 1.000000e+00 : f32
    %broadcast_in_dim3A_259 = vector.broadcast %broadcast_in_dim3A_258 : f32 to vector<1x128xf32>
    %lt3A_260 = arith.cmpf olt, %broadcast_in_dim3A_22, %broadcast_in_dim3A_44 : vector<2048x1xf32>
    %select_n3A_261 = arith.select %lt3A_260, %add3A_246, %add3A_247 : vector<2048x1xi1>, vector<2048x1xf32>
    %mul3A_262 = vector.broadcast %select_n3A_261 : vector<2048x1xf32> to vector<2048x128xf32>
    %mul3A_263 = vector.broadcast %broadcast_in_dim3A_259 : vector<1x128xf32> to vector<2048x128xf32>
    %mul3A_264 = arith.mulf %mul3A_262, %mul3A_263 : vector<2048x128xf32>
    %swap3A = arith.constant 0 : index
    %swap3A_265 = arith.constant 0 : index
    %swap3A_266 = vector.load %arg2[%swap3A, %swap3A_265] : memref<2048x128xf32, #tpu.memory_space<vmem>>, vector<2048x128xf32>
    tpu.vector_store %arg2[%swap3A, %swap3A_265], %mul3A_264 {strides = array<i32>} : memref<2048x128xf32, #tpu.memory_space<vmem>>, vector<2048x128xf32>,
    %select_n3A_267 = arith.select %lt3A_260, %add3A_247, %add3A_246 : vector<2048x1xi1>, vector<2048x1xf32>
    %mul3A_268 = vector.broadcast %select_n3A_267 : vector<2048x1xf32> to vector<2048x128xf32>
    %mul3A_269 = vector.broadcast %broadcast_in_dim3A_259 : vector<1x128xf32> to vector<2048x128xf32>
    %mul3A_270 = arith.mulf %mul3A_268, %mul3A_269 : vector<2048x128xf32>
    %swap3A_271 = arith.constant 0 : index
    %swap3A_272 = arith.constant 0 : index
    %swap3A_273 = vector.load %arg3[%swap3A_271, %swap3A_272] : memref<2048x128xf32, #tpu.memory_space<vmem>>, vector<2048x128xf32>
    tpu.vector_store %arg3[%swap3A_271, %swap3A_272], %mul3A_270 {strides = array<i32>} : memref<2048x128xf32, #tpu.memory_space<vmem>>, vector<2048x128xf32>,
    %select_n3A_274 = arith.select %lt3A_260, %div3A_49, %div3A_50 : vector<2048x1xi1>, vector<2048x1xf32>
    %mul3A_275 = vector.broadcast %select_n3A_274 : vector<2048x1xf32> to vector<2048x128xf32>
    %mul3A_276 = vector.broadcast %broadcast_in_dim3A_259 : vector<1x128xf32> to vector<2048x128xf32>
    %mul3A_277 = arith.mulf %mul3A_275, %mul3A_276 : vector<2048x128xf32>
    %swap3A_278 = arith.constant 0 : index
    %swap3A_279 = arith.constant 0 : index
    %swap3A_280 = vector.load %arg4[%swap3A_278, %swap3A_279] : memref<2048x128xf32, #tpu.memory_space<vmem>>, vector<2048x128xf32>
    tpu.vector_store %arg4[%swap3A_278, %swap3A_279], %mul3A_277 {strides = array<i32>} : memref<2048x128xf32, #tpu.memory_space<vmem>>, vector<2048x128xf32>,
    %select_n3A_281 = arith.select %lt3A_260, %div3A_50, %div3A_49 : vector<2048x1xi1>, vector<2048x1xf32>
    %mul3A_282 = vector.broadcast %select_n3A_281 : vector<2048x1xf32> to vector<2048x128xf32>
    %mul3A_283 = vector.broadcast %broadcast_in_dim3A_259 : vector<1x128xf32> to vector<2048x128xf32>
    %mul3A_284 = arith.mulf %mul3A_282, %mul3A_283 : vector<2048x128xf32>
    %swap3A_285 = arith.constant 0 : index
    %swap3A_286 = arith.constant 0 : index
    %swap3A_287 = vector.load %arg5[%swap3A_285, %swap3A_286] : memref<2048x128xf32, #tpu.memory_space<vmem>>, vector<2048x128xf32>
    tpu.vector_store %arg5[%swap3A_285, %swap3A_286], %mul3A_284 {strides = array<i32>} : memref<2048x128xf32, #tpu.memory_space<vmem>>, vector<2048x128xf32>,
    %select_n3A_288 = arith.select %lt3A_260, %add3A_253, %add3A_257 : vector<2048x1xi1>, vector<2048x1xf32>
    %mul3A_289 = vector.broadcast %select_n3A_288 : vector<2048x1xf32> to vector<2048x128xf32>
    %mul3A_290 = vector.broadcast %broadcast_in_dim3A_259 : vector<1x128xf32> to vector<2048x128xf32>
    %mul3A_291 = arith.mulf %mul3A_289, %mul3A_290 : vector<2048x128xf32>
    %swap3A_292 = arith.constant 0 : index
    %swap3A_293 = arith.constant 0 : index
    %swap3A_294 = vector.load %arg6[%swap3A_292, %swap3A_293] : memref<2048x128xf32, #tpu.memory_space<vmem>>, vector<2048x128xf32>
    tpu.vector_store %arg6[%swap3A_292, %swap3A_293], %mul3A_291 {strides = array<i32>} : memref<2048x128xf32, #tpu.memory_space<vmem>>, vector<2048x128xf32>,
    %select_n3A_295 = arith.select %lt3A_260, %add3A_257, %add3A_253 : vector<2048x1xi1>, vector<2048x1xf32>
    %mul3A_296 = vector.broadcast %select_n3A_295 : vector<2048x1xf32> to vector<2048x128xf32>
    %mul3A_297 = vector.broadcast %broadcast_in_dim3A_259 : vector<1x128xf32> to vector<2048x128xf32>
    %mul3A_298 = arith.mulf %mul3A_296, %mul3A_297 : vector<2048x128xf32>
    %swap3A_299 = arith.constant 0 : index
    %swap3A_300 = arith.constant 0 : index
    %swap3A_301 = vector.load %arg7[%swap3A_299, %swap3A_300] : memref<2048x128xf32, #tpu.memory_space<vmem>>, vector<2048x128xf32>
    tpu.vector_store %arg7[%swap3A_299, %swap3A_300], %mul3A_298 {strides = array<i32>} : memref<2048x128xf32, #tpu.memory_space<vmem>>, vector<2048x128xf32>,
    %iota3A_302 = tpu.iota {dimensions = array<i32: 0>} : vector<32x128xi32>
    %convert_element_type3A_303 = arith.sitofp %iota3A_302 : vector<32x128xi32> to vector<32x128xf32>
    %mul3A_304 = arith.constant 2.560000e+02 : f32
    %mul3A_305 = vector.broadcast %mul3A_304 : f32 to vector<32x128xf32>
    %mul3A_306 = arith.mulf %convert_element_type3A_303, %mul3A_305 : vector<32x128xf32>
    %iota3A_307 = tpu.iota {dimensions = array<i32: 1>} : vector<32x128xi32>
    %convert_element_type3A_308 = arith.sitofp %iota3A_307 : vector<32x128xi32> to vector<32x128xf32>
    %ge3A_309 = vector.broadcast %slice3A_227 : vector<1x128xf32> to vector<32x128xf32>
    %ge3A_310 = arith.cmpf oge, %mul3A_306, %ge3A_309 : vector<32x128xf32>
    %add3A_311 = arith.addf %slice3A_227, %mul3A_214 : vector<1x128xf32>
    %lt3A_312 = vector.broadcast %add3A_311 : vector<1x128xf32> to vector<32x128xf32>
    %lt3A_313 = arith.cmpf olt, %mul3A_306, %lt3A_312 : vector<32x128xf32>
    %and3A = arith.andi %ge3A_310, %lt3A_313 : vector<32x128xi1>
    %convert_element_type3A_314 = arith.extui %and3A : vector<32x128xi1> to vector<32x128xi32>
    %convert_element_type3A_315 = arith.sitofp %convert_element_type3A_314 : vector<32x128xi32> to vector<32x128xf32>
    %mul3A_316 = arith.mulf %convert_element_type3A_315, %convert_element_type3A_308 : vector<32x128xf32>
    %reduce_sum3A_317 = arith.constant dense<0.000000e+00> : vector<32xf32>
    %reduce_sum3A_318 = vector.multi_reduction <add>, %mul3A_316, %reduce_sum3A_317 [1] : vector<32x128xf32> to vector<32xf32>
    %broadcast_in_dim3A_319 = vector.shape_cast %reduce_sum3A_318 : vector<32xf32> to vector<32x1xf32>
    %reduce_sum3A_320 = arith.constant dense<0.000000e+00> : vector<32xf32>
    %reduce_sum3A_321 = vector.multi_reduction <add>, %convert_element_type3A_315, %reduce_sum3A_320 [1] : vector<32x128xf32> to vector<32xf32>
    %broadcast_in_dim3A_322 = vector.shape_cast %reduce_sum3A_321 : vector<32xf32> to vector<32x1xf32>
    %gt3A = arith.constant 0.000000e+00 : f32
    %gt3A_323 = vector.broadcast %gt3A : f32 to vector<32x1xf32>
    %gt3A_324 = arith.cmpf ogt, %broadcast_in_dim3A_322, %gt3A_323 : vector<32x1xf32>
    %jit3A_325 = arith.constant -1.000000e+00 : f32
    %broadcast_in_dim3A_326 = vector.broadcast %jit3A_325 : f32 to vector<32x1xf32>
    %select_n3A_327 = arith.select %gt3A_324, %broadcast_in_dim3A_319, %broadcast_in_dim3A_326 : vector<32x1xi1>, vector<32x1xf32>
    %mul3A_328 = vector.broadcast %select_n3A_327 : vector<32x1xf32> to vector<32x128xf32>
    %mul3A_329 = vector.broadcast %broadcast_in_dim3A_259 : vector<1x128xf32> to vector<32x128xf32>
    %mul3A_330 = arith.mulf %mul3A_328, %mul3A_329 : vector<32x128xf32>
    %swap3A_331 = arith.constant 0 : index
    %swap3A_332 = arith.constant 0 : index
    %swap3A_333 = vector.load %arg8[%swap3A_331, %swap3A_332] : memref<32x128xf32, #tpu.memory_space<vmem>>, vector<32x128xf32>
    tpu.vector_store %arg8[%swap3A_331, %swap3A_332], %mul3A_330 {strides = array<i32>} : memref<32x128xf32, #tpu.memory_space<vmem>>, vector<32x128xf32>,
    return
  }
}

module attributes {stable_mosaic.version = 14 : i64} {
  func.func @body(%arg0: i32, %arg1: i32, %arg2: memref<2048x1024xbf16, #tpu.memory_space<vmem>>, %arg3: memref<1x1024x512xbf16, #tpu.memory_space<vmem>>, %arg4: memref<1x1024x512xbf16, #tpu.memory_space<vmem>>, %arg5: memref<1x2048x512xbf16, #tpu.memory_space<vmem>>) attributes {dimension_semantics = [#tpu.dimension_semantics<arbitrary>, #tpu.dimension_semantics<arbitrary>], iteration_bounds = array<i64: 8, 4>, scalar_prefetch = 0 : i64, scratch_operands = 0 : i64, tpu.core_type = #tpu.core_type<tc>, window_params = [{pipeline_mode = #tpu.pipeline_mode<synchronous>, transform_indices = @transform_0, window_bounds = array<i64: 2048, 1024>}, {transform_indices = @transform_1, window_bounds = array<i64: 1, 1024, 512>}, {transform_indices = @transform_2, window_bounds = array<i64: 1, 1024, 512>}, {transform_indices = @transform_3, window_bounds = array<i64: 1, 2048, 512>}]} {
    %get3A = arith.constant 0 : index
    %get3A_0 = arith.constant 0 : index
    %get3A_1 = vector.load %arg2[%get3A, %get3A_0] : memref<2048x1024xbf16, #tpu.memory_space<vmem>>, vector<2048x1024xbf16>
    %get3A_2 = arith.constant 0 : index
    %get3A_3 = arith.constant 0 : index
    %get3A_4 = arith.constant 0 : index
    %get3A_5 = vector.load %arg3[%get3A_2, %get3A_3, %get3A_4] : memref<1x1024x512xbf16, #tpu.memory_space<vmem>>, vector<1x1024x512xbf16>
    %get3A_6 = vector.shape_cast %get3A_5 : vector<1x1024x512xbf16> to vector<1024x512xbf16>
    %dot_general3A = arith.constant dense<0.000000e+00> : vector<2048x512xf32>
    %dot_general3A_7 = tpu.matmul %get3A_1, %get3A_6, %dot_general3A {dimension_numbers = #tpu.dot_dimension_numbers<[1], [0], [0], [1], [0, 0, 1, 1], [], []>, transpose_lhs_hint = false} : vector<2048x1024xbf16>, vector<1024x512xbf16>, vector<2048x512xf32> -> vector<2048x512xf32>
    %get3A_8 = arith.constant 0 : index
    %get3A_9 = arith.constant 0 : index
    %get3A_10 = arith.constant 0 : index
    %get3A_11 = vector.load %arg4[%get3A_8, %get3A_9, %get3A_10] : memref<1x1024x512xbf16, #tpu.memory_space<vmem>>, vector<1x1024x512xbf16>
    %get3A_12 = vector.shape_cast %get3A_11 : vector<1x1024x512xbf16> to vector<1024x512xbf16>
    %dot_general3A_13 = arith.constant dense<0.000000e+00> : vector<2048x512xf32>
    %dot_general3A_14 = tpu.matmul %get3A_1, %get3A_12, %dot_general3A_13 {dimension_numbers = #tpu.dot_dimension_numbers<[1], [0], [0], [1], [0, 0, 1, 1], [], []>, transpose_lhs_hint = false} : vector<2048x1024xbf16>, vector<1024x512xbf16>, vector<2048x512xf32> -> vector<2048x512xf32>
    %logistic3A = arith.negf %dot_general3A_7 : vector<2048x512xf32>
    %logistic3A_15 = math.exp %logistic3A : vector<2048x512xf32>
    %logistic3A_16 = arith.constant 1.000000e+00 : f32
    %logistic3A_17 = vector.broadcast %logistic3A_16 : f32 to vector<2048x512xf32>
    %logistic3A_18 = arith.addf %logistic3A_17, %logistic3A_15 : vector<2048x512xf32>
    %logistic3A_19 = arith.divf %logistic3A_17, %logistic3A_18 : vector<2048x512xf32>
    %mul3A = arith.mulf %dot_general3A_7, %logistic3A_19 : vector<2048x512xf32>
    %mul3A_20 = arith.mulf %mul3A, %dot_general3A_14 : vector<2048x512xf32>
    %convert_element_type3A = arith.truncf %mul3A_20 : vector<2048x512xf32> to vector<2048x512xbf16>
    %swap3A = arith.constant 0 : index
    %swap3A_21 = arith.constant 0 : index
    %swap3A_22 = arith.constant 0 : index
    %swap3A_23 = vector.load %arg5[%swap3A, %swap3A_21, %swap3A_22] : memref<1x2048x512xbf16, #tpu.memory_space<vmem>>, vector<1x2048x512xbf16>
    %swap3A_24 = vector.shape_cast %swap3A_23 : vector<1x2048x512xbf16> to vector<2048x512xbf16>
    %swap3A_25 = vector.shape_cast %convert_element_type3A : vector<2048x512xbf16> to vector<1x2048x512xbf16>
    tpu.vector_store %arg5[%swap3A, %swap3A_21, %swap3A_22], %swap3A_25 {strides = array<i32>} : memref<1x2048x512xbf16, #tpu.memory_space<vmem>>, vector<1x2048x512xbf16>,
    return
  }
  func.func @transform_0(%arg0: i32, %arg1: i32) -> (i32, i32) {
    %c0_i32 = arith.constant 0 : i32
    %c0_i32_0 = arith.constant 0 : i32
    %c0_i32_1 = arith.constant 0 : i32
    return %c0_i32, %c0_i32_0 : i32, i32
  }
  func.func @transform_1(%arg0: i32, %arg1: i32) -> (i32, i32, i32) {
    %c0_i32 = arith.constant 0 : i32
    %c0_i32_0 = arith.constant 0 : i32
    return %arg0, %c0_i32, %arg1 : i32, i32, i32
  }
  func.func @transform_2(%arg0: i32, %arg1: i32) -> (i32, i32, i32) {
    %c0_i32 = arith.constant 0 : i32
    %c0_i32_0 = arith.constant 0 : i32
    return %arg0, %c0_i32, %arg1 : i32, i32, i32
  }
  func.func @transform_3(%arg0: i32, %arg1: i32) -> (i32, i32, i32) {
    %c0_i32 = arith.constant 0 : i32
    %c0_i32_0 = arith.constant 0 : i32
    return %arg0, %c0_i32, %arg1 : i32, i32, i32
  }
}

module attributes {stable_mosaic.version = 14 : i64} {
  func.func @body(%arg0: i32, %arg1: i32, %arg2: memref<1x2048x2048xbf16, #tpu.memory_space<vmem>>, %arg3: memref<1x2048x512xbf16, #tpu.memory_space<vmem>>, %arg4: memref<1x2048x512xf32, #tpu.memory_space<vmem>>) attributes {dimension_semantics = [#tpu.dimension_semantics<arbitrary>, #tpu.dimension_semantics<arbitrary>], iteration_bounds = array<i64: 8, 2>, scalar_prefetch = 0 : i64, scratch_operands = 0 : i64, tpu.core_type = #tpu.core_type<tc>, window_params = [{transform_indices = @transform_0, window_bounds = array<i64: 1, 2048, 2048>}, {transform_indices = @transform_1, window_bounds = array<i64: 1, 2048, 512>}, {transform_indices = @transform_2, window_bounds = array<i64: 1, 2048, 512>}]} {
    %get3A = arith.constant 0 : index
    %get3A_0 = arith.constant 0 : index
    %get3A_1 = arith.constant 0 : index
    %get3A_2 = vector.load %arg2[%get3A, %get3A_0, %get3A_1] : memref<1x2048x2048xbf16, #tpu.memory_space<vmem>>, vector<1x2048x2048xbf16>
    %get3A_3 = vector.shape_cast %get3A_2 : vector<1x2048x2048xbf16> to vector<2048x2048xbf16>
    %get3A_4 = arith.constant 0 : index
    %get3A_5 = arith.constant 0 : index
    %get3A_6 = arith.constant 0 : index
    %get3A_7 = vector.load %arg3[%get3A_4, %get3A_5, %get3A_6] : memref<1x2048x512xbf16, #tpu.memory_space<vmem>>, vector<1x2048x512xbf16>
    %get3A_8 = vector.shape_cast %get3A_7 : vector<1x2048x512xbf16> to vector<2048x512xbf16>
    %dot_general3A = arith.constant dense<0.000000e+00> : vector<2048x512xf32>
    %dot_general3A_9 = tpu.matmul %get3A_3, %get3A_8, %dot_general3A {dimension_numbers = #tpu.dot_dimension_numbers<[1], [0], [0], [1], [0, 0, 1, 1], [], []>, transpose_lhs_hint = false} : vector<2048x2048xbf16>, vector<2048x512xbf16>, vector<2048x512xf32> -> vector<2048x512xf32>
    %swap3A = arith.constant 0 : index
    %swap3A_10 = arith.constant 0 : index
    %swap3A_11 = arith.constant 0 : index
    %swap3A_12 = vector.load %arg4[%swap3A, %swap3A_10, %swap3A_11] : memref<1x2048x512xf32, #tpu.memory_space<vmem>>, vector<1x2048x512xf32>
    %swap3A_13 = vector.shape_cast %swap3A_12 : vector<1x2048x512xf32> to vector<2048x512xf32>
    %swap3A_14 = vector.shape_cast %dot_general3A_9 : vector<2048x512xf32> to vector<1x2048x512xf32>
    tpu.vector_store %arg4[%swap3A, %swap3A_10, %swap3A_11], %swap3A_14 {strides = array<i32>} : memref<1x2048x512xf32, #tpu.memory_space<vmem>>, vector<1x2048x512xf32>,
    return
  }
  func.func @transform_0(%arg0: i32, %arg1: i32) -> (i32, i32, i32) {
    %c0_i32 = arith.constant 0 : i32
    %c0_i32_0 = arith.constant 0 : i32
    %c0_i32_1 = arith.constant 0 : i32
    return %arg0, %c0_i32, %c0_i32_0 : i32, i32, i32
  }
  func.func @transform_1(%arg0: i32, %arg1: i32) -> (i32, i32, i32) {
    %c0_i32 = arith.constant 0 : i32
    %c0_i32_0 = arith.constant 0 : i32
    return %arg0, %c0_i32, %arg1 : i32, i32, i32
  }
  func.func @transform_2(%arg0: i32, %arg1: i32) -> (i32, i32, i32) {
    %c0_i32 = arith.constant 0 : i32
    %c0_i32_0 = arith.constant 0 : i32
    return %arg0, %c0_i32, %arg1 : i32, i32, i32
  }
}

module attributes {stable_mosaic.version = 14 : i64} {
  func.func @body(%arg0: memref<2048x1024xf32, #tpu.memory_space<vmem>>, %arg1: memref<2048x1024xf32, #tpu.memory_space<vmem>>, %arg2: memref<2048x1024xf32, #tpu.memory_space<vmem>>, %arg3: memref<2048x128xf32, #tpu.memory_space<vmem>>, %arg4: memref<2048x128xf32, #tpu.memory_space<vmem>>, %arg5: memref<1x1024xf32, #tpu.memory_space<vmem>>, %arg6: memref<1024x1024xbf16, #tpu.memory_space<vmem>>, %arg7: memref<1024x256xbf16, #tpu.memory_space<vmem>>, %arg8: memref<1024x256xbf16, #tpu.memory_space<vmem>>, %arg9: memref<2048x1024xf32, #tpu.memory_space<vmem>>, %arg10: memref<2048x256xf32, #tpu.memory_space<vmem>>, %arg11: memref<2048x256xf32, #tpu.memory_space<vmem>>) attributes {dimension_semantics = [], scalar_prefetch = 0 : i64, scratch_operands = 0 : i64, tpu.core_type = #tpu.core_type<tc>} {
    %get3A = arith.constant 0 : index
    %get3A_0 = arith.constant 0 : index
    %get3A_1 = vector.load %arg0[%get3A, %get3A_0] : memref<2048x1024xf32, #tpu.memory_space<vmem>>, vector<2048x1024xf32>
    %get3A_2 = arith.constant 0 : index
    %get3A_3 = arith.constant 0 : index
    %get3A_4 = vector.load %arg3[%get3A_2, %get3A_3] : memref<2048x128xf32, #tpu.memory_space<vmem>>, vector<2048x128xf32>
    %reduce_max3A = arith.constant dense<0xFF800000> : vector<2048xf32>
    %reduce_max3A_5 = vector.multi_reduction <maximumf>, %get3A_4, %reduce_max3A [1] : vector<2048x128xf32> to vector<2048xf32>
    %broadcast_in_dim3A = vector.shape_cast %reduce_max3A_5 : vector<2048xf32> to vector<2048x1xf32>
    %get3A_6 = arith.constant 0 : index
    %get3A_7 = arith.constant 0 : index
    %get3A_8 = vector.load %arg4[%get3A_6, %get3A_7] : memref<2048x128xf32, #tpu.memory_space<vmem>>, vector<2048x128xf32>
    %reduce_max3A_9 = arith.constant dense<0xFF800000> : vector<2048xf32>
    %reduce_max3A_10 = vector.multi_reduction <maximumf>, %get3A_8, %reduce_max3A_9 [1] : vector<2048x128xf32> to vector<2048xf32>
    %broadcast_in_dim3A_11 = vector.shape_cast %reduce_max3A_10 : vector<2048xf32> to vector<2048x1xf32>
    %get3A_12 = arith.constant 0 : index
    %get3A_13 = arith.constant 0 : index
    %get3A_14 = vector.load %arg1[%get3A_12, %get3A_13] : memref<2048x1024xf32, #tpu.memory_space<vmem>>, vector<2048x1024xf32>
    %mul3A = vector.broadcast %broadcast_in_dim3A : vector<2048x1xf32> to vector<2048x1024xf32>
    %mul3A_15 = arith.mulf %mul3A, %get3A_14 : vector<2048x1024xf32>
    %get3A_16 = arith.constant 0 : index
    %get3A_17 = arith.constant 0 : index
    %get3A_18 = vector.load %arg2[%get3A_16, %get3A_17] : memref<2048x1024xf32, #tpu.memory_space<vmem>>, vector<2048x1024xf32>
    %mul3A_19 = vector.broadcast %broadcast_in_dim3A_11 : vector<2048x1xf32> to vector<2048x1024xf32>
    %mul3A_20 = arith.mulf %mul3A_19, %get3A_18 : vector<2048x1024xf32>
    %add3A = arith.addf %mul3A_15, %mul3A_20 : vector<2048x1024xf32>
    %add3A_21 = arith.addf %get3A_1, %add3A : vector<2048x1024xf32>
    %get3A_22 = arith.constant 0 : index
    %get3A_23 = arith.constant 0 : index
    %get3A_24 = vector.load %arg5[%get3A_22, %get3A_23] : memref<1x1024xf32, #tpu.memory_space<vmem>>, vector<1x1024xf32>
    %mul3A_25 = arith.mulf %add3A_21, %add3A_21 : vector<2048x1024xf32>
    %slice3A = vector.extract_strided_slice %mul3A_25 {offsets = [0, 0], sizes = [2048, 512], strides = [1, 1]} : vector<2048x1024xf32> to vector<2048x512xf32>
    %slice3A_26 = vector.extract_strided_slice %mul3A_25 {offsets = [0, 512], sizes = [2048, 512], strides = [1, 1]} : vector<2048x1024xf32> to vector<2048x512xf32>
    %add3A_27 = arith.addf %slice3A, %slice3A_26 : vector<2048x512xf32>
    %slice3A_28 = vector.extract_strided_slice %add3A_27 {offsets = [0, 0], sizes = [2048, 256], strides = [1, 1]} : vector<2048x512xf32> to vector<2048x256xf32>
    %slice3A_29 = vector.extract_strided_slice %add3A_27 {offsets = [0, 256], sizes = [2048, 256], strides = [1, 1]} : vector<2048x512xf32> to vector<2048x256xf32>
    %add3A_30 = arith.addf %slice3A_28, %slice3A_29 : vector<2048x256xf32>
    %slice3A_31 = vector.extract_strided_slice %add3A_30 {offsets = [0, 0], sizes = [2048, 128], strides = [1, 1]} : vector<2048x256xf32> to vector<2048x128xf32>
    %slice3A_32 = vector.extract_strided_slice %add3A_30 {offsets = [0, 128], sizes = [2048, 128], strides = [1, 1]} : vector<2048x256xf32> to vector<2048x128xf32>
    %add3A_33 = arith.addf %slice3A_31, %slice3A_32 : vector<2048x128xf32>
    %slice3A_34 = vector.extract_strided_slice %add3A_33 {offsets = [0, 0], sizes = [2048, 64], strides = [1, 1]} : vector<2048x128xf32> to vector<2048x64xf32>
    %slice3A_35 = vector.extract_strided_slice %add3A_33 {offsets = [0, 64], sizes = [2048, 64], strides = [1, 1]} : vector<2048x128xf32> to vector<2048x64xf32>
    %add3A_36 = arith.addf %slice3A_34, %slice3A_35 : vector<2048x64xf32>
    %slice3A_37 = vector.extract_strided_slice %add3A_36 {offsets = [0, 0], sizes = [2048, 32], strides = [1, 1]} : vector<2048x64xf32> to vector<2048x32xf32>
    %slice3A_38 = vector.extract_strided_slice %add3A_36 {offsets = [0, 32], sizes = [2048, 32], strides = [1, 1]} : vector<2048x64xf32> to vector<2048x32xf32>
    %add3A_39 = arith.addf %slice3A_37, %slice3A_38 : vector<2048x32xf32>
    %slice3A_40 = vector.extract_strided_slice %add3A_39 {offsets = [0, 0], sizes = [2048, 16], strides = [1, 1]} : vector<2048x32xf32> to vector<2048x16xf32>
    %slice3A_41 = vector.extract_strided_slice %add3A_39 {offsets = [0, 16], sizes = [2048, 16], strides = [1, 1]} : vector<2048x32xf32> to vector<2048x16xf32>
    %add3A_42 = arith.addf %slice3A_40, %slice3A_41 : vector<2048x16xf32>
    %slice3A_43 = vector.extract_strided_slice %add3A_42 {offsets = [0, 0], sizes = [2048, 8], strides = [1, 1]} : vector<2048x16xf32> to vector<2048x8xf32>
    %slice3A_44 = vector.extract_strided_slice %add3A_42 {offsets = [0, 8], sizes = [2048, 8], strides = [1, 1]} : vector<2048x16xf32> to vector<2048x8xf32>
    %add3A_45 = arith.addf %slice3A_43, %slice3A_44 : vector<2048x8xf32>
    %slice3A_46 = vector.extract_strided_slice %add3A_45 {offsets = [0, 0], sizes = [2048, 4], strides = [1, 1]} : vector<2048x8xf32> to vector<2048x4xf32>
    %slice3A_47 = vector.extract_strided_slice %add3A_45 {offsets = [0, 4], sizes = [2048, 4], strides = [1, 1]} : vector<2048x8xf32> to vector<2048x4xf32>
    %add3A_48 = arith.addf %slice3A_46, %slice3A_47 : vector<2048x4xf32>
    %slice3A_49 = vector.extract_strided_slice %add3A_48 {offsets = [0, 0], sizes = [2048, 2], strides = [1, 1]} : vector<2048x4xf32> to vector<2048x2xf32>
    %slice3A_50 = vector.extract_strided_slice %add3A_48 {offsets = [0, 2], sizes = [2048, 2], strides = [1, 1]} : vector<2048x4xf32> to vector<2048x2xf32>
    %add3A_51 = arith.addf %slice3A_49, %slice3A_50 : vector<2048x2xf32>
    %slice3A_52 = vector.extract_strided_slice %add3A_51 {offsets = [0, 0], sizes = [2048, 1], strides = [1, 1]} : vector<2048x2xf32> to vector<2048x1xf32>
    %slice3A_53 = vector.extract_strided_slice %add3A_51 {offsets = [0, 1], sizes = [2048, 1], strides = [1, 1]} : vector<2048x2xf32> to vector<2048x1xf32>
    %add3A_54 = arith.addf %slice3A_52, %slice3A_53 : vector<2048x1xf32>
    %div3A = arith.constant 1.024000e+03 : f32
    %div3A_55 = vector.broadcast %div3A : f32 to vector<2048x1xf32>
    %div3A_56 = arith.divf %add3A_54, %div3A_55 : vector<2048x1xf32>
    %mul3A_57 = vector.broadcast %get3A_24 : vector<1x1024xf32> to vector<2048x1024xf32>
    %mul3A_58 = arith.mulf %add3A_21, %mul3A_57 : vector<2048x1024xf32>
    %add3A_59 = arith.constant 9.99999997E-7 : f32
    %add3A_60 = vector.broadcast %add3A_59 : f32 to vector<2048x1xf32>
    %add3A_61 = arith.addf %div3A_56, %add3A_60 : vector<2048x1xf32>
    %rsqrt3A = math.rsqrt %add3A_61 : vector<2048x1xf32>
    %mul3A_62 = vector.broadcast %rsqrt3A : vector<2048x1xf32> to vector<2048x1024xf32>
    %mul3A_63 = arith.mulf %mul3A_58, %mul3A_62 : vector<2048x1024xf32>
    %convert_element_type3A = arith.truncf %mul3A_63 : vector<2048x1024xf32> to vector<2048x1024xbf16>
    %get3A_64 = arith.constant 0 : index
    %get3A_65 = arith.constant 0 : index
    %get3A_66 = vector.load %arg6[%get3A_64, %get3A_65] : memref<1024x1024xbf16, #tpu.memory_space<vmem>>, vector<1024x1024xbf16>
    %dot_general3A = arith.constant dense<0.000000e+00> : vector<2048x1024xf32>
    %dot_general3A_67 = tpu.matmul %convert_element_type3A, %get3A_66, %dot_general3A {dimension_numbers = #tpu.dot_dimension_numbers<[1], [0], [0], [1], [0, 0, 1, 1], [], []>, transpose_lhs_hint = false} : vector<2048x1024xbf16>, vector<1024x1024xbf16>, vector<2048x1024xf32> -> vector<2048x1024xf32>
    %swap3A = arith.constant 0 : index
    %swap3A_68 = arith.constant 0 : index
    %swap3A_69 = vector.load %arg9[%swap3A, %swap3A_68] : memref<2048x1024xf32, #tpu.memory_space<vmem>>, vector<2048x1024xf32>
    tpu.vector_store %arg9[%swap3A, %swap3A_68], %dot_general3A_67 {strides = array<i32>} : memref<2048x1024xf32, #tpu.memory_space<vmem>>, vector<2048x1024xf32>,
    %get3A_70 = arith.constant 0 : index
    %get3A_71 = arith.constant 0 : index
    %get3A_72 = vector.load %arg7[%get3A_70, %get3A_71] : memref<1024x256xbf16, #tpu.memory_space<vmem>>, vector<1024x256xbf16>
    %dot_general3A_73 = arith.constant dense<0.000000e+00> : vector<2048x256xf32>
    %dot_general3A_74 = tpu.matmul %convert_element_type3A, %get3A_72, %dot_general3A_73 {dimension_numbers = #tpu.dot_dimension_numbers<[1], [0], [0], [1], [0, 0, 1, 1], [], []>, transpose_lhs_hint = false} : vector<2048x1024xbf16>, vector<1024x256xbf16>, vector<2048x256xf32> -> vector<2048x256xf32>
    %swap3A_75 = arith.constant 0 : index
    %swap3A_76 = arith.constant 0 : index
    %swap3A_77 = vector.load %arg10[%swap3A_75, %swap3A_76] : memref<2048x256xf32, #tpu.memory_space<vmem>>, vector<2048x256xf32>
    tpu.vector_store %arg10[%swap3A_75, %swap3A_76], %dot_general3A_74 {strides = array<i32>} : memref<2048x256xf32, #tpu.memory_space<vmem>>, vector<2048x256xf32>,
    %get3A_78 = arith.constant 0 : index
    %get3A_79 = arith.constant 0 : index
    %get3A_80 = vector.load %arg8[%get3A_78, %get3A_79] : memref<1024x256xbf16, #tpu.memory_space<vmem>>, vector<1024x256xbf16>
    %dot_general3A_81 = arith.constant dense<0.000000e+00> : vector<2048x256xf32>
    %dot_general3A_82 = tpu.matmul %convert_element_type3A, %get3A_80, %dot_general3A_81 {dimension_numbers = #tpu.dot_dimension_numbers<[1], [0], [0], [1], [0, 0, 1, 1], [], []>, transpose_lhs_hint = false} : vector<2048x1024xbf16>, vector<1024x256xbf16>, vector<2048x256xf32> -> vector<2048x256xf32>
    %swap3A_83 = arith.constant 0 : index
    %swap3A_84 = arith.constant 0 : index
    %swap3A_85 = vector.load %arg11[%swap3A_83, %swap3A_84] : memref<2048x256xf32, #tpu.memory_space<vmem>>, vector<2048x256xf32>
    tpu.vector_store %arg11[%swap3A_83, %swap3A_84], %dot_general3A_82 {strides = array<i32>} : memref<2048x256xf32, #tpu.memory_space<vmem>>, vector<2048x256xf32>,
    return
  }
}

module attributes {stable_mosaic.version = 14 : i64} {
  func.func @body(%arg0: memref<2048x1024xbf16, #tpu.memory_space<vmem>>, %arg1: memref<1024x1024xbf16, #tpu.memory_space<vmem>>, %arg2: memref<2048x1024xf32, #tpu.memory_space<vmem>>, %arg3: memref<2048x1024xf32, #tpu.memory_space<vmem>>, %arg4: memref<2048x1024xf32, #tpu.memory_space<vmem>>, %arg5: memref<2048x128xf32, #tpu.memory_space<vmem>>, %arg6: memref<2048x128xf32, #tpu.memory_space<vmem>>, %arg7: memref<1x1024xf32, #tpu.memory_space<vmem>>, %arg8: memref<2048x1024xf32, #tpu.memory_space<vmem>>, %arg9: memref<2048x1024xf32, #tpu.memory_space<vmem>>) attributes {dimension_semantics = [], scalar_prefetch = 0 : i64, scratch_operands = 0 : i64, tpu.core_type = #tpu.core_type<tc>} {
    %get3A = arith.constant 0 : index
    %get3A_0 = arith.constant 0 : index
    %get3A_1 = vector.load %arg2[%get3A, %get3A_0] : memref<2048x1024xf32, #tpu.memory_space<vmem>>, vector<2048x1024xf32>
    %get3A_2 = arith.constant 0 : index
    %get3A_3 = arith.constant 0 : index
    %get3A_4 = vector.load %arg5[%get3A_2, %get3A_3] : memref<2048x128xf32, #tpu.memory_space<vmem>>, vector<2048x128xf32>
    %reduce_max3A = arith.constant dense<0xFF800000> : vector<2048xf32>
    %reduce_max3A_5 = vector.multi_reduction <maximumf>, %get3A_4, %reduce_max3A [1] : vector<2048x128xf32> to vector<2048xf32>
    %broadcast_in_dim3A = vector.shape_cast %reduce_max3A_5 : vector<2048xf32> to vector<2048x1xf32>
    %get3A_6 = arith.constant 0 : index
    %get3A_7 = arith.constant 0 : index
    %get3A_8 = vector.load %arg6[%get3A_6, %get3A_7] : memref<2048x128xf32, #tpu.memory_space<vmem>>, vector<2048x128xf32>
    %reduce_max3A_9 = arith.constant dense<0xFF800000> : vector<2048xf32>
    %reduce_max3A_10 = vector.multi_reduction <maximumf>, %get3A_8, %reduce_max3A_9 [1] : vector<2048x128xf32> to vector<2048xf32>
    %broadcast_in_dim3A_11 = vector.shape_cast %reduce_max3A_10 : vector<2048xf32> to vector<2048x1xf32>
    %get3A_12 = arith.constant 0 : index
    %get3A_13 = arith.constant 0 : index
    %get3A_14 = vector.load %arg3[%get3A_12, %get3A_13] : memref<2048x1024xf32, #tpu.memory_space<vmem>>, vector<2048x1024xf32>
    %mul3A = vector.broadcast %broadcast_in_dim3A : vector<2048x1xf32> to vector<2048x1024xf32>
    %mul3A_15 = arith.mulf %mul3A, %get3A_14 : vector<2048x1024xf32>
    %get3A_16 = arith.constant 0 : index
    %get3A_17 = arith.constant 0 : index
    %get3A_18 = vector.load %arg4[%get3A_16, %get3A_17] : memref<2048x1024xf32, #tpu.memory_space<vmem>>, vector<2048x1024xf32>
    %mul3A_19 = vector.broadcast %broadcast_in_dim3A_11 : vector<2048x1xf32> to vector<2048x1024xf32>
    %mul3A_20 = arith.mulf %mul3A_19, %get3A_18 : vector<2048x1024xf32>
    %add3A = arith.addf %mul3A_15, %mul3A_20 : vector<2048x1024xf32>
    %add3A_21 = arith.addf %get3A_1, %add3A : vector<2048x1024xf32>
    %get3A_22 = arith.constant 0 : index
    %get3A_23 = arith.constant 0 : index
    %get3A_24 = vector.load %arg0[%get3A_22, %get3A_23] : memref<2048x1024xbf16, #tpu.memory_space<vmem>>, vector<2048x1024xbf16>
    %get3A_25 = arith.constant 0 : index
    %get3A_26 = arith.constant 0 : index
    %get3A_27 = vector.load %arg1[%get3A_25, %get3A_26] : memref<1024x1024xbf16, #tpu.memory_space<vmem>>, vector<1024x1024xbf16>
    %dot_general3A = arith.constant dense<0.000000e+00> : vector<2048x1024xf32>
    %dot_general3A_28 = tpu.matmul %get3A_24, %get3A_27, %dot_general3A {dimension_numbers = #tpu.dot_dimension_numbers<[1], [0], [0], [1], [0, 0, 1, 1], [], []>, transpose_lhs_hint = false} : vector<2048x1024xbf16>, vector<1024x1024xbf16>, vector<2048x1024xf32> -> vector<2048x1024xf32>
    %add3A_29 = arith.addf %add3A_21, %dot_general3A_28 : vector<2048x1024xf32>
    %swap3A = arith.constant 0 : index
    %swap3A_30 = arith.constant 0 : index
    %swap3A_31 = vector.load %arg8[%swap3A, %swap3A_30] : memref<2048x1024xf32, #tpu.memory_space<vmem>>, vector<2048x1024xf32>
    tpu.vector_store %arg8[%swap3A, %swap3A_30], %add3A_29 {strides = array<i32>} : memref<2048x1024xf32, #tpu.memory_space<vmem>>, vector<2048x1024xf32>,
    %get3A_32 = arith.constant 0 : index
    %get3A_33 = arith.constant 0 : index
    %get3A_34 = vector.load %arg7[%get3A_32, %get3A_33] : memref<1x1024xf32, #tpu.memory_space<vmem>>, vector<1x1024xf32>
    %mul3A_35 = arith.mulf %add3A_29, %add3A_29 : vector<2048x1024xf32>
    %slice3A = vector.extract_strided_slice %mul3A_35 {offsets = [0, 0], sizes = [2048, 512], strides = [1, 1]} : vector<2048x1024xf32> to vector<2048x512xf32>
    %slice3A_36 = vector.extract_strided_slice %mul3A_35 {offsets = [0, 512], sizes = [2048, 512], strides = [1, 1]} : vector<2048x1024xf32> to vector<2048x512xf32>
    %add3A_37 = arith.addf %slice3A, %slice3A_36 : vector<2048x512xf32>
    %slice3A_38 = vector.extract_strided_slice %add3A_37 {offsets = [0, 0], sizes = [2048, 256], strides = [1, 1]} : vector<2048x512xf32> to vector<2048x256xf32>
    %slice3A_39 = vector.extract_strided_slice %add3A_37 {offsets = [0, 256], sizes = [2048, 256], strides = [1, 1]} : vector<2048x512xf32> to vector<2048x256xf32>
    %add3A_40 = arith.addf %slice3A_38, %slice3A_39 : vector<2048x256xf32>
    %slice3A_41 = vector.extract_strided_slice %add3A_40 {offsets = [0, 0], sizes = [2048, 128], strides = [1, 1]} : vector<2048x256xf32> to vector<2048x128xf32>
    %slice3A_42 = vector.extract_strided_slice %add3A_40 {offsets = [0, 128], sizes = [2048, 128], strides = [1, 1]} : vector<2048x256xf32> to vector<2048x128xf32>
    %add3A_43 = arith.addf %slice3A_41, %slice3A_42 : vector<2048x128xf32>
    %slice3A_44 = vector.extract_strided_slice %add3A_43 {offsets = [0, 0], sizes = [2048, 64], strides = [1, 1]} : vector<2048x128xf32> to vector<2048x64xf32>
    %slice3A_45 = vector.extract_strided_slice %add3A_43 {offsets = [0, 64], sizes = [2048, 64], strides = [1, 1]} : vector<2048x128xf32> to vector<2048x64xf32>
    %add3A_46 = arith.addf %slice3A_44, %slice3A_45 : vector<2048x64xf32>
    %slice3A_47 = vector.extract_strided_slice %add3A_46 {offsets = [0, 0], sizes = [2048, 32], strides = [1, 1]} : vector<2048x64xf32> to vector<2048x32xf32>
    %slice3A_48 = vector.extract_strided_slice %add3A_46 {offsets = [0, 32], sizes = [2048, 32], strides = [1, 1]} : vector<2048x64xf32> to vector<2048x32xf32>
    %add3A_49 = arith.addf %slice3A_47, %slice3A_48 : vector<2048x32xf32>
    %slice3A_50 = vector.extract_strided_slice %add3A_49 {offsets = [0, 0], sizes = [2048, 16], strides = [1, 1]} : vector<2048x32xf32> to vector<2048x16xf32>
    %slice3A_51 = vector.extract_strided_slice %add3A_49 {offsets = [0, 16], sizes = [2048, 16], strides = [1, 1]} : vector<2048x32xf32> to vector<2048x16xf32>
    %add3A_52 = arith.addf %slice3A_50, %slice3A_51 : vector<2048x16xf32>
    %slice3A_53 = vector.extract_strided_slice %add3A_52 {offsets = [0, 0], sizes = [2048, 8], strides = [1, 1]} : vector<2048x16xf32> to vector<2048x8xf32>
    %slice3A_54 = vector.extract_strided_slice %add3A_52 {offsets = [0, 8], sizes = [2048, 8], strides = [1, 1]} : vector<2048x16xf32> to vector<2048x8xf32>
    %add3A_55 = arith.addf %slice3A_53, %slice3A_54 : vector<2048x8xf32>
    %slice3A_56 = vector.extract_strided_slice %add3A_55 {offsets = [0, 0], sizes = [2048, 4], strides = [1, 1]} : vector<2048x8xf32> to vector<2048x4xf32>
    %slice3A_57 = vector.extract_strided_slice %add3A_55 {offsets = [0, 4], sizes = [2048, 4], strides = [1, 1]} : vector<2048x8xf32> to vector<2048x4xf32>
    %add3A_58 = arith.addf %slice3A_56, %slice3A_57 : vector<2048x4xf32>
    %slice3A_59 = vector.extract_strided_slice %add3A_58 {offsets = [0, 0], sizes = [2048, 2], strides = [1, 1]} : vector<2048x4xf32> to vector<2048x2xf32>
    %slice3A_60 = vector.extract_strided_slice %add3A_58 {offsets = [0, 2], sizes = [2048, 2], strides = [1, 1]} : vector<2048x4xf32> to vector<2048x2xf32>
    %add3A_61 = arith.addf %slice3A_59, %slice3A_60 : vector<2048x2xf32>
    %slice3A_62 = vector.extract_strided_slice %add3A_61 {offsets = [0, 0], sizes = [2048, 1], strides = [1, 1]} : vector<2048x2xf32> to vector<2048x1xf32>
    %slice3A_63 = vector.extract_strided_slice %add3A_61 {offsets = [0, 1], sizes = [2048, 1], strides = [1, 1]} : vector<2048x2xf32> to vector<2048x1xf32>
    %add3A_64 = arith.addf %slice3A_62, %slice3A_63 : vector<2048x1xf32>
    %div3A = arith.constant 1.024000e+03 : f32
    %div3A_65 = vector.broadcast %div3A : f32 to vector<2048x1xf32>
    %div3A_66 = arith.divf %add3A_64, %div3A_65 : vector<2048x1xf32>
    %mul3A_67 = vector.broadcast %get3A_34 : vector<1x1024xf32> to vector<2048x1024xf32>
    %mul3A_68 = arith.mulf %add3A_29, %mul3A_67 : vector<2048x1024xf32>
    %add3A_69 = arith.constant 9.99999997E-7 : f32
    %add3A_70 = vector.broadcast %add3A_69 : f32 to vector<2048x1xf32>
    %add3A_71 = arith.addf %div3A_66, %add3A_70 : vector<2048x1xf32>
    %rsqrt3A = math.rsqrt %add3A_71 : vector<2048x1xf32>
    %mul3A_72 = vector.broadcast %rsqrt3A : vector<2048x1xf32> to vector<2048x1024xf32>
    %mul3A_73 = arith.mulf %mul3A_68, %mul3A_72 : vector<2048x1024xf32>
    %swap3A_74 = arith.constant 0 : index
    %swap3A_75 = arith.constant 0 : index
    %swap3A_76 = vector.load %arg9[%swap3A_74, %swap3A_75] : memref<2048x1024xf32, #tpu.memory_space<vmem>>, vector<2048x1024xf32>
    tpu.vector_store %arg9[%swap3A_74, %swap3A_75], %mul3A_73 {strides = array<i32>} : memref<2048x1024xf32, #tpu.memory_space<vmem>>, vector<2048x1024xf32>,
    return
  }
}

module attributes {stable_mosaic.version = 14 : i64} {
  func.func @body(%arg0: i32, %arg1: memref<32x128xf32, #tpu.memory_space<vmem>>, %arg2: memref<32x128xf32, #tpu.memory_space<vmem>>, %arg3: memref<256x128xf32, #tpu.memory_space<vmem>>, %arg4: memref<256x128xf32, #tpu.memory_space<vmem>>) attributes {dimension_semantics = [#tpu.dimension_semantics<arbitrary>], iteration_bounds = array<i64: 24>, scalar_prefetch = 0 : i64, scratch_operands = 0 : i64, tpu.core_type = #tpu.core_type<tc>, window_params = [{pipeline_mode = #tpu.pipeline_mode<synchronous>, transform_indices = @transform_0, window_bounds = array<i64: 32, 128>}, {pipeline_mode = #tpu.pipeline_mode<synchronous>, transform_indices = @transform_1, window_bounds = array<i64: 32, 128>}, {transform_indices = @transform_2, window_bounds = array<i64: 256, 128>}, {transform_indices = @transform_3, window_bounds = array<i64: 256, 128>}]} {
    %iota3A = tpu.iota {dimensions = array<i32: 0>} : vector<256x1xi32>
    %convert_element_type3A = arith.sitofp %iota3A : vector<256x1xi32> to vector<256x1xf32>
    %mul3A = arith.constant 256 : i32
    %mul3A_0 = arith.muli %arg0, %mul3A : i32
    %convert_element_type3A_1 = arith.sitofp %mul3A_0 : i32 to f32
    %add3A = vector.broadcast %convert_element_type3A_1 : f32 to vector<256x1xf32>
    %add3A_2 = arith.addf %convert_element_type3A, %add3A : vector<256x1xf32>
    %iota3A_3 = tpu.iota {dimensions = array<i32: 1>} : vector<1x128xi32>
    %convert_element_type3A_4 = arith.sitofp %iota3A_3 : vector<1x128xi32> to vector<1x128xf32>
    %get3A = arith.constant 0 : index
    %get3A_5 = arith.constant 0 : index
    %get3A_6 = vector.load %arg1[%get3A, %get3A_5] : memref<32x128xf32, #tpu.memory_space<vmem>>, vector<32x128xf32>
    %get3A_7 = arith.constant 0 : index
    %get3A_8 = arith.constant 0 : index
    %get3A_9 = vector.load %arg2[%get3A_7, %get3A_8] : memref<32x128xf32, #tpu.memory_space<vmem>>, vector<32x128xf32>
    %broadcast_in_dim3A = arith.constant 0.000000e+00 : f32
    %broadcast_in_dim3A_10 = vector.broadcast %broadcast_in_dim3A : f32 to vector<256x1xf32>
    %broadcast_in_dim3A_11 = arith.constant 0.000000e+00 : f32
    %broadcast_in_dim3A_12 = vector.broadcast %broadcast_in_dim3A_11 : f32 to vector<256x1xf32>
    %slice3A = vector.extract_strided_slice %get3A_6 {offsets = [0, 0], sizes = [1, 128], strides = [1, 1]} : vector<32x128xf32> to vector<1x128xf32>
    %slice3A_13 = vector.extract_strided_slice %get3A_9 {offsets = [0, 0], sizes = [1, 128], strides = [1, 1]} : vector<32x128xf32> to vector<1x128xf32>
    %eq3A = vector.broadcast %slice3A : vector<1x128xf32> to vector<256x128xf32>
    %eq3A_14 = vector.broadcast %add3A_2 : vector<256x1xf32> to vector<256x128xf32>
    %eq3A_15 = arith.cmpf oeq, %eq3A, %eq3A_14 : vector<256x128xf32>
    %convert_element_type3A_16 = arith.extui %eq3A_15 : vector<256x128xi1> to vector<256x128xi32>
    %convert_element_type3A_17 = arith.sitofp %convert_element_type3A_16 : vector<256x128xi32> to vector<256x128xf32>
    %add3A_18 = arith.constant 0.000000e+00 : f32
    %add3A_19 = vector.broadcast %add3A_18 : f32 to vector<1x128xf32>
    %add3A_20 = arith.addf %convert_element_type3A_4, %add3A_19 : vector<1x128xf32>
    %mul3A_21 = vector.broadcast %add3A_20 : vector<1x128xf32> to vector<256x128xf32>
    %mul3A_22 = arith.mulf %convert_element_type3A_17, %mul3A_21 : vector<256x128xf32>
    %reduce_sum3A = arith.constant dense<0.000000e+00> : vector<256xf32>
    %reduce_sum3A_23 = vector.multi_reduction <add>, %mul3A_22, %reduce_sum3A [1] : vector<256x128xf32> to vector<256xf32>
    %broadcast_in_dim3A_24 = vector.shape_cast %reduce_sum3A_23 : vector<256xf32> to vector<256x1xf32>
    %add3A_25 = arith.addf %broadcast_in_dim3A_10, %broadcast_in_dim3A_24 : vector<256x1xf32>
    %mul3A_26 = vector.broadcast %slice3A_13 : vector<1x128xf32> to vector<256x128xf32>
    %mul3A_27 = arith.mulf %convert_element_type3A_17, %mul3A_26 : vector<256x128xf32>
    %reduce_sum3A_28 = arith.constant dense<0.000000e+00> : vector<256xf32>
    %reduce_sum3A_29 = vector.multi_reduction <add>, %mul3A_27, %reduce_sum3A_28 [1] : vector<256x128xf32> to vector<256xf32>
    %broadcast_in_dim3A_30 = vector.shape_cast %reduce_sum3A_29 : vector<256xf32> to vector<256x1xf32>
    %add3A_31 = arith.addf %broadcast_in_dim3A_12, %broadcast_in_dim3A_30 : vector<256x1xf32>
    %slice3A_32 = vector.extract_strided_slice %get3A_6 {offsets = [1, 0], sizes = [1, 128], strides = [1, 1]} : vector<32x128xf32> to vector<1x128xf32>
    %slice3A_33 = vector.extract_strided_slice %get3A_9 {offsets = [1, 0], sizes = [1, 128], strides = [1, 1]} : vector<32x128xf32> to vector<1x128xf32>
    %eq3A_34 = vector.broadcast %slice3A_32 : vector<1x128xf32> to vector<256x128xf32>
    %eq3A_35 = vector.broadcast %add3A_2 : vector<256x1xf32> to vector<256x128xf32>
    %eq3A_36 = arith.cmpf oeq, %eq3A_34, %eq3A_35 : vector<256x128xf32>
    %convert_element_type3A_37 = arith.extui %eq3A_36 : vector<256x128xi1> to vector<256x128xi32>
    %convert_element_type3A_38 = arith.sitofp %convert_element_type3A_37 : vector<256x128xi32> to vector<256x128xf32>
    %add3A_39 = arith.constant 1.280000e+02 : f32
    %add3A_40 = vector.broadcast %add3A_39 : f32 to vector<1x128xf32>
    %add3A_41 = arith.addf %convert_element_type3A_4, %add3A_40 : vector<1x128xf32>
    %mul3A_42 = vector.broadcast %add3A_41 : vector<1x128xf32> to vector<256x128xf32>
    %mul3A_43 = arith.mulf %convert_element_type3A_38, %mul3A_42 : vector<256x128xf32>
    %reduce_sum3A_44 = arith.constant dense<0.000000e+00> : vector<256xf32>
    %reduce_sum3A_45 = vector.multi_reduction <add>, %mul3A_43, %reduce_sum3A_44 [1] : vector<256x128xf32> to vector<256xf32>
    %broadcast_in_dim3A_46 = vector.shape_cast %reduce_sum3A_45 : vector<256xf32> to vector<256x1xf32>
    %add3A_47 = arith.addf %add3A_25, %broadcast_in_dim3A_46 : vector<256x1xf32>
    %mul3A_48 = vector.broadcast %slice3A_33 : vector<1x128xf32> to vector<256x128xf32>
    %mul3A_49 = arith.mulf %convert_element_type3A_38, %mul3A_48 : vector<256x128xf32>
    %reduce_sum3A_50 = arith.constant dense<0.000000e+00> : vector<256xf32>
    %reduce_sum3A_51 = vector.multi_reduction <add>, %mul3A_49, %reduce_sum3A_50 [1] : vector<256x128xf32> to vector<256xf32>
    %broadcast_in_dim3A_52 = vector.shape_cast %reduce_sum3A_51 : vector<256xf32> to vector<256x1xf32>
    %add3A_53 = arith.addf %add3A_31, %broadcast_in_dim3A_52 : vector<256x1xf32>
    %slice3A_54 = vector.extract_strided_slice %get3A_6 {offsets = [2, 0], sizes = [1, 128], strides = [1, 1]} : vector<32x128xf32> to vector<1x128xf32>
    %slice3A_55 = vector.extract_strided_slice %get3A_9 {offsets = [2, 0], sizes = [1, 128], strides = [1, 1]} : vector<32x128xf32> to vector<1x128xf32>
    %eq3A_56 = vector.broadcast %slice3A_54 : vector<1x128xf32> to vector<256x128xf32>
    %eq3A_57 = vector.broadcast %add3A_2 : vector<256x1xf32> to vector<256x128xf32>
    %eq3A_58 = arith.cmpf oeq, %eq3A_56, %eq3A_57 : vector<256x128xf32>
    %convert_element_type3A_59 = arith.extui %eq3A_58 : vector<256x128xi1> to vector<256x128xi32>
    %convert_element_type3A_60 = arith.sitofp %convert_element_type3A_59 : vector<256x128xi32> to vector<256x128xf32>
    %add3A_61 = arith.constant 2.560000e+02 : f32
    %add3A_62 = vector.broadcast %add3A_61 : f32 to vector<1x128xf32>
    %add3A_63 = arith.addf %convert_element_type3A_4, %add3A_62 : vector<1x128xf32>
    %mul3A_64 = vector.broadcast %add3A_63 : vector<1x128xf32> to vector<256x128xf32>
    %mul3A_65 = arith.mulf %convert_element_type3A_60, %mul3A_64 : vector<256x128xf32>
    %reduce_sum3A_66 = arith.constant dense<0.000000e+00> : vector<256xf32>
    %reduce_sum3A_67 = vector.multi_reduction <add>, %mul3A_65, %reduce_sum3A_66 [1] : vector<256x128xf32> to vector<256xf32>
    %broadcast_in_dim3A_68 = vector.shape_cast %reduce_sum3A_67 : vector<256xf32> to vector<256x1xf32>
    %add3A_69 = arith.addf %add3A_47, %broadcast_in_dim3A_68 : vector<256x1xf32>
    %mul3A_70 = vector.broadcast %slice3A_55 : vector<1x128xf32> to vector<256x128xf32>
    %mul3A_71 = arith.mulf %convert_element_type3A_60, %mul3A_70 : vector<256x128xf32>
    %reduce_sum3A_72 = arith.constant dense<0.000000e+00> : vector<256xf32>
    %reduce_sum3A_73 = vector.multi_reduction <add>, %mul3A_71, %reduce_sum3A_72 [1] : vector<256x128xf32> to vector<256xf32>
    %broadcast_in_dim3A_74 = vector.shape_cast %reduce_sum3A_73 : vector<256xf32> to vector<256x1xf32>
    %add3A_75 = arith.addf %add3A_53, %broadcast_in_dim3A_74 : vector<256x1xf32>
    %slice3A_76 = vector.extract_strided_slice %get3A_6 {offsets = [3, 0], sizes = [1, 128], strides = [1, 1]} : vector<32x128xf32> to vector<1x128xf32>
    %slice3A_77 = vector.extract_strided_slice %get3A_9 {offsets = [3, 0], sizes = [1, 128], strides = [1, 1]} : vector<32x128xf32> to vector<1x128xf32>
    %eq3A_78 = vector.broadcast %slice3A_76 : vector<1x128xf32> to vector<256x128xf32>
    %eq3A_79 = vector.broadcast %add3A_2 : vector<256x1xf32> to vector<256x128xf32>
    %eq3A_80 = arith.cmpf oeq, %eq3A_78, %eq3A_79 : vector<256x128xf32>
    %convert_element_type3A_81 = arith.extui %eq3A_80 : vector<256x128xi1> to vector<256x128xi32>
    %convert_element_type3A_82 = arith.sitofp %convert_element_type3A_81 : vector<256x128xi32> to vector<256x128xf32>
    %add3A_83 = arith.constant 3.840000e+02 : f32
    %add3A_84 = vector.broadcast %add3A_83 : f32 to vector<1x128xf32>
    %add3A_85 = arith.addf %convert_element_type3A_4, %add3A_84 : vector<1x128xf32>
    %mul3A_86 = vector.broadcast %add3A_85 : vector<1x128xf32> to vector<256x128xf32>
    %mul3A_87 = arith.mulf %convert_element_type3A_82, %mul3A_86 : vector<256x128xf32>
    %reduce_sum3A_88 = arith.constant dense<0.000000e+00> : vector<256xf32>
    %reduce_sum3A_89 = vector.multi_reduction <add>, %mul3A_87, %reduce_sum3A_88 [1] : vector<256x128xf32> to vector<256xf32>
    %broadcast_in_dim3A_90 = vector.shape_cast %reduce_sum3A_89 : vector<256xf32> to vector<256x1xf32>
    %add3A_91 = arith.addf %add3A_69, %broadcast_in_dim3A_90 : vector<256x1xf32>
    %mul3A_92 = vector.broadcast %slice3A_77 : vector<1x128xf32> to vector<256x128xf32>
    %mul3A_93 = arith.mulf %convert_element_type3A_82, %mul3A_92 : vector<256x128xf32>
    %reduce_sum3A_94 = arith.constant dense<0.000000e+00> : vector<256xf32>
    %reduce_sum3A_95 = vector.multi_reduction <add>, %mul3A_93, %reduce_sum3A_94 [1] : vector<256x128xf32> to vector<256xf32>
    %broadcast_in_dim3A_96 = vector.shape_cast %reduce_sum3A_95 : vector<256xf32> to vector<256x1xf32>
    %add3A_97 = arith.addf %add3A_75, %broadcast_in_dim3A_96 : vector<256x1xf32>
    %slice3A_98 = vector.extract_strided_slice %get3A_6 {offsets = [4, 0], sizes = [1, 128], strides = [1, 1]} : vector<32x128xf32> to vector<1x128xf32>
    %slice3A_99 = vector.extract_strided_slice %get3A_9 {offsets = [4, 0], sizes = [1, 128], strides = [1, 1]} : vector<32x128xf32> to vector<1x128xf32>
    %eq3A_100 = vector.broadcast %slice3A_98 : vector<1x128xf32> to vector<256x128xf32>
    %eq3A_101 = vector.broadcast %add3A_2 : vector<256x1xf32> to vector<256x128xf32>
    %eq3A_102 = arith.cmpf oeq, %eq3A_100, %eq3A_101 : vector<256x128xf32>
    %convert_element_type3A_103 = arith.extui %eq3A_102 : vector<256x128xi1> to vector<256x128xi32>
    %convert_element_type3A_104 = arith.sitofp %convert_element_type3A_103 : vector<256x128xi32> to vector<256x128xf32>
    %add3A_105 = arith.constant 5.120000e+02 : f32
    %add3A_106 = vector.broadcast %add3A_105 : f32 to vector<1x128xf32>
    %add3A_107 = arith.addf %convert_element_type3A_4, %add3A_106 : vector<1x128xf32>
    %mul3A_108 = vector.broadcast %add3A_107 : vector<1x128xf32> to vector<256x128xf32>
    %mul3A_109 = arith.mulf %convert_element_type3A_104, %mul3A_108 : vector<256x128xf32>
    %reduce_sum3A_110 = arith.constant dense<0.000000e+00> : vector<256xf32>
    %reduce_sum3A_111 = vector.multi_reduction <add>, %mul3A_109, %reduce_sum3A_110 [1] : vector<256x128xf32> to vector<256xf32>
    %broadcast_in_dim3A_112 = vector.shape_cast %reduce_sum3A_111 : vector<256xf32> to vector<256x1xf32>
    %add3A_113 = arith.addf %add3A_91, %broadcast_in_dim3A_112 : vector<256x1xf32>
    %mul3A_114 = vector.broadcast %slice3A_99 : vector<1x128xf32> to vector<256x128xf32>
    %mul3A_115 = arith.mulf %convert_element_type3A_104, %mul3A_114 : vector<256x128xf32>
    %reduce_sum3A_116 = arith.constant dense<0.000000e+00> : vector<256xf32>
    %reduce_sum3A_117 = vector.multi_reduction <add>, %mul3A_115, %reduce_sum3A_116 [1] : vector<256x128xf32> to vector<256xf32>
    %broadcast_in_dim3A_118 = vector.shape_cast %reduce_sum3A_117 : vector<256xf32> to vector<256x1xf32>
    %add3A_119 = arith.addf %add3A_97, %broadcast_in_dim3A_118 : vector<256x1xf32>
    %slice3A_120 = vector.extract_strided_slice %get3A_6 {offsets = [5, 0], sizes = [1, 128], strides = [1, 1]} : vector<32x128xf32> to vector<1x128xf32>
    %slice3A_121 = vector.extract_strided_slice %get3A_9 {offsets = [5, 0], sizes = [1, 128], strides = [1, 1]} : vector<32x128xf32> to vector<1x128xf32>
    %eq3A_122 = vector.broadcast %slice3A_120 : vector<1x128xf32> to vector<256x128xf32>
    %eq3A_123 = vector.broadcast %add3A_2 : vector<256x1xf32> to vector<256x128xf32>
    %eq3A_124 = arith.cmpf oeq, %eq3A_122, %eq3A_123 : vector<256x128xf32>
    %convert_element_type3A_125 = arith.extui %eq3A_124 : vector<256x128xi1> to vector<256x128xi32>
    %convert_element_type3A_126 = arith.sitofp %convert_element_type3A_125 : vector<256x128xi32> to vector<256x128xf32>
    %add3A_127 = arith.constant 6.400000e+02 : f32
    %add3A_128 = vector.broadcast %add3A_127 : f32 to vector<1x128xf32>
    %add3A_129 = arith.addf %convert_element_type3A_4, %add3A_128 : vector<1x128xf32>
    %mul3A_130 = vector.broadcast %add3A_129 : vector<1x128xf32> to vector<256x128xf32>
    %mul3A_131 = arith.mulf %convert_element_type3A_126, %mul3A_130 : vector<256x128xf32>
    %reduce_sum3A_132 = arith.constant dense<0.000000e+00> : vector<256xf32>
    %reduce_sum3A_133 = vector.multi_reduction <add>, %mul3A_131, %reduce_sum3A_132 [1] : vector<256x128xf32> to vector<256xf32>
    %broadcast_in_dim3A_134 = vector.shape_cast %reduce_sum3A_133 : vector<256xf32> to vector<256x1xf32>
    %add3A_135 = arith.addf %add3A_113, %broadcast_in_dim3A_134 : vector<256x1xf32>
    %mul3A_136 = vector.broadcast %slice3A_121 : vector<1x128xf32> to vector<256x128xf32>
    %mul3A_137 = arith.mulf %convert_element_type3A_126, %mul3A_136 : vector<256x128xf32>
    %reduce_sum3A_138 = arith.constant dense<0.000000e+00> : vector<256xf32>
    %reduce_sum3A_139 = vector.multi_reduction <add>, %mul3A_137, %reduce_sum3A_138 [1] : vector<256x128xf32> to vector<256xf32>
    %broadcast_in_dim3A_140 = vector.shape_cast %reduce_sum3A_139 : vector<256xf32> to vector<256x1xf32>
    %add3A_141 = arith.addf %add3A_119, %broadcast_in_dim3A_140 : vector<256x1xf32>
    %slice3A_142 = vector.extract_strided_slice %get3A_6 {offsets = [6, 0], sizes = [1, 128], strides = [1, 1]} : vector<32x128xf32> to vector<1x128xf32>
    %slice3A_143 = vector.extract_strided_slice %get3A_9 {offsets = [6, 0], sizes = [1, 128], strides = [1, 1]} : vector<32x128xf32> to vector<1x128xf32>
    %eq3A_144 = vector.broadcast %slice3A_142 : vector<1x128xf32> to vector<256x128xf32>
    %eq3A_145 = vector.broadcast %add3A_2 : vector<256x1xf32> to vector<256x128xf32>
    %eq3A_146 = arith.cmpf oeq, %eq3A_144, %eq3A_145 : vector<256x128xf32>
    %convert_element_type3A_147 = arith.extui %eq3A_146 : vector<256x128xi1> to vector<256x128xi32>
    %convert_element_type3A_148 = arith.sitofp %convert_element_type3A_147 : vector<256x128xi32> to vector<256x128xf32>
    %add3A_149 = arith.constant 7.680000e+02 : f32
    %add3A_150 = vector.broadcast %add3A_149 : f32 to vector<1x128xf32>
    %add3A_151 = arith.addf %convert_element_type3A_4, %add3A_150 : vector<1x128xf32>
    %mul3A_152 = vector.broadcast %add3A_151 : vector<1x128xf32> to vector<256x128xf32>
    %mul3A_153 = arith.mulf %convert_element_type3A_148, %mul3A_152 : vector<256x128xf32>
    %reduce_sum3A_154 = arith.constant dense<0.000000e+00> : vector<256xf32>
    %reduce_sum3A_155 = vector.multi_reduction <add>, %mul3A_153, %reduce_sum3A_154 [1] : vector<256x128xf32> to vector<256xf32>
    %broadcast_in_dim3A_156 = vector.shape_cast %reduce_sum3A_155 : vector<256xf32> to vector<256x1xf32>
    %add3A_157 = arith.addf %add3A_135, %broadcast_in_dim3A_156 : vector<256x1xf32>
    %mul3A_158 = vector.broadcast %slice3A_143 : vector<1x128xf32> to vector<256x128xf32>
    %mul3A_159 = arith.mulf %convert_element_type3A_148, %mul3A_158 : vector<256x128xf32>
    %reduce_sum3A_160 = arith.constant dense<0.000000e+00> : vector<256xf32>
    %reduce_sum3A_161 = vector.multi_reduction <add>, %mul3A_159, %reduce_sum3A_160 [1] : vector<256x128xf32> to vector<256xf32>
    %broadcast_in_dim3A_162 = vector.shape_cast %reduce_sum3A_161 : vector<256xf32> to vector<256x1xf32>
    %add3A_163 = arith.addf %add3A_141, %broadcast_in_dim3A_162 : vector<256x1xf32>
    %slice3A_164 = vector.extract_strided_slice %get3A_6 {offsets = [7, 0], sizes = [1, 128], strides = [1, 1]} : vector<32x128xf32> to vector<1x128xf32>
    %slice3A_165 = vector.extract_strided_slice %get3A_9 {offsets = [7, 0], sizes = [1, 128], strides = [1, 1]} : vector<32x128xf32> to vector<1x128xf32>
    %eq3A_166 = vector.broadcast %slice3A_164 : vector<1x128xf32> to vector<256x128xf32>
    %eq3A_167 = vector.broadcast %add3A_2 : vector<256x1xf32> to vector<256x128xf32>
    %eq3A_168 = arith.cmpf oeq, %eq3A_166, %eq3A_167 : vector<256x128xf32>
    %convert_element_type3A_169 = arith.extui %eq3A_168 : vector<256x128xi1> to vector<256x128xi32>
    %convert_element_type3A_170 = arith.sitofp %convert_element_type3A_169 : vector<256x128xi32> to vector<256x128xf32>
    %add3A_171 = arith.constant 8.960000e+02 : f32
    %add3A_172 = vector.broadcast %add3A_171 : f32 to vector<1x128xf32>
    %add3A_173 = arith.addf %convert_element_type3A_4, %add3A_172 : vector<1x128xf32>
    %mul3A_174 = vector.broadcast %add3A_173 : vector<1x128xf32> to vector<256x128xf32>
    %mul3A_175 = arith.mulf %convert_element_type3A_170, %mul3A_174 : vector<256x128xf32>
    %reduce_sum3A_176 = arith.constant dense<0.000000e+00> : vector<256xf32>
    %reduce_sum3A_177 = vector.multi_reduction <add>, %mul3A_175, %reduce_sum3A_176 [1] : vector<256x128xf32> to vector<256xf32>
    %broadcast_in_dim3A_178 = vector.shape_cast %reduce_sum3A_177 : vector<256xf32> to vector<256x1xf32>
    %add3A_179 = arith.addf %add3A_157, %broadcast_in_dim3A_178 : vector<256x1xf32>
    %mul3A_180 = vector.broadcast %slice3A_165 : vector<1x128xf32> to vector<256x128xf32>
    %mul3A_181 = arith.mulf %convert_element_type3A_170, %mul3A_180 : vector<256x128xf32>
    %reduce_sum3A_182 = arith.constant dense<0.000000e+00> : vector<256xf32>
    %reduce_sum3A_183 = vector.multi_reduction <add>, %mul3A_181, %reduce_sum3A_182 [1] : vector<256x128xf32> to vector<256xf32>
    %broadcast_in_dim3A_184 = vector.shape_cast %reduce_sum3A_183 : vector<256xf32> to vector<256x1xf32>
    %add3A_185 = arith.addf %add3A_163, %broadcast_in_dim3A_184 : vector<256x1xf32>
    %slice3A_186 = vector.extract_strided_slice %get3A_6 {offsets = [8, 0], sizes = [1, 128], strides = [1, 1]} : vector<32x128xf32> to vector<1x128xf32>
    %slice3A_187 = vector.extract_strided_slice %get3A_9 {offsets = [8, 0], sizes = [1, 128], strides = [1, 1]} : vector<32x128xf32> to vector<1x128xf32>
    %eq3A_188 = vector.broadcast %slice3A_186 : vector<1x128xf32> to vector<256x128xf32>
    %eq3A_189 = vector.broadcast %add3A_2 : vector<256x1xf32> to vector<256x128xf32>
    %eq3A_190 = arith.cmpf oeq, %eq3A_188, %eq3A_189 : vector<256x128xf32>
    %convert_element_type3A_191 = arith.extui %eq3A_190 : vector<256x128xi1> to vector<256x128xi32>
    %convert_element_type3A_192 = arith.sitofp %convert_element_type3A_191 : vector<256x128xi32> to vector<256x128xf32>
    %add3A_193 = arith.constant 1.024000e+03 : f32
    %add3A_194 = vector.broadcast %add3A_193 : f32 to vector<1x128xf32>
    %add3A_195 = arith.addf %convert_element_type3A_4, %add3A_194 : vector<1x128xf32>
    %mul3A_196 = vector.broadcast %add3A_195 : vector<1x128xf32> to vector<256x128xf32>
    %mul3A_197 = arith.mulf %convert_element_type3A_192, %mul3A_196 : vector<256x128xf32>
    %reduce_sum3A_198 = arith.constant dense<0.000000e+00> : vector<256xf32>
    %reduce_sum3A_199 = vector.multi_reduction <add>, %mul3A_197, %reduce_sum3A_198 [1] : vector<256x128xf32> to vector<256xf32>
    %broadcast_in_dim3A_200 = vector.shape_cast %reduce_sum3A_199 : vector<256xf32> to vector<256x1xf32>
    %add3A_201 = arith.addf %add3A_179, %broadcast_in_dim3A_200 : vector<256x1xf32>
    %mul3A_202 = vector.broadcast %slice3A_187 : vector<1x128xf32> to vector<256x128xf32>
    %mul3A_203 = arith.mulf %convert_element_type3A_192, %mul3A_202 : vector<256x128xf32>
    %reduce_sum3A_204 = arith.constant dense<0.000000e+00> : vector<256xf32>
    %reduce_sum3A_205 = vector.multi_reduction <add>, %mul3A_203, %reduce_sum3A_204 [1] : vector<256x128xf32> to vector<256xf32>
    %broadcast_in_dim3A_206 = vector.shape_cast %reduce_sum3A_205 : vector<256xf32> to vector<256x1xf32>
    %add3A_207 = arith.addf %add3A_185, %broadcast_in_dim3A_206 : vector<256x1xf32>
    %slice3A_208 = vector.extract_strided_slice %get3A_6 {offsets = [9, 0], sizes = [1, 128], strides = [1, 1]} : vector<32x128xf32> to vector<1x128xf32>
    %slice3A_209 = vector.extract_strided_slice %get3A_9 {offsets = [9, 0], sizes = [1, 128], strides = [1, 1]} : vector<32x128xf32> to vector<1x128xf32>
    %eq3A_210 = vector.broadcast %slice3A_208 : vector<1x128xf32> to vector<256x128xf32>
    %eq3A_211 = vector.broadcast %add3A_2 : vector<256x1xf32> to vector<256x128xf32>
    %eq3A_212 = arith.cmpf oeq, %eq3A_210, %eq3A_211 : vector<256x128xf32>
    %convert_element_type3A_213 = arith.extui %eq3A_212 : vector<256x128xi1> to vector<256x128xi32>
    %convert_element_type3A_214 = arith.sitofp %convert_element_type3A_213 : vector<256x128xi32> to vector<256x128xf32>
    %add3A_215 = arith.constant 1.152000e+03 : f32
    %add3A_216 = vector.broadcast %add3A_215 : f32 to vector<1x128xf32>
    %add3A_217 = arith.addf %convert_element_type3A_4, %add3A_216 : vector<1x128xf32>
    %mul3A_218 = vector.broadcast %add3A_217 : vector<1x128xf32> to vector<256x128xf32>
    %mul3A_219 = arith.mulf %convert_element_type3A_214, %mul3A_218 : vector<256x128xf32>
    %reduce_sum3A_220 = arith.constant dense<0.000000e+00> : vector<256xf32>
    %reduce_sum3A_221 = vector.multi_reduction <add>, %mul3A_219, %reduce_sum3A_220 [1] : vector<256x128xf32> to vector<256xf32>
    %broadcast_in_dim3A_222 = vector.shape_cast %reduce_sum3A_221 : vector<256xf32> to vector<256x1xf32>
    %add3A_223 = arith.addf %add3A_201, %broadcast_in_dim3A_222 : vector<256x1xf32>
    %mul3A_224 = vector.broadcast %slice3A_209 : vector<1x128xf32> to vector<256x128xf32>
    %mul3A_225 = arith.mulf %convert_element_type3A_214, %mul3A_224 : vector<256x128xf32>
    %reduce_sum3A_226 = arith.constant dense<0.000000e+00> : vector<256xf32>
    %reduce_sum3A_227 = vector.multi_reduction <add>, %mul3A_225, %reduce_sum3A_226 [1] : vector<256x128xf32> to vector<256xf32>
    %broadcast_in_dim3A_228 = vector.shape_cast %reduce_sum3A_227 : vector<256xf32> to vector<256x1xf32>
    %add3A_229 = arith.addf %add3A_207, %broadcast_in_dim3A_228 : vector<256x1xf32>
    %slice3A_230 = vector.extract_strided_slice %get3A_6 {offsets = [10, 0], sizes = [1, 128], strides = [1, 1]} : vector<32x128xf32> to vector<1x128xf32>
    %slice3A_231 = vector.extract_strided_slice %get3A_9 {offsets = [10, 0], sizes = [1, 128], strides = [1, 1]} : vector<32x128xf32> to vector<1x128xf32>
    %eq3A_232 = vector.broadcast %slice3A_230 : vector<1x128xf32> to vector<256x128xf32>
    %eq3A_233 = vector.broadcast %add3A_2 : vector<256x1xf32> to vector<256x128xf32>
    %eq3A_234 = arith.cmpf oeq, %eq3A_232, %eq3A_233 : vector<256x128xf32>
    %convert_element_type3A_235 = arith.extui %eq3A_234 : vector<256x128xi1> to vector<256x128xi32>
    %convert_element_type3A_236 = arith.sitofp %convert_element_type3A_235 : vector<256x128xi32> to vector<256x128xf32>
    %add3A_237 = arith.constant 1.280000e+03 : f32
    %add3A_238 = vector.broadcast %add3A_237 : f32 to vector<1x128xf32>
    %add3A_239 = arith.addf %convert_element_type3A_4, %add3A_238 : vector<1x128xf32>
    %mul3A_240 = vector.broadcast %add3A_239 : vector<1x128xf32> to vector<256x128xf32>
    %mul3A_241 = arith.mulf %convert_element_type3A_236, %mul3A_240 : vector<256x128xf32>
    %reduce_sum3A_242 = arith.constant dense<0.000000e+00> : vector<256xf32>
    %reduce_sum3A_243 = vector.multi_reduction <add>, %mul3A_241, %reduce_sum3A_242 [1] : vector<256x128xf32> to vector<256xf32>
    %broadcast_in_dim3A_244 = vector.shape_cast %reduce_sum3A_243 : vector<256xf32> to vector<256x1xf32>
    %add3A_245 = arith.addf %add3A_223, %broadcast_in_dim3A_244 : vector<256x1xf32>
    %mul3A_246 = vector.broadcast %slice3A_231 : vector<1x128xf32> to vector<256x128xf32>
    %mul3A_247 = arith.mulf %convert_element_type3A_236, %mul3A_246 : vector<256x128xf32>
    %reduce_sum3A_248 = arith.constant dense<0.000000e+00> : vector<256xf32>
    %reduce_sum3A_249 = vector.multi_reduction <add>, %mul3A_247, %reduce_sum3A_248 [1] : vector<256x128xf32> to vector<256xf32>
    %broadcast_in_dim3A_250 = vector.shape_cast %reduce_sum3A_249 : vector<256xf32> to vector<256x1xf32>
    %add3A_251 = arith.addf %add3A_229, %broadcast_in_dim3A_250 : vector<256x1xf32>
    %slice3A_252 = vector.extract_strided_slice %get3A_6 {offsets = [11, 0], sizes = [1, 128], strides = [1, 1]} : vector<32x128xf32> to vector<1x128xf32>
    %slice3A_253 = vector.extract_strided_slice %get3A_9 {offsets = [11, 0], sizes = [1, 128], strides = [1, 1]} : vector<32x128xf32> to vector<1x128xf32>
    %eq3A_254 = vector.broadcast %slice3A_252 : vector<1x128xf32> to vector<256x128xf32>
    %eq3A_255 = vector.broadcast %add3A_2 : vector<256x1xf32> to vector<256x128xf32>
    %eq3A_256 = arith.cmpf oeq, %eq3A_254, %eq3A_255 : vector<256x128xf32>
    %convert_element_type3A_257 = arith.extui %eq3A_256 : vector<256x128xi1> to vector<256x128xi32>
    %convert_element_type3A_258 = arith.sitofp %convert_element_type3A_257 : vector<256x128xi32> to vector<256x128xf32>
    %add3A_259 = arith.constant 1.408000e+03 : f32
    %add3A_260 = vector.broadcast %add3A_259 : f32 to vector<1x128xf32>
    %add3A_261 = arith.addf %convert_element_type3A_4, %add3A_260 : vector<1x128xf32>
    %mul3A_262 = vector.broadcast %add3A_261 : vector<1x128xf32> to vector<256x128xf32>
    %mul3A_263 = arith.mulf %convert_element_type3A_258, %mul3A_262 : vector<256x128xf32>
    %reduce_sum3A_264 = arith.constant dense<0.000000e+00> : vector<256xf32>
    %reduce_sum3A_265 = vector.multi_reduction <add>, %mul3A_263, %reduce_sum3A_264 [1] : vector<256x128xf32> to vector<256xf32>
    %broadcast_in_dim3A_266 = vector.shape_cast %reduce_sum3A_265 : vector<256xf32> to vector<256x1xf32>
    %add3A_267 = arith.addf %add3A_245, %broadcast_in_dim3A_266 : vector<256x1xf32>
    %mul3A_268 = vector.broadcast %slice3A_253 : vector<1x128xf32> to vector<256x128xf32>
    %mul3A_269 = arith.mulf %convert_element_type3A_258, %mul3A_268 : vector<256x128xf32>
    %reduce_sum3A_270 = arith.constant dense<0.000000e+00> : vector<256xf32>
    %reduce_sum3A_271 = vector.multi_reduction <add>, %mul3A_269, %reduce_sum3A_270 [1] : vector<256x128xf32> to vector<256xf32>
    %broadcast_in_dim3A_272 = vector.shape_cast %reduce_sum3A_271 : vector<256xf32> to vector<256x1xf32>
    %add3A_273 = arith.addf %add3A_251, %broadcast_in_dim3A_272 : vector<256x1xf32>
    %slice3A_274 = vector.extract_strided_slice %get3A_6 {offsets = [12, 0], sizes = [1, 128], strides = [1, 1]} : vector<32x128xf32> to vector<1x128xf32>
    %slice3A_275 = vector.extract_strided_slice %get3A_9 {offsets = [12, 0], sizes = [1, 128], strides = [1, 1]} : vector<32x128xf32> to vector<1x128xf32>
    %eq3A_276 = vector.broadcast %slice3A_274 : vector<1x128xf32> to vector<256x128xf32>
    %eq3A_277 = vector.broadcast %add3A_2 : vector<256x1xf32> to vector<256x128xf32>
    %eq3A_278 = arith.cmpf oeq, %eq3A_276, %eq3A_277 : vector<256x128xf32>
    %convert_element_type3A_279 = arith.extui %eq3A_278 : vector<256x128xi1> to vector<256x128xi32>
    %convert_element_type3A_280 = arith.sitofp %convert_element_type3A_279 : vector<256x128xi32> to vector<256x128xf32>
    %add3A_281 = arith.constant 1.536000e+03 : f32
    %add3A_282 = vector.broadcast %add3A_281 : f32 to vector<1x128xf32>
    %add3A_283 = arith.addf %convert_element_type3A_4, %add3A_282 : vector<1x128xf32>
    %mul3A_284 = vector.broadcast %add3A_283 : vector<1x128xf32> to vector<256x128xf32>
    %mul3A_285 = arith.mulf %convert_element_type3A_280, %mul3A_284 : vector<256x128xf32>
    %reduce_sum3A_286 = arith.constant dense<0.000000e+00> : vector<256xf32>
    %reduce_sum3A_287 = vector.multi_reduction <add>, %mul3A_285, %reduce_sum3A_286 [1] : vector<256x128xf32> to vector<256xf32>
    %broadcast_in_dim3A_288 = vector.shape_cast %reduce_sum3A_287 : vector<256xf32> to vector<256x1xf32>
    %add3A_289 = arith.addf %add3A_267, %broadcast_in_dim3A_288 : vector<256x1xf32>
    %mul3A_290 = vector.broadcast %slice3A_275 : vector<1x128xf32> to vector<256x128xf32>
    %mul3A_291 = arith.mulf %convert_element_type3A_280, %mul3A_290 : vector<256x128xf32>
    %reduce_sum3A_292 = arith.constant dense<0.000000e+00> : vector<256xf32>
    %reduce_sum3A_293 = vector.multi_reduction <add>, %mul3A_291, %reduce_sum3A_292 [1] : vector<256x128xf32> to vector<256xf32>
    %broadcast_in_dim3A_294 = vector.shape_cast %reduce_sum3A_293 : vector<256xf32> to vector<256x1xf32>
    %add3A_295 = arith.addf %add3A_273, %broadcast_in_dim3A_294 : vector<256x1xf32>
    %slice3A_296 = vector.extract_strided_slice %get3A_6 {offsets = [13, 0], sizes = [1, 128], strides = [1, 1]} : vector<32x128xf32> to vector<1x128xf32>
    %slice3A_297 = vector.extract_strided_slice %get3A_9 {offsets = [13, 0], sizes = [1, 128], strides = [1, 1]} : vector<32x128xf32> to vector<1x128xf32>
    %eq3A_298 = vector.broadcast %slice3A_296 : vector<1x128xf32> to vector<256x128xf32>
    %eq3A_299 = vector.broadcast %add3A_2 : vector<256x1xf32> to vector<256x128xf32>
    %eq3A_300 = arith.cmpf oeq, %eq3A_298, %eq3A_299 : vector<256x128xf32>
    %convert_element_type3A_301 = arith.extui %eq3A_300 : vector<256x128xi1> to vector<256x128xi32>
    %convert_element_type3A_302 = arith.sitofp %convert_element_type3A_301 : vector<256x128xi32> to vector<256x128xf32>
    %add3A_303 = arith.constant 1.664000e+03 : f32
    %add3A_304 = vector.broadcast %add3A_303 : f32 to vector<1x128xf32>
    %add3A_305 = arith.addf %convert_element_type3A_4, %add3A_304 : vector<1x128xf32>
    %mul3A_306 = vector.broadcast %add3A_305 : vector<1x128xf32> to vector<256x128xf32>
    %mul3A_307 = arith.mulf %convert_element_type3A_302, %mul3A_306 : vector<256x128xf32>
    %reduce_sum3A_308 = arith.constant dense<0.000000e+00> : vector<256xf32>
    %reduce_sum3A_309 = vector.multi_reduction <add>, %mul3A_307, %reduce_sum3A_308 [1] : vector<256x128xf32> to vector<256xf32>
    %broadcast_in_dim3A_310 = vector.shape_cast %reduce_sum3A_309 : vector<256xf32> to vector<256x1xf32>
    %add3A_311 = arith.addf %add3A_289, %broadcast_in_dim3A_310 : vector<256x1xf32>
    %mul3A_312 = vector.broadcast %slice3A_297 : vector<1x128xf32> to vector<256x128xf32>
    %mul3A_313 = arith.mulf %convert_element_type3A_302, %mul3A_312 : vector<256x128xf32>
    %reduce_sum3A_314 = arith.constant dense<0.000000e+00> : vector<256xf32>
    %reduce_sum3A_315 = vector.multi_reduction <add>, %mul3A_313, %reduce_sum3A_314 [1] : vector<256x128xf32> to vector<256xf32>
    %broadcast_in_dim3A_316 = vector.shape_cast %reduce_sum3A_315 : vector<256xf32> to vector<256x1xf32>
    %add3A_317 = arith.addf %add3A_295, %broadcast_in_dim3A_316 : vector<256x1xf32>
    %slice3A_318 = vector.extract_strided_slice %get3A_6 {offsets = [14, 0], sizes = [1, 128], strides = [1, 1]} : vector<32x128xf32> to vector<1x128xf32>
    %slice3A_319 = vector.extract_strided_slice %get3A_9 {offsets = [14, 0], sizes = [1, 128], strides = [1, 1]} : vector<32x128xf32> to vector<1x128xf32>
    %eq3A_320 = vector.broadcast %slice3A_318 : vector<1x128xf32> to vector<256x128xf32>
    %eq3A_321 = vector.broadcast %add3A_2 : vector<256x1xf32> to vector<256x128xf32>
    %eq3A_322 = arith.cmpf oeq, %eq3A_320, %eq3A_321 : vector<256x128xf32>
    %convert_element_type3A_323 = arith.extui %eq3A_322 : vector<256x128xi1> to vector<256x128xi32>
    %convert_element_type3A_324 = arith.sitofp %convert_element_type3A_323 : vector<256x128xi32> to vector<256x128xf32>
    %add3A_325 = arith.constant 1.792000e+03 : f32
    %add3A_326 = vector.broadcast %add3A_325 : f32 to vector<1x128xf32>
    %add3A_327 = arith.addf %convert_element_type3A_4, %add3A_326 : vector<1x128xf32>
    %mul3A_328 = vector.broadcast %add3A_327 : vector<1x128xf32> to vector<256x128xf32>
    %mul3A_329 = arith.mulf %convert_element_type3A_324, %mul3A_328 : vector<256x128xf32>
    %reduce_sum3A_330 = arith.constant dense<0.000000e+00> : vector<256xf32>
    %reduce_sum3A_331 = vector.multi_reduction <add>, %mul3A_329, %reduce_sum3A_330 [1] : vector<256x128xf32> to vector<256xf32>
    %broadcast_in_dim3A_332 = vector.shape_cast %reduce_sum3A_331 : vector<256xf32> to vector<256x1xf32>
    %add3A_333 = arith.addf %add3A_311, %broadcast_in_dim3A_332 : vector<256x1xf32>
    %mul3A_334 = vector.broadcast %slice3A_319 : vector<1x128xf32> to vector<256x128xf32>
    %mul3A_335 = arith.mulf %convert_element_type3A_324, %mul3A_334 : vector<256x128xf32>
    %reduce_sum3A_336 = arith.constant dense<0.000000e+00> : vector<256xf32>
    %reduce_sum3A_337 = vector.multi_reduction <add>, %mul3A_335, %reduce_sum3A_336 [1] : vector<256x128xf32> to vector<256xf32>
    %broadcast_in_dim3A_338 = vector.shape_cast %reduce_sum3A_337 : vector<256xf32> to vector<256x1xf32>
    %add3A_339 = arith.addf %add3A_317, %broadcast_in_dim3A_338 : vector<256x1xf32>
    %slice3A_340 = vector.extract_strided_slice %get3A_6 {offsets = [15, 0], sizes = [1, 128], strides = [1, 1]} : vector<32x128xf32> to vector<1x128xf32>
    %slice3A_341 = vector.extract_strided_slice %get3A_9 {offsets = [15, 0], sizes = [1, 128], strides = [1, 1]} : vector<32x128xf32> to vector<1x128xf32>
    %eq3A_342 = vector.broadcast %slice3A_340 : vector<1x128xf32> to vector<256x128xf32>
    %eq3A_343 = vector.broadcast %add3A_2 : vector<256x1xf32> to vector<256x128xf32>
    %eq3A_344 = arith.cmpf oeq, %eq3A_342, %eq3A_343 : vector<256x128xf32>
    %convert_element_type3A_345 = arith.extui %eq3A_344 : vector<256x128xi1> to vector<256x128xi32>
    %convert_element_type3A_346 = arith.sitofp %convert_element_type3A_345 : vector<256x128xi32> to vector<256x128xf32>
    %add3A_347 = arith.constant 1.920000e+03 : f32
    %add3A_348 = vector.broadcast %add3A_347 : f32 to vector<1x128xf32>
    %add3A_349 = arith.addf %convert_element_type3A_4, %add3A_348 : vector<1x128xf32>
    %mul3A_350 = vector.broadcast %add3A_349 : vector<1x128xf32> to vector<256x128xf32>
    %mul3A_351 = arith.mulf %convert_element_type3A_346, %mul3A_350 : vector<256x128xf32>
    %reduce_sum3A_352 = arith.constant dense<0.000000e+00> : vector<256xf32>
    %reduce_sum3A_353 = vector.multi_reduction <add>, %mul3A_351, %reduce_sum3A_352 [1] : vector<256x128xf32> to vector<256xf32>
    %broadcast_in_dim3A_354 = vector.shape_cast %reduce_sum3A_353 : vector<256xf32> to vector<256x1xf32>
    %add3A_355 = arith.addf %add3A_333, %broadcast_in_dim3A_354 : vector<256x1xf32>
    %mul3A_356 = vector.broadcast %slice3A_341 : vector<1x128xf32> to vector<256x128xf32>
    %mul3A_357 = arith.mulf %convert_element_type3A_346, %mul3A_356 : vector<256x128xf32>
    %reduce_sum3A_358 = arith.constant dense<0.000000e+00> : vector<256xf32>
    %reduce_sum3A_359 = vector.multi_reduction <add>, %mul3A_357, %reduce_sum3A_358 [1] : vector<256x128xf32> to vector<256xf32>
    %broadcast_in_dim3A_360 = vector.shape_cast %reduce_sum3A_359 : vector<256xf32> to vector<256x1xf32>
    %add3A_361 = arith.addf %add3A_339, %broadcast_in_dim3A_360 : vector<256x1xf32>
    %slice3A_362 = vector.extract_strided_slice %get3A_6 {offsets = [16, 0], sizes = [1, 128], strides = [1, 1]} : vector<32x128xf32> to vector<1x128xf32>
    %slice3A_363 = vector.extract_strided_slice %get3A_9 {offsets = [16, 0], sizes = [1, 128], strides = [1, 1]} : vector<32x128xf32> to vector<1x128xf32>
    %eq3A_364 = vector.broadcast %slice3A_362 : vector<1x128xf32> to vector<256x128xf32>
    %eq3A_365 = vector.broadcast %add3A_2 : vector<256x1xf32> to vector<256x128xf32>
    %eq3A_366 = arith.cmpf oeq, %eq3A_364, %eq3A_365 : vector<256x128xf32>
    %convert_element_type3A_367 = arith.extui %eq3A_366 : vector<256x128xi1> to vector<256x128xi32>
    %convert_element_type3A_368 = arith.sitofp %convert_element_type3A_367 : vector<256x128xi32> to vector<256x128xf32>
    %add3A_369 = arith.constant 0.000000e+00 : f32
    %add3A_370 = vector.broadcast %add3A_369 : f32 to vector<1x128xf32>
    %add3A_371 = arith.addf %convert_element_type3A_4, %add3A_370 : vector<1x128xf32>
    %mul3A_372 = vector.broadcast %add3A_371 : vector<1x128xf32> to vector<256x128xf32>
    %mul3A_373 = arith.mulf %convert_element_type3A_368, %mul3A_372 : vector<256x128xf32>
    %reduce_sum3A_374 = arith.constant dense<0.000000e+00> : vector<256xf32>
    %reduce_sum3A_375 = vector.multi_reduction <add>, %mul3A_373, %reduce_sum3A_374 [1] : vector<256x128xf32> to vector<256xf32>
    %broadcast_in_dim3A_376 = vector.shape_cast %reduce_sum3A_375 : vector<256xf32> to vector<256x1xf32>
    %add3A_377 = arith.addf %add3A_355, %broadcast_in_dim3A_376 : vector<256x1xf32>
    %mul3A_378 = vector.broadcast %slice3A_363 : vector<1x128xf32> to vector<256x128xf32>
    %mul3A_379 = arith.mulf %convert_element_type3A_368, %mul3A_378 : vector<256x128xf32>
    %reduce_sum3A_380 = arith.constant dense<0.000000e+00> : vector<256xf32>
    %reduce_sum3A_381 = vector.multi_reduction <add>, %mul3A_379, %reduce_sum3A_380 [1] : vector<256x128xf32> to vector<256xf32>
    %broadcast_in_dim3A_382 = vector.shape_cast %reduce_sum3A_381 : vector<256xf32> to vector<256x1xf32>
    %add3A_383 = arith.addf %add3A_361, %broadcast_in_dim3A_382 : vector<256x1xf32>
    %slice3A_384 = vector.extract_strided_slice %get3A_6 {offsets = [17, 0], sizes = [1, 128], strides = [1, 1]} : vector<32x128xf32> to vector<1x128xf32>
    %slice3A_385 = vector.extract_strided_slice %get3A_9 {offsets = [17, 0], sizes = [1, 128], strides = [1, 1]} : vector<32x128xf32> to vector<1x128xf32>
    %eq3A_386 = vector.broadcast %slice3A_384 : vector<1x128xf32> to vector<256x128xf32>
    %eq3A_387 = vector.broadcast %add3A_2 : vector<256x1xf32> to vector<256x128xf32>
    %eq3A_388 = arith.cmpf oeq, %eq3A_386, %eq3A_387 : vector<256x128xf32>
    %convert_element_type3A_389 = arith.extui %eq3A_388 : vector<256x128xi1> to vector<256x128xi32>
    %convert_element_type3A_390 = arith.sitofp %convert_element_type3A_389 : vector<256x128xi32> to vector<256x128xf32>
    %add3A_391 = arith.constant 1.280000e+02 : f32
    %add3A_392 = vector.broadcast %add3A_391 : f32 to vector<1x128xf32>
    %add3A_393 = arith.addf %convert_element_type3A_4, %add3A_392 : vector<1x128xf32>
    %mul3A_394 = vector.broadcast %add3A_393 : vector<1x128xf32> to vector<256x128xf32>
    %mul3A_395 = arith.mulf %convert_element_type3A_390, %mul3A_394 : vector<256x128xf32>
    %reduce_sum3A_396 = arith.constant dense<0.000000e+00> : vector<256xf32>
    %reduce_sum3A_397 = vector.multi_reduction <add>, %mul3A_395, %reduce_sum3A_396 [1] : vector<256x128xf32> to vector<256xf32>
    %broadcast_in_dim3A_398 = vector.shape_cast %reduce_sum3A_397 : vector<256xf32> to vector<256x1xf32>
    %add3A_399 = arith.addf %add3A_377, %broadcast_in_dim3A_398 : vector<256x1xf32>
    %mul3A_400 = vector.broadcast %slice3A_385 : vector<1x128xf32> to vector<256x128xf32>
    %mul3A_401 = arith.mulf %convert_element_type3A_390, %mul3A_400 : vector<256x128xf32>
    %reduce_sum3A_402 = arith.constant dense<0.000000e+00> : vector<256xf32>
    %reduce_sum3A_403 = vector.multi_reduction <add>, %mul3A_401, %reduce_sum3A_402 [1] : vector<256x128xf32> to vector<256xf32>
    %broadcast_in_dim3A_404 = vector.shape_cast %reduce_sum3A_403 : vector<256xf32> to vector<256x1xf32>
    %add3A_405 = arith.addf %add3A_383, %broadcast_in_dim3A_404 : vector<256x1xf32>
    %slice3A_406 = vector.extract_strided_slice %get3A_6 {offsets = [18, 0], sizes = [1, 128], strides = [1, 1]} : vector<32x128xf32> to vector<1x128xf32>
    %slice3A_407 = vector.extract_strided_slice %get3A_9 {offsets = [18, 0], sizes = [1, 128], strides = [1, 1]} : vector<32x128xf32> to vector<1x128xf32>
    %eq3A_408 = vector.broadcast %slice3A_406 : vector<1x128xf32> to vector<256x128xf32>
    %eq3A_409 = vector.broadcast %add3A_2 : vector<256x1xf32> to vector<256x128xf32>
    %eq3A_410 = arith.cmpf oeq, %eq3A_408, %eq3A_409 : vector<256x128xf32>
    %convert_element_type3A_411 = arith.extui %eq3A_410 : vector<256x128xi1> to vector<256x128xi32>
    %convert_element_type3A_412 = arith.sitofp %convert_element_type3A_411 : vector<256x128xi32> to vector<256x128xf32>
    %add3A_413 = arith.constant 2.560000e+02 : f32
    %add3A_414 = vector.broadcast %add3A_413 : f32 to vector<1x128xf32>
    %add3A_415 = arith.addf %convert_element_type3A_4, %add3A_414 : vector<1x128xf32>
    %mul3A_416 = vector.broadcast %add3A_415 : vector<1x128xf32> to vector<256x128xf32>
    %mul3A_417 = arith.mulf %convert_element_type3A_412, %mul3A_416 : vector<256x128xf32>
    %reduce_sum3A_418 = arith.constant dense<0.000000e+00> : vector<256xf32>
    %reduce_sum3A_419 = vector.multi_reduction <add>, %mul3A_417, %reduce_sum3A_418 [1] : vector<256x128xf32> to vector<256xf32>
    %broadcast_in_dim3A_420 = vector.shape_cast %reduce_sum3A_419 : vector<256xf32> to vector<256x1xf32>
    %add3A_421 = arith.addf %add3A_399, %broadcast_in_dim3A_420 : vector<256x1xf32>
    %mul3A_422 = vector.broadcast %slice3A_407 : vector<1x128xf32> to vector<256x128xf32>
    %mul3A_423 = arith.mulf %convert_element_type3A_412, %mul3A_422 : vector<256x128xf32>
    %reduce_sum3A_424 = arith.constant dense<0.000000e+00> : vector<256xf32>
    %reduce_sum3A_425 = vector.multi_reduction <add>, %mul3A_423, %reduce_sum3A_424 [1] : vector<256x128xf32> to vector<256xf32>
    %broadcast_in_dim3A_426 = vector.shape_cast %reduce_sum3A_425 : vector<256xf32> to vector<256x1xf32>
    %add3A_427 = arith.addf %add3A_405, %broadcast_in_dim3A_426 : vector<256x1xf32>
    %slice3A_428 = vector.extract_strided_slice %get3A_6 {offsets = [19, 0], sizes = [1, 128], strides = [1, 1]} : vector<32x128xf32> to vector<1x128xf32>
    %slice3A_429 = vector.extract_strided_slice %get3A_9 {offsets = [19, 0], sizes = [1, 128], strides = [1, 1]} : vector<32x128xf32> to vector<1x128xf32>
    %eq3A_430 = vector.broadcast %slice3A_428 : vector<1x128xf32> to vector<256x128xf32>
    %eq3A_431 = vector.broadcast %add3A_2 : vector<256x1xf32> to vector<256x128xf32>
    %eq3A_432 = arith.cmpf oeq, %eq3A_430, %eq3A_431 : vector<256x128xf32>
    %convert_element_type3A_433 = arith.extui %eq3A_432 : vector<256x128xi1> to vector<256x128xi32>
    %convert_element_type3A_434 = arith.sitofp %convert_element_type3A_433 : vector<256x128xi32> to vector<256x128xf32>
    %add3A_435 = arith.constant 3.840000e+02 : f32
    %add3A_436 = vector.broadcast %add3A_435 : f32 to vector<1x128xf32>
    %add3A_437 = arith.addf %convert_element_type3A_4, %add3A_436 : vector<1x128xf32>
    %mul3A_438 = vector.broadcast %add3A_437 : vector<1x128xf32> to vector<256x128xf32>
    %mul3A_439 = arith.mulf %convert_element_type3A_434, %mul3A_438 : vector<256x128xf32>
    %reduce_sum3A_440 = arith.constant dense<0.000000e+00> : vector<256xf32>
    %reduce_sum3A_441 = vector.multi_reduction <add>, %mul3A_439, %reduce_sum3A_440 [1] : vector<256x128xf32> to vector<256xf32>
    %broadcast_in_dim3A_442 = vector.shape_cast %reduce_sum3A_441 : vector<256xf32> to vector<256x1xf32>
    %add3A_443 = arith.addf %add3A_421, %broadcast_in_dim3A_442 : vector<256x1xf32>
    %mul3A_444 = vector.broadcast %slice3A_429 : vector<1x128xf32> to vector<256x128xf32>
    %mul3A_445 = arith.mulf %convert_element_type3A_434, %mul3A_444 : vector<256x128xf32>
    %reduce_sum3A_446 = arith.constant dense<0.000000e+00> : vector<256xf32>
    %reduce_sum3A_447 = vector.multi_reduction <add>, %mul3A_445, %reduce_sum3A_446 [1] : vector<256x128xf32> to vector<256xf32>
    %broadcast_in_dim3A_448 = vector.shape_cast %reduce_sum3A_447 : vector<256xf32> to vector<256x1xf32>
    %add3A_449 = arith.addf %add3A_427, %broadcast_in_dim3A_448 : vector<256x1xf32>
    %slice3A_450 = vector.extract_strided_slice %get3A_6 {offsets = [20, 0], sizes = [1, 128], strides = [1, 1]} : vector<32x128xf32> to vector<1x128xf32>
    %slice3A_451 = vector.extract_strided_slice %get3A_9 {offsets = [20, 0], sizes = [1, 128], strides = [1, 1]} : vector<32x128xf32> to vector<1x128xf32>
    %eq3A_452 = vector.broadcast %slice3A_450 : vector<1x128xf32> to vector<256x128xf32>
    %eq3A_453 = vector.broadcast %add3A_2 : vector<256x1xf32> to vector<256x128xf32>
    %eq3A_454 = arith.cmpf oeq, %eq3A_452, %eq3A_453 : vector<256x128xf32>
    %convert_element_type3A_455 = arith.extui %eq3A_454 : vector<256x128xi1> to vector<256x128xi32>
    %convert_element_type3A_456 = arith.sitofp %convert_element_type3A_455 : vector<256x128xi32> to vector<256x128xf32>
    %add3A_457 = arith.constant 5.120000e+02 : f32
    %add3A_458 = vector.broadcast %add3A_457 : f32 to vector<1x128xf32>
    %add3A_459 = arith.addf %convert_element_type3A_4, %add3A_458 : vector<1x128xf32>
    %mul3A_460 = vector.broadcast %add3A_459 : vector<1x128xf32> to vector<256x128xf32>
    %mul3A_461 = arith.mulf %convert_element_type3A_456, %mul3A_460 : vector<256x128xf32>
    %reduce_sum3A_462 = arith.constant dense<0.000000e+00> : vector<256xf32>
    %reduce_sum3A_463 = vector.multi_reduction <add>, %mul3A_461, %reduce_sum3A_462 [1] : vector<256x128xf32> to vector<256xf32>
    %broadcast_in_dim3A_464 = vector.shape_cast %reduce_sum3A_463 : vector<256xf32> to vector<256x1xf32>
    %add3A_465 = arith.addf %add3A_443, %broadcast_in_dim3A_464 : vector<256x1xf32>
    %mul3A_466 = vector.broadcast %slice3A_451 : vector<1x128xf32> to vector<256x128xf32>
    %mul3A_467 = arith.mulf %convert_element_type3A_456, %mul3A_466 : vector<256x128xf32>
    %reduce_sum3A_468 = arith.constant dense<0.000000e+00> : vector<256xf32>
    %reduce_sum3A_469 = vector.multi_reduction <add>, %mul3A_467, %reduce_sum3A_468 [1] : vector<256x128xf32> to vector<256xf32>
    %broadcast_in_dim3A_470 = vector.shape_cast %reduce_sum3A_469 : vector<256xf32> to vector<256x1xf32>
    %add3A_471 = arith.addf %add3A_449, %broadcast_in_dim3A_470 : vector<256x1xf32>
    %slice3A_472 = vector.extract_strided_slice %get3A_6 {offsets = [21, 0], sizes = [1, 128], strides = [1, 1]} : vector<32x128xf32> to vector<1x128xf32>
    %slice3A_473 = vector.extract_strided_slice %get3A_9 {offsets = [21, 0], sizes = [1, 128], strides = [1, 1]} : vector<32x128xf32> to vector<1x128xf32>
    %eq3A_474 = vector.broadcast %slice3A_472 : vector<1x128xf32> to vector<256x128xf32>
    %eq3A_475 = vector.broadcast %add3A_2 : vector<256x1xf32> to vector<256x128xf32>
    %eq3A_476 = arith.cmpf oeq, %eq3A_474, %eq3A_475 : vector<256x128xf32>
    %convert_element_type3A_477 = arith.extui %eq3A_476 : vector<256x128xi1> to vector<256x128xi32>
    %convert_element_type3A_478 = arith.sitofp %convert_element_type3A_477 : vector<256x128xi32> to vector<256x128xf32>
    %add3A_479 = arith.constant 6.400000e+02 : f32
    %add3A_480 = vector.broadcast %add3A_479 : f32 to vector<1x128xf32>
    %add3A_481 = arith.addf %convert_element_type3A_4, %add3A_480 : vector<1x128xf32>
    %mul3A_482 = vector.broadcast %add3A_481 : vector<1x128xf32> to vector<256x128xf32>
    %mul3A_483 = arith.mulf %convert_element_type3A_478, %mul3A_482 : vector<256x128xf32>
    %reduce_sum3A_484 = arith.constant dense<0.000000e+00> : vector<256xf32>
    %reduce_sum3A_485 = vector.multi_reduction <add>, %mul3A_483, %reduce_sum3A_484 [1] : vector<256x128xf32> to vector<256xf32>
    %broadcast_in_dim3A_486 = vector.shape_cast %reduce_sum3A_485 : vector<256xf32> to vector<256x1xf32>
    %add3A_487 = arith.addf %add3A_465, %broadcast_in_dim3A_486 : vector<256x1xf32>
    %mul3A_488 = vector.broadcast %slice3A_473 : vector<1x128xf32> to vector<256x128xf32>
    %mul3A_489 = arith.mulf %convert_element_type3A_478, %mul3A_488 : vector<256x128xf32>
    %reduce_sum3A_490 = arith.constant dense<0.000000e+00> : vector<256xf32>
    %reduce_sum3A_491 = vector.multi_reduction <add>, %mul3A_489, %reduce_sum3A_490 [1] : vector<256x128xf32> to vector<256xf32>
    %broadcast_in_dim3A_492 = vector.shape_cast %reduce_sum3A_491 : vector<256xf32> to vector<256x1xf32>
    %add3A_493 = arith.addf %add3A_471, %broadcast_in_dim3A_492 : vector<256x1xf32>
    %slice3A_494 = vector.extract_strided_slice %get3A_6 {offsets = [22, 0], sizes = [1, 128], strides = [1, 1]} : vector<32x128xf32> to vector<1x128xf32>
    %slice3A_495 = vector.extract_strided_slice %get3A_9 {offsets = [22, 0], sizes = [1, 128], strides = [1, 1]} : vector<32x128xf32> to vector<1x128xf32>
    %eq3A_496 = vector.broadcast %slice3A_494 : vector<1x128xf32> to vector<256x128xf32>
    %eq3A_497 = vector.broadcast %add3A_2 : vector<256x1xf32> to vector<256x128xf32>
    %eq3A_498 = arith.cmpf oeq, %eq3A_496, %eq3A_497 : vector<256x128xf32>
    %convert_element_type3A_499 = arith.extui %eq3A_498 : vector<256x128xi1> to vector<256x128xi32>
    %convert_element_type3A_500 = arith.sitofp %convert_element_type3A_499 : vector<256x128xi32> to vector<256x128xf32>
    %add3A_501 = arith.constant 7.680000e+02 : f32
    %add3A_502 = vector.broadcast %add3A_501 : f32 to vector<1x128xf32>
    %add3A_503 = arith.addf %convert_element_type3A_4, %add3A_502 : vector<1x128xf32>
    %mul3A_504 = vector.broadcast %add3A_503 : vector<1x128xf32> to vector<256x128xf32>
    %mul3A_505 = arith.mulf %convert_element_type3A_500, %mul3A_504 : vector<256x128xf32>
    %reduce_sum3A_506 = arith.constant dense<0.000000e+00> : vector<256xf32>
    %reduce_sum3A_507 = vector.multi_reduction <add>, %mul3A_505, %reduce_sum3A_506 [1] : vector<256x128xf32> to vector<256xf32>
    %broadcast_in_dim3A_508 = vector.shape_cast %reduce_sum3A_507 : vector<256xf32> to vector<256x1xf32>
    %add3A_509 = arith.addf %add3A_487, %broadcast_in_dim3A_508 : vector<256x1xf32>
    %mul3A_510 = vector.broadcast %slice3A_495 : vector<1x128xf32> to vector<256x128xf32>
    %mul3A_511 = arith.mulf %convert_element_type3A_500, %mul3A_510 : vector<256x128xf32>
    %reduce_sum3A_512 = arith.constant dense<0.000000e+00> : vector<256xf32>
    %reduce_sum3A_513 = vector.multi_reduction <add>, %mul3A_511, %reduce_sum3A_512 [1] : vector<256x128xf32> to vector<256xf32>
    %broadcast_in_dim3A_514 = vector.shape_cast %reduce_sum3A_513 : vector<256xf32> to vector<256x1xf32>
    %add3A_515 = arith.addf %add3A_493, %broadcast_in_dim3A_514 : vector<256x1xf32>
    %slice3A_516 = vector.extract_strided_slice %get3A_6 {offsets = [23, 0], sizes = [1, 128], strides = [1, 1]} : vector<32x128xf32> to vector<1x128xf32>
    %slice3A_517 = vector.extract_strided_slice %get3A_9 {offsets = [23, 0], sizes = [1, 128], strides = [1, 1]} : vector<32x128xf32> to vector<1x128xf32>
    %eq3A_518 = vector.broadcast %slice3A_516 : vector<1x128xf32> to vector<256x128xf32>
    %eq3A_519 = vector.broadcast %add3A_2 : vector<256x1xf32> to vector<256x128xf32>
    %eq3A_520 = arith.cmpf oeq, %eq3A_518, %eq3A_519 : vector<256x128xf32>
    %convert_element_type3A_521 = arith.extui %eq3A_520 : vector<256x128xi1> to vector<256x128xi32>
    %convert_element_type3A_522 = arith.sitofp %convert_element_type3A_521 : vector<256x128xi32> to vector<256x128xf32>
    %add3A_523 = arith.constant 8.960000e+02 : f32
    %add3A_524 = vector.broadcast %add3A_523 : f32 to vector<1x128xf32>
    %add3A_525 = arith.addf %convert_element_type3A_4, %add3A_524 : vector<1x128xf32>
    %mul3A_526 = vector.broadcast %add3A_525 : vector<1x128xf32> to vector<256x128xf32>
    %mul3A_527 = arith.mulf %convert_element_type3A_522, %mul3A_526 : vector<256x128xf32>
    %reduce_sum3A_528 = arith.constant dense<0.000000e+00> : vector<256xf32>
    %reduce_sum3A_529 = vector.multi_reduction <add>, %mul3A_527, %reduce_sum3A_528 [1] : vector<256x128xf32> to vector<256xf32>
    %broadcast_in_dim3A_530 = vector.shape_cast %reduce_sum3A_529 : vector<256xf32> to vector<256x1xf32>
    %add3A_531 = arith.addf %add3A_509, %broadcast_in_dim3A_530 : vector<256x1xf32>
    %mul3A_532 = vector.broadcast %slice3A_517 : vector<1x128xf32> to vector<256x128xf32>
    %mul3A_533 = arith.mulf %convert_element_type3A_522, %mul3A_532 : vector<256x128xf32>
    %reduce_sum3A_534 = arith.constant dense<0.000000e+00> : vector<256xf32>
    %reduce_sum3A_535 = vector.multi_reduction <add>, %mul3A_533, %reduce_sum3A_534 [1] : vector<256x128xf32> to vector<256xf32>
    %broadcast_in_dim3A_536 = vector.shape_cast %reduce_sum3A_535 : vector<256xf32> to vector<256x1xf32>
    %add3A_537 = arith.addf %add3A_515, %broadcast_in_dim3A_536 : vector<256x1xf32>
    %slice3A_538 = vector.extract_strided_slice %get3A_6 {offsets = [24, 0], sizes = [1, 128], strides = [1, 1]} : vector<32x128xf32> to vector<1x128xf32>
    %slice3A_539 = vector.extract_strided_slice %get3A_9 {offsets = [24, 0], sizes = [1, 128], strides = [1, 1]} : vector<32x128xf32> to vector<1x128xf32>
    %eq3A_540 = vector.broadcast %slice3A_538 : vector<1x128xf32> to vector<256x128xf32>
    %eq3A_541 = vector.broadcast %add3A_2 : vector<256x1xf32> to vector<256x128xf32>
    %eq3A_542 = arith.cmpf oeq, %eq3A_540, %eq3A_541 : vector<256x128xf32>
    %convert_element_type3A_543 = arith.extui %eq3A_542 : vector<256x128xi1> to vector<256x128xi32>
    %convert_element_type3A_544 = arith.sitofp %convert_element_type3A_543 : vector<256x128xi32> to vector<256x128xf32>
    %add3A_545 = arith.constant 1.024000e+03 : f32
    %add3A_546 = vector.broadcast %add3A_545 : f32 to vector<1x128xf32>
    %add3A_547 = arith.addf %convert_element_type3A_4, %add3A_546 : vector<1x128xf32>
    %mul3A_548 = vector.broadcast %add3A_547 : vector<1x128xf32> to vector<256x128xf32>
    %mul3A_549 = arith.mulf %convert_element_type3A_544, %mul3A_548 : vector<256x128xf32>
    %reduce_sum3A_550 = arith.constant dense<0.000000e+00> : vector<256xf32>
    %reduce_sum3A_551 = vector.multi_reduction <add>, %mul3A_549, %reduce_sum3A_550 [1] : vector<256x128xf32> to vector<256xf32>
    %broadcast_in_dim3A_552 = vector.shape_cast %reduce_sum3A_551 : vector<256xf32> to vector<256x1xf32>
    %add3A_553 = arith.addf %add3A_531, %broadcast_in_dim3A_552 : vector<256x1xf32>
    %mul3A_554 = vector.broadcast %slice3A_539 : vector<1x128xf32> to vector<256x128xf32>
    %mul3A_555 = arith.mulf %convert_element_type3A_544, %mul3A_554 : vector<256x128xf32>
    %reduce_sum3A_556 = arith.constant dense<0.000000e+00> : vector<256xf32>
    %reduce_sum3A_557 = vector.multi_reduction <add>, %mul3A_555, %reduce_sum3A_556 [1] : vector<256x128xf32> to vector<256xf32>
    %broadcast_in_dim3A_558 = vector.shape_cast %reduce_sum3A_557 : vector<256xf32> to vector<256x1xf32>
    %add3A_559 = arith.addf %add3A_537, %broadcast_in_dim3A_558 : vector<256x1xf32>
    %slice3A_560 = vector.extract_strided_slice %get3A_6 {offsets = [25, 0], sizes = [1, 128], strides = [1, 1]} : vector<32x128xf32> to vector<1x128xf32>
    %slice3A_561 = vector.extract_strided_slice %get3A_9 {offsets = [25, 0], sizes = [1, 128], strides = [1, 1]} : vector<32x128xf32> to vector<1x128xf32>
    %eq3A_562 = vector.broadcast %slice3A_560 : vector<1x128xf32> to vector<256x128xf32>
    %eq3A_563 = vector.broadcast %add3A_2 : vector<256x1xf32> to vector<256x128xf32>
    %eq3A_564 = arith.cmpf oeq, %eq3A_562, %eq3A_563 : vector<256x128xf32>
    %convert_element_type3A_565 = arith.extui %eq3A_564 : vector<256x128xi1> to vector<256x128xi32>
    %convert_element_type3A_566 = arith.sitofp %convert_element_type3A_565 : vector<256x128xi32> to vector<256x128xf32>
    %add3A_567 = arith.constant 1.152000e+03 : f32
    %add3A_568 = vector.broadcast %add3A_567 : f32 to vector<1x128xf32>
    %add3A_569 = arith.addf %convert_element_type3A_4, %add3A_568 : vector<1x128xf32>
    %mul3A_570 = vector.broadcast %add3A_569 : vector<1x128xf32> to vector<256x128xf32>
    %mul3A_571 = arith.mulf %convert_element_type3A_566, %mul3A_570 : vector<256x128xf32>
    %reduce_sum3A_572 = arith.constant dense<0.000000e+00> : vector<256xf32>
    %reduce_sum3A_573 = vector.multi_reduction <add>, %mul3A_571, %reduce_sum3A_572 [1] : vector<256x128xf32> to vector<256xf32>
    %broadcast_in_dim3A_574 = vector.shape_cast %reduce_sum3A_573 : vector<256xf32> to vector<256x1xf32>
    %add3A_575 = arith.addf %add3A_553, %broadcast_in_dim3A_574 : vector<256x1xf32>
    %mul3A_576 = vector.broadcast %slice3A_561 : vector<1x128xf32> to vector<256x128xf32>
    %mul3A_577 = arith.mulf %convert_element_type3A_566, %mul3A_576 : vector<256x128xf32>
    %reduce_sum3A_578 = arith.constant dense<0.000000e+00> : vector<256xf32>
    %reduce_sum3A_579 = vector.multi_reduction <add>, %mul3A_577, %reduce_sum3A_578 [1] : vector<256x128xf32> to vector<256xf32>
    %broadcast_in_dim3A_580 = vector.shape_cast %reduce_sum3A_579 : vector<256xf32> to vector<256x1xf32>
    %add3A_581 = arith.addf %add3A_559, %broadcast_in_dim3A_580 : vector<256x1xf32>
    %slice3A_582 = vector.extract_strided_slice %get3A_6 {offsets = [26, 0], sizes = [1, 128], strides = [1, 1]} : vector<32x128xf32> to vector<1x128xf32>
    %slice3A_583 = vector.extract_strided_slice %get3A_9 {offsets = [26, 0], sizes = [1, 128], strides = [1, 1]} : vector<32x128xf32> to vector<1x128xf32>
    %eq3A_584 = vector.broadcast %slice3A_582 : vector<1x128xf32> to vector<256x128xf32>
    %eq3A_585 = vector.broadcast %add3A_2 : vector<256x1xf32> to vector<256x128xf32>
    %eq3A_586 = arith.cmpf oeq, %eq3A_584, %eq3A_585 : vector<256x128xf32>
    %convert_element_type3A_587 = arith.extui %eq3A_586 : vector<256x128xi1> to vector<256x128xi32>
    %convert_element_type3A_588 = arith.sitofp %convert_element_type3A_587 : vector<256x128xi32> to vector<256x128xf32>
    %add3A_589 = arith.constant 1.280000e+03 : f32
    %add3A_590 = vector.broadcast %add3A_589 : f32 to vector<1x128xf32>
    %add3A_591 = arith.addf %convert_element_type3A_4, %add3A_590 : vector<1x128xf32>
    %mul3A_592 = vector.broadcast %add3A_591 : vector<1x128xf32> to vector<256x128xf32>
    %mul3A_593 = arith.mulf %convert_element_type3A_588, %mul3A_592 : vector<256x128xf32>
    %reduce_sum3A_594 = arith.constant dense<0.000000e+00> : vector<256xf32>
    %reduce_sum3A_595 = vector.multi_reduction <add>, %mul3A_593, %reduce_sum3A_594 [1] : vector<256x128xf32> to vector<256xf32>
    %broadcast_in_dim3A_596 = vector.shape_cast %reduce_sum3A_595 : vector<256xf32> to vector<256x1xf32>
    %add3A_597 = arith.addf %add3A_575, %broadcast_in_dim3A_596 : vector<256x1xf32>
    %mul3A_598 = vector.broadcast %slice3A_583 : vector<1x128xf32> to vector<256x128xf32>
    %mul3A_599 = arith.mulf %convert_element_type3A_588, %mul3A_598 : vector<256x128xf32>
    %reduce_sum3A_600 = arith.constant dense<0.000000e+00> : vector<256xf32>
    %reduce_sum3A_601 = vector.multi_reduction <add>, %mul3A_599, %reduce_sum3A_600 [1] : vector<256x128xf32> to vector<256xf32>
    %broadcast_in_dim3A_602 = vector.shape_cast %reduce_sum3A_601 : vector<256xf32> to vector<256x1xf32>
    %add3A_603 = arith.addf %add3A_581, %broadcast_in_dim3A_602 : vector<256x1xf32>
    %slice3A_604 = vector.extract_strided_slice %get3A_6 {offsets = [27, 0], sizes = [1, 128], strides = [1, 1]} : vector<32x128xf32> to vector<1x128xf32>
    %slice3A_605 = vector.extract_strided_slice %get3A_9 {offsets = [27, 0], sizes = [1, 128], strides = [1, 1]} : vector<32x128xf32> to vector<1x128xf32>
    %eq3A_606 = vector.broadcast %slice3A_604 : vector<1x128xf32> to vector<256x128xf32>
    %eq3A_607 = vector.broadcast %add3A_2 : vector<256x1xf32> to vector<256x128xf32>
    %eq3A_608 = arith.cmpf oeq, %eq3A_606, %eq3A_607 : vector<256x128xf32>
    %convert_element_type3A_609 = arith.extui %eq3A_608 : vector<256x128xi1> to vector<256x128xi32>
    %convert_element_type3A_610 = arith.sitofp %convert_element_type3A_609 : vector<256x128xi32> to vector<256x128xf32>
    %add3A_611 = arith.constant 1.408000e+03 : f32
    %add3A_612 = vector.broadcast %add3A_611 : f32 to vector<1x128xf32>
    %add3A_613 = arith.addf %convert_element_type3A_4, %add3A_612 : vector<1x128xf32>
    %mul3A_614 = vector.broadcast %add3A_613 : vector<1x128xf32> to vector<256x128xf32>
    %mul3A_615 = arith.mulf %convert_element_type3A_610, %mul3A_614 : vector<256x128xf32>
    %reduce_sum3A_616 = arith.constant dense<0.000000e+00> : vector<256xf32>
    %reduce_sum3A_617 = vector.multi_reduction <add>, %mul3A_615, %reduce_sum3A_616 [1] : vector<256x128xf32> to vector<256xf32>
    %broadcast_in_dim3A_618 = vector.shape_cast %reduce_sum3A_617 : vector<256xf32> to vector<256x1xf32>
    %add3A_619 = arith.addf %add3A_597, %broadcast_in_dim3A_618 : vector<256x1xf32>
    %mul3A_620 = vector.broadcast %slice3A_605 : vector<1x128xf32> to vector<256x128xf32>
    %mul3A_621 = arith.mulf %convert_element_type3A_610, %mul3A_620 : vector<256x128xf32>
    %reduce_sum3A_622 = arith.constant dense<0.000000e+00> : vector<256xf32>
    %reduce_sum3A_623 = vector.multi_reduction <add>, %mul3A_621, %reduce_sum3A_622 [1] : vector<256x128xf32> to vector<256xf32>
    %broadcast_in_dim3A_624 = vector.shape_cast %reduce_sum3A_623 : vector<256xf32> to vector<256x1xf32>
    %add3A_625 = arith.addf %add3A_603, %broadcast_in_dim3A_624 : vector<256x1xf32>
    %slice3A_626 = vector.extract_strided_slice %get3A_6 {offsets = [28, 0], sizes = [1, 128], strides = [1, 1]} : vector<32x128xf32> to vector<1x128xf32>
    %slice3A_627 = vector.extract_strided_slice %get3A_9 {offsets = [28, 0], sizes = [1, 128], strides = [1, 1]} : vector<32x128xf32> to vector<1x128xf32>
    %eq3A_628 = vector.broadcast %slice3A_626 : vector<1x128xf32> to vector<256x128xf32>
    %eq3A_629 = vector.broadcast %add3A_2 : vector<256x1xf32> to vector<256x128xf32>
    %eq3A_630 = arith.cmpf oeq, %eq3A_628, %eq3A_629 : vector<256x128xf32>
    %convert_element_type3A_631 = arith.extui %eq3A_630 : vector<256x128xi1> to vector<256x128xi32>
    %convert_element_type3A_632 = arith.sitofp %convert_element_type3A_631 : vector<256x128xi32> to vector<256x128xf32>
    %add3A_633 = arith.constant 1.536000e+03 : f32
    %add3A_634 = vector.broadcast %add3A_633 : f32 to vector<1x128xf32>
    %add3A_635 = arith.addf %convert_element_type3A_4, %add3A_634 : vector<1x128xf32>
    %mul3A_636 = vector.broadcast %add3A_635 : vector<1x128xf32> to vector<256x128xf32>
    %mul3A_637 = arith.mulf %convert_element_type3A_632, %mul3A_636 : vector<256x128xf32>
    %reduce_sum3A_638 = arith.constant dense<0.000000e+00> : vector<256xf32>
    %reduce_sum3A_639 = vector.multi_reduction <add>, %mul3A_637, %reduce_sum3A_638 [1] : vector<256x128xf32> to vector<256xf32>
    %broadcast_in_dim3A_640 = vector.shape_cast %reduce_sum3A_639 : vector<256xf32> to vector<256x1xf32>
    %add3A_641 = arith.addf %add3A_619, %broadcast_in_dim3A_640 : vector<256x1xf32>
    %mul3A_642 = vector.broadcast %slice3A_627 : vector<1x128xf32> to vector<256x128xf32>
    %mul3A_643 = arith.mulf %convert_element_type3A_632, %mul3A_642 : vector<256x128xf32>
    %reduce_sum3A_644 = arith.constant dense<0.000000e+00> : vector<256xf32>
    %reduce_sum3A_645 = vector.multi_reduction <add>, %mul3A_643, %reduce_sum3A_644 [1] : vector<256x128xf32> to vector<256xf32>
    %broadcast_in_dim3A_646 = vector.shape_cast %reduce_sum3A_645 : vector<256xf32> to vector<256x1xf32>
    %add3A_647 = arith.addf %add3A_625, %broadcast_in_dim3A_646 : vector<256x1xf32>
    %slice3A_648 = vector.extract_strided_slice %get3A_6 {offsets = [29, 0], sizes = [1, 128], strides = [1, 1]} : vector<32x128xf32> to vector<1x128xf32>
    %slice3A_649 = vector.extract_strided_slice %get3A_9 {offsets = [29, 0], sizes = [1, 128], strides = [1, 1]} : vector<32x128xf32> to vector<1x128xf32>
    %eq3A_650 = vector.broadcast %slice3A_648 : vector<1x128xf32> to vector<256x128xf32>
    %eq3A_651 = vector.broadcast %add3A_2 : vector<256x1xf32> to vector<256x128xf32>
    %eq3A_652 = arith.cmpf oeq, %eq3A_650, %eq3A_651 : vector<256x128xf32>
    %convert_element_type3A_653 = arith.extui %eq3A_652 : vector<256x128xi1> to vector<256x128xi32>
    %convert_element_type3A_654 = arith.sitofp %convert_element_type3A_653 : vector<256x128xi32> to vector<256x128xf32>
    %add3A_655 = arith.constant 1.664000e+03 : f32
    %add3A_656 = vector.broadcast %add3A_655 : f32 to vector<1x128xf32>
    %add3A_657 = arith.addf %convert_element_type3A_4, %add3A_656 : vector<1x128xf32>
    %mul3A_658 = vector.broadcast %add3A_657 : vector<1x128xf32> to vector<256x128xf32>
    %mul3A_659 = arith.mulf %convert_element_type3A_654, %mul3A_658 : vector<256x128xf32>
    %reduce_sum3A_660 = arith.constant dense<0.000000e+00> : vector<256xf32>
    %reduce_sum3A_661 = vector.multi_reduction <add>, %mul3A_659, %reduce_sum3A_660 [1] : vector<256x128xf32> to vector<256xf32>
    %broadcast_in_dim3A_662 = vector.shape_cast %reduce_sum3A_661 : vector<256xf32> to vector<256x1xf32>
    %add3A_663 = arith.addf %add3A_641, %broadcast_in_dim3A_662 : vector<256x1xf32>
    %mul3A_664 = vector.broadcast %slice3A_649 : vector<1x128xf32> to vector<256x128xf32>
    %mul3A_665 = arith.mulf %convert_element_type3A_654, %mul3A_664 : vector<256x128xf32>
    %reduce_sum3A_666 = arith.constant dense<0.000000e+00> : vector<256xf32>
    %reduce_sum3A_667 = vector.multi_reduction <add>, %mul3A_665, %reduce_sum3A_666 [1] : vector<256x128xf32> to vector<256xf32>
    %broadcast_in_dim3A_668 = vector.shape_cast %reduce_sum3A_667 : vector<256xf32> to vector<256x1xf32>
    %add3A_669 = arith.addf %add3A_647, %broadcast_in_dim3A_668 : vector<256x1xf32>
    %slice3A_670 = vector.extract_strided_slice %get3A_6 {offsets = [30, 0], sizes = [1, 128], strides = [1, 1]} : vector<32x128xf32> to vector<1x128xf32>
    %slice3A_671 = vector.extract_strided_slice %get3A_9 {offsets = [30, 0], sizes = [1, 128], strides = [1, 1]} : vector<32x128xf32> to vector<1x128xf32>
    %eq3A_672 = vector.broadcast %slice3A_670 : vector<1x128xf32> to vector<256x128xf32>
    %eq3A_673 = vector.broadcast %add3A_2 : vector<256x1xf32> to vector<256x128xf32>
    %eq3A_674 = arith.cmpf oeq, %eq3A_672, %eq3A_673 : vector<256x128xf32>
    %convert_element_type3A_675 = arith.extui %eq3A_674 : vector<256x128xi1> to vector<256x128xi32>
    %convert_element_type3A_676 = arith.sitofp %convert_element_type3A_675 : vector<256x128xi32> to vector<256x128xf32>
    %add3A_677 = arith.constant 1.792000e+03 : f32
    %add3A_678 = vector.broadcast %add3A_677 : f32 to vector<1x128xf32>
    %add3A_679 = arith.addf %convert_element_type3A_4, %add3A_678 : vector<1x128xf32>
    %mul3A_680 = vector.broadcast %add3A_679 : vector<1x128xf32> to vector<256x128xf32>
    %mul3A_681 = arith.mulf %convert_element_type3A_676, %mul3A_680 : vector<256x128xf32>
    %reduce_sum3A_682 = arith.constant dense<0.000000e+00> : vector<256xf32>
    %reduce_sum3A_683 = vector.multi_reduction <add>, %mul3A_681, %reduce_sum3A_682 [1] : vector<256x128xf32> to vector<256xf32>
    %broadcast_in_dim3A_684 = vector.shape_cast %reduce_sum3A_683 : vector<256xf32> to vector<256x1xf32>
    %add3A_685 = arith.addf %add3A_663, %broadcast_in_dim3A_684 : vector<256x1xf32>
    %mul3A_686 = vector.broadcast %slice3A_671 : vector<1x128xf32> to vector<256x128xf32>
    %mul3A_687 = arith.mulf %convert_element_type3A_676, %mul3A_686 : vector<256x128xf32>
    %reduce_sum3A_688 = arith.constant dense<0.000000e+00> : vector<256xf32>
    %reduce_sum3A_689 = vector.multi_reduction <add>, %mul3A_687, %reduce_sum3A_688 [1] : vector<256x128xf32> to vector<256xf32>
    %broadcast_in_dim3A_690 = vector.shape_cast %reduce_sum3A_689 : vector<256xf32> to vector<256x1xf32>
    %add3A_691 = arith.addf %add3A_669, %broadcast_in_dim3A_690 : vector<256x1xf32>
    %slice3A_692 = vector.extract_strided_slice %get3A_6 {offsets = [31, 0], sizes = [1, 128], strides = [1, 1]} : vector<32x128xf32> to vector<1x128xf32>
    %slice3A_693 = vector.extract_strided_slice %get3A_9 {offsets = [31, 0], sizes = [1, 128], strides = [1, 1]} : vector<32x128xf32> to vector<1x128xf32>
    %eq3A_694 = vector.broadcast %slice3A_692 : vector<1x128xf32> to vector<256x128xf32>
    %eq3A_695 = vector.broadcast %add3A_2 : vector<256x1xf32> to vector<256x128xf32>
    %eq3A_696 = arith.cmpf oeq, %eq3A_694, %eq3A_695 : vector<256x128xf32>
    %convert_element_type3A_697 = arith.extui %eq3A_696 : vector<256x128xi1> to vector<256x128xi32>
    %convert_element_type3A_698 = arith.sitofp %convert_element_type3A_697 : vector<256x128xi32> to vector<256x128xf32>
    %add3A_699 = arith.constant 1.920000e+03 : f32
    %add3A_700 = vector.broadcast %add3A_699 : f32 to vector<1x128xf32>
    %add3A_701 = arith.addf %convert_element_type3A_4, %add3A_700 : vector<1x128xf32>
    %mul3A_702 = vector.broadcast %add3A_701 : vector<1x128xf32> to vector<256x128xf32>
    %mul3A_703 = arith.mulf %convert_element_type3A_698, %mul3A_702 : vector<256x128xf32>
    %reduce_sum3A_704 = arith.constant dense<0.000000e+00> : vector<256xf32>
    %reduce_sum3A_705 = vector.multi_reduction <add>, %mul3A_703, %reduce_sum3A_704 [1] : vector<256x128xf32> to vector<256xf32>
    %broadcast_in_dim3A_706 = vector.shape_cast %reduce_sum3A_705 : vector<256xf32> to vector<256x1xf32>
    %add3A_707 = arith.addf %add3A_685, %broadcast_in_dim3A_706 : vector<256x1xf32>
    %mul3A_708 = vector.broadcast %slice3A_693 : vector<1x128xf32> to vector<256x128xf32>
    %mul3A_709 = arith.mulf %convert_element_type3A_698, %mul3A_708 : vector<256x128xf32>
    %reduce_sum3A_710 = arith.constant dense<0.000000e+00> : vector<256xf32>
    %reduce_sum3A_711 = vector.multi_reduction <add>, %mul3A_709, %reduce_sum3A_710 [1] : vector<256x128xf32> to vector<256xf32>
    %broadcast_in_dim3A_712 = vector.shape_cast %reduce_sum3A_711 : vector<256xf32> to vector<256x1xf32>
    %add3A_713 = arith.addf %add3A_691, %broadcast_in_dim3A_712 : vector<256x1xf32>
    %broadcast_in_dim3A_714 = arith.constant 1.000000e+00 : f32
    %broadcast_in_dim3A_715 = vector.broadcast %broadcast_in_dim3A_714 : f32 to vector<1x128xf32>
    %mul3A_716 = vector.broadcast %add3A_707 : vector<256x1xf32> to vector<256x128xf32>
    %mul3A_717 = vector.broadcast %broadcast_in_dim3A_715 : vector<1x128xf32> to vector<256x128xf32>
    %mul3A_718 = arith.mulf %mul3A_716, %mul3A_717 : vector<256x128xf32>
    %swap3A = arith.constant 0 : index
    %swap3A_719 = arith.constant 0 : index
    %swap3A_720 = vector.load %arg3[%swap3A, %swap3A_719] : memref<256x128xf32, #tpu.memory_space<vmem>>, vector<256x128xf32>
    tpu.vector_store %arg3[%swap3A, %swap3A_719], %mul3A_718 {strides = array<i32>} : memref<256x128xf32, #tpu.memory_space<vmem>>, vector<256x128xf32>,
    %mul3A_721 = vector.broadcast %add3A_713 : vector<256x1xf32> to vector<256x128xf32>
    %mul3A_722 = vector.broadcast %broadcast_in_dim3A_715 : vector<1x128xf32> to vector<256x128xf32>
    %mul3A_723 = arith.mulf %mul3A_721, %mul3A_722 : vector<256x128xf32>
    %swap3A_724 = arith.constant 0 : index
    %swap3A_725 = arith.constant 0 : index
    %swap3A_726 = vector.load %arg4[%swap3A_724, %swap3A_725] : memref<256x128xf32, #tpu.memory_space<vmem>>, vector<256x128xf32>
    tpu.vector_store %arg4[%swap3A_724, %swap3A_725], %mul3A_723 {strides = array<i32>} : memref<256x128xf32, #tpu.memory_space<vmem>>, vector<256x128xf32>,
    return
  }
  func.func @transform_0(%arg0: i32) -> (i32, i32) {
    %c0_i32 = arith.constant 0 : i32
    %c0_i32_0 = arith.constant 0 : i32
    %c0_i32_1 = arith.constant 0 : i32
    return %c0_i32, %c0_i32_0 : i32, i32
  }
  func.func @transform_1(%arg0: i32) -> (i32, i32) {
    %c0_i32 = arith.constant 0 : i32
    %c0_i32_0 = arith.constant 0 : i32
    %c0_i32_1 = arith.constant 0 : i32
    return %c0_i32, %c0_i32_0 : i32, i32
  }
  func.func @transform_2(%arg0: i32) -> (i32, i32) {
    %c0_i32 = arith.constant 0 : i32
    %c0_i32_0 = arith.constant 0 : i32
    return %arg0, %c0_i32 : i32, i32
  }
  func.func @transform_3(%arg0: i32) -> (i32, i32) {
    %c0_i32 = arith.constant 0 : i32
    %c0_i32_0 = arith.constant 0 : i32
    return %arg0, %c0_i32 : i32, i32
  }
}

module attributes {stable_mosaic.version = 14 : i64} {
  func.func @body(%arg0: i32, %arg1: i32, %arg2: memref<24xi32, #tpu.memory_space<smem>>, %arg3: memref<256x1024xf32, #tpu.memory_space<vmem>>, %arg4: memref<1x1024x512xbf16, #tpu.memory_space<vmem>>, %arg5: memref<1x1024x512xbf16, #tpu.memory_space<vmem>>, %arg6: memref<256x512xbf16, #tpu.memory_space<vmem>>) attributes {dimension_semantics = [#tpu.dimension_semantics<arbitrary>, #tpu.dimension_semantics<arbitrary>], iteration_bounds = array<i64: 4, 24>, scalar_prefetch = 1 : i64, scratch_operands = 0 : i64, tpu.core_type = #tpu.core_type<tc>, window_params = [{transform_indices = @transform_0, window_bounds = array<i64: 256, 1024>}, {transform_indices = @transform_1, window_bounds = array<i64: 1, 1024, 512>}, {transform_indices = @transform_2, window_bounds = array<i64: 1, 1024, 512>}, {transform_indices = @transform_3, window_bounds = array<i64: 256, 512>}]} {
    %get3A = arith.index_cast %arg1 : i32 to index
    %get3A_0 = memref.load %arg2[%get3A] : memref<24xi32, #tpu.memory_space<smem>>
    %ge3A = arith.constant 0 : i32
    %ge3A_1 = arith.cmpi sge, %get3A_0, %ge3A : i32
    %convert_element_type3A = arith.extui %ge3A_1 : i1 to i32
    %cond3A = arith.constant 0 : i32
    %cond3A_2 = arith.cmpi ne, %convert_element_type3A, %cond3A : i32
    scf.if %cond3A_2 {
      %get3A_3 = arith.constant 0 : index
      %get3A_4 = arith.constant 0 : index
      %get3A_5 = vector.load %arg3[%get3A_3, %get3A_4] : memref<256x1024xf32, #tpu.memory_space<vmem>>, vector<256x1024xf32>
      %convert_element_type3A_6 = arith.truncf %get3A_5 : vector<256x1024xf32> to vector<256x1024xbf16>
      %get3A_7 = arith.constant 0 : index
      %get3A_8 = arith.constant 0 : index
      %get3A_9 = arith.constant 0 : index
      %get3A_10 = vector.load %arg4[%get3A_7, %get3A_8, %get3A_9] : memref<1x1024x512xbf16, #tpu.memory_space<vmem>>, vector<1x1024x512xbf16>
      %get3A_11 = vector.shape_cast %get3A_10 : vector<1x1024x512xbf16> to vector<1024x512xbf16>
      %dot_general3A = arith.constant dense<0.000000e+00> : vector<256x512xf32>
      %dot_general3A_12 = tpu.matmul %convert_element_type3A_6, %get3A_11, %dot_general3A {dimension_numbers = #tpu.dot_dimension_numbers<[1], [0], [0], [1], [0, 0, 1, 1], [], []>, transpose_lhs_hint = false} : vector<256x1024xbf16>, vector<1024x512xbf16>, vector<256x512xf32> -> vector<256x512xf32>
      %get3A_13 = arith.constant 0 : index
      %get3A_14 = arith.constant 0 : index
      %get3A_15 = arith.constant 0 : index
      %get3A_16 = vector.load %arg5[%get3A_13, %get3A_14, %get3A_15] : memref<1x1024x512xbf16, #tpu.memory_space<vmem>>, vector<1x1024x512xbf16>
      %get3A_17 = vector.shape_cast %get3A_16 : vector<1x1024x512xbf16> to vector<1024x512xbf16>
      %dot_general3A_18 = arith.constant dense<0.000000e+00> : vector<256x512xf32>
      %dot_general3A_19 = tpu.matmul %convert_element_type3A_6, %get3A_17, %dot_general3A_18 {dimension_numbers = #tpu.dot_dimension_numbers<[1], [0], [0], [1], [0, 0, 1, 1], [], []>, transpose_lhs_hint = false} : vector<256x1024xbf16>, vector<1024x512xbf16>, vector<256x512xf32> -> vector<256x512xf32>
      %logistic3A = arith.negf %dot_general3A_12 : vector<256x512xf32>
      %logistic3A_20 = math.exp %logistic3A : vector<256x512xf32>
      %logistic3A_21 = arith.constant 1.000000e+00 : f32
      %logistic3A_22 = vector.broadcast %logistic3A_21 : f32 to vector<256x512xf32>
      %logistic3A_23 = arith.addf %logistic3A_22, %logistic3A_20 : vector<256x512xf32>
      %logistic3A_24 = arith.divf %logistic3A_22, %logistic3A_23 : vector<256x512xf32>
      %mul3A = arith.mulf %dot_general3A_12, %logistic3A_24 : vector<256x512xf32>
      %mul3A_25 = arith.mulf %mul3A, %dot_general3A_19 : vector<256x512xf32>
      %convert_element_type3A_26 = arith.truncf %mul3A_25 : vector<256x512xf32> to vector<256x512xbf16>
      %swap3A = arith.constant 0 : index
      %swap3A_27 = arith.constant 0 : index
      %swap3A_28 = vector.load %arg6[%swap3A, %swap3A_27] : memref<256x512xbf16, #tpu.memory_space<vmem>>, vector<256x512xbf16>
      tpu.vector_store %arg6[%swap3A, %swap3A_27], %convert_element_type3A_26 {strides = array<i32>} : memref<256x512xbf16, #tpu.memory_space<vmem>>, vector<256x512xbf16>,
    } else {
    }
    return
  }
  func.func @transform_0(%arg0: i32, %arg1: i32, %arg2: memref<24xi32, #tpu.memory_space<smem>>) -> (i32, i32) {
    %c0_i32 = arith.constant 0 : i32
    %c0_i32_0 = arith.constant 0 : i32
    return %arg1, %c0_i32 : i32, i32
  }
  func.func @transform_1(%arg0: i32, %arg1: i32, %arg2: memref<24xi32, #tpu.memory_space<smem>>) -> (i32, i32, i32) {
    %get3A = arith.index_cast %arg1 : i32 to index
    %get3A_0 = memref.load %arg2[%get3A] : memref<24xi32, #tpu.memory_space<smem>>
    %max3A = arith.constant 0 : i32
    %max3A_1 = arith.maxsi %get3A_0, %max3A : i32
    %c0_i32 = arith.constant 0 : i32
    %c0_i32_2 = arith.constant 0 : i32
    return %max3A_1, %c0_i32, %arg0 : i32, i32, i32
  }
  func.func @transform_2(%arg0: i32, %arg1: i32, %arg2: memref<24xi32, #tpu.memory_space<smem>>) -> (i32, i32, i32) {
    %get3A = arith.index_cast %arg1 : i32 to index
    %get3A_0 = memref.load %arg2[%get3A] : memref<24xi32, #tpu.memory_space<smem>>
    %max3A = arith.constant 0 : i32
    %max3A_1 = arith.maxsi %get3A_0, %max3A : i32
    %c0_i32 = arith.constant 0 : i32
    %c0_i32_2 = arith.constant 0 : i32
    return %max3A_1, %c0_i32, %arg0 : i32, i32, i32
  }
  func.func @transform_3(%arg0: i32, %arg1: i32, %arg2: memref<24xi32, #tpu.memory_space<smem>>) -> (i32, i32) {
    %c0_i32 = arith.constant 0 : i32
    return %arg1, %arg0 : i32, i32
  }
}

module attributes {stable_mosaic.version = 14 : i64} {
  func.func @body(%arg0: i32, %arg1: i32, %arg2: memref<24xi32, #tpu.memory_space<smem>>, %arg3: memref<256x2048xbf16, #tpu.memory_space<vmem>>, %arg4: memref<1x2048x512xbf16, #tpu.memory_space<vmem>>, %arg5: memref<256x512xf32, #tpu.memory_space<vmem>>) attributes {dimension_semantics = [#tpu.dimension_semantics<arbitrary>, #tpu.dimension_semantics<arbitrary>], iteration_bounds = array<i64: 2, 24>, scalar_prefetch = 1 : i64, scratch_operands = 0 : i64, tpu.core_type = #tpu.core_type<tc>, window_params = [{transform_indices = @transform_0, window_bounds = array<i64: 256, 2048>}, {transform_indices = @transform_1, window_bounds = array<i64: 1, 2048, 512>}, {transform_indices = @transform_2, window_bounds = array<i64: 256, 512>}]} {
    %get3A = arith.index_cast %arg1 : i32 to index
    %get3A_0 = memref.load %arg2[%get3A] : memref<24xi32, #tpu.memory_space<smem>>
    %ge3A = arith.constant 0 : i32
    %ge3A_1 = arith.cmpi sge, %get3A_0, %ge3A : i32
    %convert_element_type3A = arith.extui %ge3A_1 : i1 to i32
    %cond3A = arith.constant 0 : i32
    %cond3A_2 = arith.cmpi ne, %convert_element_type3A, %cond3A : i32
    scf.if %cond3A_2 {
      %get3A_3 = arith.constant 0 : index
      %get3A_4 = arith.constant 0 : index
      %get3A_5 = vector.load %arg3[%get3A_3, %get3A_4] : memref<256x2048xbf16, #tpu.memory_space<vmem>>, vector<256x2048xbf16>
      %get3A_6 = arith.constant 0 : index
      %get3A_7 = arith.constant 0 : index
      %get3A_8 = arith.constant 0 : index
      %get3A_9 = vector.load %arg4[%get3A_6, %get3A_7, %get3A_8] : memref<1x2048x512xbf16, #tpu.memory_space<vmem>>, vector<1x2048x512xbf16>
      %get3A_10 = vector.shape_cast %get3A_9 : vector<1x2048x512xbf16> to vector<2048x512xbf16>
      %dot_general3A = arith.constant dense<0.000000e+00> : vector<256x512xf32>
      %dot_general3A_11 = tpu.matmul %get3A_5, %get3A_10, %dot_general3A {dimension_numbers = #tpu.dot_dimension_numbers<[1], [0], [0], [1], [0, 0, 1, 1], [], []>, transpose_lhs_hint = false} : vector<256x2048xbf16>, vector<2048x512xbf16>, vector<256x512xf32> -> vector<256x512xf32>
      %swap3A = arith.constant 0 : index
      %swap3A_12 = arith.constant 0 : index
      %swap3A_13 = vector.load %arg5[%swap3A, %swap3A_12] : memref<256x512xf32, #tpu.memory_space<vmem>>, vector<256x512xf32>
      tpu.vector_store %arg5[%swap3A, %swap3A_12], %dot_general3A_11 {strides = array<i32>} : memref<256x512xf32, #tpu.memory_space<vmem>>, vector<256x512xf32>,
    } else {
    }
    return
  }
  func.func @transform_0(%arg0: i32, %arg1: i32, %arg2: memref<24xi32, #tpu.memory_space<smem>>) -> (i32, i32) {
    %c0_i32 = arith.constant 0 : i32
    %c0_i32_0 = arith.constant 0 : i32
    return %arg1, %c0_i32 : i32, i32
  }
  func.func @transform_1(%arg0: i32, %arg1: i32, %arg2: memref<24xi32, #tpu.memory_space<smem>>) -> (i32, i32, i32) {
    %get3A = arith.index_cast %arg1 : i32 to index
    %get3A_0 = memref.load %arg2[%get3A] : memref<24xi32, #tpu.memory_space<smem>>
    %max3A = arith.constant 0 : i32
    %max3A_1 = arith.maxsi %get3A_0, %max3A : i32
    %c0_i32 = arith.constant 0 : i32
    %c0_i32_2 = arith.constant 0 : i32
    return %max3A_1, %c0_i32, %arg0 : i32, i32, i32
  }
  func.func @transform_2(%arg0: i32, %arg1: i32, %arg2: memref<24xi32, #tpu.memory_space<smem>>) -> (i32, i32) {
    %c0_i32 = arith.constant 0 : i32
    return %arg1, %arg0 : i32, i32
  }
}

module attributes {stable_mosaic.version = 14 : i64} {
  func.func @body(%arg0: i32, %arg1: memref<2048x1024xf32, #tpu.memory_space<vmem>>, %arg2: memref<2048x1024xf32, #tpu.memory_space<vmem>>, %arg3: memref<2048x1024xf32, #tpu.memory_space<vmem>>, %arg4: memref<2048x128xf32, #tpu.memory_space<vmem>>, %arg5: memref<2048x128xf32, #tpu.memory_space<vmem>>, %arg6: memref<1x1024xf32, #tpu.memory_space<vmem>>, %arg7: memref<1024x1280xbf16, #tpu.memory_space<vmem>>, %arg8: memref<1x1280xf32, #tpu.memory_space<vmem>>, %arg9: memref<2048x1280xf32, #tpu.memory_space<vmem>>) attributes {dimension_semantics = [#tpu.dimension_semantics<arbitrary>], iteration_bounds = array<i64: 25>, scalar_prefetch = 0 : i64, scratch_operands = 0 : i64, tpu.core_type = #tpu.core_type<tc>, window_params = [{pipeline_mode = #tpu.pipeline_mode<synchronous>, transform_indices = @transform_0, window_bounds = array<i64: 2048, 1024>}, {pipeline_mode = #tpu.pipeline_mode<synchronous>, transform_indices = @transform_1, window_bounds = array<i64: 2048, 1024>}, {pipeline_mode = #tpu.pipeline_mode<synchronous>, transform_indices = @transform_2, window_bounds = array<i64: 2048, 1024>}, {pipeline_mode = #tpu.pipeline_mode<synchronous>, transform_indices = @transform_3, window_bounds = array<i64: 2048, 128>}, {pipeline_mode = #tpu.pipeline_mode<synchronous>, transform_indices = @transform_4, window_bounds = array<i64: 2048, 128>}, {pipeline_mode = #tpu.pipeline_mode<synchronous>, transform_indices = @transform_5, window_bounds = array<i64: 1, 1024>}, {transform_indices = @transform_6, window_bounds = array<i64: 1024, 1280>}, {transform_indices = @transform_7, window_bounds = array<i64: 1, 1280>}, {transform_indices = @transform_8, window_bounds = array<i64: 2048, 1280>}]} {
    %get3A = arith.constant 0 : index
    %get3A_0 = arith.constant 0 : index
    %get3A_1 = vector.load %arg1[%get3A, %get3A_0] : memref<2048x1024xf32, #tpu.memory_space<vmem>>, vector<2048x1024xf32>
    %get3A_2 = arith.constant 0 : index
    %get3A_3 = arith.constant 0 : index
    %get3A_4 = vector.load %arg4[%get3A_2, %get3A_3] : memref<2048x128xf32, #tpu.memory_space<vmem>>, vector<2048x128xf32>
    %reduce_max3A = arith.constant dense<0xFF800000> : vector<2048xf32>
    %reduce_max3A_5 = vector.multi_reduction <maximumf>, %get3A_4, %reduce_max3A [1] : vector<2048x128xf32> to vector<2048xf32>
    %broadcast_in_dim3A = vector.shape_cast %reduce_max3A_5 : vector<2048xf32> to vector<2048x1xf32>
    %get3A_6 = arith.constant 0 : index
    %get3A_7 = arith.constant 0 : index
    %get3A_8 = vector.load %arg5[%get3A_6, %get3A_7] : memref<2048x128xf32, #tpu.memory_space<vmem>>, vector<2048x128xf32>
    %reduce_max3A_9 = arith.constant dense<0xFF800000> : vector<2048xf32>
    %reduce_max3A_10 = vector.multi_reduction <maximumf>, %get3A_8, %reduce_max3A_9 [1] : vector<2048x128xf32> to vector<2048xf32>
    %broadcast_in_dim3A_11 = vector.shape_cast %reduce_max3A_10 : vector<2048xf32> to vector<2048x1xf32>
    %get3A_12 = arith.constant 0 : index
    %get3A_13 = arith.constant 0 : index
    %get3A_14 = vector.load %arg2[%get3A_12, %get3A_13] : memref<2048x1024xf32, #tpu.memory_space<vmem>>, vector<2048x1024xf32>
    %mul3A = vector.broadcast %broadcast_in_dim3A : vector<2048x1xf32> to vector<2048x1024xf32>
    %mul3A_15 = arith.mulf %mul3A, %get3A_14 : vector<2048x1024xf32>
    %get3A_16 = arith.constant 0 : index
    %get3A_17 = arith.constant 0 : index
    %get3A_18 = vector.load %arg3[%get3A_16, %get3A_17] : memref<2048x1024xf32, #tpu.memory_space<vmem>>, vector<2048x1024xf32>
    %mul3A_19 = vector.broadcast %broadcast_in_dim3A_11 : vector<2048x1xf32> to vector<2048x1024xf32>
    %mul3A_20 = arith.mulf %mul3A_19, %get3A_18 : vector<2048x1024xf32>
    %add3A = arith.addf %mul3A_15, %mul3A_20 : vector<2048x1024xf32>
    %add3A_21 = arith.addf %get3A_1, %add3A : vector<2048x1024xf32>
    %get3A_22 = arith.constant 0 : index
    %get3A_23 = arith.constant 0 : index
    %get3A_24 = vector.load %arg6[%get3A_22, %get3A_23] : memref<1x1024xf32, #tpu.memory_space<vmem>>, vector<1x1024xf32>
    %mul3A_25 = arith.mulf %add3A_21, %add3A_21 : vector<2048x1024xf32>
    %slice3A = vector.extract_strided_slice %mul3A_25 {offsets = [0, 0], sizes = [2048, 512], strides = [1, 1]} : vector<2048x1024xf32> to vector<2048x512xf32>
    %slice3A_26 = vector.extract_strided_slice %mul3A_25 {offsets = [0, 512], sizes = [2048, 512], strides = [1, 1]} : vector<2048x1024xf32> to vector<2048x512xf32>
    %add3A_27 = arith.addf %slice3A, %slice3A_26 : vector<2048x512xf32>
    %slice3A_28 = vector.extract_strided_slice %add3A_27 {offsets = [0, 0], sizes = [2048, 256], strides = [1, 1]} : vector<2048x512xf32> to vector<2048x256xf32>
    %slice3A_29 = vector.extract_strided_slice %add3A_27 {offsets = [0, 256], sizes = [2048, 256], strides = [1, 1]} : vector<2048x512xf32> to vector<2048x256xf32>
    %add3A_30 = arith.addf %slice3A_28, %slice3A_29 : vector<2048x256xf32>
    %slice3A_31 = vector.extract_strided_slice %add3A_30 {offsets = [0, 0], sizes = [2048, 128], strides = [1, 1]} : vector<2048x256xf32> to vector<2048x128xf32>
    %slice3A_32 = vector.extract_strided_slice %add3A_30 {offsets = [0, 128], sizes = [2048, 128], strides = [1, 1]} : vector<2048x256xf32> to vector<2048x128xf32>
    %add3A_33 = arith.addf %slice3A_31, %slice3A_32 : vector<2048x128xf32>
    %slice3A_34 = vector.extract_strided_slice %add3A_33 {offsets = [0, 0], sizes = [2048, 64], strides = [1, 1]} : vector<2048x128xf32> to vector<2048x64xf32>
    %slice3A_35 = vector.extract_strided_slice %add3A_33 {offsets = [0, 64], sizes = [2048, 64], strides = [1, 1]} : vector<2048x128xf32> to vector<2048x64xf32>
    %add3A_36 = arith.addf %slice3A_34, %slice3A_35 : vector<2048x64xf32>
    %slice3A_37 = vector.extract_strided_slice %add3A_36 {offsets = [0, 0], sizes = [2048, 32], strides = [1, 1]} : vector<2048x64xf32> to vector<2048x32xf32>
    %slice3A_38 = vector.extract_strided_slice %add3A_36 {offsets = [0, 32], sizes = [2048, 32], strides = [1, 1]} : vector<2048x64xf32> to vector<2048x32xf32>
    %add3A_39 = arith.addf %slice3A_37, %slice3A_38 : vector<2048x32xf32>
    %slice3A_40 = vector.extract_strided_slice %add3A_39 {offsets = [0, 0], sizes = [2048, 16], strides = [1, 1]} : vector<2048x32xf32> to vector<2048x16xf32>
    %slice3A_41 = vector.extract_strided_slice %add3A_39 {offsets = [0, 16], sizes = [2048, 16], strides = [1, 1]} : vector<2048x32xf32> to vector<2048x16xf32>
    %add3A_42 = arith.addf %slice3A_40, %slice3A_41 : vector<2048x16xf32>
    %slice3A_43 = vector.extract_strided_slice %add3A_42 {offsets = [0, 0], sizes = [2048, 8], strides = [1, 1]} : vector<2048x16xf32> to vector<2048x8xf32>
    %slice3A_44 = vector.extract_strided_slice %add3A_42 {offsets = [0, 8], sizes = [2048, 8], strides = [1, 1]} : vector<2048x16xf32> to vector<2048x8xf32>
    %add3A_45 = arith.addf %slice3A_43, %slice3A_44 : vector<2048x8xf32>
    %slice3A_46 = vector.extract_strided_slice %add3A_45 {offsets = [0, 0], sizes = [2048, 4], strides = [1, 1]} : vector<2048x8xf32> to vector<2048x4xf32>
    %slice3A_47 = vector.extract_strided_slice %add3A_45 {offsets = [0, 4], sizes = [2048, 4], strides = [1, 1]} : vector<2048x8xf32> to vector<2048x4xf32>
    %add3A_48 = arith.addf %slice3A_46, %slice3A_47 : vector<2048x4xf32>
    %slice3A_49 = vector.extract_strided_slice %add3A_48 {offsets = [0, 0], sizes = [2048, 2], strides = [1, 1]} : vector<2048x4xf32> to vector<2048x2xf32>
    %slice3A_50 = vector.extract_strided_slice %add3A_48 {offsets = [0, 2], sizes = [2048, 2], strides = [1, 1]} : vector<2048x4xf32> to vector<2048x2xf32>
    %add3A_51 = arith.addf %slice3A_49, %slice3A_50 : vector<2048x2xf32>
    %slice3A_52 = vector.extract_strided_slice %add3A_51 {offsets = [0, 0], sizes = [2048, 1], strides = [1, 1]} : vector<2048x2xf32> to vector<2048x1xf32>
    %slice3A_53 = vector.extract_strided_slice %add3A_51 {offsets = [0, 1], sizes = [2048, 1], strides = [1, 1]} : vector<2048x2xf32> to vector<2048x1xf32>
    %add3A_54 = arith.addf %slice3A_52, %slice3A_53 : vector<2048x1xf32>
    %div3A = arith.constant 1.024000e+03 : f32
    %div3A_55 = vector.broadcast %div3A : f32 to vector<2048x1xf32>
    %div3A_56 = arith.divf %add3A_54, %div3A_55 : vector<2048x1xf32>
    %mul3A_57 = vector.broadcast %get3A_24 : vector<1x1024xf32> to vector<2048x1024xf32>
    %mul3A_58 = arith.mulf %add3A_21, %mul3A_57 : vector<2048x1024xf32>
    %add3A_59 = arith.constant 9.99999997E-7 : f32
    %add3A_60 = vector.broadcast %add3A_59 : f32 to vector<2048x1xf32>
    %add3A_61 = arith.addf %div3A_56, %add3A_60 : vector<2048x1xf32>
    %rsqrt3A = math.rsqrt %add3A_61 : vector<2048x1xf32>
    %mul3A_62 = vector.broadcast %rsqrt3A : vector<2048x1xf32> to vector<2048x1024xf32>
    %mul3A_63 = arith.mulf %mul3A_58, %mul3A_62 : vector<2048x1024xf32>
    %convert_element_type3A = arith.truncf %mul3A_63 : vector<2048x1024xf32> to vector<2048x1024xbf16>
    %get3A_64 = arith.constant 0 : index
    %get3A_65 = arith.constant 0 : index
    %get3A_66 = vector.load %arg7[%get3A_64, %get3A_65] : memref<1024x1280xbf16, #tpu.memory_space<vmem>>, vector<1024x1280xbf16>
    %dot_general3A = arith.constant dense<0.000000e+00> : vector<2048x1280xf32>
    %dot_general3A_67 = tpu.matmul %convert_element_type3A, %get3A_66, %dot_general3A {dimension_numbers = #tpu.dot_dimension_numbers<[1], [0], [0], [1], [0, 0, 1, 1], [], []>, transpose_lhs_hint = false} : vector<2048x1024xbf16>, vector<1024x1280xbf16>, vector<2048x1280xf32> -> vector<2048x1280xf32>
    %get3A_68 = arith.constant 0 : index
    %get3A_69 = arith.constant 0 : index
    %get3A_70 = vector.load %arg8[%get3A_68, %get3A_69] : memref<1x1280xf32, #tpu.memory_space<vmem>>, vector<1x1280xf32>
    %add3A_71 = vector.broadcast %get3A_70 : vector<1x1280xf32> to vector<2048x1280xf32>
    %add3A_72 = arith.addf %dot_general3A_67, %add3A_71 : vector<2048x1280xf32>
    %swap3A = arith.constant 0 : index
    %swap3A_73 = arith.constant 0 : index
    %swap3A_74 = vector.load %arg9[%swap3A, %swap3A_73] : memref<2048x1280xf32, #tpu.memory_space<vmem>>, vector<2048x1280xf32>
    tpu.vector_store %arg9[%swap3A, %swap3A_73], %add3A_72 {strides = array<i32>} : memref<2048x1280xf32, #tpu.memory_space<vmem>>, vector<2048x1280xf32>,
    return
  }
  func.func @transform_0(%arg0: i32) -> (i32, i32) {
    %c0_i32 = arith.constant 0 : i32
    %c0_i32_0 = arith.constant 0 : i32
    %c0_i32_1 = arith.constant 0 : i32
    return %c0_i32, %c0_i32_0 : i32, i32
  }
  func.func @transform_1(%arg0: i32) -> (i32, i32) {
    %c0_i32 = arith.constant 0 : i32
    %c0_i32_0 = arith.constant 0 : i32
    %c0_i32_1 = arith.constant 0 : i32
    return %c0_i32, %c0_i32_0 : i32, i32
  }
  func.func @transform_2(%arg0: i32) -> (i32, i32) {
    %c0_i32 = arith.constant 0 : i32
    %c0_i32_0 = arith.constant 0 : i32
    %c0_i32_1 = arith.constant 0 : i32
    return %c0_i32, %c0_i32_0 : i32, i32
  }
  func.func @transform_3(%arg0: i32) -> (i32, i32) {
    %c0_i32 = arith.constant 0 : i32
    %c0_i32_0 = arith.constant 0 : i32
    %c0_i32_1 = arith.constant 0 : i32
    return %c0_i32, %c0_i32_0 : i32, i32
  }
  func.func @transform_4(%arg0: i32) -> (i32, i32) {
    %c0_i32 = arith.constant 0 : i32
    %c0_i32_0 = arith.constant 0 : i32
    %c0_i32_1 = arith.constant 0 : i32
    return %c0_i32, %c0_i32_0 : i32, i32
  }
  func.func @transform_5(%arg0: i32) -> (i32, i32) {
    %c0_i32 = arith.constant 0 : i32
    %c0_i32_0 = arith.constant 0 : i32
    %c0_i32_1 = arith.constant 0 : i32
    return %c0_i32, %c0_i32_0 : i32, i32
  }
  func.func @transform_6(%arg0: i32) -> (i32, i32) {
    %c0_i32 = arith.constant 0 : i32
    %c0_i32_0 = arith.constant 0 : i32
    return %c0_i32, %arg0 : i32, i32
  }
  func.func @transform_7(%arg0: i32) -> (i32, i32) {
    %c0_i32 = arith.constant 0 : i32
    %c0_i32_0 = arith.constant 0 : i32
    return %c0_i32, %arg0 : i32, i32
  }
  func.func @transform_8(%arg0: i32) -> (i32, i32) {
    %c0_i32 = arith.constant 0 : i32
    %c0_i32_0 = arith.constant 0 : i32
    return %c0_i32, %arg0 : i32, i32
  }
}

</mosaic_0001>

<sc_bundles>
// kernel: kernel.20.cloned.1.call-start
scs
__scs_entry_jumppad:
0x0: {  	(pc) =	sbr.rel $0x88, $3  }
0x1: {  	(tag) =	ssettag $0x0;
	lr =	simm.s32 $0x1  }
0x2: {  	[smem:$0x3F88] =	sst lr;
	_ =	strace $0xD0000000  }
0x3: {  	_ = 	snop  }
0x4: {  	_ = 	snop  }
0x5: {  	_ = 	snop  }
0x6: {  	_ = 	snop  }
0x7: {  	_ = 	snop  }
__scs_overlays_trampoline_lowered:
0x8: {  	[smem:$0x3F97] =	sst s0  }
0x9: {  	[smem:$0x3F98] =	sst s1  }
0xa: {  	[smem:$0x3F99] =	sst s2  }
0xb: {  	[smem:$0x3F9A] =	sst s3  }
0xc: {  	[smem:$0x3F9B] =	sst s4  }
0xd: {  	[smem:$0x3F9C] =	sst s5  }
0xe: {  	[smem:$0x3F9D] =	sst s6  }
0xf: {  	[smem:$0x3F9E] =	sst s7  }
0x10: {  	[smem:$0x3F9F] =	sst s8  }
0x11: {  	[smem:$0x3FA0] =	sst s9;
	s0 =	simm.s32 @!p0 $0x0  }
0x12: {  	s1 =	sld [smem:$0x3F86];
	s0 =	simm.s32 @p0 $0x1  }
0x13: {  	[smem:$0x3FA1] =	sst s0;
	s0 =	simm.s32 @!p1 $0x0  }
0x14: {  	s2 =	sld [smem:$0x3F85];
	s0 =	simm.s32 @p1 $0x1  }
0x15: {  	[smem:$0x3FA2] =	sst s0;
	s0 =	simm.s32 @!p2 $0x0  }
0x16: {  	s3 =	sld [smem:$0x3FDB];
	s0 =	simm.s32 @p2 $0x1  }
0x17: {  	s4 =	simm.s32 $0x1BF5;
	[smem:$0x3FA4] =	sst s0  }
0x18: {  	s0 =	sld [smem:$0x3F87];
	_ =	swait.ge [sflag:s4], $0x0  }
0x19: {  	s7 =	sld [smem:$0x3F88]  }
0x1a: {  	s8 =	sadd.s32 $0xFFFFE003, lr  }
0x1b: {  	s9 =	sadd.s32 $0xFFFFFEF7, lr;
	s5 =	simm.s32 $0xFFFFFFFF;
	p2 =	slt.u32 s8, $0xFFFFF086  }
0x1c: {  	p1 =	slt.u32 s9, $0xF7A;
	s5 =	simm.s32 @!p2 $0x0  }
0x1d: {  	s5 =	simm.s32 @p1 $0x1;
	p0 =	seq.s32 s7, s2  }
0x1e: {  	s7 =	smul.u32 @!p0 $0xF7A, s2;
	p2 =	seq.s32 @!p0 s5, $0x0  }
0x1f: {  	s9 =	smul.u32 $0xF7A, s1;
	s8 =	simm.s32 @!p0 $0x1BF5;
	p2 =	por !p2, p0  }
0x20: {  	[sflag:s8] =	ssyncset.s32 @!p0 $0xFFFFF086;
	s6 =	sadd.s32 @!p0 s3, s7;
	s7 =	simm.s32 @!p0 $0x108  }
0x21: {  	s3 =	sadd.s32 s3, s9;
	s6 =	sadd.s32 @!p0 $0x88, s6;
	s7 =	simm.s32 @p2 $0x1082  }
0x22: {  	[simem:s7], [sflag:s8] =	dma.local @!p0 [hbm:s6], $0xF7A  }
0x23: {  	s9 =	sor.u32 $0xD0000000, s2;
	s6 =	simm.s32 $0x108;
	_ =	swait.ge @!p0 [sflag:s8], $0x0  }
0x24: {  	s3 =	sadd.s32 $0x88, s3;
	s6 =	simm.s32 @!p1 $0x1082;
	[sflag:s4] =	ssyncset.s32 $0xFFFFF086  }
0x25: {  	[simem:s6], [sflag:s4] =	dma.local [hbm:s3], $0xF7A  }
0x26: {  	[smem:$0x3F88] =	sst s1;
	(tag) =	ssettag s2;
	_ =	strace s9  }
0x27: {  	s1 =	sld [smem:$0x3F98]  }
0x28: {  	s2 =	sld [smem:$0x3F99]  }
0x29: {  	s4 =	sld [smem:$0x3F9B]  }
0x2a: {  	p0 =	seq.s32 s5, $0x0;
	s5 =	sld [smem:$0x3F9C]  }
0x2b: {  	s6 =	sld [smem:$0x3F9D]  }
0x2c: {  	s7 =	sld [smem:$0x3F9E]  }
0x2d: {  	s3 =	simm.s32 $0x108;
	s8 =	sld [smem:$0x3F9F]  }
0x2e: {  	s3 =	simm.s32 @!p0 $0x1082;
	s9 =	sld [smem:$0x3FA0]  }
0x2f: {  	lr =	sadd.s32 s0, s3;
	s0 =	sld [smem:$0x3F97]  }
0x30: {  	s3 =	sld [smem:$0x3F9A]  }
0x31: {  	[smem:$0x3FA3] =	sst s10  }
0x32: {  	s10 =	sld [smem:$0x3FA1];
	_ =	sdelay $0x3  }
0x33: {  	p0 =	seq.s32 s10, $0x1;
	s10 =	sld [smem:$0x3FA3];
	_ =	sdelay $0x3  }
0x34: {  	[smem:$0x3FA3] =	sst s10  }
0x35: {  	s10 =	sld [smem:$0x3FA2];
	_ =	sdelay $0x3  }
0x36: {  	p1 =	seq.s32 s10, $0x1;
	s10 =	sld [smem:$0x3FA3];
	_ =	sdelay $0x3  }
0x37: {  	[smem:$0x3FA3] =	sst s10  }
0x38: {  	s10 =	sld [smem:$0x3FA4]  }
0x39: {  	_ = 	snop;
	(pc) =	sbr.ind lr, $3  }
0x3a: {  	_ = 	snop  }
0x3b: {  	_ = 	snop  }
0x3c: {  	p2 =	seq.s32 s10, $0x1;
	s10 =	sld [smem:$0x3FA3]  }
0x3d: {  	_ =	shalt  }
0x3e: {  	_ =	shalt  }
0x3f: {  	_ =	shalt  }
0x40: {  	_ =	shalt  }
0x41: {  	_ =	shalt  }
0x42: {  	_ =	shalt  }
0x43: {  	_ =	shalt  }
0x44: {  	_ =	shalt  }
0x45: {  	_ =	shalt  }
0x46: {  	_ =	shalt  }
0x47: {  	_ =	shalt  }
0x48: {  	_ =	shalt  }
0x49: {  	_ =	shalt  }
0x4a: {  	_ =	shalt  }
0x4b: {  	_ =	shalt  }
0x4c: {  	_ =	shalt  }
0x4d: {  	_ =	shalt  }
0x4e: {  	_ =	shalt  }
0x4f: {  	_ =	shalt  }
0x50: {  	_ =	shalt  }
0x51: {  	_ =	shalt  }
0x52: {  	_ =	shalt  }
0x53: {  	_ =	shalt  }
0x54: {  	_ =	shalt  }
0x55: {  	_ =	shalt  }
0x56: {  	_ =	shalt  }
0x57: {  	_ =	shalt  }
0x58: {  	_ =	shalt  }
0x59: {  	_ =	shalt  }
0x5a: {  	_ =	shalt  }
0x5b: {  	_ =	shalt  }
0x5c: {  	_ =	shalt  }
0x5d: {  	_ =	shalt  }
0x5e: {  	_ =	shalt  }
0x5f: {  	_ =	shalt  }
0x60: {  	_ =	shalt  }
0x61: {  	_ =	shalt  }
0x62: {  	_ =	shalt  }
0x63: {  	_ =	shalt  }
0x64: {  	_ =	shalt  }
0x65: {  	_ =	shalt  }
0x66: {  	_ =	shalt  }
0x67: {  	_ =	shalt  }
0x68: {  	_ =	shalt  }
0x69: {  	_ =	shalt  }
0x6a: {  	_ =	shalt  }
0x6b: {  	_ =	shalt  }
0x6c: {  	_ =	shalt  }
0x6d: {  	_ =	shalt  }
0x6e: {  	_ =	shalt  }
0x6f: {  	_ =	shalt  }
0x70: {  	_ =	shalt  }
0x71: {  	_ =	shalt  }
0x72: {  	_ =	shalt  }
0x73: {  	_ =	shalt  }
0x74: {  	_ =	shalt  }
0x75: {  	_ =	shalt  }
0x76: {  	_ =	shalt  }
0x77: {  	_ =	shalt  }
0x78: {  	_ =	shalt  }
0x79: {  	_ =	shalt  }
0x7a: {  	_ =	shalt  }
0x7b: {  	_ =	shalt  }
0x7c: {  	_ =	shalt  }
0x7d: {  	_ =	shalt  }
0x7e: {  	_ =	shalt  }
0x7f: {  	_ =	shalt  }
0x80: {  	_ =	shalt  }
0x81: {  	_ =	shalt  }
0x82: {  	_ =	shalt  }
0x83: {  	_ =	shalt  }
0x84: {  	_ =	shalt  }
0x85: {  	_ =	shalt  }
0x86: {  	_ =	shalt  }
0x87: {  	_ =	shalt  }
.Lfunc_end0:
.L_simem_size_0:
called_computation_lowered:
.L_overlay_start_0:
0x88: {  	s2 =	sld [smem:$0x3FD9]  }
0x89: {  	s3 =	sld [smem:$0x3FFE];
	_ =	sdelay $0x1  }
0x8a: {  	s1 =	srdreg.scid  }
0x8b: {  	s0 =	sand.u32 $0x1, s1  }
0x8c: {  	s17 =	sshll.u32 s0, $0xA;
	s2 =	sadd.s32 s3, s2  }
0x8d: {  	s2 =	sadd.s32 s2, s17  }
0x8e: {  	[smem:$0x3FAF] =	sst s2  }
0x8f: {  	_ = 	snop  }
0x90: {  	s2 =	sld [smem:$0x3FB2]  }
0x91: {  	s18 =	sld [smem:$0x3FB1];
	(tm) =	ssettm $0x1  }
0x92: {  	s4 =	sld [smem:$0x3FFB];
	_ =	sdelay $0x3  }
0x93: {  	_ =	strace s4  }
0x94: {  	s4 =	sld [smem:$0x3FFC];
	_ =	sdelay $0x3  }
0x95: {  	_ =	strace s4  }
0x96: {  	s4 =	sld [smem:$0x3FFD];
	_ =	sdelay $0x3  }
0x97: {  	_ =	strace s4  }
0x98: {  	_ =	strace $0x8FFFFFFF  }
0x99: {  	s19 =	sld [smem:$0x3FDB];
	_ =	sdelay $0x1  }
0x9a: {  	s5 =	simm.s32 $_scs_section_size  }
0x9b: {  	s6 =	simm.s32 $_size__tile_overlayer_lowered;
	s7 =	simm.s32 $_tile_overlayer_lowered  }
0x9c: {  	s22 =	simm.s32 $0x1BFF;
	s21 =	sshll.u32 s7, $0x1;
	s4 =	sadd.s32 s5, s19  }
0x9d: {  	s8 =	simm.s32 $0x0;
	s20 =	sshll.u32 s6, $0x1;
	s6 =	sadd.s32 s21, s4  }
0x9e: {  	[timem:s8], [sflag:s22] =	dma.local [hbm:s6], s20  }
0x9f: {  	_ =	swait.ge [sflag:s22], s20  }
0xa0: {  	s5 =	ssub.s32 $0x0, s20;
	[sflag:s22] =	ssyncset.done $0x0  }
0xa1: {  	[sflag:s22] =	ssyncadd.s32 s5;
	_ =	sdelay $0x1  }
0xa2: {  	s23 =	simm.s32 $0x1B8B  }
0xa3: {  	_ =	swait.ge [sflag:s23], $0x1  }
0xa4: {  	[sflag:s23] =	ssyncset.done $0x0  }
0xa5: {  	s25 =	simm.s32 $0x1B8E;
	s24 =	sld [smem:$0x3FFE];
	[sflag:s23] =	ssyncadd.s32 $0xFFFFFFFF  }
0xa6: {  	s26 =	simm.s32 $execute0_lowered;
	[smem:$0x3FD2] =	sst s25  }
0xa7: {  	s6 =	sshll.u32 s26, $0x1;
	_ =	strace $0x80000046;
	[dreg:$0x1] =	wrdreg $0xFFFFFFFF  }
0xa8: {  	s28 =	simm.s32 $_size_execute0_lowered;
	s4 =	sadd.s32 s4, s6;
	[dreg:$0x0] =	wrdreg $0x0  }
0xa9: {  	s6 =	sshll.u32 s28, $0x1;
	[dreg:$0x2] =	wrdreg s4  }
0xaa: {  	[dreg:$0x3] =	wrdreg s6  }
0xab: {  	[dreg:$0x4] =	wrdreg $0xC0  }
0xac: {  	_ =	task [dreg:s8], $0x5FFFF  }
0xad: {  	[dreg:$0x1] =	wrdreg $0xFFFFFFFF  }
0xae: {  	[dreg:$0x0] =	wrdreg $0x60  }
0xaf: {  	[dreg:$0x2] =	wrdreg s2  }
0xb0: {  	[dreg:$0x3] =	wrdreg s18  }
0xb1: {  	[dreg:$0x4] =	wrdreg s24  }
0xb2: {  	[dreg:$0x5] =	wrdreg $0x9  }
0xb3: {  	_ =	task.clear_ibuf [dreg:s8], $0x6FFFF;
	_ =	strace $0x90000046  }
0xb4: {  	s29 =	simm.s32 $0x9;
	_ =	strace $0x80000048  }
0xb5: {  	_ =	swait.ge [sflag:s29], $0x1  }
0xb6: {  	[sflag:s29] =	ssyncadd.s32 $0xFFFFFFFF  }
0xb7: {  	_ =	strace $0x90000048  }
0xb8: {  	_ =	sfence  }
0xb9: {  	s30 =	sld [smem:$0x0];
	_ =	sdelay $0x2  }
0xba: {  	s31 =	sshll.u32 s1, $0xD;
	s1 =	sshrl.u32 s1, $0x2  }
0xbb: {  	s3 =	sand.u32 $0x4000, s31;
	s1 =	sadd.s32 s1, s30  }
0xbc: {  	s0 =	sor.u32 s3, s0;
	s1 =	sshll.u32 s1, $0x11  }
0xbd: {  	s0 =	sor.u32 s1, s0  }
0xbe: {  	s0 =	sadd.s32 $0x8F2B, s0  }
0xbf: {  	[sflag:s0] =	ssyncadd.remote.s32 $0x1  }
0xc0: {  	_ =	sfence.sel $0xFFFF  }
0xc1: {  	[dreg:$0x0] =	wrdreg $0xFFFFFFFF;
	(pc) =	sbr.abs _section_cstart, $3  }
0xc2: {  	[dreg:$0x1] =	wrdreg $0xFFFFFFFF  }
0xc3: {  	_ =	task.clear_ibuf [dreg:s8], $0x2FFFF;
	_ =	strace $0x9FFFFFFF  }
0xc4: {  	(tm) =	ssettm $0x7FFFFFFF  }
0xc5: {  	_ =	shalt  }
tec
execute0_lowered:
.L_overlay_start_1:
0x0: {  	(tag) =	ssettag $0x1  }
0x1: {  	s1 =	rddreg [dreg:$0x0]  }
0x2: {  	s2 =	srdreg.scid;
	s4 =	rddreg [dreg:$0x1]  }
0x3: {  	s0 =	stileid.u32;
	s5 =	rddreg [dreg:$0x2];
	s3 =	simm.s32 $0x0  }
0x4: {  	s17 =	simm.s32 $0x880;
	s18 =	simm.s32 $0x1080;
	s19 =	simm.s32 $0x1880  }
0x5: {  	s21 =	simm.s32 $0x2080;
	s22 =	simm.s32 $0x2880;
	s23 =	simm.s32 $0x3080  }
0x6: {  	s24 =	simm.s32 $0x3880;
	s8 =	simm.s32 $0x4080;
	[smem:$0x7FF] =	sst s3  }
0x7: {  	s25 =	simm.s32 $0x4880;
	_ =	strace $0x80000047;
	[dreg:$0x6] =	wrdreg s17  }
0x8: {  	s26 =	simm.s32 $0x5080;
	s9 =	simm.s32 $0x80;
	[dreg:$0x7] =	wrdreg s18  }
0x9: {  	s11 =	simm.s32 $0x6080;
	s12 =	simm.s32 $0x6880;
	[dreg:$0x8] =	wrdreg s19  }
0xa: {  	s13 =	simm.s32 $0x7080;
	s14 =	simm.s32 $0x7880;
	[dreg:$0x9] =	wrdreg s21  }
0xb: {  	s15 =	simm.s32 $0x8080;
	s28 =	simm.s32 $0xE080;
	[dreg:$0xa] =	wrdreg s22  }
0xc: {  	s29 =	simm.s32 $0xE880;
	s30 =	simm.s32 $0xF080;
	[dreg:$0xb] =	wrdreg s23  }
0xd: {  	s31 =	simm.s32 $0xF880;
	s2 =	sand.u32 $0x1, s2;
	[dreg:$0xc] =	wrdreg s24  }
0xe: {  	s6 =	sshll.u32 s0, $0x7;
	s7 =	sshll.u32 s2, $0x6;
	[dreg:$0xd] =	wrdreg s8  }
0xf: {  	s2 =	ssub.s32 $0x2, s2;
	s8 =	simm.s32 $0x2;
	[dreg:$0xe] =	wrdreg s25  }
0x10: {  	[dreg:$0xf] =	wrdreg s26;
	s17 =	simm.s32 $0x9080;
	s18 =	simm.s32 $0x9880  }
0x11: {  	s19 =	simm.s32 $0xA080;
	s21 =	simm.s32 $0xB080;
	s22 =	simm.s32 $0xB880  }
0x12: {  	s23 =	simm.s32 $0xC080;
	s24 =	simm.s32 $0xC880;
	s25 =	simm.s32 $0xD080  }
0x13: {  	s26 =	simm.s32 $0xD880;
	s6 =	sor.u32 s7, s6;
	s20 =	sshrl.u32 s2, $0x1  }
0x14: {  	s7 =	sshll.u32 s6, $0x7;
	s6 =	sshrl.u32 s6, $0x3;
	s2 =	ssub.s32 s2, s20  }
0x15: {  	s20 =	simm.s32 $0xA880;
	s5 =	sadd.s32 s7, s5;
	s4 =	sadd.s32 s4, s6  }
0x16: {  	v2 =	vlaneseq.u32;
	s6 =	sadd.s32 $0x300, s1;
	s7 =	smax.u32 s2, $0x1;
	s2 =	simm.s32 $0x1  }
0x17: {  	vm0 =	vmmov $0xffff;
	v1 =	vshrl.u32 v2, $0x3;
	[dreg:$0x4] =	wrdreg s4;
	s16 =	sadd.s32 $0x1400, s5;
	s4 =	sadd.s32 $0x100, s1  }
0x18: {  	v0 =	vand.u32 $0x7, v2;
	v2 =	vor.u32 $0x8, v2;
	v1 =	vmul.u32 $0x8, v1;
	s5 =	sadd.s32 $0x200, s1;
	[dreg:$0x5] =	wrdreg s16;
	s16 =	simm.s32 $0x8880  }
.LBB2_1:
0x19: {  	s0 =	rddreg [dreg:$0x4]  }
0x1a: {  	[tilespmem:s3], [sflag:$0x2] =	stream.linear.gather [hbm4b:s0+s3], $0x40, $0x38;
	[tilespmem:$0x10080] =	vst v63  }
0x1b: {  	_ =	swait.ge [sflag:s8], $0x40  }
0x1c: {  	[sflag:s8] =	ssyncset.done $0x0  }
0x1d: {  	[sflag:s8] =	ssyncadd.s32 $0xFFFFFFC0  }
0x1e: {  	v3 =	vld [tilespmem:$0x0];
	_ =	sdelay $0x4  }
0x1f: {  	v4 =	vshll.u32 v3, $0x3  }
0x20: {  	v3 =	vand.u32 $0x7, v3;
	v4 =	vand.u32 $0xFFFFFFC0, v4  }
0x21: {  	v3 =	vor.u32 v3, v4  }
0x22: {  	v4 =	vperm.xlane v3, v0;
	_ =	sdelay $0x1  }
0x23: {  	v4 =	vadd.s32 v1, v4;
	_ =	sdelay $0x4  }
0x24: {  	[tilespmem:s9], [sflag:$0x1] =	stream.indirect_vreg.gather [hbm4b:s1+s3], $0x80, v4, vm0, $0xb8;
	[tilespmem:$0x10080] =	vst v63  }
0x25: {  	s0 =	rddreg [dreg:$0x6];
	v3 =	vperm.xlane v3, v2  }
0x26: {  	[tilespmem:s0], [sflag:$0x1] =	stream.indirect_vreg.gather [hbm4b:s4+s3], $0x80, v4, vm0, $0xb8;
	[tilespmem:$0x10080] =	vst v63  }
0x27: {  	s10 =	rddreg [dreg:$0x7];
	v3 =	vadd.s32 v1, v3  }
0x28: {  	[tilespmem:s10], [sflag:$0x1] =	stream.indirect_vreg.gather [hbm4b:s5+s3], $0x80, v4, vm0, $0xb8;
	[tilespmem:$0x10080] =	vst v63  }
0x29: {  	s0 =	rddreg [dreg:$0x8]  }
0x2a: {  	[tilespmem:s0], [sflag:$0x1] =	stream.indirect_vreg.gather [hbm4b:s6+s3], $0x80, v4, vm0, $0xb8;
	[tilespmem:$0x10080] =	vst v63  }
0x2b: {  	s10 =	rddreg [dreg:$0x9]  }
0x2c: {  	[tilespmem:s10], [sflag:$0x1] =	stream.indirect_vreg.gather [hbm4b:s1+s3], $0x80, v3, vm0, $0xb8;
	[tilespmem:$0x10080] =	vst v63  }
0x2d: {  	s0 =	rddreg [dreg:$0xa]  }
0x2e: {  	[tilespmem:s0], [sflag:$0x1] =	stream.indirect_vreg.gather [hbm4b:s4+s3], $0x80, v3, vm0, $0xb8;
	[tilespmem:$0x10080] =	vst v63  }
0x2f: {  	s10 =	rddreg [dreg:$0xb]  }
0x30: {  	[tilespmem:s10], [sflag:$0x1] =	stream.indirect_vreg.gather [hbm4b:s5+s3], $0x80, v3, vm0, $0xb8;
	[tilespmem:$0x10080] =	vst v63  }
0x31: {  	s0 =	rddreg [dreg:$0xc]  }
0x32: {  	[tilespmem:s0], [sflag:$0x1] =	stream.indirect_vreg.gather [hbm4b:s6+s3], $0x80, v3, vm0, $0xb8;
	[tilespmem:$0x10080] =	vst v63  }
0x33: {  	v3 =	vld [tilespmem:$0x10];
	_ =	sdelay $0x4  }
0x34: {  	v61 =	vshll.u32 v3, $0x3  }
0x35: {  	v3 =	vand.u32 $0x7, v3;
	v4 =	vand.u32 $0xFFFFFFC0, v61  }
0x36: {  	v3 =	vor.u32 v3, v4  }
0x37: {  	v4 =	vperm.xlane v3, v0;
	_ =	sdelay $0x1  }
0x38: {  	v4 =	vadd.s32 v1, v4;
	_ =	sdelay $0x3  }
0x39: {  	s0 =	rddreg [dreg:$0xd]  }
0x3a: {  	[tilespmem:s0], [sflag:$0x1] =	stream.indirect_vreg.gather [hbm4b:s1+s3], $0x80, v4, vm0, $0xb8;
	[tilespmem:$0x10080] =	vst v63  }
0x3b: {  	s10 =	rddreg [dreg:$0xe];
	v3 =	vperm.xlane v3, v2  }
0x3c: {  	[tilespmem:s10], [sflag:$0x1] =	stream.indirect_vreg.gather [hbm4b:s4+s3], $0x80, v4, vm0, $0xb8;
	[tilespmem:$0x10080] =	vst v63  }
0x3d: {  	v3 =	vadd.s32 v1, v3;
	s0 =	rddreg [dreg:$0xf]  }
0x3e: {  	[tilespmem:s0], [sflag:$0x1] =	stream.indirect_vreg.gather [hbm4b:s5+s3], $0x80, v4, vm0, $0xb8;
	[tilespmem:$0x10080] =	vst v63  }
0x3f: {  	s10 =	simm.s32 $0x5880  }
0x40: {  	[tilespmem:s10], [sflag:$0x1] =	stream.indirect_vreg.gather [hbm4b:s6+s3], $0x80, v4, vm0, $0xb8;
	[tilespmem:$0x10080] =	vst v63  }
0x41: {  	_ = 	snop  }
0x42: {  	[tilespmem:s11], [sflag:$0x1] =	stream.indirect_vreg.gather [hbm4b:s1+s3], $0x80, v3, vm0, $0xb8;
	[tilespmem:$0x10080] =	vst v63  }
0x43: {  	_ = 	snop  }
0x44: {  	[tilespmem:s12], [sflag:$0x1] =	stream.indirect_vreg.gather [hbm4b:s4+s3], $0x80, v3, vm0, $0xb8;
	[tilespmem:$0x10080] =	vst v63  }
0x45: {  	_ = 	snop  }
0x46: {  	[tilespmem:s13], [sflag:$0x1] =	stream.indirect_vreg.gather [hbm4b:s5+s3], $0x80, v3, vm0, $0xb8;
	[tilespmem:$0x10080] =	vst v63  }
0x47: {  	_ = 	snop  }
0x48: {  	[tilespmem:s14], [sflag:$0x1] =	stream.indirect_vreg.gather [hbm4b:s6+s3], $0x80, v3, vm0, $0xb8;
	[tilespmem:$0x10080] =	vst v63  }
0x49: {  	v3 =	vld [tilespmem:$0x20];
	_ =	sdelay $0x4  }
0x4a: {  	v62 =	vshll.u32 v3, $0x3  }
0x4b: {  	v3 =	vand.u32 $0x7, v3;
	v4 =	vand.u32 $0xFFFFFFC0, v62  }
0x4c: {  	v3 =	vor.u32 v3, v4  }
0x4d: {  	v4 =	vperm.xlane v3, v0;
	_ =	sdelay $0x1  }
0x4e: {  	v4 =	vadd.s32 v1, v4;
	_ =	sdelay $0x4  }
0x4f: {  	[tilespmem:s15], [sflag:$0x1] =	stream.indirect_vreg.gather [hbm4b:s1+s3], $0x80, v4, vm0, $0xb8;
	[tilespmem:$0x10080] =	vst v63  }
0x50: {  	v3 =	vperm.xlane v3, v2  }
0x51: {  	[tilespmem:s16], [sflag:$0x1] =	stream.indirect_vreg.gather [hbm4b:s4+s3], $0x80, v4, vm0, $0xb8;
	[tilespmem:$0x10080] =	vst v63  }
0x52: {  	v3 =	vadd.s32 v1, v3  }
0x53: {  	[tilespmem:s17], [sflag:$0x1] =	stream.indirect_vreg.gather [hbm4b:s5+s3], $0x80, v4, vm0, $0xb8;
	[tilespmem:$0x10080] =	vst v63  }
0x54: {  	_ = 	snop  }
0x55: {  	[tilespmem:s18], [sflag:$0x1] =	stream.indirect_vreg.gather [hbm4b:s6+s3], $0x80, v4, vm0, $0xb8;
	[tilespmem:$0x10080] =	vst v63  }
0x56: {  	_ = 	snop  }
0x57: {  	[tilespmem:s19], [sflag:$0x1] =	stream.indirect_vreg.gather [hbm4b:s1+s3], $0x80, v3, vm0, $0xb8;
	[tilespmem:$0x10080] =	vst v63  }
0x58: {  	_ = 	snop  }
0x59: {  	[tilespmem:s20], [sflag:$0x1] =	stream.indirect_vreg.gather [hbm4b:s4+s3], $0x80, v3, vm0, $0xb8;
	[tilespmem:$0x10080] =	vst v63  }
0x5a: {  	_ = 	snop  }
0x5b: {  	[tilespmem:s21], [sflag:$0x1] =	stream.indirect_vreg.gather [hbm4b:s5+s3], $0x80, v3, vm0, $0xb8;
	[tilespmem:$0x10080] =	vst v63  }
0x5c: {  	_ = 	snop  }
0x5d: {  	[tilespmem:s22], [sflag:$0x1] =	stream.indirect_vreg.gather [hbm4b:s6+s3], $0x80, v3, vm0, $0xb8;
	[tilespmem:$0x10080] =	vst v63  }
0x5e: {  	v3 =	vld [tilespmem:$0x30];
	_ =	sdelay $0x4  }
0x5f: {  	v63 =	vshll.u32 v3, $0x3  }
0x60: {  	v3 =	vand.u32 $0x7, v3;
	v4 =	vand.u32 $0xFFFFFFC0, v63  }
0x61: {  	v3 =	vor.u32 v3, v4  }
0x62: {  	v4 =	vperm.xlane v3, v0;
	_ =	sdelay $0x1  }
0x63: {  	v4 =	vadd.s32 v1, v4;
	_ =	sdelay $0x4  }
0x64: {  	[tilespmem:s23], [sflag:$0x1] =	stream.indirect_vreg.gather [hbm4b:s1+s3], $0x80, v4, vm0, $0xb8;
	[tilespmem:$0x10080] =	vst v63  }
0x65: {  	v3 =	vperm.xlane v3, v2  }
0x66: {  	[tilespmem:s24], [sflag:$0x1] =	stream.indirect_vreg.gather [hbm4b:s4+s3], $0x80, v4, vm0, $0xb8;
	[tilespmem:$0x10080] =	vst v63  }
0x67: {  	v3 =	vadd.s32 v1, v3  }
0x68: {  	[tilespmem:s25], [sflag:$0x1] =	stream.indirect_vreg.gather [hbm4b:s5+s3], $0x80, v4, vm0, $0xb8;
	[tilespmem:$0x10080] =	vst v63  }
0x69: {  	_ = 	snop  }
0x6a: {  	[tilespmem:s26], [sflag:$0x1] =	stream.indirect_vreg.gather [hbm4b:s6+s3], $0x80, v4, vm0, $0xb8;
	[tilespmem:$0x10080] =	vst v63  }
0x6b: {  	_ = 	snop  }
0x6c: {  	[tilespmem:s28], [sflag:$0x1] =	stream.indirect_vreg.gather [hbm4b:s1+s3], $0x80, v3, vm0, $0xb8;
	[tilespmem:$0x10080] =	vst v63  }
0x6d: {  	_ = 	snop  }
0x6e: {  	[tilespmem:s29], [sflag:$0x1] =	stream.indirect_vreg.gather [hbm4b:s4+s3], $0x80, v3, vm0, $0xb8;
	[tilespmem:$0x10080] =	vst v63  }
0x6f: {  	_ = 	snop  }
0x70: {  	[tilespmem:s30], [sflag:$0x1] =	stream.indirect_vreg.gather [hbm4b:s5+s3], $0x80, v3, vm0, $0xb8;
	[tilespmem:$0x10080] =	vst v63  }
0x71: {  	_ = 	snop  }
0x72: {  	[tilespmem:s31], [sflag:$0x1] =	stream.indirect_vreg.gather [hbm4b:s6+s3], $0x80, v3, vm0, $0xb8;
	[tilespmem:$0x10080] =	vst v63  }
0x73: {  	_ =	swait.ge [sflag:s2], $0x10000  }
0x74: {  	p0 =	sne.s32 s7, $0x1;
	[sflag:s2] =	ssyncset.done $0x0  }
.Ltmp0:
0x75: {  	s10 =	rddreg [dreg:$0x5];
	[sflag:s2] =	ssyncadd.s32 $0xFFFF0000;
	(pc) =	sbr.rel @p0 .LBB2_1-.Ltmp0, $4  }
0x76: {  	[hbm4b:s10+s3] =	stream.linear.scatter [tilespmem:s9], [sflag:$0x2], $0x10000, $0x38;
	[tilespmem:$0x10080] =	vst v63  }
0x77: {  	_ =	swait.ge [sflag:s8], $0x10000  }
0x78: {  	[sflag:s8] =	ssyncset.done $0x0  }
0x79: {  	s7 =	sadd.s32 $0xFFFFFFFF, s7;
	[sflag:s8] =	ssyncadd.s32 $0xFFFF0000  }
0x7a: {  	_ =	sfence.sel $0x180000  }
0x7b: {  	[bflag:$0x0] =	sbarrier.arrive $0xFFFF  }
0x7c: {  	_ =	strace $0x90000047  }
0x7d: {  	s0 =	stileid.u32;
	[bflag:$0x2] =	sbarrier.arrive $0xFFFF  }
0x7e: {  	p0 =	sne.s32 s0, $0x0;
	s0 =	rddreg [dreg:$0x3]  }
0x7f: {  	s0 =	sadd.s32 @!p0 $0x100000, s0  }
0x80: {  	[sflag:s0] =	ssyncadd.tile.s32 @!p0 $0x1;
	_ =	shalt  }
.Lfunc_end2:
_tile_overlayer_lowered:
.L_overlay_start_2:
0x81: {  	(tag) =	ssettag $0x2  }
0x82: {  	s0 =	rddreg [dreg:$0x0];
	s2 =	stileid.u32  }
0x83: {  	s1 =	rddreg [dreg:$0x1];
	p0 =	sne.s32 s2, $0x0  }
0x84: {  	s3 =	rddreg [dreg:$0x2];
	[bflag:$0x3] =	sbarrier.arrive $0xFFFF;
	s2 =	simm.s32 @!p0 $0x1C02  }
0x85: {  	[timem:s3], [sflag:s2] =	dma.local @!p0 [hbm:s0], s1  }
0x86: {  	s0 =	simm.s32 @!p0 $0x2  }
0x87: {  	_ =	swait.ge @!p0 [sflag:s0], s1  }
0x88: {  	s1 =	ssub.s32 @!p0 $0x0, s1;
	[sflag:s0] =	ssyncset.done @!p0 $0x0  }
0x89: {  	[sflag:s0] =	ssyncadd.s32 @!p0 s1  }
0x8a: {  	[bflag:$0x3] =	sbarrier.arrive $0xFFFF  }
0x8b: {  	_ =	shalt  }

// kernel: kernel.23.cloned.1.call-start
scs
__scs_entry_jumppad:
0x0: {  	(pc) =	sbr.rel $0x88, $3  }
0x1: {  	(tag) =	ssettag $0x0;
	lr =	simm.s32 $0x1  }
0x2: {  	[smem:$0x3F88] =	sst lr;
	_ =	strace $0xD0000000  }
0x3: {  	_ = 	snop  }
0x4: {  	_ = 	snop  }
0x5: {  	_ = 	snop  }
0x6: {  	_ = 	snop  }
0x7: {  	_ = 	snop  }
__scs_overlays_trampoline_lowered:
0x8: {  	[smem:$0x3F97] =	sst s0  }
0x9: {  	[smem:$0x3F98] =	sst s1  }
0xa: {  	[smem:$0x3F99] =	sst s2  }
0xb: {  	[smem:$0x3F9A] =	sst s3  }
0xc: {  	[smem:$0x3F9B] =	sst s4  }
0xd: {  	[smem:$0x3F9C] =	sst s5  }
0xe: {  	[smem:$0x3F9D] =	sst s6  }
0xf: {  	[smem:$0x3F9E] =	sst s7  }
0x10: {  	[smem:$0x3F9F] =	sst s8  }
0x11: {  	[smem:$0x3FA0] =	sst s9;
	s0 =	simm.s32 @!p0 $0x0  }
0x12: {  	s1 =	sld [smem:$0x3F86];
	s0 =	simm.s32 @p0 $0x1  }
0x13: {  	[smem:$0x3FA1] =	sst s0;
	s0 =	simm.s32 @!p1 $0x0  }
0x14: {  	s2 =	sld [smem:$0x3F85];
	s0 =	simm.s32 @p1 $0x1  }
0x15: {  	[smem:$0x3FA2] =	sst s0;
	s0 =	simm.s32 @!p2 $0x0  }
0x16: {  	s3 =	sld [smem:$0x3FDB];
	s0 =	simm.s32 @p2 $0x1  }
0x17: {  	s4 =	simm.s32 $0x1BF5;
	[smem:$0x3FA4] =	sst s0  }
0x18: {  	s0 =	sld [smem:$0x3F87];
	_ =	swait.ge [sflag:s4], $0x0  }
0x19: {  	s7 =	sld [smem:$0x3F88]  }
0x1a: {  	s8 =	sadd.s32 $0xFFFFE003, lr  }
0x1b: {  	s9 =	sadd.s32 $0xFFFFFEF7, lr;
	s5 =	simm.s32 $0xFFFFFFFF;
	p2 =	slt.u32 s8, $0xFFFFF086  }
0x1c: {  	p1 =	slt.u32 s9, $0xF7A;
	s5 =	simm.s32 @!p2 $0x0  }
0x1d: {  	s5 =	simm.s32 @p1 $0x1;
	p0 =	seq.s32 s7, s2  }
0x1e: {  	s7 =	smul.u32 @!p0 $0xF7A, s2;
	p2 =	seq.s32 @!p0 s5, $0x0  }
0x1f: {  	s9 =	smul.u32 $0xF7A, s1;
	s8 =	simm.s32 @!p0 $0x1BF5;
	p2 =	por !p2, p0  }
0x20: {  	[sflag:s8] =	ssyncset.s32 @!p0 $0xFFFFF086;
	s6 =	sadd.s32 @!p0 s3, s7;
	s7 =	simm.s32 @!p0 $0x108  }
0x21: {  	s3 =	sadd.s32 s3, s9;
	s6 =	sadd.s32 @!p0 $0x88, s6;
	s7 =	simm.s32 @p2 $0x1082  }
0x22: {  	[simem:s7], [sflag:s8] =	dma.local @!p0 [hbm:s6], $0xF7A  }
0x23: {  	s9 =	sor.u32 $0xD0000000, s2;
	s6 =	simm.s32 $0x108;
	_ =	swait.ge @!p0 [sflag:s8], $0x0  }
0x24: {  	s3 =	sadd.s32 $0x88, s3;
	s6 =	simm.s32 @!p1 $0x1082;
	[sflag:s4] =	ssyncset.s32 $0xFFFFF086  }
0x25: {  	[simem:s6], [sflag:s4] =	dma.local [hbm:s3], $0xF7A  }
0x26: {  	[smem:$0x3F88] =	sst s1;
	(tag) =	ssettag s2;
	_ =	strace s9  }
0x27: {  	s1 =	sld [smem:$0x3F98]  }
0x28: {  	s2 =	sld [smem:$0x3F99]  }
0x29: {  	s4 =	sld [smem:$0x3F9B]  }
0x2a: {  	p0 =	seq.s32 s5, $0x0;
	s5 =	sld [smem:$0x3F9C]  }
0x2b: {  	s6 =	sld [smem:$0x3F9D]  }
0x2c: {  	s7 =	sld [smem:$0x3F9E]  }
0x2d: {  	s3 =	simm.s32 $0x108;
	s8 =	sld [smem:$0x3F9F]  }
0x2e: {  	s3 =	simm.s32 @!p0 $0x1082;
	s9 =	sld [smem:$0x3FA0]  }
0x2f: {  	lr =	sadd.s32 s0, s3;
	s0 =	sld [smem:$0x3F97]  }
0x30: {  	s3 =	sld [smem:$0x3F9A]  }
0x31: {  	[smem:$0x3FA3] =	sst s10  }
0x32: {  	s10 =	sld [smem:$0x3FA1];
	_ =	sdelay $0x3  }
0x33: {  	p0 =	seq.s32 s10, $0x1;
	s10 =	sld [smem:$0x3FA3];
	_ =	sdelay $0x3  }
0x34: {  	[smem:$0x3FA3] =	sst s10  }
0x35: {  	s10 =	sld [smem:$0x3FA2];
	_ =	sdelay $0x3  }
0x36: {  	p1 =	seq.s32 s10, $0x1;
	s10 =	sld [smem:$0x3FA3];
	_ =	sdelay $0x3  }
0x37: {  	[smem:$0x3FA3] =	sst s10  }
0x38: {  	s10 =	sld [smem:$0x3FA4]  }
0x39: {  	_ = 	snop;
	(pc) =	sbr.ind lr, $3  }
0x3a: {  	_ = 	snop  }
0x3b: {  	_ = 	snop  }
0x3c: {  	p2 =	seq.s32 s10, $0x1;
	s10 =	sld [smem:$0x3FA3]  }
0x3d: {  	_ =	shalt  }
0x3e: {  	_ =	shalt  }
0x3f: {  	_ =	shalt  }
0x40: {  	_ =	shalt  }
0x41: {  	_ =	shalt  }
0x42: {  	_ =	shalt  }
0x43: {  	_ =	shalt  }
0x44: {  	_ =	shalt  }
0x45: {  	_ =	shalt  }
0x46: {  	_ =	shalt  }
0x47: {  	_ =	shalt  }
0x48: {  	_ =	shalt  }
0x49: {  	_ =	shalt  }
0x4a: {  	_ =	shalt  }
0x4b: {  	_ =	shalt  }
0x4c: {  	_ =	shalt  }
0x4d: {  	_ =	shalt  }
0x4e: {  	_ =	shalt  }
0x4f: {  	_ =	shalt  }
0x50: {  	_ =	shalt  }
0x51: {  	_ =	shalt  }
0x52: {  	_ =	shalt  }
0x53: {  	_ =	shalt  }
0x54: {  	_ =	shalt  }
0x55: {  	_ =	shalt  }
0x56: {  	_ =	shalt  }
0x57: {  	_ =	shalt  }
0x58: {  	_ =	shalt  }
0x59: {  	_ =	shalt  }
0x5a: {  	_ =	shalt  }
0x5b: {  	_ =	shalt  }
0x5c: {  	_ =	shalt  }
0x5d: {  	_ =	shalt  }
0x5e: {  	_ =	shalt  }
0x5f: {  	_ =	shalt  }
0x60: {  	_ =	shalt  }
0x61: {  	_ =	shalt  }
0x62: {  	_ =	shalt  }
0x63: {  	_ =	shalt  }
0x64: {  	_ =	shalt  }
0x65: {  	_ =	shalt  }
0x66: {  	_ =	shalt  }
0x67: {  	_ =	shalt  }
0x68: {  	_ =	shalt  }
0x69: {  	_ =	shalt  }
0x6a: {  	_ =	shalt  }
0x6b: {  	_ =	shalt  }
0x6c: {  	_ =	shalt  }
0x6d: {  	_ =	shalt  }
0x6e: {  	_ =	shalt  }
0x6f: {  	_ =	shalt  }
0x70: {  	_ =	shalt  }
0x71: {  	_ =	shalt  }
0x72: {  	_ =	shalt  }
0x73: {  	_ =	shalt  }
0x74: {  	_ =	shalt  }
0x75: {  	_ =	shalt  }
0x76: {  	_ =	shalt  }
0x77: {  	_ =	shalt  }
0x78: {  	_ =	shalt  }
0x79: {  	_ =	shalt  }
0x7a: {  	_ =	shalt  }
0x7b: {  	_ =	shalt  }
0x7c: {  	_ =	shalt  }
0x7d: {  	_ =	shalt  }
0x7e: {  	_ =	shalt  }
0x7f: {  	_ =	shalt  }
0x80: {  	_ =	shalt  }
0x81: {  	_ =	shalt  }
0x82: {  	_ =	shalt  }
0x83: {  	_ =	shalt  }
0x84: {  	_ =	shalt  }
0x85: {  	_ =	shalt  }
0x86: {  	_ =	shalt  }
0x87: {  	_ =	shalt  }
.Lfunc_end0:
.L_simem_size_0:
called_computation.1_lowered:
.L_overlay_start_0:
0x88: {  	s2 =	sld [smem:$0x3FD9]  }
0x89: {  	s3 =	sld [smem:$0x3FFE];
	_ =	sdelay $0x1  }
0x8a: {  	s1 =	srdreg.scid  }
0x8b: {  	s0 =	sand.u32 $0x1, s1  }
0x8c: {  	s16 =	sshll.u32 s0, $0xA;
	s2 =	sadd.s32 s3, s2  }
0x8d: {  	s2 =	sadd.s32 s2, s16  }
0x8e: {  	[smem:$0x3FAF] =	sst s2  }
0x8f: {  	_ = 	snop  }
0x90: {  	(tm) =	ssettm $0x1  }
0x91: {  	s17 =	sld [smem:$0x3FFB];
	_ =	sdelay $0x3  }
0x92: {  	_ =	strace s17  }
0x93: {  	s2 =	sld [smem:$0x3FFC];
	_ =	sdelay $0x3  }
0x94: {  	_ =	strace s2  }
0x95: {  	s2 =	sld [smem:$0x3FFD];
	_ =	sdelay $0x3  }
0x96: {  	_ =	strace s2  }
0x97: {  	_ =	strace $0x8FFFFFFF  }
0x98: {  	s18 =	sld [smem:$0x3FDB];
	_ =	sdelay $0x1  }
0x99: {  	s19 =	simm.s32 $_scs_section_size  }
0x9a: {  	s4 =	simm.s32 $_size__tile_overlayer_lowered;
	s5 =	simm.s32 $_tile_overlayer_lowered  }
0x9b: {  	s22 =	simm.s32 $0x1BFF;
	s21 =	sshll.u32 s5, $0x1;
	s2 =	sadd.s32 s19, s18  }
0x9c: {  	s6 =	simm.s32 $0x0;
	s20 =	sshll.u32 s4, $0x1;
	s4 =	sadd.s32 s21, s2  }
0x9d: {  	[timem:s6], [sflag:s22] =	dma.local [hbm:s4], s20  }
0x9e: {  	_ =	swait.ge [sflag:s22], s20  }
0x9f: {  	s3 =	ssub.s32 $0x0, s20;
	[sflag:s22] =	ssyncset.done $0x0  }
0xa0: {  	[sflag:s22] =	ssyncadd.s32 s3;
	_ =	sdelay $0x1  }
0xa1: {  	s23 =	simm.s32 $0x1B8B  }
0xa2: {  	_ =	swait.ge [sflag:s23], $0x1  }
0xa3: {  	[sflag:s23] =	ssyncset.done $0x0  }
0xa4: {  	s25 =	simm.s32 $0x1B8E;
	s24 =	sld [smem:$0x3FFE];
	[sflag:s23] =	ssyncadd.s32 $0xFFFFFFFF  }
0xa5: {  	s26 =	simm.s32 $execute0_lowered;
	[smem:$0x3FD2] =	sst s25  }
0xa6: {  	s4 =	sshll.u32 s26, $0x1;
	_ =	strace $0x80000049;
	[dreg:$0x1] =	wrdreg $0xFFFFFFFF  }
0xa7: {  	s28 =	simm.s32 $_size_execute0_lowered;
	s2 =	sadd.s32 s2, s4;
	[dreg:$0x0] =	wrdreg $0x0  }
0xa8: {  	s4 =	sshll.u32 s28, $0x1;
	[dreg:$0x2] =	wrdreg s2  }
0xa9: {  	[dreg:$0x3] =	wrdreg s4  }
0xaa: {  	[dreg:$0x4] =	wrdreg $0xC0  }
0xab: {  	_ =	task [dreg:s6], $0x5FFFF  }
0xac: {  	[dreg:$0x1] =	wrdreg $0xFFFFFFFF  }
0xad: {  	[dreg:$0x0] =	wrdreg $0x60  }
0xae: {  	[dreg:$0x2] =	wrdreg s24  }
0xaf: {  	[dreg:$0x3] =	wrdreg $0x9  }
0xb0: {  	_ =	task.clear_ibuf [dreg:s6], $0x4FFFF;
	_ =	strace $0x90000049  }
0xb1: {  	s29 =	simm.s32 $0x9;
	_ =	strace $0x8000004B  }
0xb2: {  	_ =	swait.ge [sflag:s29], $0x1  }
0xb3: {  	[sflag:s29] =	ssyncadd.s32 $0xFFFFFFFF  }
0xb4: {  	_ =	strace $0x9000004B  }
0xb5: {  	_ =	sfence  }
0xb6: {  	s30 =	sld [smem:$0x0];
	_ =	sdelay $0x2  }
0xb7: {  	s31 =	sshll.u32 s1, $0xD;
	s1 =	sshrl.u32 s1, $0x2  }
0xb8: {  	s3 =	sand.u32 $0x4000, s31;
	s1 =	sadd.s32 s1, s30  }
0xb9: {  	s0 =	sor.u32 s3, s0;
	s1 =	sshll.u32 s1, $0x11  }
0xba: {  	s0 =	sor.u32 s1, s0  }
0xbb: {  	s0 =	sadd.s32 $0x8F2B, s0  }
0xbc: {  	[sflag:s0] =	ssyncadd.remote.s32 $0x1  }
0xbd: {  	_ =	sfence.sel $0xFFFF  }
0xbe: {  	[dreg:$0x0] =	wrdreg $0xFFFFFFFF;
	(pc) =	sbr.abs _section_cstart, $3  }
0xbf: {  	[dreg:$0x1] =	wrdreg $0xFFFFFFFF  }
0xc0: {  	_ =	task.clear_ibuf [dreg:s6], $0x2FFFF;
	_ =	strace $0x9FFFFFFF  }
0xc1: {  	(tm) =	ssettm $0x7FFFFFFF  }
tec
execute0_lowered:
.L_overlay_start_1:
0x0: {  	(tag) =	ssettag $0x1  }
0x1: {  	s0 =	rddreg [dreg:$0x0];
	s1 =	srdreg.scid  }
0x2: {  	s2 =	simm.s32 $0x0;
	s3 =	stileid.u32;
	s18 =	simm.s32 $0x1  }
0x3: {  	s20 =	simm.s32 $0x880;
	s21 =	simm.s32 $0x1080;
	s22 =	simm.s32 $0x1880  }
0x4: {  	s28 =	simm.s32 $0x4080;
	s29 =	simm.s32 $0x4880;
	s30 =	simm.s32 $0x5080  }
0x5: {  	s31 =	simm.s32 $0x5880;
	s10 =	simm.s32 $0x7080;
	s11 =	simm.s32 $0x7880  }
0x6: {  	s12 =	simm.s32 $0x8080;
	s13 =	simm.s32 $0x8880;
	s14 =	simm.s32 $0x9080  }
0x7: {  	s15 =	simm.s32 $0x9880;
	s16 =	simm.s32 $0xA080;
	s17 =	simm.s32 $0xA880  }
0x8: {  	s9 =	simm.s32 $0xB080;
	s1 =	sand.u32 $0x1, s1;
	[smem:$0x7FF] =	sst s2  }
0x9: {  	s3 =	sshll.u32 s3, $0x7;
	s4 =	sshll.u32 s1, $0x6;
	_ =	strace $0x8000004A  }
0xa: {  	s1 =	ssub.s32 $0x2, s1;
	s4 =	sor.u32 s4, s3;
	s3 =	sadd.s32 $0x3DB400, s0  }
0xb: {  	s23 =	sshrl.u32 s1, $0x1;
	s5 =	sshrl.u32 s4, $0x3;
	s4 =	sshll.u32 s4, $0x7  }
0xc: {  	s1 =	ssub.s32 s1, s23;
	s23 =	simm.s32 $0x2080;
	s6 =	sadd.s32 s5, s0  }
0xd: {  	s7 =	sadd.s32 s4, s0;
	s4 =	sadd.s32 $0x3DB500, s0;
	s24 =	sadd.s32 $0x369600, s6  }
0xe: {  	s5 =	sadd.s32 $0x3DB600, s0;
	s8 =	sadd.s32 $0x29600, s7;
	[dreg:$0x2] =	wrdreg s24  }
0xf: {  	s25 =	sadd.s32 $0x369400, s6;
	s6 =	sadd.s32 $0x3DB700, s0;
	[dreg:$0x3] =	wrdreg s8  }
0x10: {  	v2 =	vlaneseq.u32;
	s26 =	sadd.s32 $0x69600, s7;
	s7 =	smax.u32 s1, $0x1;
	[dreg:$0x4] =	wrdreg s25  }
0x11: {  	vm0 =	vmmov $0xffff;
	v1 =	vshrl.u32 v2, $0x3;
	s0 =	simm.s32 $0x80;
	[dreg:$0x5] =	wrdreg s26;
	s8 =	simm.s32 $0x2  }
0x12: {  	v0 =	vand.u32 $0x7, v2;
	v2 =	vor.u32 $0x8, v2;
	v1 =	vmul.u32 $0x8, v1;
	s24 =	simm.s32 $0x2880;
	s25 =	simm.s32 $0x3080;
	s26 =	simm.s32 $0x3880  }
.LBB2_1:
0x13: {  	s19 =	rddreg [dreg:$0x2]  }
0x14: {  	[tilespmem:s2], [sflag:$0x2] =	stream.linear.gather [hbm4b:s19+s2], $0x40, $0x38;
	[tilespmem:$0x10080] =	vst v63  }
0x15: {  	_ =	swait.ge [sflag:s8], $0x40  }
0x16: {  	[sflag:s8] =	ssyncset.done $0x0  }
0x17: {  	[sflag:s8] =	ssyncadd.s32 $0xFFFFFFC0  }
0x18: {  	v3 =	vld [tilespmem:$0x0];
	_ =	sdelay $0x4  }
0x19: {  	v4 =	vshll.u32 v3, $0x3  }
0x1a: {  	v3 =	vand.u32 $0x7, v3;
	v4 =	vand.u32 $0xFFFFFFC0, v4  }
0x1b: {  	v3 =	vor.u32 v3, v4  }
0x1c: {  	v4 =	vperm.xlane v3, v0;
	_ =	sdelay $0x1  }
0x1d: {  	v4 =	vadd.s32 v1, v4;
	_ =	sdelay $0x4  }
0x1e: {  	[tilespmem:s0], [sflag:$0x1] =	stream.indirect_vreg.gather [hbm4b:s3+s2], $0x80, v4, vm0, $0xb8;
	[tilespmem:$0x10080] =	vst v63  }
0x1f: {  	v3 =	vperm.xlane v3, v2  }
0x20: {  	[tilespmem:s20], [sflag:$0x1] =	stream.indirect_vreg.gather [hbm4b:s4+s2], $0x80, v4, vm0, $0xb8;
	[tilespmem:$0x10080] =	vst v63  }
0x21: {  	v3 =	vadd.s32 v1, v3  }
0x22: {  	[tilespmem:s21], [sflag:$0x1] =	stream.indirect_vreg.gather [hbm4b:s5+s2], $0x80, v4, vm0, $0xb8;
	[tilespmem:$0x10080] =	vst v63  }
0x23: {  	_ = 	snop  }
0x24: {  	[tilespmem:s22], [sflag:$0x1] =	stream.indirect_vreg.gather [hbm4b:s6+s2], $0x80, v4, vm0, $0xb8;
	[tilespmem:$0x10080] =	vst v63  }
0x25: {  	_ = 	snop  }
0x26: {  	[tilespmem:s23], [sflag:$0x1] =	stream.indirect_vreg.gather [hbm4b:s3+s2], $0x80, v3, vm0, $0xb8;
	[tilespmem:$0x10080] =	vst v63  }
0x27: {  	_ = 	snop  }
0x28: {  	[tilespmem:s24], [sflag:$0x1] =	stream.indirect_vreg.gather [hbm4b:s4+s2], $0x80, v3, vm0, $0xb8;
	[tilespmem:$0x10080] =	vst v63  }
0x29: {  	_ = 	snop  }
0x2a: {  	[tilespmem:s25], [sflag:$0x1] =	stream.indirect_vreg.gather [hbm4b:s5+s2], $0x80, v3, vm0, $0xb8;
	[tilespmem:$0x10080] =	vst v63  }
0x2b: {  	_ = 	snop  }
0x2c: {  	[tilespmem:s26], [sflag:$0x1] =	stream.indirect_vreg.gather [hbm4b:s6+s2], $0x80, v3, vm0, $0xb8;
	[tilespmem:$0x10080] =	vst v63  }
0x2d: {  	v3 =	vld [tilespmem:$0x10];
	_ =	sdelay $0x4  }
0x2e: {  	v57 =	vshll.u32 v3, $0x3  }
0x2f: {  	v3 =	vand.u32 $0x7, v3;
	v4 =	vand.u32 $0xFFFFFFC0, v57  }
0x30: {  	v3 =	vor.u32 v3, v4  }
0x31: {  	v4 =	vperm.xlane v3, v0;
	_ =	sdelay $0x1  }
0x32: {  	v4 =	vadd.s32 v1, v4;
	_ =	sdelay $0x4  }
0x33: {  	[tilespmem:s28], [sflag:$0x1] =	stream.indirect_vreg.gather [hbm4b:s3+s2], $0x80, v4, vm0, $0xb8;
	[tilespmem:$0x10080] =	vst v63  }
0x34: {  	v3 =	vperm.xlane v3, v2  }
0x35: {  	[tilespmem:s29], [sflag:$0x1] =	stream.indirect_vreg.gather [hbm4b:s4+s2], $0x80, v4, vm0, $0xb8;
	[tilespmem:$0x10080] =	vst v63  }
0x36: {  	v3 =	vadd.s32 v1, v3  }
0x37: {  	[tilespmem:s30], [sflag:$0x1] =	stream.indirect_vreg.gather [hbm4b:s5+s2], $0x80, v4, vm0, $0xb8;
	[tilespmem:$0x10080] =	vst v63  }
0x38: {  	_ = 	snop  }
0x39: {  	[tilespmem:s31], [sflag:$0x1] =	stream.indirect_vreg.gather [hbm4b:s6+s2], $0x80, v4, vm0, $0xb8;
	[tilespmem:$0x10080] =	vst v63  }
0x3a: {  	s1 =	simm.s32 $0x6080  }
0x3b: {  	[tilespmem:s1], [sflag:$0x1] =	stream.indirect_vreg.gather [hbm4b:s3+s2], $0x80, v3, vm0, $0xb8;
	[tilespmem:$0x10080] =	vst v63  }
0x3c: {  	s1 =	simm.s32 $0x6880  }
0x3d: {  	[tilespmem:s1], [sflag:$0x1] =	stream.indirect_vreg.gather [hbm4b:s4+s2], $0x80, v3, vm0, $0xb8;
	[tilespmem:$0x10080] =	vst v63  }
0x3e: {  	_ = 	snop  }
0x3f: {  	[tilespmem:s10], [sflag:$0x1] =	stream.indirect_vreg.gather [hbm4b:s5+s2], $0x80, v3, vm0, $0xb8;
	[tilespmem:$0x10080] =	vst v63  }
0x40: {  	_ = 	snop  }
0x41: {  	[tilespmem:s11], [sflag:$0x1] =	stream.indirect_vreg.gather [hbm4b:s6+s2], $0x80, v3, vm0, $0xb8;
	[tilespmem:$0x10080] =	vst v63  }
0x42: {  	v3 =	vld [tilespmem:$0x20];
	_ =	sdelay $0x4  }
0x43: {  	v58 =	vshll.u32 v3, $0x3  }
0x44: {  	v3 =	vand.u32 $0x7, v3;
	v4 =	vand.u32 $0xFFFFFFC0, v58  }
0x45: {  	v3 =	vor.u32 v3, v4  }
0x46: {  	v4 =	vperm.xlane v3, v0;
	_ =	sdelay $0x1  }
0x47: {  	v4 =	vadd.s32 v1, v4;
	_ =	sdelay $0x4  }
0x48: {  	[tilespmem:s12], [sflag:$0x1] =	stream.indirect_vreg.gather [hbm4b:s3+s2], $0x80, v4, vm0, $0xb8;
	[tilespmem:$0x10080] =	vst v63  }
0x49: {  	v3 =	vperm.xlane v3, v2  }
0x4a: {  	[tilespmem:s13], [sflag:$0x1] =	stream.indirect_vreg.gather [hbm4b:s4+s2], $0x80, v4, vm0, $0xb8;
	[tilespmem:$0x10080] =	vst v63  }
0x4b: {  	v3 =	vadd.s32 v1, v3  }
0x4c: {  	[tilespmem:s14], [sflag:$0x1] =	stream.indirect_vreg.gather [hbm4b:s5+s2], $0x80, v4, vm0, $0xb8;
	[tilespmem:$0x10080] =	vst v63  }
0x4d: {  	_ = 	snop  }
0x4e: {  	[tilespmem:s15], [sflag:$0x1] =	stream.indirect_vreg.gather [hbm4b:s6+s2], $0x80, v4, vm0, $0xb8;
	[tilespmem:$0x10080] =	vst v63  }
0x4f: {  	_ = 	snop  }
0x50: {  	[tilespmem:s16], [sflag:$0x1] =	stream.indirect_vreg.gather [hbm4b:s3+s2], $0x80, v3, vm0, $0xb8;
	[tilespmem:$0x10080] =	vst v63  }
0x51: {  	_ = 	snop  }
0x52: {  	[tilespmem:s17], [sflag:$0x1] =	stream.indirect_vreg.gather [hbm4b:s4+s2], $0x80, v3, vm0, $0xb8;
	[tilespmem:$0x10080] =	vst v63  }
0x53: {  	_ = 	snop  }
0x54: {  	[tilespmem:s9], [sflag:$0x1] =	stream.indirect_vreg.gather [hbm4b:s5+s2], $0x80, v3, vm0, $0xb8;
	[tilespmem:$0x10080] =	vst v63  }
0x55: {  	s19 =	simm.s32 $0xB880  }
0x56: {  	[tilespmem:s19], [sflag:$0x1] =	stream.indirect_vreg.gather [hbm4b:s6+s2], $0x80, v3, vm0, $0xb8;
	[tilespmem:$0x10080] =	vst v63  }
0x57: {  	v3 =	vld [tilespmem:$0x30];
	_ =	sdelay $0x4  }
0x58: {  	v59 =	vshll.u32 v3, $0x3  }
0x59: {  	v3 =	vand.u32 $0x7, v3;
	v4 =	vand.u32 $0xFFFFFFC0, v59  }
0x5a: {  	v3 =	vor.u32 v3, v4  }
0x5b: {  	v4 =	vperm.xlane v3, v0;
	_ =	sdelay $0x1  }
0x5c: {  	v4 =	vadd.s32 v1, v4;
	_ =	sdelay $0x3  }
0x5d: {  	s19 =	simm.s32 $0xC080  }
0x5e: {  	[tilespmem:s19], [sflag:$0x1] =	stream.indirect_vreg.gather [hbm4b:s3+s2], $0x80, v4, vm0, $0xb8;
	[tilespmem:$0x10080] =	vst v63  }
0x5f: {  	v3 =	vperm.xlane v3, v2;
	s19 =	simm.s32 $0xC880  }
0x60: {  	[tilespmem:s19], [sflag:$0x1] =	stream.indirect_vreg.gather [hbm4b:s4+s2], $0x80, v4, vm0, $0xb8;
	[tilespmem:$0x10080] =	vst v63  }
0x61: {  	v3 =	vadd.s32 v1, v3;
	s19 =	simm.s32 $0xD080  }
0x62: {  	[tilespmem:s19], [sflag:$0x1] =	stream.indirect_vreg.gather [hbm4b:s5+s2], $0x80, v4, vm0, $0xb8;
	[tilespmem:$0x10080] =	vst v63  }
0x63: {  	s19 =	simm.s32 $0xD880  }
0x64: {  	[tilespmem:s19], [sflag:$0x1] =	stream.indirect_vreg.gather [hbm4b:s6+s2], $0x80, v4, vm0, $0xb8;
	[tilespmem:$0x10080] =	vst v63  }
0x65: {  	s19 =	simm.s32 $0xE080  }
0x66: {  	[tilespmem:s19], [sflag:$0x1] =	stream.indirect_vreg.gather [hbm4b:s3+s2], $0x80, v3, vm0, $0xb8;
	[tilespmem:$0x10080] =	vst v63  }
0x67: {  	s19 =	simm.s32 $0xE880  }
0x68: {  	[tilespmem:s19], [sflag:$0x1] =	stream.indirect_vreg.gather [hbm4b:s4+s2], $0x80, v3, vm0, $0xb8;
	[tilespmem:$0x10080] =	vst v63  }
0x69: {  	s19 =	simm.s32 $0xF080  }
0x6a: {  	[tilespmem:s19], [sflag:$0x1] =	stream.indirect_vreg.gather [hbm4b:s5+s2], $0x80, v3, vm0, $0xb8;
	[tilespmem:$0x10080] =	vst v63  }
0x6b: {  	s19 =	simm.s32 $0xF880  }
0x6c: {  	[tilespmem:s19], [sflag:$0x1] =	stream.indirect_vreg.gather [hbm4b:s6+s2], $0x80, v3, vm0, $0xb8;
	[tilespmem:$0x10080] =	vst v63  }
0x6d: {  	_ =	swait.ge [sflag:s18], $0x10000  }
0x6e: {  	[sflag:s18] =	ssyncset.done $0x0  }
0x6f: {  	s19 =	rddreg [dreg:$0x3];
	[sflag:s18] =	ssyncadd.s32 $0xFFFF0000  }
0x70: {  	[hbm4b:s19+s2] =	stream.linear.scatter [tilespmem:s0], [sflag:$0x2], $0x10000, $0x38;
	[tilespmem:$0x10080] =	vst v63  }
0x71: {  	_ =	swait.ge [sflag:s8], $0x10000  }
0x72: {  	[sflag:s8] =	ssyncset.done $0x0  }
0x73: {  	s19 =	rddreg [dreg:$0x4];
	[sflag:s8] =	ssyncadd.s32 $0xFFFF0000  }
0x74: {  	[tilespmem:s2], [sflag:$0x2] =	stream.linear.gather [hbm4b:s19+s2], $0x40, $0x38;
	[tilespmem:$0x10080] =	vst v63  }
0x75: {  	_ =	swait.ge [sflag:s8], $0x40  }
0x76: {  	[sflag:s8] =	ssyncset.done $0x0  }
0x77: {  	[sflag:s8] =	ssyncadd.s32 $0xFFFFFFC0  }
0x78: {  	v3 =	vld [tilespmem:$0x0];
	_ =	sdelay $0x4  }
0x79: {  	v60 =	vshll.u32 v3, $0x3  }
0x7a: {  	v3 =	vand.u32 $0x7, v3;
	v4 =	vand.u32 $0xFFFFFFC0, v60  }
0x7b: {  	v3 =	vor.u32 v3, v4  }
0x7c: {  	v4 =	vperm.xlane v3, v0;
	_ =	sdelay $0x1  }
0x7d: {  	v4 =	vadd.s32 v1, v4;
	_ =	sdelay $0x4  }
0x7e: {  	[tilespmem:s0], [sflag:$0x1] =	stream.indirect_vreg.gather [hbm4b:s3+s2], $0x80, v4, vm0, $0xb8;
	[tilespmem:$0x10080] =	vst v63  }
0x7f: {  	v3 =	vperm.xlane v3, v2  }
0x80: {  	[tilespmem:s20], [sflag:$0x1] =	stream.indirect_vreg.gather [hbm4b:s4+s2], $0x80, v4, vm0, $0xb8;
	[tilespmem:$0x10080] =	vst v63  }
0x81: {  	v3 =	vadd.s32 v1, v3  }
0x82: {  	[tilespmem:s21], [sflag:$0x1] =	stream.indirect_vreg.gather [hbm4b:s5+s2], $0x80, v4, vm0, $0xb8;
	[tilespmem:$0x10080] =	vst v63  }
0x83: {  	_ = 	snop  }
0x84: {  	[tilespmem:s22], [sflag:$0x1] =	stream.indirect_vreg.gather [hbm4b:s6+s2], $0x80, v4, vm0, $0xb8;
	[tilespmem:$0x10080] =	vst v63  }
0x85: {  	_ = 	snop  }
0x86: {  	[tilespmem:s23], [sflag:$0x1] =	stream.indirect_vreg.gather [hbm4b:s3+s2], $0x80, v3, vm0, $0xb8;
	[tilespmem:$0x10080] =	vst v63  }
0x87: {  	_ = 	snop  }
0x88: {  	[tilespmem:s24], [sflag:$0x1] =	stream.indirect_vreg.gather [hbm4b:s4+s2], $0x80, v3, vm0, $0xb8;
	[tilespmem:$0x10080] =	vst v63  }
0x89: {  	_ = 	snop  }
0x8a: {  	[tilespmem:s25], [sflag:$0x1] =	stream.indirect_vreg.gather [hbm4b:s5+s2], $0x80, v3, vm0, $0xb8;
	[tilespmem:$0x10080] =	vst v63  }
0x8b: {  	_ = 	snop  }
0x8c: {  	[tilespmem:s26], [sflag:$0x1] =	stream.indirect_vreg.gather [hbm4b:s6+s2], $0x80, v3, vm0, $0xb8;
	[tilespmem:$0x10080] =	vst v63  }
0x8d: {  	v3 =	vld [tilespmem:$0x10];
	_ =	sdelay $0x4  }
0x8e: {  	v61 =	vshll.u32 v3, $0x3  }
0x8f: {  	v3 =	vand.u32 $0x7, v3;
	v4 =	vand.u32 $0xFFFFFFC0, v61  }
0x90: {  	v3 =	vor.u32 v3, v4  }
0x91: {  	v4 =	vperm.xlane v3, v0;
	_ =	sdelay $0x1  }
0x92: {  	v4 =	vadd.s32 v1, v4;
	_ =	sdelay $0x4  }
0x93: {  	[tilespmem:s28], [sflag:$0x1] =	stream.indirect_vreg.gather [hbm4b:s3+s2], $0x80, v4, vm0, $0xb8;
	[tilespmem:$0x10080] =	vst v63  }
0x94: {  	v3 =	vperm.xlane v3, v2  }
0x95: {  	[tilespmem:s29], [sflag:$0x1] =	stream.indirect_vreg.gather [hbm4b:s4+s2], $0x80, v4, vm0, $0xb8;
	[tilespmem:$0x10080] =	vst v63  }
0x96: {  	v3 =	vadd.s32 v1, v3  }
0x97: {  	[tilespmem:s30], [sflag:$0x1] =	stream.indirect_vreg.gather [hbm4b:s5+s2], $0x80, v4, vm0, $0xb8;
	[tilespmem:$0x10080] =	vst v63  }
0x98: {  	_ = 	snop  }
0x99: {  	[tilespmem:s31], [sflag:$0x1] =	stream.indirect_vreg.gather [hbm4b:s6+s2], $0x80, v4, vm0, $0xb8;
	[tilespmem:$0x10080] =	vst v63  }
0x9a: {  	s19 =	simm.s32 $0x6080  }
0x9b: {  	[tilespmem:s19], [sflag:$0x1] =	stream.indirect_vreg.gather [hbm4b:s3+s2], $0x80, v3, vm0, $0xb8;
	[tilespmem:$0x10080] =	vst v63  }
0x9c: {  	_ = 	snop  }
0x9d: {  	[tilespmem:s1], [sflag:$0x1] =	stream.indirect_vreg.gather [hbm4b:s4+s2], $0x80, v3, vm0, $0xb8;
	[tilespmem:$0x10080] =	vst v63  }
0x9e: {  	_ = 	snop  }
0x9f: {  	[tilespmem:s10], [sflag:$0x1] =	stream.indirect_vreg.gather [hbm4b:s5+s2], $0x80, v3, vm0, $0xb8;
	[tilespmem:$0x10080] =	vst v63  }
0xa0: {  	_ = 	snop  }
0xa1: {  	[tilespmem:s11], [sflag:$0x1] =	stream.indirect_vreg.gather [hbm4b:s6+s2], $0x80, v3, vm0, $0xb8;
	[tilespmem:$0x10080] =	vst v63  }
0xa2: {  	v3 =	vld [tilespmem:$0x20];
	_ =	sdelay $0x4  }
0xa3: {  	v62 =	vshll.u32 v3, $0x3  }
0xa4: {  	v3 =	vand.u32 $0x7, v3;
	v4 =	vand.u32 $0xFFFFFFC0, v62  }
0xa5: {  	v3 =	vor.u32 v3, v4  }
0xa6: {  	v4 =	vperm.xlane v3, v0;
	_ =	sdelay $0x1  }
0xa7: {  	v4 =	vadd.s32 v1, v4;
	_ =	sdelay $0x4  }
0xa8: {  	[tilespmem:s12], [sflag:$0x1] =	stream.indirect_vreg.gather [hbm4b:s3+s2], $0x80, v4, vm0, $0xb8;
	[tilespmem:$0x10080] =	vst v63  }
0xa9: {  	v3 =	vperm.xlane v3, v2  }
0xaa: {  	[tilespmem:s13], [sflag:$0x1] =	stream.indirect_vreg.gather [hbm4b:s4+s2], $0x80, v4, vm0, $0xb8;
	[tilespmem:$0x10080] =	vst v63  }
0xab: {  	v3 =	vadd.s32 v1, v3  }
0xac: {  	[tilespmem:s14], [sflag:$0x1] =	stream.indirect_vreg.gather [hbm4b:s5+s2], $0x80, v4, vm0, $0xb8;
	[tilespmem:$0x10080] =	vst v63  }
0xad: {  	_ = 	snop  }
0xae: {  	[tilespmem:s15], [sflag:$0x1] =	stream.indirect_vreg.gather [hbm4b:s6+s2], $0x80, v4, vm0, $0xb8;
	[tilespmem:$0x10080] =	vst v63  }
0xaf: {  	_ = 	snop  }
0xb0: {  	[tilespmem:s16], [sflag:$0x1] =	stream.indirect_vreg.gather [hbm4b:s3+s2], $0x80, v3, vm0, $0xb8;
	[tilespmem:$0x10080] =	vst v63  }
0xb1: {  	_ = 	snop  }
0xb2: {  	[tilespmem:s17], [sflag:$0x1] =	stream.indirect_vreg.gather [hbm4b:s4+s2], $0x80, v3, vm0, $0xb8;
	[tilespmem:$0x10080] =	vst v63  }
0xb3: {  	_ = 	snop  }
0xb4: {  	[tilespmem:s9], [sflag:$0x1] =	stream.indirect_vreg.gather [hbm4b:s5+s2], $0x80, v3, vm0, $0xb8;
	[tilespmem:$0x10080] =	vst v63  }
0xb5: {  	s19 =	simm.s32 $0xB880  }
0xb6: {  	[tilespmem:s19], [sflag:$0x1] =	stream.indirect_vreg.gather [hbm4b:s6+s2], $0x80, v3, vm0, $0xb8;
	[tilespmem:$0x10080] =	vst v63  }
0xb7: {  	v3 =	vld [tilespmem:$0x30];
	_ =	sdelay $0x4  }
0xb8: {  	v63 =	vshll.u32 v3, $0x3  }
0xb9: {  	v3 =	vand.u32 $0x7, v3;
	v4 =	vand.u32 $0xFFFFFFC0, v63  }
0xba: {  	v3 =	vor.u32 v3, v4  }
0xbb: {  	v4 =	vperm.xlane v3, v0;
	_ =	sdelay $0x1  }
0xbc: {  	v4 =	vadd.s32 v1, v4;
	_ =	sdelay $0x3  }
0xbd: {  	s19 =	simm.s32 $0xC080  }
0xbe: {  	[tilespmem:s19], [sflag:$0x1] =	stream.indirect_vreg.gather [hbm4b:s3+s2], $0x80, v4, vm0, $0xb8;
	[tilespmem:$0x10080] =	vst v63  }
0xbf: {  	v3 =	vperm.xlane v3, v2;
	s19 =	simm.s32 $0xC880  }
0xc0: {  	[tilespmem:s19], [sflag:$0x1] =	stream.indirect_vreg.gather [hbm4b:s4+s2], $0x80, v4, vm0, $0xb8;
	[tilespmem:$0x10080] =	vst v63  }
0xc1: {  	v3 =	vadd.s32 v1, v3;
	s19 =	simm.s32 $0xD080  }
0xc2: {  	[tilespmem:s19], [sflag:$0x1] =	stream.indirect_vreg.gather [hbm4b:s5+s2], $0x80, v4, vm0, $0xb8;
	[tilespmem:$0x10080] =	vst v63  }
0xc3: {  	s19 =	simm.s32 $0xD880  }
0xc4: {  	[tilespmem:s19], [sflag:$0x1] =	stream.indirect_vreg.gather [hbm4b:s6+s2], $0x80, v4, vm0, $0xb8;
	[tilespmem:$0x10080] =	vst v63  }
0xc5: {  	s19 =	simm.s32 $0xE080  }
0xc6: {  	[tilespmem:s19], [sflag:$0x1] =	stream.indirect_vreg.gather [hbm4b:s3+s2], $0x80, v3, vm0, $0xb8;
	[tilespmem:$0x10080] =	vst v63  }
0xc7: {  	s19 =	simm.s32 $0xE880  }
0xc8: {  	[tilespmem:s19], [sflag:$0x1] =	stream.indirect_vreg.gather [hbm4b:s4+s2], $0x80, v3, vm0, $0xb8;
	[tilespmem:$0x10080] =	vst v63  }
0xc9: {  	s19 =	simm.s32 $0xF080  }
0xca: {  	[tilespmem:s19], [sflag:$0x1] =	stream.indirect_vreg.gather [hbm4b:s5+s2], $0x80, v3, vm0, $0xb8;
	[tilespmem:$0x10080] =	vst v63  }
0xcb: {  	s19 =	simm.s32 $0xF880  }
0xcc: {  	[tilespmem:s19], [sflag:$0x1] =	stream.indirect_vreg.gather [hbm4b:s6+s2], $0x80, v3, vm0, $0xb8;
	[tilespmem:$0x10080] =	vst v63  }
0xcd: {  	_ =	swait.ge [sflag:s18], $0x10000  }
0xce: {  	p0 =	sne.s32 s7, $0x1;
	[sflag:s18] =	ssyncset.done $0x0  }
.Ltmp0:
0xcf: {  	s1 =	rddreg [dreg:$0x5];
	[sflag:s18] =	ssyncadd.s32 $0xFFFF0000;
	(pc) =	sbr.rel @p0 .LBB2_1-.Ltmp0, $4  }
0xd0: {  	[hbm4b:s1+s2] =	stream.linear.scatter [tilespmem:s0], [sflag:$0x2], $0x10000, $0x38;
	[tilespmem:$0x10080] =	vst v63  }
0xd1: {  	_ =	swait.ge [sflag:s8], $0x10000  }
0xd2: {  	[sflag:s8] =	ssyncset.done $0x0  }
0xd3: {  	s7 =	sadd.s32 $0xFFFFFFFF, s7;
	[sflag:s8] =	ssyncadd.s32 $0xFFFF0000  }
0xd4: {  	_ =	sfence.sel $0x180000  }
0xd5: {  	[bflag:$0x0] =	sbarrier.arrive $0xFFFF  }
0xd6: {  	_ =	strace $0x9000004A  }
0xd7: {  	s0 =	stileid.u32;
	[bflag:$0x2] =	sbarrier.arrive $0xFFFF  }
0xd8: {  	p0 =	sne.s32 s0, $0x0;
	s0 =	rddreg [dreg:$0x1]  }
0xd9: {  	s0 =	sadd.s32 @!p0 $0x100000, s0  }
0xda: {  	[sflag:s0] =	ssyncadd.tile.s32 @!p0 $0x1;
	_ =	shalt  }
.Lfunc_end2:
_tile_overlayer_lowered:
.L_overlay_start_2:
0xdb: {  	(tag) =	ssettag $0x2  }
0xdc: {  	s0 =	rddreg [dreg:$0x0];
	s2 =	stileid.u32  }
0xdd: {  	s1 =	rddreg [dreg:$0x1];
	p0 =	sne.s32 s2, $0x0  }
0xde: {  	s3 =	rddreg [dreg:$0x2];
	[bflag:$0x3] =	sbarrier.arrive $0xFFFF;
	s2 =	simm.s32 @!p0 $0x1C02  }
0xdf: {  	[timem:s3], [sflag:s2] =	dma.local @!p0 [hbm:s0], s1  }
0xe0: {  	s0 =	simm.s32 @!p0 $0x2  }
0xe1: {  	_ =	swait.ge @!p0 [sflag:s0], s1  }
0xe2: {  	s1 =	ssub.s32 @!p0 $0x0, s1;
	[sflag:s0] =	ssyncset.done @!p0 $0x0  }
0xe3: {  	[sflag:s0] =	ssyncadd.s32 @!p0 s1  }
0xe4: {  	[bflag:$0x3] =	sbarrier.arrive $0xFFFF  }
0xe5: {  	_ =	shalt  }

// kernel: kernel.26.cloned.1.call-start
scs
__scs_entry_jumppad:
0x0: {  	(pc) =	sbr.rel $0x88, $3  }
0x1: {  	(tag) =	ssettag $0x0;
	lr =	simm.s32 $0x1  }
0x2: {  	[smem:$0x3F88] =	sst lr;
	_ =	strace $0xD0000000  }
0x3: {  	_ = 	snop  }
0x4: {  	_ = 	snop  }
0x5: {  	_ = 	snop  }
0x6: {  	_ = 	snop  }
0x7: {  	_ = 	snop  }
__scs_overlays_trampoline_lowered:
0x8: {  	[smem:$0x3F97] =	sst s0  }
0x9: {  	[smem:$0x3F98] =	sst s1  }
0xa: {  	[smem:$0x3F99] =	sst s2  }
0xb: {  	[smem:$0x3F9A] =	sst s3  }
0xc: {  	[smem:$0x3F9B] =	sst s4  }
0xd: {  	[smem:$0x3F9C] =	sst s5  }
0xe: {  	[smem:$0x3F9D] =	sst s6  }
0xf: {  	[smem:$0x3F9E] =	sst s7  }
0x10: {  	[smem:$0x3F9F] =	sst s8  }
0x11: {  	[smem:$0x3FA0] =	sst s9;
	s0 =	simm.s32 @!p0 $0x0  }
0x12: {  	s1 =	sld [smem:$0x3F86];
	s0 =	simm.s32 @p0 $0x1  }
0x13: {  	[smem:$0x3FA1] =	sst s0;
	s0 =	simm.s32 @!p1 $0x0  }
0x14: {  	s2 =	sld [smem:$0x3F85];
	s0 =	simm.s32 @p1 $0x1  }
0x15: {  	[smem:$0x3FA2] =	sst s0;
	s0 =	simm.s32 @!p2 $0x0  }
0x16: {  	s3 =	sld [smem:$0x3FDB];
	s0 =	simm.s32 @p2 $0x1  }
0x17: {  	s4 =	simm.s32 $0x1BF5;
	[smem:$0x3FA4] =	sst s0  }
0x18: {  	s0 =	sld [smem:$0x3F87];
	_ =	swait.ge [sflag:s4], $0x0  }
0x19: {  	s7 =	sld [smem:$0x3F88]  }
0x1a: {  	s8 =	sadd.s32 $0xFFFFE003, lr  }
0x1b: {  	s9 =	sadd.s32 $0xFFFFFEF7, lr;
	s5 =	simm.s32 $0xFFFFFFFF;
	p2 =	slt.u32 s8, $0xFFFFF086  }
0x1c: {  	p1 =	slt.u32 s9, $0xF7A;
	s5 =	simm.s32 @!p2 $0x0  }
0x1d: {  	s5 =	simm.s32 @p1 $0x1;
	p0 =	seq.s32 s7, s2  }
0x1e: {  	s7 =	smul.u32 @!p0 $0xF7A, s2;
	p2 =	seq.s32 @!p0 s5, $0x0  }
0x1f: {  	s9 =	smul.u32 $0xF7A, s1;
	s8 =	simm.s32 @!p0 $0x1BF5;
	p2 =	por !p2, p0  }
0x20: {  	[sflag:s8] =	ssyncset.s32 @!p0 $0xFFFFF086;
	s6 =	sadd.s32 @!p0 s3, s7;
	s7 =	simm.s32 @!p0 $0x108  }
0x21: {  	s3 =	sadd.s32 s3, s9;
	s6 =	sadd.s32 @!p0 $0x88, s6;
	s7 =	simm.s32 @p2 $0x1082  }
0x22: {  	[simem:s7], [sflag:s8] =	dma.local @!p0 [hbm:s6], $0xF7A  }
0x23: {  	s9 =	sor.u32 $0xD0000000, s2;
	s6 =	simm.s32 $0x108;
	_ =	swait.ge @!p0 [sflag:s8], $0x0  }
0x24: {  	s3 =	sadd.s32 $0x88, s3;
	s6 =	simm.s32 @!p1 $0x1082;
	[sflag:s4] =	ssyncset.s32 $0xFFFFF086  }
0x25: {  	[simem:s6], [sflag:s4] =	dma.local [hbm:s3], $0xF7A  }
0x26: {  	[smem:$0x3F88] =	sst s1;
	(tag) =	ssettag s2;
	_ =	strace s9  }
0x27: {  	s1 =	sld [smem:$0x3F98]  }
0x28: {  	s2 =	sld [smem:$0x3F99]  }
0x29: {  	s4 =	sld [smem:$0x3F9B]  }
0x2a: {  	p0 =	seq.s32 s5, $0x0;
	s5 =	sld [smem:$0x3F9C]  }
0x2b: {  	s6 =	sld [smem:$0x3F9D]  }
0x2c: {  	s7 =	sld [smem:$0x3F9E]  }
0x2d: {  	s3 =	simm.s32 $0x108;
	s8 =	sld [smem:$0x3F9F]  }
0x2e: {  	s3 =	simm.s32 @!p0 $0x1082;
	s9 =	sld [smem:$0x3FA0]  }
0x2f: {  	lr =	sadd.s32 s0, s3;
	s0 =	sld [smem:$0x3F97]  }
0x30: {  	s3 =	sld [smem:$0x3F9A]  }
0x31: {  	[smem:$0x3FA3] =	sst s10  }
0x32: {  	s10 =	sld [smem:$0x3FA1];
	_ =	sdelay $0x3  }
0x33: {  	p0 =	seq.s32 s10, $0x1;
	s10 =	sld [smem:$0x3FA3];
	_ =	sdelay $0x3  }
0x34: {  	[smem:$0x3FA3] =	sst s10  }
0x35: {  	s10 =	sld [smem:$0x3FA2];
	_ =	sdelay $0x3  }
0x36: {  	p1 =	seq.s32 s10, $0x1;
	s10 =	sld [smem:$0x3FA3];
	_ =	sdelay $0x3  }
0x37: {  	[smem:$0x3FA3] =	sst s10  }
0x38: {  	s10 =	sld [smem:$0x3FA4]  }
0x39: {  	_ = 	snop;
	(pc) =	sbr.ind lr, $3  }
0x3a: {  	_ = 	snop  }
0x3b: {  	_ = 	snop  }
0x3c: {  	p2 =	seq.s32 s10, $0x1;
	s10 =	sld [smem:$0x3FA3]  }
0x3d: {  	_ =	shalt  }
0x3e: {  	_ =	shalt  }
0x3f: {  	_ =	shalt  }
0x40: {  	_ =	shalt  }
0x41: {  	_ =	shalt  }
0x42: {  	_ =	shalt  }
0x43: {  	_ =	shalt  }
0x44: {  	_ =	shalt  }
0x45: {  	_ =	shalt  }
0x46: {  	_ =	shalt  }
0x47: {  	_ =	shalt  }
0x48: {  	_ =	shalt  }
0x49: {  	_ =	shalt  }
0x4a: {  	_ =	shalt  }
0x4b: {  	_ =	shalt  }
0x4c: {  	_ =	shalt  }
0x4d: {  	_ =	shalt  }
0x4e: {  	_ =	shalt  }
0x4f: {  	_ =	shalt  }
0x50: {  	_ =	shalt  }
0x51: {  	_ =	shalt  }
0x52: {  	_ =	shalt  }
0x53: {  	_ =	shalt  }
0x54: {  	_ =	shalt  }
0x55: {  	_ =	shalt  }
0x56: {  	_ =	shalt  }
0x57: {  	_ =	shalt  }
0x58: {  	_ =	shalt  }
0x59: {  	_ =	shalt  }
0x5a: {  	_ =	shalt  }
0x5b: {  	_ =	shalt  }
0x5c: {  	_ =	shalt  }
0x5d: {  	_ =	shalt  }
0x5e: {  	_ =	shalt  }
0x5f: {  	_ =	shalt  }
0x60: {  	_ =	shalt  }
0x61: {  	_ =	shalt  }
0x62: {  	_ =	shalt  }
0x63: {  	_ =	shalt  }
0x64: {  	_ =	shalt  }
0x65: {  	_ =	shalt  }
0x66: {  	_ =	shalt  }
0x67: {  	_ =	shalt  }
0x68: {  	_ =	shalt  }
0x69: {  	_ =	shalt  }
0x6a: {  	_ =	shalt  }
0x6b: {  	_ =	shalt  }
0x6c: {  	_ =	shalt  }
0x6d: {  	_ =	shalt  }
0x6e: {  	_ =	shalt  }
0x6f: {  	_ =	shalt  }
0x70: {  	_ =	shalt  }
0x71: {  	_ =	shalt  }
0x72: {  	_ =	shalt  }
0x73: {  	_ =	shalt  }
0x74: {  	_ =	shalt  }
0x75: {  	_ =	shalt  }
0x76: {  	_ =	shalt  }
0x77: {  	_ =	shalt  }
0x78: {  	_ =	shalt  }
0x79: {  	_ =	shalt  }
0x7a: {  	_ =	shalt  }
0x7b: {  	_ =	shalt  }
0x7c: {  	_ =	shalt  }
0x7d: {  	_ =	shalt  }
0x7e: {  	_ =	shalt  }
0x7f: {  	_ =	shalt  }
0x80: {  	_ =	shalt  }
0x81: {  	_ =	shalt  }
0x82: {  	_ =	shalt  }
0x83: {  	_ =	shalt  }
0x84: {  	_ =	shalt  }
0x85: {  	_ =	shalt  }
0x86: {  	_ =	shalt  }
0x87: {  	_ =	shalt  }
.Lfunc_end0:
.L_simem_size_0:
called_computation.2_lowered:
.L_overlay_start_0:
0x88: {  	s2 =	sld [smem:$0x3FD9]  }
0x89: {  	s3 =	sld [smem:$0x3FFE];
	_ =	sdelay $0x1  }
0x8a: {  	s1 =	srdreg.scid  }
0x8b: {  	s0 =	sand.u32 $0x1, s1  }
0x8c: {  	s16 =	sshll.u32 s0, $0xA;
	s2 =	sadd.s32 s3, s2  }
0x8d: {  	s2 =	sadd.s32 s2, s16  }
0x8e: {  	[smem:$0x3FAF] =	sst s2  }
0x8f: {  	_ = 	snop  }
0x90: {  	(tm) =	ssettm $0x1  }
0x91: {  	s17 =	sld [smem:$0x3FFB];
	_ =	sdelay $0x3  }
0x92: {  	_ =	strace s17  }
0x93: {  	s2 =	sld [smem:$0x3FFC];
	_ =	sdelay $0x3  }
0x94: {  	_ =	strace s2  }
0x95: {  	s2 =	sld [smem:$0x3FFD];
	_ =	sdelay $0x3  }
0x96: {  	_ =	strace s2  }
0x97: {  	_ =	strace $0x8FFFFFFF  }
0x98: {  	s18 =	sld [smem:$0x3FDB];
	_ =	sdelay $0x1  }
0x99: {  	s19 =	simm.s32 $_scs_section_size  }
0x9a: {  	s4 =	simm.s32 $_size__tile_overlayer_lowered;
	s5 =	simm.s32 $_tile_overlayer_lowered  }
0x9b: {  	s22 =	simm.s32 $0x1BFF;
	s21 =	sshll.u32 s5, $0x1;
	s2 =	sadd.s32 s19, s18  }
0x9c: {  	s6 =	simm.s32 $0x0;
	s20 =	sshll.u32 s4, $0x1;
	s4 =	sadd.s32 s21, s2  }
0x9d: {  	[timem:s6], [sflag:s22] =	dma.local [hbm:s4], s20  }
0x9e: {  	_ =	swait.ge [sflag:s22], s20  }
0x9f: {  	s3 =	ssub.s32 $0x0, s20;
	[sflag:s22] =	ssyncset.done $0x0  }
0xa0: {  	[sflag:s22] =	ssyncadd.s32 s3;
	_ =	sdelay $0x1  }
0xa1: {  	s23 =	simm.s32 $0x1B8B  }
0xa2: {  	_ =	swait.ge [sflag:s23], $0x1  }
0xa3: {  	[sflag:s23] =	ssyncset.done $0x0  }
0xa4: {  	s25 =	simm.s32 $0x1B8E;
	s24 =	sld [smem:$0x3FFE];
	[sflag:s23] =	ssyncadd.s32 $0xFFFFFFFF  }
0xa5: {  	s26 =	simm.s32 $execute0_lowered;
	[smem:$0x3FD2] =	sst s25  }
0xa6: {  	s4 =	sshll.u32 s26, $0x1;
	_ =	strace $0x8000004C;
	[dreg:$0x1] =	wrdreg $0xFFFFFFFF  }
0xa7: {  	s28 =	simm.s32 $_size_execute0_lowered;
	s2 =	sadd.s32 s2, s4;
	[dreg:$0x0] =	wrdreg $0x0  }
0xa8: {  	s4 =	sshll.u32 s28, $0x1;
	[dreg:$0x2] =	wrdreg s2  }
0xa9: {  	[dreg:$0x3] =	wrdreg s4  }
0xaa: {  	[dreg:$0x4] =	wrdreg $0xC0  }
0xab: {  	_ =	task [dreg:s6], $0x5FFFF  }
0xac: {  	[dreg:$0x1] =	wrdreg $0xFFFFFFFF  }
0xad: {  	[dreg:$0x0] =	wrdreg $0x60  }
0xae: {  	[dreg:$0x2] =	wrdreg s24  }
0xaf: {  	[dreg:$0x3] =	wrdreg $0x9  }
0xb0: {  	_ =	task.clear_ibuf [dreg:s6], $0x4FFFF;
	_ =	strace $0x9000004C  }
0xb1: {  	s29 =	simm.s32 $0x9;
	_ =	strace $0x8000004E  }
0xb2: {  	_ =	swait.ge [sflag:s29], $0x1  }
0xb3: {  	[sflag:s29] =	ssyncadd.s32 $0xFFFFFFFF  }
0xb4: {  	_ =	strace $0x9000004E  }
0xb5: {  	_ =	sfence  }
0xb6: {  	s30 =	sld [smem:$0x0];
	_ =	sdelay $0x2  }
0xb7: {  	s31 =	sshll.u32 s1, $0xD;
	s1 =	sshrl.u32 s1, $0x2  }
0xb8: {  	s3 =	sand.u32 $0x4000, s31;
	s1 =	sadd.s32 s1, s30  }
0xb9: {  	s0 =	sor.u32 s3, s0;
	s1 =	sshll.u32 s1, $0x11  }
0xba: {  	s0 =	sor.u32 s1, s0  }
0xbb: {  	s0 =	sadd.s32 $0x8F2B, s0  }
0xbc: {  	[sflag:s0] =	ssyncadd.remote.s32 $0x1  }
0xbd: {  	_ =	sfence.sel $0xFFFF  }
0xbe: {  	[dreg:$0x0] =	wrdreg $0xFFFFFFFF;
	(pc) =	sbr.abs _section_cstart, $3  }
0xbf: {  	[dreg:$0x1] =	wrdreg $0xFFFFFFFF  }
0xc0: {  	_ =	task.clear_ibuf [dreg:s6], $0x2FFFF;
	_ =	strace $0x9FFFFFFF  }
0xc1: {  	(tm) =	ssettm $0x7FFFFFFF  }
tec
execute0_lowered:
.L_overlay_start_1:
0x0: {  	(tag) =	ssettag $0x1  }
0x1: {  	s0 =	srdreg.scid;
	s2 =	stileid.u32  }
0x2: {  	s1 =	rddreg [dreg:$0x0];
	s18 =	simm.s32 $0x1;
	s28 =	simm.s32 $0x4080  }
0x3: {  	s29 =	simm.s32 $0x4880;
	s30 =	simm.s32 $0x5080;
	s31 =	simm.s32 $0x5880  }
0x4: {  	s11 =	simm.s32 $0x7880;
	s12 =	simm.s32 $0x8080;
	s13 =	simm.s32 $0x8880  }
0x5: {  	s14 =	simm.s32 $0x9080;
	s15 =	simm.s32 $0x9880;
	s16 =	simm.s32 $0xA080  }
0x6: {  	s17 =	simm.s32 $0xA880;
	s0 =	sand.u32 $0x1, s0;
	s3 =	sshll.u32 s2, $0x1  }
0x7: {  	s2 =	simm.s32 $0x0;
	s7 =	sadd.s32 $0x1400, s1;
	s4 =	sor.u32 s0, s3  }
0x8: {  	s10 =	sadd.s32 $0x129600, s1;
	[smem:$0x7FF] =	sst s2;
	s6 =	smul.u32 $0xC0, s4  }
0x9: {  	s3 =	sadd.s32 $0xA9600, s1;
	s0 =	ssub.s32 $0x2, s0;
	s9 =	smul.u32 $0x6000, s4  }
0xa: {  	_ =	strace $0x8000004D;
	s8 =	sshrl.u32 s0, $0x1;
	s4 =	sadd.s32 $0xA9700, s1  }
0xb: {  	s0 =	ssub.s32 s0, s8;
	s5 =	sshrl.u32 s6, $0x3;
	s20 =	sadd.s32 s10, s9  }
0xc: {  	s21 =	sadd.s32 $0x40, s6;
	s6 =	sadd.s32 $0x80, s6;
	s5 =	sadd.s32 s7, s5  }
0xd: {  	[dreg:$0x3] =	wrdreg s20;
	s22 =	sshrl.u32 s21, $0x3;
	s9 =	sshll.u32 s21, $0x7  }
0xe: {  	s24 =	sshrl.u32 s6, $0x3;
	s25 =	sshll.u32 s6, $0x7;
	s6 =	sadd.s32 $0xA9900, s1  }
0xf: {  	s20 =	simm.s32 $0x880;
	s21 =	simm.s32 $0x1080;
	[dreg:$0x2] =	wrdreg s5  }
0x10: {  	s5 =	sadd.s32 $0xA9800, s1;
	s8 =	sadd.s32 s7, s22;
	s23 =	sadd.s32 s10, s9  }
0x11: {  	s7 =	sadd.s32 s7, s24;
	s26 =	sadd.s32 s10, s25;
	[dreg:$0x4] =	wrdreg s8  }
0x12: {  	s22 =	simm.s32 $0x1880;
	s24 =	simm.s32 $0x2880;
	[dreg:$0x5] =	wrdreg s23  }
0x13: {  	v2 =	vlaneseq.u32;
	s25 =	simm.s32 $0x3080;
	s10 =	simm.s32 $0x7080;
	[dreg:$0x6] =	wrdreg s7  }
0x14: {  	vm0 =	vmmov $0xffff;
	v1 =	vshrl.u32 v2, $0x3;
	[dreg:$0x7] =	wrdreg s26;
	s7 =	smax.u32 s0, $0x1;
	s8 =	simm.s32 $0x2  }
0x15: {  	v0 =	vand.u32 $0x7, v2;
	v2 =	vor.u32 $0x8, v2;
	v1 =	vmul.u32 $0x8, v1;
	s0 =	simm.s32 $0x80;
	s23 =	simm.s32 $0x2080;
	s26 =	simm.s32 $0x3880  }
.LBB2_1:
0x16: {  	s19 =	rddreg [dreg:$0x2]  }
0x17: {  	[tilespmem:s2], [sflag:$0x2] =	stream.linear.gather [hbm4b:s19+s2], $0x40, $0x38;
	[tilespmem:$0x10080] =	vst v63  }
0x18: {  	_ =	swait.ge [sflag:s8], $0x40  }
0x19: {  	[sflag:s8] =	ssyncset.done $0x0  }
0x1a: {  	[sflag:s8] =	ssyncadd.s32 $0xFFFFFFC0  }
0x1b: {  	v3 =	vld [tilespmem:$0x0];
	_ =	sdelay $0x4  }
0x1c: {  	v4 =	vshll.u32 v3, $0x3  }
0x1d: {  	v3 =	vand.u32 $0x7, v3;
	v4 =	vand.u32 $0xFFFFFFC0, v4  }
0x1e: {  	v3 =	vor.u32 v3, v4  }
0x1f: {  	v4 =	vperm.xlane v3, v0;
	_ =	sdelay $0x1  }
0x20: {  	v4 =	vadd.s32 v1, v4;
	_ =	sdelay $0x4  }
0x21: {  	[tilespmem:s0], [sflag:$0x1] =	stream.indirect_vreg.gather [hbm4b:s3+s2], $0x80, v4, vm0, $0xb8;
	[tilespmem:$0x10080] =	vst v63  }
0x22: {  	v3 =	vperm.xlane v3, v2  }
0x23: {  	[tilespmem:s20], [sflag:$0x1] =	stream.indirect_vreg.gather [hbm4b:s4+s2], $0x80, v4, vm0, $0xb8;
	[tilespmem:$0x10080] =	vst v63  }
0x24: {  	v3 =	vadd.s32 v1, v3  }
0x25: {  	[tilespmem:s21], [sflag:$0x1] =	stream.indirect_vreg.gather [hbm4b:s5+s2], $0x80, v4, vm0, $0xb8;
	[tilespmem:$0x10080] =	vst v63  }
0x26: {  	_ = 	snop  }
0x27: {  	[tilespmem:s22], [sflag:$0x1] =	stream.indirect_vreg.gather [hbm4b:s6+s2], $0x80, v4, vm0, $0xb8;
	[tilespmem:$0x10080] =	vst v63  }
0x28: {  	_ = 	snop  }
0x29: {  	[tilespmem:s23], [sflag:$0x1] =	stream.indirect_vreg.gather [hbm4b:s3+s2], $0x80, v3, vm0, $0xb8;
	[tilespmem:$0x10080] =	vst v63  }
0x2a: {  	_ = 	snop  }
0x2b: {  	[tilespmem:s24], [sflag:$0x1] =	stream.indirect_vreg.gather [hbm4b:s4+s2], $0x80, v3, vm0, $0xb8;
	[tilespmem:$0x10080] =	vst v63  }
0x2c: {  	_ = 	snop  }
0x2d: {  	[tilespmem:s25], [sflag:$0x1] =	stream.indirect_vreg.gather [hbm4b:s5+s2], $0x80, v3, vm0, $0xb8;
	[tilespmem:$0x10080] =	vst v63  }
0x2e: {  	_ = 	snop  }
0x2f: {  	[tilespmem:s26], [sflag:$0x1] =	stream.indirect_vreg.gather [hbm4b:s6+s2], $0x80, v3, vm0, $0xb8;
	[tilespmem:$0x10080] =	vst v63  }
0x30: {  	v3 =	vld [tilespmem:$0x10];
	_ =	sdelay $0x4  }
0x31: {  	v53 =	vshll.u32 v3, $0x3  }
0x32: {  	v3 =	vand.u32 $0x7, v3;
	v4 =	vand.u32 $0xFFFFFFC0, v53  }
0x33: {  	v3 =	vor.u32 v3, v4  }
0x34: {  	v4 =	vperm.xlane v3, v0;
	_ =	sdelay $0x1  }
0x35: {  	v4 =	vadd.s32 v1, v4;
	_ =	sdelay $0x4  }
0x36: {  	[tilespmem:s28], [sflag:$0x1] =	stream.indirect_vreg.gather [hbm4b:s3+s2], $0x80, v4, vm0, $0xb8;
	[tilespmem:$0x10080] =	vst v63  }
0x37: {  	v3 =	vperm.xlane v3, v2  }
0x38: {  	[tilespmem:s29], [sflag:$0x1] =	stream.indirect_vreg.gather [hbm4b:s4+s2], $0x80, v4, vm0, $0xb8;
	[tilespmem:$0x10080] =	vst v63  }
0x39: {  	v3 =	vadd.s32 v1, v3  }
0x3a: {  	[tilespmem:s30], [sflag:$0x1] =	stream.indirect_vreg.gather [hbm4b:s5+s2], $0x80, v4, vm0, $0xb8;
	[tilespmem:$0x10080] =	vst v63  }
0x3b: {  	_ = 	snop  }
0x3c: {  	[tilespmem:s31], [sflag:$0x1] =	stream.indirect_vreg.gather [hbm4b:s6+s2], $0x80, v4, vm0, $0xb8;
	[tilespmem:$0x10080] =	vst v63  }
0x3d: {  	s1 =	simm.s32 $0x6080  }
0x3e: {  	[tilespmem:s1], [sflag:$0x1] =	stream.indirect_vreg.gather [hbm4b:s3+s2], $0x80, v3, vm0, $0xb8;
	[tilespmem:$0x10080] =	vst v63  }
0x3f: {  	s9 =	simm.s32 $0x6880  }
0x40: {  	[tilespmem:s9], [sflag:$0x1] =	stream.indirect_vreg.gather [hbm4b:s4+s2], $0x80, v3, vm0, $0xb8;
	[tilespmem:$0x10080] =	vst v63  }
0x41: {  	_ = 	snop  }
0x42: {  	[tilespmem:s10], [sflag:$0x1] =	stream.indirect_vreg.gather [hbm4b:s5+s2], $0x80, v3, vm0, $0xb8;
	[tilespmem:$0x10080] =	vst v63  }
0x43: {  	_ = 	snop  }
0x44: {  	[tilespmem:s11], [sflag:$0x1] =	stream.indirect_vreg.gather [hbm4b:s6+s2], $0x80, v3, vm0, $0xb8;
	[tilespmem:$0x10080] =	vst v63  }
0x45: {  	v3 =	vld [tilespmem:$0x20];
	_ =	sdelay $0x4  }
0x46: {  	v54 =	vshll.u32 v3, $0x3  }
0x47: {  	v3 =	vand.u32 $0x7, v3;
	v4 =	vand.u32 $0xFFFFFFC0, v54  }
0x48: {  	v3 =	vor.u32 v3, v4  }
0x49: {  	v4 =	vperm.xlane v3, v0;
	_ =	sdelay $0x1  }
0x4a: {  	v4 =	vadd.s32 v1, v4;
	_ =	sdelay $0x4  }
0x4b: {  	[tilespmem:s12], [sflag:$0x1] =	stream.indirect_vreg.gather [hbm4b:s3+s2], $0x80, v4, vm0, $0xb8;
	[tilespmem:$0x10080] =	vst v63  }
0x4c: {  	v3 =	vperm.xlane v3, v2  }
0x4d: {  	[tilespmem:s13], [sflag:$0x1] =	stream.indirect_vreg.gather [hbm4b:s4+s2], $0x80, v4, vm0, $0xb8;
	[tilespmem:$0x10080] =	vst v63  }
0x4e: {  	v3 =	vadd.s32 v1, v3  }
0x4f: {  	[tilespmem:s14], [sflag:$0x1] =	stream.indirect_vreg.gather [hbm4b:s5+s2], $0x80, v4, vm0, $0xb8;
	[tilespmem:$0x10080] =	vst v63  }
0x50: {  	_ = 	snop  }
0x51: {  	[tilespmem:s15], [sflag:$0x1] =	stream.indirect_vreg.gather [hbm4b:s6+s2], $0x80, v4, vm0, $0xb8;
	[tilespmem:$0x10080] =	vst v63  }
0x52: {  	_ = 	snop  }
0x53: {  	[tilespmem:s16], [sflag:$0x1] =	stream.indirect_vreg.gather [hbm4b:s3+s2], $0x80, v3, vm0, $0xb8;
	[tilespmem:$0x10080] =	vst v63  }
0x54: {  	_ = 	snop  }
0x55: {  	[tilespmem:s17], [sflag:$0x1] =	stream.indirect_vreg.gather [hbm4b:s4+s2], $0x80, v3, vm0, $0xb8;
	[tilespmem:$0x10080] =	vst v63  }
0x56: {  	s9 =	simm.s32 $0xB080  }
0x57: {  	[tilespmem:s9], [sflag:$0x1] =	stream.indirect_vreg.gather [hbm4b:s5+s2], $0x80, v3, vm0, $0xb8;
	[tilespmem:$0x10080] =	vst v63  }
0x58: {  	s19 =	simm.s32 $0xB880  }
0x59: {  	[tilespmem:s19], [sflag:$0x1] =	stream.indirect_vreg.gather [hbm4b:s6+s2], $0x80, v3, vm0, $0xb8;
	[tilespmem:$0x10080] =	vst v63  }
0x5a: {  	v3 =	vld [tilespmem:$0x30];
	_ =	sdelay $0x4  }
0x5b: {  	v55 =	vshll.u32 v3, $0x3  }
0x5c: {  	v3 =	vand.u32 $0x7, v3;
	v4 =	vand.u32 $0xFFFFFFC0, v55  }
0x5d: {  	v3 =	vor.u32 v3, v4  }
0x5e: {  	v4 =	vperm.xlane v3, v0;
	_ =	sdelay $0x1  }
0x5f: {  	v4 =	vadd.s32 v1, v4;
	_ =	sdelay $0x3  }
0x60: {  	s19 =	simm.s32 $0xC080  }
0x61: {  	[tilespmem:s19], [sflag:$0x1] =	stream.indirect_vreg.gather [hbm4b:s3+s2], $0x80, v4, vm0, $0xb8;
	[tilespmem:$0x10080] =	vst v63  }
0x62: {  	v3 =	vperm.xlane v3, v2;
	s19 =	simm.s32 $0xC880  }
0x63: {  	[tilespmem:s19], [sflag:$0x1] =	stream.indirect_vreg.gather [hbm4b:s4+s2], $0x80, v4, vm0, $0xb8;
	[tilespmem:$0x10080] =	vst v63  }
0x64: {  	v3 =	vadd.s32 v1, v3;
	s19 =	simm.s32 $0xD080  }
0x65: {  	[tilespmem:s19], [sflag:$0x1] =	stream.indirect_vreg.gather [hbm4b:s5+s2], $0x80, v4, vm0, $0xb8;
	[tilespmem:$0x10080] =	vst v63  }
0x66: {  	s19 =	simm.s32 $0xD880  }
0x67: {  	[tilespmem:s19], [sflag:$0x1] =	stream.indirect_vreg.gather [hbm4b:s6+s2], $0x80, v4, vm0, $0xb8;
	[tilespmem:$0x10080] =	vst v63  }
0x68: {  	s19 =	simm.s32 $0xE080  }
0x69: {  	[tilespmem:s19], [sflag:$0x1] =	stream.indirect_vreg.gather [hbm4b:s3+s2], $0x80, v3, vm0, $0xb8;
	[tilespmem:$0x10080] =	vst v63  }
0x6a: {  	s19 =	simm.s32 $0xE880  }
0x6b: {  	[tilespmem:s19], [sflag:$0x1] =	stream.indirect_vreg.gather [hbm4b:s4+s2], $0x80, v3, vm0, $0xb8;
	[tilespmem:$0x10080] =	vst v63  }
0x6c: {  	s19 =	simm.s32 $0xF080  }
0x6d: {  	[tilespmem:s19], [sflag:$0x1] =	stream.indirect_vreg.gather [hbm4b:s5+s2], $0x80, v3, vm0, $0xb8;
	[tilespmem:$0x10080] =	vst v63  }
0x6e: {  	s19 =	simm.s32 $0xF880  }
0x6f: {  	[tilespmem:s19], [sflag:$0x1] =	stream.indirect_vreg.gather [hbm4b:s6+s2], $0x80, v3, vm0, $0xb8;
	[tilespmem:$0x10080] =	vst v63  }
0x70: {  	_ =	swait.ge [sflag:s18], $0x10000  }
0x71: {  	[sflag:s18] =	ssyncset.done $0x0  }
0x72: {  	s19 =	rddreg [dreg:$0x3];
	[sflag:s18] =	ssyncadd.s32 $0xFFFF0000  }
0x73: {  	[hbm4b:s19+s2] =	stream.linear.scatter [tilespmem:s0], [sflag:$0x2], $0x10000, $0x38;
	[tilespmem:$0x10080] =	vst v63  }
0x74: {  	_ =	swait.ge [sflag:s8], $0x10000  }
0x75: {  	[sflag:s8] =	ssyncset.done $0x0  }
0x76: {  	s19 =	rddreg [dreg:$0x4];
	[sflag:s8] =	ssyncadd.s32 $0xFFFF0000  }
0x77: {  	[tilespmem:s2], [sflag:$0x2] =	stream.linear.gather [hbm4b:s19+s2], $0x40, $0x38;
	[tilespmem:$0x10080] =	vst v63  }
0x78: {  	_ =	swait.ge [sflag:s8], $0x40  }
0x79: {  	[sflag:s8] =	ssyncset.done $0x0  }
0x7a: {  	[sflag:s8] =	ssyncadd.s32 $0xFFFFFFC0  }
0x7b: {  	v3 =	vld [tilespmem:$0x0];
	_ =	sdelay $0x4  }
0x7c: {  	v56 =	vshll.u32 v3, $0x3  }
0x7d: {  	v3 =	vand.u32 $0x7, v3;
	v4 =	vand.u32 $0xFFFFFFC0, v56  }
0x7e: {  	v3 =	vor.u32 v3, v4  }
0x7f: {  	v4 =	vperm.xlane v3, v0;
	_ =	sdelay $0x1  }
0x80: {  	v4 =	vadd.s32 v1, v4;
	_ =	sdelay $0x4  }
0x81: {  	[tilespmem:s0], [sflag:$0x1] =	stream.indirect_vreg.gather [hbm4b:s3+s2], $0x80, v4, vm0, $0xb8;
	[tilespmem:$0x10080] =	vst v63  }
0x82: {  	v3 =	vperm.xlane v3, v2  }
0x83: {  	[tilespmem:s20], [sflag:$0x1] =	stream.indirect_vreg.gather [hbm4b:s4+s2], $0x80, v4, vm0, $0xb8;
	[tilespmem:$0x10080] =	vst v63  }
0x84: {  	v3 =	vadd.s32 v1, v3  }
0x85: {  	[tilespmem:s21], [sflag:$0x1] =	stream.indirect_vreg.gather [hbm4b:s5+s2], $0x80, v4, vm0, $0xb8;
	[tilespmem:$0x10080] =	vst v63  }
0x86: {  	_ = 	snop  }
0x87: {  	[tilespmem:s22], [sflag:$0x1] =	stream.indirect_vreg.gather [hbm4b:s6+s2], $0x80, v4, vm0, $0xb8;
	[tilespmem:$0x10080] =	vst v63  }
0x88: {  	_ = 	snop  }
0x89: {  	[tilespmem:s23], [sflag:$0x1] =	stream.indirect_vreg.gather [hbm4b:s3+s2], $0x80, v3, vm0, $0xb8;
	[tilespmem:$0x10080] =	vst v63  }
0x8a: {  	_ = 	snop  }
0x8b: {  	[tilespmem:s24], [sflag:$0x1] =	stream.indirect_vreg.gather [hbm4b:s4+s2], $0x80, v3, vm0, $0xb8;
	[tilespmem:$0x10080] =	vst v63  }
0x8c: {  	_ = 	snop  }
0x8d: {  	[tilespmem:s25], [sflag:$0x1] =	stream.indirect_vreg.gather [hbm4b:s5+s2], $0x80, v3, vm0, $0xb8;
	[tilespmem:$0x10080] =	vst v63  }
0x8e: {  	_ = 	snop  }
0x8f: {  	[tilespmem:s26], [sflag:$0x1] =	stream.indirect_vreg.gather [hbm4b:s6+s2], $0x80, v3, vm0, $0xb8;
	[tilespmem:$0x10080] =	vst v63  }
0x90: {  	v3 =	vld [tilespmem:$0x10];
	_ =	sdelay $0x4  }
0x91: {  	v57 =	vshll.u32 v3, $0x3  }
0x92: {  	v3 =	vand.u32 $0x7, v3;
	v4 =	vand.u32 $0xFFFFFFC0, v57  }
0x93: {  	v3 =	vor.u32 v3, v4  }
0x94: {  	v4 =	vperm.xlane v3, v0;
	_ =	sdelay $0x1  }
0x95: {  	v4 =	vadd.s32 v1, v4;
	_ =	sdelay $0x4  }
0x96: {  	[tilespmem:s28], [sflag:$0x1] =	stream.indirect_vreg.gather [hbm4b:s3+s2], $0x80, v4, vm0, $0xb8;
	[tilespmem:$0x10080] =	vst v63  }
0x97: {  	v3 =	vperm.xlane v3, v2  }
0x98: {  	[tilespmem:s29], [sflag:$0x1] =	stream.indirect_vreg.gather [hbm4b:s4+s2], $0x80, v4, vm0, $0xb8;
	[tilespmem:$0x10080] =	vst v63  }
0x99: {  	v3 =	vadd.s32 v1, v3  }
0x9a: {  	[tilespmem:s30], [sflag:$0x1] =	stream.indirect_vreg.gather [hbm4b:s5+s2], $0x80, v4, vm0, $0xb8;
	[tilespmem:$0x10080] =	vst v63  }
0x9b: {  	_ = 	snop  }
0x9c: {  	[tilespmem:s31], [sflag:$0x1] =	stream.indirect_vreg.gather [hbm4b:s6+s2], $0x80, v4, vm0, $0xb8;
	[tilespmem:$0x10080] =	vst v63  }
0x9d: {  	_ = 	snop  }
0x9e: {  	[tilespmem:s1], [sflag:$0x1] =	stream.indirect_vreg.gather [hbm4b:s3+s2], $0x80, v3, vm0, $0xb8;
	[tilespmem:$0x10080] =	vst v63  }
0x9f: {  	s19 =	simm.s32 $0x6880  }
0xa0: {  	[tilespmem:s19], [sflag:$0x1] =	stream.indirect_vreg.gather [hbm4b:s4+s2], $0x80, v3, vm0, $0xb8;
	[tilespmem:$0x10080] =	vst v63  }
0xa1: {  	_ = 	snop  }
0xa2: {  	[tilespmem:s10], [sflag:$0x1] =	stream.indirect_vreg.gather [hbm4b:s5+s2], $0x80, v3, vm0, $0xb8;
	[tilespmem:$0x10080] =	vst v63  }
0xa3: {  	_ = 	snop  }
0xa4: {  	[tilespmem:s11], [sflag:$0x1] =	stream.indirect_vreg.gather [hbm4b:s6+s2], $0x80, v3, vm0, $0xb8;
	[tilespmem:$0x10080] =	vst v63  }
0xa5: {  	v3 =	vld [tilespmem:$0x20];
	_ =	sdelay $0x4  }
0xa6: {  	v58 =	vshll.u32 v3, $0x3  }
0xa7: {  	v3 =	vand.u32 $0x7, v3;
	v4 =	vand.u32 $0xFFFFFFC0, v58  }
0xa8: {  	v3 =	vor.u32 v3, v4  }
0xa9: {  	v4 =	vperm.xlane v3, v0;
	_ =	sdelay $0x1  }
0xaa: {  	v4 =	vadd.s32 v1, v4;
	_ =	sdelay $0x4  }
0xab: {  	[tilespmem:s12], [sflag:$0x1] =	stream.indirect_vreg.gather [hbm4b:s3+s2], $0x80, v4, vm0, $0xb8;
	[tilespmem:$0x10080] =	vst v63  }
0xac: {  	v3 =	vperm.xlane v3, v2  }
0xad: {  	[tilespmem:s13], [sflag:$0x1] =	stream.indirect_vreg.gather [hbm4b:s4+s2], $0x80, v4, vm0, $0xb8;
	[tilespmem:$0x10080] =	vst v63  }
0xae: {  	v3 =	vadd.s32 v1, v3  }
0xaf: {  	[tilespmem:s14], [sflag:$0x1] =	stream.indirect_vreg.gather [hbm4b:s5+s2], $0x80, v4, vm0, $0xb8;
	[tilespmem:$0x10080] =	vst v63  }
0xb0: {  	_ = 	snop  }
0xb1: {  	[tilespmem:s15], [sflag:$0x1] =	stream.indirect_vreg.gather [hbm4b:s6+s2], $0x80, v4, vm0, $0xb8;
	[tilespmem:$0x10080] =	vst v63  }
0xb2: {  	_ = 	snop  }
0xb3: {  	[tilespmem:s16], [sflag:$0x1] =	stream.indirect_vreg.gather [hbm4b:s3+s2], $0x80, v3, vm0, $0xb8;
	[tilespmem:$0x10080] =	vst v63  }
0xb4: {  	_ = 	snop  }
0xb5: {  	[tilespmem:s17], [sflag:$0x1] =	stream.indirect_vreg.gather [hbm4b:s4+s2], $0x80, v3, vm0, $0xb8;
	[tilespmem:$0x10080] =	vst v63  }
0xb6: {  	_ = 	snop  }
0xb7: {  	[tilespmem:s9], [sflag:$0x1] =	stream.indirect_vreg.gather [hbm4b:s5+s2], $0x80, v3, vm0, $0xb8;
	[tilespmem:$0x10080] =	vst v63  }
0xb8: {  	s19 =	simm.s32 $0xB880  }
0xb9: {  	[tilespmem:s19], [sflag:$0x1] =	stream.indirect_vreg.gather [hbm4b:s6+s2], $0x80, v3, vm0, $0xb8;
	[tilespmem:$0x10080] =	vst v63  }
0xba: {  	v3 =	vld [tilespmem:$0x30];
	_ =	sdelay $0x4  }
0xbb: {  	v59 =	vshll.u32 v3, $0x3  }
0xbc: {  	v3 =	vand.u32 $0x7, v3;
	v4 =	vand.u32 $0xFFFFFFC0, v59  }
0xbd: {  	v3 =	vor.u32 v3, v4  }
0xbe: {  	v4 =	vperm.xlane v3, v0;
	_ =	sdelay $0x1  }
0xbf: {  	v4 =	vadd.s32 v1, v4;
	_ =	sdelay $0x3  }
0xc0: {  	s19 =	simm.s32 $0xC080  }
0xc1: {  	[tilespmem:s19], [sflag:$0x1] =	stream.indirect_vreg.gather [hbm4b:s3+s2], $0x80, v4, vm0, $0xb8;
	[tilespmem:$0x10080] =	vst v63  }
0xc2: {  	v3 =	vperm.xlane v3, v2;
	s19 =	simm.s32 $0xC880  }
0xc3: {  	[tilespmem:s19], [sflag:$0x1] =	stream.indirect_vreg.gather [hbm4b:s4+s2], $0x80, v4, vm0, $0xb8;
	[tilespmem:$0x10080] =	vst v63  }
0xc4: {  	v3 =	vadd.s32 v1, v3;
	s19 =	simm.s32 $0xD080  }
0xc5: {  	[tilespmem:s19], [sflag:$0x1] =	stream.indirect_vreg.gather [hbm4b:s5+s2], $0x80, v4, vm0, $0xb8;
	[tilespmem:$0x10080] =	vst v63  }
0xc6: {  	s19 =	simm.s32 $0xD880  }
0xc7: {  	[tilespmem:s19], [sflag:$0x1] =	stream.indirect_vreg.gather [hbm4b:s6+s2], $0x80, v4, vm0, $0xb8;
	[tilespmem:$0x10080] =	vst v63  }
0xc8: {  	s19 =	simm.s32 $0xE080  }
0xc9: {  	[tilespmem:s19], [sflag:$0x1] =	stream.indirect_vreg.gather [hbm4b:s3+s2], $0x80, v3, vm0, $0xb8;
	[tilespmem:$0x10080] =	vst v63  }
0xca: {  	s19 =	simm.s32 $0xE880  }
0xcb: {  	[tilespmem:s19], [sflag:$0x1] =	stream.indirect_vreg.gather [hbm4b:s4+s2], $0x80, v3, vm0, $0xb8;
	[tilespmem:$0x10080] =	vst v63  }
0xcc: {  	s19 =	simm.s32 $0xF080  }
0xcd: {  	[tilespmem:s19], [sflag:$0x1] =	stream.indirect_vreg.gather [hbm4b:s5+s2], $0x80, v3, vm0, $0xb8;
	[tilespmem:$0x10080] =	vst v63  }
0xce: {  	s19 =	simm.s32 $0xF880  }
0xcf: {  	[tilespmem:s19], [sflag:$0x1] =	stream.indirect_vreg.gather [hbm4b:s6+s2], $0x80, v3, vm0, $0xb8;
	[tilespmem:$0x10080] =	vst v63  }
0xd0: {  	_ =	swait.ge [sflag:s18], $0x10000  }
0xd1: {  	[sflag:s18] =	ssyncset.done $0x0  }
0xd2: {  	s19 =	rddreg [dreg:$0x5];
	[sflag:s18] =	ssyncadd.s32 $0xFFFF0000  }
0xd3: {  	[hbm4b:s19+s2] =	stream.linear.scatter [tilespmem:s0], [sflag:$0x2], $0x10000, $0x38;
	[tilespmem:$0x10080] =	vst v63  }
0xd4: {  	_ =	swait.ge [sflag:s8], $0x10000  }
0xd5: {  	[sflag:s8] =	ssyncset.done $0x0  }
0xd6: {  	s19 =	rddreg [dreg:$0x6];
	[sflag:s8] =	ssyncadd.s32 $0xFFFF0000  }
0xd7: {  	[tilespmem:s2], [sflag:$0x2] =	stream.linear.gather [hbm4b:s19+s2], $0x40, $0x38;
	[tilespmem:$0x10080] =	vst v63  }
0xd8: {  	_ =	swait.ge [sflag:s8], $0x40  }
0xd9: {  	[sflag:s8] =	ssyncset.done $0x0  }
0xda: {  	[sflag:s8] =	ssyncadd.s32 $0xFFFFFFC0  }
0xdb: {  	v3 =	vld [tilespmem:$0x0];
	_ =	sdelay $0x4  }
0xdc: {  	v60 =	vshll.u32 v3, $0x3  }
0xdd: {  	v3 =	vand.u32 $0x7, v3;
	v4 =	vand.u32 $0xFFFFFFC0, v60  }
0xde: {  	v3 =	vor.u32 v3, v4  }
0xdf: {  	v4 =	vperm.xlane v3, v0;
	_ =	sdelay $0x1  }
0xe0: {  	v4 =	vadd.s32 v1, v4;
	_ =	sdelay $0x4  }
0xe1: {  	[tilespmem:s0], [sflag:$0x1] =	stream.indirect_vreg.gather [hbm4b:s3+s2], $0x80, v4, vm0, $0xb8;
	[tilespmem:$0x10080] =	vst v63  }
0xe2: {  	v3 =	vperm.xlane v3, v2  }
0xe3: {  	[tilespmem:s20], [sflag:$0x1] =	stream.indirect_vreg.gather [hbm4b:s4+s2], $0x80, v4, vm0, $0xb8;
	[tilespmem:$0x10080] =	vst v63  }
0xe4: {  	v3 =	vadd.s32 v1, v3  }
0xe5: {  	[tilespmem:s21], [sflag:$0x1] =	stream.indirect_vreg.gather [hbm4b:s5+s2], $0x80, v4, vm0, $0xb8;
	[tilespmem:$0x10080] =	vst v63  }
0xe6: {  	_ = 	snop  }
0xe7: {  	[tilespmem:s22], [sflag:$0x1] =	stream.indirect_vreg.gather [hbm4b:s6+s2], $0x80, v4, vm0, $0xb8;
	[tilespmem:$0x10080] =	vst v63  }
0xe8: {  	_ = 	snop  }
0xe9: {  	[tilespmem:s23], [sflag:$0x1] =	stream.indirect_vreg.gather [hbm4b:s3+s2], $0x80, v3, vm0, $0xb8;
	[tilespmem:$0x10080] =	vst v63  }
0xea: {  	_ = 	snop  }
0xeb: {  	[tilespmem:s24], [sflag:$0x1] =	stream.indirect_vreg.gather [hbm4b:s4+s2], $0x80, v3, vm0, $0xb8;
	[tilespmem:$0x10080] =	vst v63  }
0xec: {  	_ = 	snop  }
0xed: {  	[tilespmem:s25], [sflag:$0x1] =	stream.indirect_vreg.gather [hbm4b:s5+s2], $0x80, v3, vm0, $0xb8;
	[tilespmem:$0x10080] =	vst v63  }
0xee: {  	_ = 	snop  }
0xef: {  	[tilespmem:s26], [sflag:$0x1] =	stream.indirect_vreg.gather [hbm4b:s6+s2], $0x80, v3, vm0, $0xb8;
	[tilespmem:$0x10080] =	vst v63  }
0xf0: {  	v3 =	vld [tilespmem:$0x10];
	_ =	sdelay $0x4  }
0xf1: {  	v61 =	vshll.u32 v3, $0x3  }
0xf2: {  	v3 =	vand.u32 $0x7, v3;
	v4 =	vand.u32 $0xFFFFFFC0, v61  }
0xf3: {  	v3 =	vor.u32 v3, v4  }
0xf4: {  	v4 =	vperm.xlane v3, v0;
	_ =	sdelay $0x1  }
0xf5: {  	v4 =	vadd.s32 v1, v4;
	_ =	sdelay $0x4  }
0xf6: {  	[tilespmem:s28], [sflag:$0x1] =	stream.indirect_vreg.gather [hbm4b:s3+s2], $0x80, v4, vm0, $0xb8;
	[tilespmem:$0x10080] =	vst v63  }
0xf7: {  	v3 =	vperm.xlane v3, v2  }
0xf8: {  	[tilespmem:s29], [sflag:$0x1] =	stream.indirect_vreg.gather [hbm4b:s4+s2], $0x80, v4, vm0, $0xb8;
	[tilespmem:$0x10080] =	vst v63  }
0xf9: {  	v3 =	vadd.s32 v1, v3  }
0xfa: {  	[tilespmem:s30], [sflag:$0x1] =	stream.indirect_vreg.gather [hbm4b:s5+s2], $0x80, v4, vm0, $0xb8;
	[tilespmem:$0x10080] =	vst v63  }
0xfb: {  	_ = 	snop  }
0xfc: {  	[tilespmem:s31], [sflag:$0x1] =	stream.indirect_vreg.gather [hbm4b:s6+s2], $0x80, v4, vm0, $0xb8;
	[tilespmem:$0x10080] =	vst v63  }
0xfd: {  	_ = 	snop  }
0xfe: {  	[tilespmem:s1], [sflag:$0x1] =	stream.indirect_vreg.gather [hbm4b:s3+s2], $0x80, v3, vm0, $0xb8;
	[tilespmem:$0x10080] =	vst v63  }
0xff: {  	s19 =	simm.s32 $0x6880  }
0x100: {  	[tilespmem:s19], [sflag:$0x1] =	stream.indirect_vreg.gather [hbm4b:s4+s2], $0x80, v3, vm0, $0xb8;
	[tilespmem:$0x10080] =	vst v63  }
0x101: {  	_ = 	snop  }
0x102: {  	[tilespmem:s10], [sflag:$0x1] =	stream.indirect_vreg.gather [hbm4b:s5+s2], $0x80, v3, vm0, $0xb8;
	[tilespmem:$0x10080] =	vst v63  }
0x103: {  	_ = 	snop  }
0x104: {  	[tilespmem:s11], [sflag:$0x1] =	stream.indirect_vreg.gather [hbm4b:s6+s2], $0x80, v3, vm0, $0xb8;
	[tilespmem:$0x10080] =	vst v63  }
0x105: {  	v3 =	vld [tilespmem:$0x20];
	_ =	sdelay $0x4  }
0x106: {  	v62 =	vshll.u32 v3, $0x3  }
0x107: {  	v3 =	vand.u32 $0x7, v3;
	v4 =	vand.u32 $0xFFFFFFC0, v62  }
0x108: {  	v3 =	vor.u32 v3, v4  }
0x109: {  	v4 =	vperm.xlane v3, v0;
	_ =	sdelay $0x1  }
0x10a: {  	v4 =	vadd.s32 v1, v4;
	_ =	sdelay $0x4  }
0x10b: {  	[tilespmem:s12], [sflag:$0x1] =	stream.indirect_vreg.gather [hbm4b:s3+s2], $0x80, v4, vm0, $0xb8;
	[tilespmem:$0x10080] =	vst v63  }
0x10c: {  	v3 =	vperm.xlane v3, v2  }
0x10d: {  	[tilespmem:s13], [sflag:$0x1] =	stream.indirect_vreg.gather [hbm4b:s4+s2], $0x80, v4, vm0, $0xb8;
	[tilespmem:$0x10080] =	vst v63  }
0x10e: {  	v3 =	vadd.s32 v1, v3  }
0x10f: {  	[tilespmem:s14], [sflag:$0x1] =	stream.indirect_vreg.gather [hbm4b:s5+s2], $0x80, v4, vm0, $0xb8;
	[tilespmem:$0x10080] =	vst v63  }
0x110: {  	_ = 	snop  }
0x111: {  	[tilespmem:s15], [sflag:$0x1] =	stream.indirect_vreg.gather [hbm4b:s6+s2], $0x80, v4, vm0, $0xb8;
	[tilespmem:$0x10080] =	vst v63  }
0x112: {  	_ = 	snop  }
0x113: {  	[tilespmem:s16], [sflag:$0x1] =	stream.indirect_vreg.gather [hbm4b:s3+s2], $0x80, v3, vm0, $0xb8;
	[tilespmem:$0x10080] =	vst v63  }
0x114: {  	_ = 	snop  }
0x115: {  	[tilespmem:s17], [sflag:$0x1] =	stream.indirect_vreg.gather [hbm4b:s4+s2], $0x80, v3, vm0, $0xb8;
	[tilespmem:$0x10080] =	vst v63  }
0x116: {  	_ = 	snop  }
0x117: {  	[tilespmem:s9], [sflag:$0x1] =	stream.indirect_vreg.gather [hbm4b:s5+s2], $0x80, v3, vm0, $0xb8;
	[tilespmem:$0x10080] =	vst v63  }
0x118: {  	s19 =	simm.s32 $0xB880  }
0x119: {  	[tilespmem:s19], [sflag:$0x1] =	stream.indirect_vreg.gather [hbm4b:s6+s2], $0x80, v3, vm0, $0xb8;
	[tilespmem:$0x10080] =	vst v63  }
0x11a: {  	v3 =	vld [tilespmem:$0x30];
	_ =	sdelay $0x4  }
0x11b: {  	v63 =	vshll.u32 v3, $0x3  }
0x11c: {  	v3 =	vand.u32 $0x7, v3;
	v4 =	vand.u32 $0xFFFFFFC0, v63  }
0x11d: {  	v3 =	vor.u32 v3, v4  }
0x11e: {  	v4 =	vperm.xlane v3, v0;
	_ =	sdelay $0x1  }
0x11f: {  	v4 =	vadd.s32 v1, v4;
	_ =	sdelay $0x3  }
0x120: {  	s9 =	simm.s32 $0xC080  }
0x121: {  	[tilespmem:s9], [sflag:$0x1] =	stream.indirect_vreg.gather [hbm4b:s3+s2], $0x80, v4, vm0, $0xb8;
	[tilespmem:$0x10080] =	vst v63  }
0x122: {  	s19 =	simm.s32 $0xC880;
	v3 =	vperm.xlane v3, v2  }
0x123: {  	[tilespmem:s19], [sflag:$0x1] =	stream.indirect_vreg.gather [hbm4b:s4+s2], $0x80, v4, vm0, $0xb8;
	[tilespmem:$0x10080] =	vst v63  }
0x124: {  	v3 =	vadd.s32 v1, v3;
	s9 =	simm.s32 $0xD080  }
0x125: {  	[tilespmem:s9], [sflag:$0x1] =	stream.indirect_vreg.gather [hbm4b:s5+s2], $0x80, v4, vm0, $0xb8;
	[tilespmem:$0x10080] =	vst v63  }
0x126: {  	s19 =	simm.s32 $0xD880  }
0x127: {  	[tilespmem:s19], [sflag:$0x1] =	stream.indirect_vreg.gather [hbm4b:s6+s2], $0x80, v4, vm0, $0xb8;
	[tilespmem:$0x10080] =	vst v63  }
0x128: {  	s9 =	simm.s32 $0xE080  }
0x129: {  	[tilespmem:s9], [sflag:$0x1] =	stream.indirect_vreg.gather [hbm4b:s3+s2], $0x80, v3, vm0, $0xb8;
	[tilespmem:$0x10080] =	vst v63  }
0x12a: {  	s19 =	simm.s32 $0xE880  }
0x12b: {  	[tilespmem:s19], [sflag:$0x1] =	stream.indirect_vreg.gather [hbm4b:s4+s2], $0x80, v3, vm0, $0xb8;
	[tilespmem:$0x10080] =	vst v63  }
0x12c: {  	s9 =	simm.s32 $0xF080  }
0x12d: {  	[tilespmem:s9], [sflag:$0x1] =	stream.indirect_vreg.gather [hbm4b:s5+s2], $0x80, v3, vm0, $0xb8;
	[tilespmem:$0x10080] =	vst v63  }
0x12e: {  	s19 =	simm.s32 $0xF880  }
0x12f: {  	[tilespmem:s19], [sflag:$0x1] =	stream.indirect_vreg.gather [hbm4b:s6+s2], $0x80, v3, vm0, $0xb8;
	[tilespmem:$0x10080] =	vst v63  }
0x130: {  	_ =	swait.ge [sflag:s18], $0x10000  }
0x131: {  	p0 =	sne.s32 s7, $0x1;
	[sflag:s18] =	ssyncset.done $0x0  }
.Ltmp0:
0x132: {  	s9 =	rddreg [dreg:$0x7];
	[sflag:s18] =	ssyncadd.s32 $0xFFFF0000;
	(pc) =	sbr.rel @p0 .LBB2_1-.Ltmp0, $4  }
0x133: {  	[hbm4b:s9+s2] =	stream.linear.scatter [tilespmem:s0], [sflag:$0x2], $0x10000, $0x38;
	[tilespmem:$0x10080] =	vst v63  }
0x134: {  	_ =	swait.ge [sflag:s8], $0x10000  }
0x135: {  	[sflag:s8] =	ssyncset.done $0x0  }
0x136: {  	s7 =	sadd.s32 $0xFFFFFFFF, s7;
	[sflag:s8] =	ssyncadd.s32 $0xFFFF0000  }
0x137: {  	_ =	sfence.sel $0x180000  }
0x138: {  	[bflag:$0x0] =	sbarrier.arrive $0xFFFF  }
0x139: {  	_ =	strace $0x9000004D  }
0x13a: {  	s0 =	stileid.u32;
	[bflag:$0x2] =	sbarrier.arrive $0xFFFF  }
0x13b: {  	p0 =	sne.s32 s0, $0x0;
	s0 =	rddreg [dreg:$0x1]  }
0x13c: {  	s0 =	sadd.s32 @!p0 $0x100000, s0  }
0x13d: {  	[sflag:s0] =	ssyncadd.tile.s32 @!p0 $0x1;
	_ =	shalt  }
.Lfunc_end2:
_tile_overlayer_lowered:
.L_overlay_start_2:
0x13e: {  	(tag) =	ssettag $0x2  }
0x13f: {  	s0 =	rddreg [dreg:$0x0];
	s2 =	stileid.u32  }
0x140: {  	s1 =	rddreg [dreg:$0x1];
	p0 =	sne.s32 s2, $0x0  }
0x141: {  	s3 =	rddreg [dreg:$0x2];
	[bflag:$0x3] =	sbarrier.arrive $0xFFFF;
	s2 =	simm.s32 @!p0 $0x1C02  }
0x142: {  	[timem:s3], [sflag:s2] =	dma.local @!p0 [hbm:s0], s1  }
0x143: {  	s0 =	simm.s32 @!p0 $0x2  }
0x144: {  	_ =	swait.ge @!p0 [sflag:s0], s1  }
0x145: {  	s1 =	ssub.s32 @!p0 $0x0, s1;
	[sflag:s0] =	ssyncset.done @!p0 $0x0  }
0x146: {  	[sflag:s0] =	ssyncadd.s32 @!p0 s1  }
0x147: {  	[bflag:$0x3] =	sbarrier.arrive $0xFFFF  }
0x148: {  	_ =	shalt  }

// kernel: kernel.29.cloned.1.call-start
scs
__scs_entry_jumppad:
0x0: {  	(pc) =	sbr.rel $0x88, $3  }
0x1: {  	(tag) =	ssettag $0x0;
	lr =	simm.s32 $0x1  }
0x2: {  	[smem:$0x3F88] =	sst lr;
	_ =	strace $0xD0000000  }
0x3: {  	_ = 	snop  }
0x4: {  	_ = 	snop  }
0x5: {  	_ = 	snop  }
0x6: {  	_ = 	snop  }
0x7: {  	_ = 	snop  }
__scs_overlays_trampoline_lowered:
0x8: {  	[smem:$0x3F97] =	sst s0  }
0x9: {  	[smem:$0x3F98] =	sst s1  }
0xa: {  	[smem:$0x3F99] =	sst s2  }
0xb: {  	[smem:$0x3F9A] =	sst s3  }
0xc: {  	[smem:$0x3F9B] =	sst s4  }
0xd: {  	[smem:$0x3F9C] =	sst s5  }
0xe: {  	[smem:$0x3F9D] =	sst s6  }
0xf: {  	[smem:$0x3F9E] =	sst s7  }
0x10: {  	[smem:$0x3F9F] =	sst s8  }
0x11: {  	[smem:$0x3FA0] =	sst s9;
	s0 =	simm.s32 @!p0 $0x0  }
0x12: {  	s1 =	sld [smem:$0x3F86];
	s0 =	simm.s32 @p0 $0x1  }
0x13: {  	[smem:$0x3FA1] =	sst s0;
	s0 =	simm.s32 @!p1 $0x0  }
0x14: {  	s2 =	sld [smem:$0x3F85];
	s0 =	simm.s32 @p1 $0x1  }
0x15: {  	[smem:$0x3FA2] =	sst s0;
	s0 =	simm.s32 @!p2 $0x0  }
0x16: {  	s3 =	sld [smem:$0x3FDB];
	s0 =	simm.s32 @p2 $0x1  }
0x17: {  	s4 =	simm.s32 $0x1BF5;
	[smem:$0x3FA4] =	sst s0  }
0x18: {  	s0 =	sld [smem:$0x3F87];
	_ =	swait.ge [sflag:s4], $0x0  }
0x19: {  	s7 =	sld [smem:$0x3F88]  }
0x1a: {  	s8 =	sadd.s32 $0xFFFFE003, lr  }
0x1b: {  	s9 =	sadd.s32 $0xFFFFFEF7, lr;
	s5 =	simm.s32 $0xFFFFFFFF;
	p2 =	slt.u32 s8, $0xFFFFF086  }
0x1c: {  	p1 =	slt.u32 s9, $0xF7A;
	s5 =	simm.s32 @!p2 $0x0  }
0x1d: {  	s5 =	simm.s32 @p1 $0x1;
	p0 =	seq.s32 s7, s2  }
0x1e: {  	s7 =	smul.u32 @!p0 $0xF7A, s2;
	p2 =	seq.s32 @!p0 s5, $0x0  }
0x1f: {  	s9 =	smul.u32 $0xF7A, s1;
	s8 =	simm.s32 @!p0 $0x1BF5;
	p2 =	por !p2, p0  }
0x20: {  	[sflag:s8] =	ssyncset.s32 @!p0 $0xFFFFF086;
	s6 =	sadd.s32 @!p0 s3, s7;
	s7 =	simm.s32 @!p0 $0x108  }
0x21: {  	s3 =	sadd.s32 s3, s9;
	s6 =	sadd.s32 @!p0 $0x88, s6;
	s7 =	simm.s32 @p2 $0x1082  }
0x22: {  	[simem:s7], [sflag:s8] =	dma.local @!p0 [hbm:s6], $0xF7A  }
0x23: {  	s9 =	sor.u32 $0xD0000000, s2;
	s6 =	simm.s32 $0x108;
	_ =	swait.ge @!p0 [sflag:s8], $0x0  }
0x24: {  	s3 =	sadd.s32 $0x88, s3;
	s6 =	simm.s32 @!p1 $0x1082;
	[sflag:s4] =	ssyncset.s32 $0xFFFFF086  }
0x25: {  	[simem:s6], [sflag:s4] =	dma.local [hbm:s3], $0xF7A  }
0x26: {  	[smem:$0x3F88] =	sst s1;
	(tag) =	ssettag s2;
	_ =	strace s9  }
0x27: {  	s1 =	sld [smem:$0x3F98]  }
0x28: {  	s2 =	sld [smem:$0x3F99]  }
0x29: {  	s4 =	sld [smem:$0x3F9B]  }
0x2a: {  	p0 =	seq.s32 s5, $0x0;
	s5 =	sld [smem:$0x3F9C]  }
0x2b: {  	s6 =	sld [smem:$0x3F9D]  }
0x2c: {  	s7 =	sld [smem:$0x3F9E]  }
0x2d: {  	s3 =	simm.s32 $0x108;
	s8 =	sld [smem:$0x3F9F]  }
0x2e: {  	s3 =	simm.s32 @!p0 $0x1082;
	s9 =	sld [smem:$0x3FA0]  }
0x2f: {  	lr =	sadd.s32 s0, s3;
	s0 =	sld [smem:$0x3F97]  }
0x30: {  	s3 =	sld [smem:$0x3F9A]  }
0x31: {  	[smem:$0x3FA3] =	sst s10  }
0x32: {  	s10 =	sld [smem:$0x3FA1];
	_ =	sdelay $0x3  }
0x33: {  	p0 =	seq.s32 s10, $0x1;
	s10 =	sld [smem:$0x3FA3];
	_ =	sdelay $0x3  }
0x34: {  	[smem:$0x3FA3] =	sst s10  }
0x35: {  	s10 =	sld [smem:$0x3FA2];
	_ =	sdelay $0x3  }
0x36: {  	p1 =	seq.s32 s10, $0x1;
	s10 =	sld [smem:$0x3FA3];
	_ =	sdelay $0x3  }
0x37: {  	[smem:$0x3FA3] =	sst s10  }
0x38: {  	s10 =	sld [smem:$0x3FA4]  }
0x39: {  	_ = 	snop;
	(pc) =	sbr.ind lr, $3  }
0x3a: {  	_ = 	snop  }
0x3b: {  	_ = 	snop  }
0x3c: {  	p2 =	seq.s32 s10, $0x1;
	s10 =	sld [smem:$0x3FA3]  }
0x3d: {  	_ =	shalt  }
0x3e: {  	_ =	shalt  }
0x3f: {  	_ =	shalt  }
0x40: {  	_ =	shalt  }
0x41: {  	_ =	shalt  }
0x42: {  	_ =	shalt  }
0x43: {  	_ =	shalt  }
0x44: {  	_ =	shalt  }
0x45: {  	_ =	shalt  }
0x46: {  	_ =	shalt  }
0x47: {  	_ =	shalt  }
0x48: {  	_ =	shalt  }
0x49: {  	_ =	shalt  }
0x4a: {  	_ =	shalt  }
0x4b: {  	_ =	shalt  }
0x4c: {  	_ =	shalt  }
0x4d: {  	_ =	shalt  }
0x4e: {  	_ =	shalt  }
0x4f: {  	_ =	shalt  }
0x50: {  	_ =	shalt  }
0x51: {  	_ =	shalt  }
0x52: {  	_ =	shalt  }
0x53: {  	_ =	shalt  }
0x54: {  	_ =	shalt  }
0x55: {  	_ =	shalt  }
0x56: {  	_ =	shalt  }
0x57: {  	_ =	shalt  }
0x58: {  	_ =	shalt  }
0x59: {  	_ =	shalt  }
0x5a: {  	_ =	shalt  }
0x5b: {  	_ =	shalt  }
0x5c: {  	_ =	shalt  }
0x5d: {  	_ =	shalt  }
0x5e: {  	_ =	shalt  }
0x5f: {  	_ =	shalt  }
0x60: {  	_ =	shalt  }
0x61: {  	_ =	shalt  }
0x62: {  	_ =	shalt  }
0x63: {  	_ =	shalt  }
0x64: {  	_ =	shalt  }
0x65: {  	_ =	shalt  }
0x66: {  	_ =	shalt  }
0x67: {  	_ =	shalt  }
0x68: {  	_ =	shalt  }
0x69: {  	_ =	shalt  }
0x6a: {  	_ =	shalt  }
0x6b: {  	_ =	shalt  }
0x6c: {  	_ =	shalt  }
0x6d: {  	_ =	shalt  }
0x6e: {  	_ =	shalt  }
0x6f: {  	_ =	shalt  }
0x70: {  	_ =	shalt  }
0x71: {  	_ =	shalt  }
0x72: {  	_ =	shalt  }
0x73: {  	_ =	shalt  }
0x74: {  	_ =	shalt  }
0x75: {  	_ =	shalt  }
0x76: {  	_ =	shalt  }
0x77: {  	_ =	shalt  }
0x78: {  	_ =	shalt  }
0x79: {  	_ =	shalt  }
0x7a: {  	_ =	shalt  }
0x7b: {  	_ =	shalt  }
0x7c: {  	_ =	shalt  }
0x7d: {  	_ =	shalt  }
0x7e: {  	_ =	shalt  }
0x7f: {  	_ =	shalt  }
0x80: {  	_ =	shalt  }
0x81: {  	_ =	shalt  }
0x82: {  	_ =	shalt  }
0x83: {  	_ =	shalt  }
0x84: {  	_ =	shalt  }
0x85: {  	_ =	shalt  }
0x86: {  	_ =	shalt  }
0x87: {  	_ =	shalt  }
.Lfunc_end0:
.L_simem_size_0:
called_computation.3_lowered:
.L_overlay_start_0:
0x88: {  	s2 =	sld [smem:$0x3FD9]  }
0x89: {  	s3 =	sld [smem:$0x3FFE];
	_ =	sdelay $0x1  }
0x8a: {  	s1 =	srdreg.scid  }
0x8b: {  	s0 =	sand.u32 $0x1, s1  }
0x8c: {  	s17 =	sshll.u32 s0, $0xA;
	s2 =	sadd.s32 s3, s2  }
0x8d: {  	s2 =	sadd.s32 s2, s17  }
0x8e: {  	[smem:$0x3FAF] =	sst s2  }
0x8f: {  	_ = 	snop  }
0x90: {  	s2 =	sld [smem:$0x3FD0];
	(tm) =	ssettm $0x1  }
0x91: {  	s18 =	sld [smem:$0x3FFB];
	_ =	sdelay $0x3  }
0x92: {  	_ =	strace s18  }
0x93: {  	s3 =	sld [smem:$0x3FFC];
	_ =	sdelay $0x3  }
0x94: {  	_ =	strace s3  }
0x95: {  	s3 =	sld [smem:$0x3FFD];
	_ =	sdelay $0x3  }
0x96: {  	_ =	strace s3  }
0x97: {  	_ =	strace $0x8FFFFFFF  }
0x98: {  	s19 =	sld [smem:$0x3FDB];
	_ =	sdelay $0x1  }
0x99: {  	s4 =	simm.s32 $_scs_section_size  }
0x9a: {  	s5 =	simm.s32 $_size__tile_overlayer_lowered;
	s6 =	simm.s32 $_tile_overlayer_lowered  }
0x9b: {  	s22 =	simm.s32 $0x1BFF;
	s21 =	sshll.u32 s6, $0x1;
	s3 =	sadd.s32 s4, s19  }
0x9c: {  	s7 =	simm.s32 $0x0;
	s20 =	sshll.u32 s5, $0x1;
	s5 =	sadd.s32 s21, s3  }
0x9d: {  	[timem:s7], [sflag:s22] =	dma.local [hbm:s5], s20  }
0x9e: {  	_ =	swait.ge [sflag:s22], s20  }
0x9f: {  	s4 =	ssub.s32 $0x0, s20;
	[sflag:s22] =	ssyncset.done $0x0  }
0xa0: {  	[sflag:s22] =	ssyncadd.s32 s4;
	_ =	sdelay $0x1  }
0xa1: {  	s23 =	simm.s32 $0x1B8B  }
0xa2: {  	_ =	swait.ge [sflag:s23], $0x1  }
0xa3: {  	[sflag:s23] =	ssyncset.done $0x0  }
0xa4: {  	s25 =	simm.s32 $0x1B8E;
	s24 =	sld [smem:$0x3FFE];
	[sflag:s23] =	ssyncadd.s32 $0xFFFFFFFF  }
0xa5: {  	s26 =	simm.s32 $execute0_lowered;
	[smem:$0x3FD2] =	sst s25  }
0xa6: {  	s5 =	sshll.u32 s26, $0x1;
	_ =	strace $0x8000004F;
	[dreg:$0x1] =	wrdreg $0xFFFFFFFF  }
0xa7: {  	s28 =	simm.s32 $_size_execute0_lowered;
	s3 =	sadd.s32 s3, s5;
	[dreg:$0x0] =	wrdreg $0x0  }
0xa8: {  	s5 =	sshll.u32 s28, $0x1;
	[dreg:$0x2] =	wrdreg s3  }
0xa9: {  	[dreg:$0x3] =	wrdreg s5  }
0xaa: {  	[dreg:$0x4] =	wrdreg $0xC0  }
0xab: {  	_ =	task [dreg:s7], $0x5FFFF  }
0xac: {  	[dreg:$0x1] =	wrdreg $0xFFFFFFFF  }
0xad: {  	[dreg:$0x0] =	wrdreg $0x60  }
0xae: {  	[dreg:$0x2] =	wrdreg s2  }
0xaf: {  	[dreg:$0x3] =	wrdreg s24  }
0xb0: {  	[dreg:$0x4] =	wrdreg $0x9  }
0xb1: {  	_ =	task.clear_ibuf [dreg:s7], $0x5FFFF;
	_ =	strace $0x9000004F  }
0xb2: {  	s29 =	simm.s32 $0x9;
	_ =	strace $0x80000051  }
0xb3: {  	_ =	swait.ge [sflag:s29], $0x1  }
0xb4: {  	[sflag:s29] =	ssyncadd.s32 $0xFFFFFFFF  }
0xb5: {  	_ =	strace $0x90000051  }
0xb6: {  	_ =	sfence  }
0xb7: {  	s30 =	sld [smem:$0x0];
	_ =	sdelay $0x2  }
0xb8: {  	s31 =	sshll.u32 s1, $0xD;
	s1 =	sshrl.u32 s1, $0x2  }
0xb9: {  	s3 =	sand.u32 $0x4000, s31;
	s1 =	sadd.s32 s1, s30  }
0xba: {  	s0 =	sor.u32 s3, s0;
	s1 =	sshll.u32 s1, $0x11  }
0xbb: {  	s0 =	sor.u32 s1, s0  }
0xbc: {  	s0 =	sadd.s32 $0x8F2B, s0  }
0xbd: {  	[sflag:s0] =	ssyncadd.remote.s32 $0x1  }
0xbe: {  	_ =	sfence.sel $0xFFFF  }
0xbf: {  	[dreg:$0x0] =	wrdreg $0xFFFFFFFF;
	(pc) =	sbr.abs _section_cstart, $3  }
0xc0: {  	[dreg:$0x1] =	wrdreg $0xFFFFFFFF  }
0xc1: {  	_ =	task.clear_ibuf [dreg:s7], $0x2FFFF;
	_ =	strace $0x9FFFFFFF  }
0xc2: {  	(tm) =	ssettm $0x7FFFFFFF  }
0xc3: {  	_ =	shalt  }
tec
execute0_lowered:
.L_overlay_start_1:
0x0: {  	(tag) =	ssettag $0x1  }
0x1: {  	s2 =	rddreg [dreg:$0x0]  }
0x2: {  	s0 =	rddreg [dreg:$0x1]  }
0x3: {  	s1 =	srdreg.scid;
	s4 =	stileid.u32;
	s3 =	simm.s32 $0x0  }
0x4: {  	s8 =	simm.s32 $0x2;
	s18 =	simm.s32 $0x1;
	s20 =	simm.s32 $0x880  }
0x5: {  	s21 =	simm.s32 $0x1080;
	s22 =	simm.s32 $0x1880;
	s23 =	simm.s32 $0x2080  }
0x6: {  	s28 =	simm.s32 $0x4080;
	s29 =	simm.s32 $0x4880;
	s30 =	simm.s32 $0x5080  }
0x7: {  	s31 =	simm.s32 $0x5880;
	s10 =	simm.s32 $0x7080;
	s11 =	simm.s32 $0x7880  }
0x8: {  	s12 =	simm.s32 $0x8080;
	s13 =	simm.s32 $0x8880;
	s14 =	simm.s32 $0x9080  }
0x9: {  	s15 =	simm.s32 $0x9880;
	s16 =	simm.s32 $0xA080;
	s1 =	sand.u32 $0x1, s1  }
0xa: {  	s17 =	simm.s32 $0xA880;
	s4 =	sshll.u32 s4, $0x7;
	s5 =	sshll.u32 s1, $0x6  }
0xb: {  	s9 =	simm.s32 $0xB080;
	[smem:$0x7FF] =	sst s3;
	s4 =	sor.u32 s5, s4  }
0xc: {  	_ =	strace $0x80000050;
	s1 =	ssub.s32 $0x2, s1;
	s5 =	sshrl.u32 s4, $0x3  }
0xd: {  	s24 =	sshrl.u32 s1, $0x1;
	s4 =	sshll.u32 s4, $0x7;
	s6 =	sadd.s32 s5, s0  }
0xe: {  	s1 =	ssub.s32 s1, s24;
	s0 =	sadd.s32 s4, s0;
	s25 =	sadd.s32 $0x1800, s6  }
0xf: {  	s24 =	simm.s32 $0x2880;
	s7 =	sadd.s32 $0x33600, s0;
	[dreg:$0x3] =	wrdreg s25  }
0x10: {  	s4 =	sadd.s32 $0x100, s2;
	s26 =	sadd.s32 $0x1A00, s6;
	[dreg:$0x4] =	wrdreg s7  }
0x11: {  	v2 =	vlaneseq.u32;
	s5 =	sadd.s32 $0x200, s2;
	s0 =	sadd.s32 $0x73600, s0;
	[dreg:$0x5] =	wrdreg s26  }
0x12: {  	vm0 =	vmmov $0xffff;
	v1 =	vshrl.u32 v2, $0x3;
	s6 =	sadd.s32 $0x300, s2;
	[dreg:$0x6] =	wrdreg s0;
	s7 =	smax.u32 s1, $0x1  }
0x13: {  	v0 =	vand.u32 $0x7, v2;
	v2 =	vor.u32 $0x8, v2;
	v1 =	vmul.u32 $0x8, v1;
	s0 =	simm.s32 $0x80;
	s25 =	simm.s32 $0x3080;
	s26 =	simm.s32 $0x3880  }
.LBB2_1:
0x14: {  	s19 =	rddreg [dreg:$0x3]  }
0x15: {  	[tilespmem:s3], [sflag:$0x2] =	stream.linear.gather [hbm4b:s19+s3], $0x40, $0x38;
	[tilespmem:$0x10080] =	vst v63  }
0x16: {  	_ =	swait.ge [sflag:s8], $0x40  }
0x17: {  	[sflag:s8] =	ssyncset.done $0x0  }
0x18: {  	[sflag:s8] =	ssyncadd.s32 $0xFFFFFFC0  }
0x19: {  	v3 =	vld [tilespmem:$0x0];
	_ =	sdelay $0x4  }
0x1a: {  	v4 =	vshll.u32 v3, $0x3  }
0x1b: {  	v3 =	vand.u32 $0x7, v3;
	v4 =	vand.u32 $0xFFFFFFC0, v4  }
0x1c: {  	v3 =	vor.u32 v3, v4  }
0x1d: {  	v4 =	vperm.xlane v3, v0;
	_ =	sdelay $0x1  }
0x1e: {  	v4 =	vadd.s32 v1, v4;
	_ =	sdelay $0x4  }
0x1f: {  	[tilespmem:s0], [sflag:$0x1] =	stream.indirect_vreg.gather [hbm4b:s2+s3], $0x80, v4, vm0, $0xb8;
	[tilespmem:$0x10080] =	vst v63  }
0x20: {  	v3 =	vperm.xlane v3, v2  }
0x21: {  	[tilespmem:s20], [sflag:$0x1] =	stream.indirect_vreg.gather [hbm4b:s4+s3], $0x80, v4, vm0, $0xb8;
	[tilespmem:$0x10080] =	vst v63  }
0x22: {  	v3 =	vadd.s32 v1, v3  }
0x23: {  	[tilespmem:s21], [sflag:$0x1] =	stream.indirect_vreg.gather [hbm4b:s5+s3], $0x80, v4, vm0, $0xb8;
	[tilespmem:$0x10080] =	vst v63  }
0x24: {  	_ = 	snop  }
0x25: {  	[tilespmem:s22], [sflag:$0x1] =	stream.indirect_vreg.gather [hbm4b:s6+s3], $0x80, v4, vm0, $0xb8;
	[tilespmem:$0x10080] =	vst v63  }
0x26: {  	_ = 	snop  }
0x27: {  	[tilespmem:s23], [sflag:$0x1] =	stream.indirect_vreg.gather [hbm4b:s2+s3], $0x80, v3, vm0, $0xb8;
	[tilespmem:$0x10080] =	vst v63  }
0x28: {  	_ = 	snop  }
0x29: {  	[tilespmem:s24], [sflag:$0x1] =	stream.indirect_vreg.gather [hbm4b:s4+s3], $0x80, v3, vm0, $0xb8;
	[tilespmem:$0x10080] =	vst v63  }
0x2a: {  	_ = 	snop  }
0x2b: {  	[tilespmem:s25], [sflag:$0x1] =	stream.indirect_vreg.gather [hbm4b:s5+s3], $0x80, v3, vm0, $0xb8;
	[tilespmem:$0x10080] =	vst v63  }
0x2c: {  	_ = 	snop  }
0x2d: {  	[tilespmem:s26], [sflag:$0x1] =	stream.indirect_vreg.gather [hbm4b:s6+s3], $0x80, v3, vm0, $0xb8;
	[tilespmem:$0x10080] =	vst v63  }
0x2e: {  	v3 =	vld [tilespmem:$0x10];
	_ =	sdelay $0x4  }
0x2f: {  	v57 =	vshll.u32 v3, $0x3  }
0x30: {  	v3 =	vand.u32 $0x7, v3;
	v4 =	vand.u32 $0xFFFFFFC0, v57  }
0x31: {  	v3 =	vor.u32 v3, v4  }
0x32: {  	v4 =	vperm.xlane v3, v0;
	_ =	sdelay $0x1  }
0x33: {  	v4 =	vadd.s32 v1, v4;
	_ =	sdelay $0x4  }
0x34: {  	[tilespmem:s28], [sflag:$0x1] =	stream.indirect_vreg.gather [hbm4b:s2+s3], $0x80, v4, vm0, $0xb8;
	[tilespmem:$0x10080] =	vst v63  }
0x35: {  	v3 =	vperm.xlane v3, v2  }
0x36: {  	[tilespmem:s29], [sflag:$0x1] =	stream.indirect_vreg.gather [hbm4b:s4+s3], $0x80, v4, vm0, $0xb8;
	[tilespmem:$0x10080] =	vst v63  }
0x37: {  	v3 =	vadd.s32 v1, v3  }
0x38: {  	[tilespmem:s30], [sflag:$0x1] =	stream.indirect_vreg.gather [hbm4b:s5+s3], $0x80, v4, vm0, $0xb8;
	[tilespmem:$0x10080] =	vst v63  }
0x39: {  	_ = 	snop  }
0x3a: {  	[tilespmem:s31], [sflag:$0x1] =	stream.indirect_vreg.gather [hbm4b:s6+s3], $0x80, v4, vm0, $0xb8;
	[tilespmem:$0x10080] =	vst v63  }
0x3b: {  	s1 =	simm.s32 $0x6080  }
0x3c: {  	[tilespmem:s1], [sflag:$0x1] =	stream.indirect_vreg.gather [hbm4b:s2+s3], $0x80, v3, vm0, $0xb8;
	[tilespmem:$0x10080] =	vst v63  }
0x3d: {  	s1 =	simm.s32 $0x6880  }
0x3e: {  	[tilespmem:s1], [sflag:$0x1] =	stream.indirect_vreg.gather [hbm4b:s4+s3], $0x80, v3, vm0, $0xb8;
	[tilespmem:$0x10080] =	vst v63  }
0x3f: {  	_ = 	snop  }
0x40: {  	[tilespmem:s10], [sflag:$0x1] =	stream.indirect_vreg.gather [hbm4b:s5+s3], $0x80, v3, vm0, $0xb8;
	[tilespmem:$0x10080] =	vst v63  }
0x41: {  	_ = 	snop  }
0x42: {  	[tilespmem:s11], [sflag:$0x1] =	stream.indirect_vreg.gather [hbm4b:s6+s3], $0x80, v3, vm0, $0xb8;
	[tilespmem:$0x10080] =	vst v63  }
0x43: {  	v3 =	vld [tilespmem:$0x20];
	_ =	sdelay $0x4  }
0x44: {  	v58 =	vshll.u32 v3, $0x3  }
0x45: {  	v3 =	vand.u32 $0x7, v3;
	v4 =	vand.u32 $0xFFFFFFC0, v58  }
0x46: {  	v3 =	vor.u32 v3, v4  }
0x47: {  	v4 =	vperm.xlane v3, v0;
	_ =	sdelay $0x1  }
0x48: {  	v4 =	vadd.s32 v1, v4;
	_ =	sdelay $0x4  }
0x49: {  	[tilespmem:s12], [sflag:$0x1] =	stream.indirect_vreg.gather [hbm4b:s2+s3], $0x80, v4, vm0, $0xb8;
	[tilespmem:$0x10080] =	vst v63  }
0x4a: {  	v3 =	vperm.xlane v3, v2  }
0x4b: {  	[tilespmem:s13], [sflag:$0x1] =	stream.indirect_vreg.gather [hbm4b:s4+s3], $0x80, v4, vm0, $0xb8;
	[tilespmem:$0x10080] =	vst v63  }
0x4c: {  	v3 =	vadd.s32 v1, v3  }
0x4d: {  	[tilespmem:s14], [sflag:$0x1] =	stream.indirect_vreg.gather [hbm4b:s5+s3], $0x80, v4, vm0, $0xb8;
	[tilespmem:$0x10080] =	vst v63  }
0x4e: {  	_ = 	snop  }
0x4f: {  	[tilespmem:s15], [sflag:$0x1] =	stream.indirect_vreg.gather [hbm4b:s6+s3], $0x80, v4, vm0, $0xb8;
	[tilespmem:$0x10080] =	vst v63  }
0x50: {  	_ = 	snop  }
0x51: {  	[tilespmem:s16], [sflag:$0x1] =	stream.indirect_vreg.gather [hbm4b:s2+s3], $0x80, v3, vm0, $0xb8;
	[tilespmem:$0x10080] =	vst v63  }
0x52: {  	_ = 	snop  }
0x53: {  	[tilespmem:s17], [sflag:$0x1] =	stream.indirect_vreg.gather [hbm4b:s4+s3], $0x80, v3, vm0, $0xb8;
	[tilespmem:$0x10080] =	vst v63  }
0x54: {  	_ = 	snop  }
0x55: {  	[tilespmem:s9], [sflag:$0x1] =	stream.indirect_vreg.gather [hbm4b:s5+s3], $0x80, v3, vm0, $0xb8;
	[tilespmem:$0x10080] =	vst v63  }
0x56: {  	s19 =	simm.s32 $0xB880  }
0x57: {  	[tilespmem:s19], [sflag:$0x1] =	stream.indirect_vreg.gather [hbm4b:s6+s3], $0x80, v3, vm0, $0xb8;
	[tilespmem:$0x10080] =	vst v63  }
0x58: {  	v3 =	vld [tilespmem:$0x30];
	_ =	sdelay $0x4  }
0x59: {  	v59 =	vshll.u32 v3, $0x3  }
0x5a: {  	v3 =	vand.u32 $0x7, v3;
	v4 =	vand.u32 $0xFFFFFFC0, v59  }
0x5b: {  	v3 =	vor.u32 v3, v4  }
0x5c: {  	v4 =	vperm.xlane v3, v0;
	_ =	sdelay $0x1  }
0x5d: {  	v4 =	vadd.s32 v1, v4;
	_ =	sdelay $0x3  }
0x5e: {  	s19 =	simm.s32 $0xC080  }
0x5f: {  	[tilespmem:s19], [sflag:$0x1] =	stream.indirect_vreg.gather [hbm4b:s2+s3], $0x80, v4, vm0, $0xb8;
	[tilespmem:$0x10080] =	vst v63  }
0x60: {  	v3 =	vperm.xlane v3, v2;
	s19 =	simm.s32 $0xC880  }
0x61: {  	[tilespmem:s19], [sflag:$0x1] =	stream.indirect_vreg.gather [hbm4b:s4+s3], $0x80, v4, vm0, $0xb8;
	[tilespmem:$0x10080] =	vst v63  }
0x62: {  	v3 =	vadd.s32 v1, v3;
	s19 =	simm.s32 $0xD080  }
0x63: {  	[tilespmem:s19], [sflag:$0x1] =	stream.indirect_vreg.gather [hbm4b:s5+s3], $0x80, v4, vm0, $0xb8;
	[tilespmem:$0x10080] =	vst v63  }
0x64: {  	s19 =	simm.s32 $0xD880  }
0x65: {  	[tilespmem:s19], [sflag:$0x1] =	stream.indirect_vreg.gather [hbm4b:s6+s3], $0x80, v4, vm0, $0xb8;
	[tilespmem:$0x10080] =	vst v63  }
0x66: {  	s19 =	simm.s32 $0xE080  }
0x67: {  	[tilespmem:s19], [sflag:$0x1] =	stream.indirect_vreg.gather [hbm4b:s2+s3], $0x80, v3, vm0, $0xb8;
	[tilespmem:$0x10080] =	vst v63  }
0x68: {  	s19 =	simm.s32 $0xE880  }
0x69: {  	[tilespmem:s19], [sflag:$0x1] =	stream.indirect_vreg.gather [hbm4b:s4+s3], $0x80, v3, vm0, $0xb8;
	[tilespmem:$0x10080] =	vst v63  }
0x6a: {  	s19 =	simm.s32 $0xF080  }
0x6b: {  	[tilespmem:s19], [sflag:$0x1] =	stream.indirect_vreg.gather [hbm4b:s5+s3], $0x80, v3, vm0, $0xb8;
	[tilespmem:$0x10080] =	vst v63  }
0x6c: {  	s19 =	simm.s32 $0xF880  }
0x6d: {  	[tilespmem:s19], [sflag:$0x1] =	stream.indirect_vreg.gather [hbm4b:s6+s3], $0x80, v3, vm0, $0xb8;
	[tilespmem:$0x10080] =	vst v63  }
0x6e: {  	_ =	swait.ge [sflag:s18], $0x10000  }
0x6f: {  	[sflag:s18] =	ssyncset.done $0x0  }
0x70: {  	s19 =	rddreg [dreg:$0x4];
	[sflag:s18] =	ssyncadd.s32 $0xFFFF0000  }
0x71: {  	[hbm4b:s19+s3] =	stream.linear.scatter [tilespmem:s0], [sflag:$0x2], $0x10000, $0x38;
	[tilespmem:$0x10080] =	vst v63  }
0x72: {  	_ =	swait.ge [sflag:s8], $0x10000  }
0x73: {  	[sflag:s8] =	ssyncset.done $0x0  }
0x74: {  	s19 =	rddreg [dreg:$0x5];
	[sflag:s8] =	ssyncadd.s32 $0xFFFF0000  }
0x75: {  	[tilespmem:s3], [sflag:$0x2] =	stream.linear.gather [hbm4b:s19+s3], $0x40, $0x38;
	[tilespmem:$0x10080] =	vst v63  }
0x76: {  	_ =	swait.ge [sflag:s8], $0x40  }
0x77: {  	[sflag:s8] =	ssyncset.done $0x0  }
0x78: {  	[sflag:s8] =	ssyncadd.s32 $0xFFFFFFC0  }
0x79: {  	v3 =	vld [tilespmem:$0x0];
	_ =	sdelay $0x4  }
0x7a: {  	v60 =	vshll.u32 v3, $0x3  }
0x7b: {  	v3 =	vand.u32 $0x7, v3;
	v4 =	vand.u32 $0xFFFFFFC0, v60  }
0x7c: {  	v3 =	vor.u32 v3, v4  }
0x7d: {  	v4 =	vperm.xlane v3, v0;
	_ =	sdelay $0x1  }
0x7e: {  	v4 =	vadd.s32 v1, v4;
	_ =	sdelay $0x4  }
0x7f: {  	[tilespmem:s0], [sflag:$0x1] =	stream.indirect_vreg.gather [hbm4b:s2+s3], $0x80, v4, vm0, $0xb8;
	[tilespmem:$0x10080] =	vst v63  }
0x80: {  	v3 =	vperm.xlane v3, v2  }
0x81: {  	[tilespmem:s20], [sflag:$0x1] =	stream.indirect_vreg.gather [hbm4b:s4+s3], $0x80, v4, vm0, $0xb8;
	[tilespmem:$0x10080] =	vst v63  }
0x82: {  	v3 =	vadd.s32 v1, v3  }
0x83: {  	[tilespmem:s21], [sflag:$0x1] =	stream.indirect_vreg.gather [hbm4b:s5+s3], $0x80, v4, vm0, $0xb8;
	[tilespmem:$0x10080] =	vst v63  }
0x84: {  	_ = 	snop  }
0x85: {  	[tilespmem:s22], [sflag:$0x1] =	stream.indirect_vreg.gather [hbm4b:s6+s3], $0x80, v4, vm0, $0xb8;
	[tilespmem:$0x10080] =	vst v63  }
0x86: {  	_ = 	snop  }
0x87: {  	[tilespmem:s23], [sflag:$0x1] =	stream.indirect_vreg.gather [hbm4b:s2+s3], $0x80, v3, vm0, $0xb8;
	[tilespmem:$0x10080] =	vst v63  }
0x88: {  	_ = 	snop  }
0x89: {  	[tilespmem:s24], [sflag:$0x1] =	stream.indirect_vreg.gather [hbm4b:s4+s3], $0x80, v3, vm0, $0xb8;
	[tilespmem:$0x10080] =	vst v63  }
0x8a: {  	_ = 	snop  }
0x8b: {  	[tilespmem:s25], [sflag:$0x1] =	stream.indirect_vreg.gather [hbm4b:s5+s3], $0x80, v3, vm0, $0xb8;
	[tilespmem:$0x10080] =	vst v63  }
0x8c: {  	_ = 	snop  }
0x8d: {  	[tilespmem:s26], [sflag:$0x1] =	stream.indirect_vreg.gather [hbm4b:s6+s3], $0x80, v3, vm0, $0xb8;
	[tilespmem:$0x10080] =	vst v63  }
0x8e: {  	v3 =	vld [tilespmem:$0x10];
	_ =	sdelay $0x4  }
0x8f: {  	v61 =	vshll.u32 v3, $0x3  }
0x90: {  	v3 =	vand.u32 $0x7, v3;
	v4 =	vand.u32 $0xFFFFFFC0, v61  }
0x91: {  	v3 =	vor.u32 v3, v4  }
0x92: {  	v4 =	vperm.xlane v3, v0;
	_ =	sdelay $0x1  }
0x93: {  	v4 =	vadd.s32 v1, v4;
	_ =	sdelay $0x4  }
0x94: {  	[tilespmem:s28], [sflag:$0x1] =	stream.indirect_vreg.gather [hbm4b:s2+s3], $0x80, v4, vm0, $0xb8;
	[tilespmem:$0x10080] =	vst v63  }
0x95: {  	v3 =	vperm.xlane v3, v2  }
0x96: {  	[tilespmem:s29], [sflag:$0x1] =	stream.indirect_vreg.gather [hbm4b:s4+s3], $0x80, v4, vm0, $0xb8;
	[tilespmem:$0x10080] =	vst v63  }
0x97: {  	v3 =	vadd.s32 v1, v3  }
0x98: {  	[tilespmem:s30], [sflag:$0x1] =	stream.indirect_vreg.gather [hbm4b:s5+s3], $0x80, v4, vm0, $0xb8;
	[tilespmem:$0x10080] =	vst v63  }
0x99: {  	_ = 	snop  }
0x9a: {  	[tilespmem:s31], [sflag:$0x1] =	stream.indirect_vreg.gather [hbm4b:s6+s3], $0x80, v4, vm0, $0xb8;
	[tilespmem:$0x10080] =	vst v63  }
0x9b: {  	s19 =	simm.s32 $0x6080  }
0x9c: {  	[tilespmem:s19], [sflag:$0x1] =	stream.indirect_vreg.gather [hbm4b:s2+s3], $0x80, v3, vm0, $0xb8;
	[tilespmem:$0x10080] =	vst v63  }
0x9d: {  	_ = 	snop  }
0x9e: {  	[tilespmem:s1], [sflag:$0x1] =	stream.indirect_vreg.gather [hbm4b:s4+s3], $0x80, v3, vm0, $0xb8;
	[tilespmem:$0x10080] =	vst v63  }
0x9f: {  	_ = 	snop  }
0xa0: {  	[tilespmem:s10], [sflag:$0x1] =	stream.indirect_vreg.gather [hbm4b:s5+s3], $0x80, v3, vm0, $0xb8;
	[tilespmem:$0x10080] =	vst v63  }
0xa1: {  	_ = 	snop  }
0xa2: {  	[tilespmem:s11], [sflag:$0x1] =	stream.indirect_vreg.gather [hbm4b:s6+s3], $0x80, v3, vm0, $0xb8;
	[tilespmem:$0x10080] =	vst v63  }
0xa3: {  	v3 =	vld [tilespmem:$0x20];
	_ =	sdelay $0x4  }
0xa4: {  	v62 =	vshll.u32 v3, $0x3  }
0xa5: {  	v3 =	vand.u32 $0x7, v3;
	v4 =	vand.u32 $0xFFFFFFC0, v62  }
0xa6: {  	v3 =	vor.u32 v3, v4  }
0xa7: {  	v4 =	vperm.xlane v3, v0;
	_ =	sdelay $0x1  }
0xa8: {  	v4 =	vadd.s32 v1, v4;
	_ =	sdelay $0x4  }
0xa9: {  	[tilespmem:s12], [sflag:$0x1] =	stream.indirect_vreg.gather [hbm4b:s2+s3], $0x80, v4, vm0, $0xb8;
	[tilespmem:$0x10080] =	vst v63  }
0xaa: {  	v3 =	vperm.xlane v3, v2  }
0xab: {  	[tilespmem:s13], [sflag:$0x1] =	stream.indirect_vreg.gather [hbm4b:s4+s3], $0x80, v4, vm0, $0xb8;
	[tilespmem:$0x10080] =	vst v63  }
0xac: {  	v3 =	vadd.s32 v1, v3  }
0xad: {  	[tilespmem:s14], [sflag:$0x1] =	stream.indirect_vreg.gather [hbm4b:s5+s3], $0x80, v4, vm0, $0xb8;
	[tilespmem:$0x10080] =	vst v63  }
0xae: {  	_ = 	snop  }
0xaf: {  	[tilespmem:s15], [sflag:$0x1] =	stream.indirect_vreg.gather [hbm4b:s6+s3], $0x80, v4, vm0, $0xb8;
	[tilespmem:$0x10080] =	vst v63  }
0xb0: {  	_ = 	snop  }
0xb1: {  	[tilespmem:s16], [sflag:$0x1] =	stream.indirect_vreg.gather [hbm4b:s2+s3], $0x80, v3, vm0, $0xb8;
	[tilespmem:$0x10080] =	vst v63  }
0xb2: {  	_ = 	snop  }
0xb3: {  	[tilespmem:s17], [sflag:$0x1] =	stream.indirect_vreg.gather [hbm4b:s4+s3], $0x80, v3, vm0, $0xb8;
	[tilespmem:$0x10080] =	vst v63  }
0xb4: {  	_ = 	snop  }
0xb5: {  	[tilespmem:s9], [sflag:$0x1] =	stream.indirect_vreg.gather [hbm4b:s5+s3], $0x80, v3, vm0, $0xb8;
	[tilespmem:$0x10080] =	vst v63  }
0xb6: {  	s19 =	simm.s32 $0xB880  }
0xb7: {  	[tilespmem:s19], [sflag:$0x1] =	stream.indirect_vreg.gather [hbm4b:s6+s3], $0x80, v3, vm0, $0xb8;
	[tilespmem:$0x10080] =	vst v63  }
0xb8: {  	v3 =	vld [tilespmem:$0x30];
	_ =	sdelay $0x4  }
0xb9: {  	v63 =	vshll.u32 v3, $0x3  }
0xba: {  	v3 =	vand.u32 $0x7, v3;
	v4 =	vand.u32 $0xFFFFFFC0, v63  }
0xbb: {  	v3 =	vor.u32 v3, v4  }
0xbc: {  	v4 =	vperm.xlane v3, v0;
	_ =	sdelay $0x1  }
0xbd: {  	v4 =	vadd.s32 v1, v4;
	_ =	sdelay $0x3  }
0xbe: {  	s19 =	simm.s32 $0xC080  }
0xbf: {  	[tilespmem:s19], [sflag:$0x1] =	stream.indirect_vreg.gather [hbm4b:s2+s3], $0x80, v4, vm0, $0xb8;
	[tilespmem:$0x10080] =	vst v63  }
0xc0: {  	v3 =	vperm.xlane v3, v2;
	s19 =	simm.s32 $0xC880  }
0xc1: {  	[tilespmem:s19], [sflag:$0x1] =	stream.indirect_vreg.gather [hbm4b:s4+s3], $0x80, v4, vm0, $0xb8;
	[tilespmem:$0x10080] =	vst v63  }
0xc2: {  	v3 =	vadd.s32 v1, v3;
	s19 =	simm.s32 $0xD080  }
0xc3: {  	[tilespmem:s19], [sflag:$0x1] =	stream.indirect_vreg.gather [hbm4b:s5+s3], $0x80, v4, vm0, $0xb8;
	[tilespmem:$0x10080] =	vst v63  }
0xc4: {  	s19 =	simm.s32 $0xD880  }
0xc5: {  	[tilespmem:s19], [sflag:$0x1] =	stream.indirect_vreg.gather [hbm4b:s6+s3], $0x80, v4, vm0, $0xb8;
	[tilespmem:$0x10080] =	vst v63  }
0xc6: {  	s19 =	simm.s32 $0xE080  }
0xc7: {  	[tilespmem:s19], [sflag:$0x1] =	stream.indirect_vreg.gather [hbm4b:s2+s3], $0x80, v3, vm0, $0xb8;
	[tilespmem:$0x10080] =	vst v63  }
0xc8: {  	s19 =	simm.s32 $0xE880  }
0xc9: {  	[tilespmem:s19], [sflag:$0x1] =	stream.indirect_vreg.gather [hbm4b:s4+s3], $0x80, v3, vm0, $0xb8;
	[tilespmem:$0x10080] =	vst v63  }
0xca: {  	s19 =	simm.s32 $0xF080  }
0xcb: {  	[tilespmem:s19], [sflag:$0x1] =	stream.indirect_vreg.gather [hbm4b:s5+s3], $0x80, v3, vm0, $0xb8;
	[tilespmem:$0x10080] =	vst v63  }
0xcc: {  	s19 =	simm.s32 $0xF880  }
0xcd: {  	[tilespmem:s19], [sflag:$0x1] =	stream.indirect_vreg.gather [hbm4b:s6+s3], $0x80, v3, vm0, $0xb8;
	[tilespmem:$0x10080] =	vst v63  }
0xce: {  	_ =	swait.ge [sflag:s18], $0x10000  }
0xcf: {  	p0 =	sne.s32 s7, $0x1;
	[sflag:s18] =	ssyncset.done $0x0  }
.Ltmp0:
0xd0: {  	s1 =	rddreg [dreg:$0x6];
	[sflag:s18] =	ssyncadd.s32 $0xFFFF0000;
	(pc) =	sbr.rel @p0 .LBB2_1-.Ltmp0, $4  }
0xd1: {  	[hbm4b:s1+s3] =	stream.linear.scatter [tilespmem:s0], [sflag:$0x2], $0x10000, $0x38;
	[tilespmem:$0x10080] =	vst v63  }
0xd2: {  	_ =	swait.ge [sflag:s8], $0x10000  }
0xd3: {  	[sflag:s8] =	ssyncset.done $0x0  }
0xd4: {  	s7 =	sadd.s32 $0xFFFFFFFF, s7;
	[sflag:s8] =	ssyncadd.s32 $0xFFFF0000  }
0xd5: {  	_ =	sfence.sel $0x180000  }
0xd6: {  	[bflag:$0x0] =	sbarrier.arrive $0xFFFF  }
0xd7: {  	_ =	strace $0x90000050  }
0xd8: {  	s0 =	stileid.u32;
	[bflag:$0x2] =	sbarrier.arrive $0xFFFF  }
0xd9: {  	p0 =	sne.s32 s0, $0x0;
	s0 =	rddreg [dreg:$0x2]  }
0xda: {  	s0 =	sadd.s32 @!p0 $0x100000, s0  }
0xdb: {  	[sflag:s0] =	ssyncadd.tile.s32 @!p0 $0x1;
	_ =	shalt  }
.Lfunc_end2:
_tile_overlayer_lowered:
.L_overlay_start_2:
0xdc: {  	(tag) =	ssettag $0x2  }
0xdd: {  	s0 =	rddreg [dreg:$0x0];
	s2 =	stileid.u32  }
0xde: {  	s1 =	rddreg [dreg:$0x1];
	p0 =	sne.s32 s2, $0x0  }
0xdf: {  	s3 =	rddreg [dreg:$0x2];
	[bflag:$0x3] =	sbarrier.arrive $0xFFFF;
	s2 =	simm.s32 @!p0 $0x1C02  }
0xe0: {  	[timem:s3], [sflag:s2] =	dma.local @!p0 [hbm:s0], s1  }
0xe1: {  	s0 =	simm.s32 @!p0 $0x2  }
0xe2: {  	_ =	swait.ge @!p0 [sflag:s0], s1  }
0xe3: {  	s1 =	ssub.s32 @!p0 $0x0, s1;
	[sflag:s0] =	ssyncset.done @!p0 $0x0  }
0xe4: {  	[sflag:s0] =	ssyncadd.s32 @!p0 s1  }
0xe5: {  	[bflag:$0x3] =	sbarrier.arrive $0xFFFF  }
0xe6: {  	_ =	shalt  }

</sc_bundles>
